<compile_context>
chip_gen: v7x
topology: tpu7x:2x2x1
jax: 0.10.2.dev20260603
libtpu: 0.0.44.dev20260713+nightly
codegen_flags: <defaults>
</compile_context>

<pallas_src>
import functools

import jax
import jax.numpy as jnp
from jax import lax
from jax.experimental import pallas as pl
from jax.experimental.pallas import tpu as pltpu
from jax.experimental.pallas import tpu_sc as plsc

NUM_TOKENS = 1000000
DIM_MODEL = 64
BATCH = 4096
SEQ = 200

NC = 2
NS = 16
NW = NC * NS

N = BATCH * SEQ
N_PER_W = N // NW
CHUNK = 128
K = 1
GROUP = CHUNK * K
GROUPS = N_PER_W // GROUP
NSLOT = 4
BG = BATCH // 128
UNITS_PER_W = N_PER_W // CHUNK


def _gather_sc(table, idx):
    mesh = plsc.VectorSubcoreMesh(core_axis_name="c", subcore_axis_name="s")

    @functools.partial(
        pl.kernel,
        mesh=mesh,
        out_type=jax.ShapeDtypeStruct(
            (SEQ, DIM_MODEL // 8, BG, 8, 128), jnp.float32
        ),
        scratch_types=[
            pltpu.VMEM((N_PER_W,), jnp.int32),
            pltpu.VMEM((NSLOT, GROUP, DIM_MODEL), jnp.float32),
            pltpu.VMEM((NSLOT, 8, 8, 129), jnp.float32),
            [pltpu.SemaphoreType.DMA] * NSLOT,
            [pltpu.SemaphoreType.DMA] * NSLOT,
        ],
        compiler_params=pltpu.CompilerParams(
            use_tc_tiling_on_sc=False, needs_layout_passes=False
        ),
    )
    def k(table_hbm, idx_hbm, out_hbm, idx_v, rows_v, t_v, gsems, ssems):
        wid = lax.axis_index("s") * NC + lax.axis_index("c")
        base = wid * N_PER_W
        u_base = wid * UNITS_PER_W
        pltpu.sync_copy(idx_hbm.at[pl.ds(base, N_PER_W)], idx_v)

        def issue_gathers(g, s):
            off = g * GROUP
            pltpu.async_copy(
                table_hbm.at[idx_v.at[pl.ds(off, CHUNK)]],
                rows_v.at[s],
                gsems[s],
            )

        def wait_gathers(g, s):
            off = g * GROUP
            pltpu.make_async_copy(
                table_hbm.at[idx_v.at[pl.ds(off, CHUNK)]],
                rows_v.at[s],
                gsems[s],
            ).wait()

        iota16 = lax.iota(jnp.int32, 16)
        fg_base = lax.shift_right_logical(iota16, 3)
        fi_const = lax.bitwise_and(iota16, 7)

        def transpose_group(g, s, ts):
            rows = rows_v.at[s]
            tv = t_v.at[ts]
            fg_vecs = [fg_base + fb * 2 for fb in range(4)]

            def tb_body(tb, carry):
                t0 = tb * 8
                vals = [
                    (dt, fb, rows[t0 + dt, pl.ds(fb * 16, 16)])
                    for dt in range(8)
                    for fb in range(4)
                ]
                t_vecs = [jnp.full((16,), t0 + dt, jnp.int32) for dt in range(8)]
                for dt, fb, v in vals:
                    plsc.store_scatter(
                        tv, [fg_vecs[fb], fi_const, t_vecs[dt]], v
                    )
                return carry

            lax.fori_loop(0, CHUNK // 8, tb_body, 0)

        def unit_dst(g, kk):
            u = u_base + g * K + kk
            s_row = lax.shift_right_logical(u, 5)
            bg = lax.bitwise_and(u, BG - 1)
            return out_hbm.at[s_row, :, bg]

        def issue_stores(g, ts):
            pltpu.async_copy(
                t_v.at[ts, :, :, pl.ds(0, 128)], unit_dst(g, 0), ssems[ts]
            )

        def wait_stores(g, ts):
            pltpu.make_async_copy(
                t_v.at[ts, :, :, pl.ds(0, 128)], unit_dst(g, 0), ssems[ts]
            ).wait()

        for g0 in range(NSLOT):
            issue_gathers(g0, g0)

        def quad_body(gq, carry):
            for h in range(NSLOT):
                g = NSLOT * gq + h
                wait_gathers(g, h)

                @pl.when(g >= NSLOT)
                def _():
                    wait_stores(g - NSLOT, h)

                transpose_group(g, h, h)
                issue_stores(g, h)

                @pl.when(g + NSLOT < GROUPS)
                def _():
                    issue_gathers(g + NSLOT, h)

            return carry

        lax.fori_loop(0, GROUPS // NSLOT, quad_body, 0)

        for g in range(GROUPS - NSLOT, GROUPS):
            wait_stores(g, g % NSLOT)

    return k(table, idx)


def kernel(src, embedding):
    idx = jnp.transpose(src).reshape(-1).astype(jnp.int32)
    out5 = _gather_sc(embedding, idx)
    return jnp.transpose(out5, (2, 4, 0, 1, 3)).reshape(BATCH, SEQ, DIM_MODEL)

# --- scband reference (transcript-rebuilt; emitter-appended) ---
"""Pipeline reference for scband-simple-transformer-encoder-56710748176853 (READ-ONLY COPY).

The authoritative reference and input builder live on the scoring server;
editing this copy changes nothing except your own understanding.
"""

import jax, jax.numpy as jnp
import numpy as np

NUM_TOKENS = 1000000
DIM_MODEL = 64
BATCH = 4096
SEQ = 200

def setup_inputs(seed: int = 0) -> dict:
    key = jax.random.key(seed)
    k1, k2 = jax.random.split(key)
    src = jax.random.randint(k1, (BATCH, SEQ), 0, NUM_TOKENS, dtype=jnp.int64 if jax.config.jax_enable_x64 else jnp.int32)
    embedding = jax.random.normal(k2, (NUM_TOKENS, DIM_MODEL), dtype=jnp.float32)
    return {"src": src, "embedding": embedding}

def reference(src, embedding):
    # nn.Embedding forward: simple row gather from the embedding table
    out = jnp.take(embedding, src, axis=0)
    return out

if __name__ == "__main__":
    import jax
    _d = setup_inputs()
    print(jax.jit(kernel)(*tuple(_d.values())))

</pallas_src>

<mosaic_0001>
#map = affine_map<(d0, d1) -> (0, 0)>
#map1 = affine_map<(d0, d1) -> (0)>
#map2 = affine_map<(d0, d1) -> (0, 0, 0, 0, 0)>
module attributes {stable_mosaic.version = 14 : i64} {
  func.func @k(%arg0: i32, %arg1: i32, %arg2: memref<1000000x64xf32, #tpu.memory_space<hbm>>, %arg3: memref<819200xi32, #tpu.memory_space<hbm>>, %arg4: memref<200x8x32x8x128xf32, #tpu.memory_space<hbm>>, %arg5: memref<25600xi32, #tpu.memory_space<vmem>>, %arg6: memref<4x128x64xf32, #tpu.memory_space<vmem>>, %arg7: memref<4x8x8x129xf32, #tpu.memory_space<vmem>>, %arg8: memref<!tpu.dma_semaphore, #tpu.memory_space<semaphore_mem>>, %arg9: memref<!tpu.dma_semaphore, #tpu.memory_space<semaphore_mem>>, %arg10: memref<!tpu.dma_semaphore, #tpu.memory_space<semaphore_mem>>, %arg11: memref<!tpu.dma_semaphore, #tpu.memory_space<semaphore_mem>>, %arg12: memref<!tpu.dma_semaphore, #tpu.memory_space<semaphore_mem>>, %arg13: memref<!tpu.dma_semaphore, #tpu.memory_space<semaphore_mem>>, %arg14: memref<!tpu.dma_semaphore, #tpu.memory_space<semaphore_mem>>, %arg15: memref<!tpu.dma_semaphore, #tpu.memory_space<semaphore_mem>>) attributes {dimension_semantics = [#tpu.dimension_semantics<core_parallel>, #tpu.dimension_semantics<subcore_parallel>], iteration_bounds = array<i64: 2, 16>, scalar_prefetch = 0 : i64, scratch_operands = 11 : i64, tpu.core_type = #tpu.core_type<sc_vector_subcore>, window_params = [{transform_indices = #map}, {transform_indices = #map1}, {transform_indices = #map2}]} {
    %mul3A = arith.constant 2 : i32
    %mul3A_0 = arith.muli %arg1, %mul3A : i32
    %add3A = arith.addi %mul3A_0, %arg0 : i32
    %mul3A_1 = arith.constant 25600 : i32
    %mul3A_2 = arith.muli %add3A, %mul3A_1 : i32
    %mul3A_3 = arith.constant 200 : i32
    %mul3A_4 = arith.muli %add3A, %mul3A_3 : i32
    "tpu.region"() ({
      %run_scoped3A = tpu.sem_alloc : memref<!tpu.dma_semaphore, #tpu.memory_space<semaphore_mem>>
      %dma_start3A_168 = tpu.memref_slice %arg3[%mul3A_2] : memref<819200xi32, #tpu.memory_space<hbm>> -> memref<25600xi32, #tpu.memory_space<hbm>>
      %dma_start3A_169 = tpu.memref_slice %arg3[%mul3A_2] : memref<819200xi32, #tpu.memory_space<hbm>> -> memref<25600xi32, #tpu.memory_space<hbm>>
      tpu.enqueue_dma source(%dma_start3A_169 : memref<25600xi32, #tpu.memory_space<hbm>>) target(%arg5 : memref<25600xi32, #tpu.memory_space<vmem>>) target_semaphore(%run_scoped3A : memref<!tpu.dma_semaphore, #tpu.memory_space<semaphore_mem>>)
      %dma_wait3A_170 = tpu.memref_slice %arg3[%mul3A_2] : memref<819200xi32, #tpu.memory_space<hbm>> -> memref<25600xi32, #tpu.memory_space<hbm>>
      %dma_wait3A_171 = tpu.memref_slice %arg3[%mul3A_2] : memref<819200xi32, #tpu.memory_space<hbm>> -> memref<25600xi32, #tpu.memory_space<hbm>>
      tpu.wait_dma2 semaphore(%run_scoped3A : memref<!tpu.dma_semaphore, #tpu.memory_space<semaphore_mem>>) src(%dma_wait3A_171 : memref<25600xi32, #tpu.memory_space<hbm>>) dst(%arg5 : memref<25600xi32, #tpu.memory_space<vmem>>)
      tpu.yield
    }) : () -> ()
    %iota3A = tpu.iota {dimensions = array<i32: 0>} : vector<16xi32>
    %shift_right_logical3A = arith.constant 3 : i32
    %shift_right_logical3A_5 = vector.broadcast %shift_right_logical3A : i32 to vector<16xi32>
    %shift_right_logical3A_6 = arith.shrui %iota3A, %shift_right_logical3A_5 : vector<16xi32>
    %and3A = arith.constant 7 : i32
    %and3A_7 = vector.broadcast %and3A : i32 to vector<16xi32>
    %and3A_8 = arith.andi %iota3A, %and3A_7 : vector<16xi32>
    %dma_start3A = arith.constant 0 : i32
    %dma_start3A_9 = arith.constant 0 : i32
    %dma_start3A_10 = arith.constant 0 : i32
    %dma_start3A_11 = tpu.memref_slice %arg6[%dma_start3A, %dma_start3A_9, %dma_start3A_10] : memref<4x128x64xf32, #tpu.memory_space<vmem>> -> memref<1x128x64xf32, #tpu.memory_space<vmem>>
    %dma_start3A_12 = tpu.memref_squeeze %dma_start3A_11 : memref<1x128x64xf32, #tpu.memory_space<vmem>> -> memref<128x64xf32, #tpu.memory_space<vmem>>
    %dma_start3A_13 = arith.constant 0 : i32
    %dma_start3A_14 = tpu.memref_slice %arg5[%dma_start3A_13] : memref<25600xi32, #tpu.memory_space<vmem>> -> memref<128xi32, #tpu.memory_space<vmem>>
    %dma_start3A_15 = arith.constant 0 : i32
    %dma_start3A_16 = arith.constant 0 : i32
    %dma_start3A_17 = tpu.memref_slice %arg2[%dma_start3A_15, %dma_start3A_16] : memref<1000000x64xf32, #tpu.memory_space<hbm>> -> memref<1000000x64xf32, #tpu.memory_space<hbm>>
    tpu.enqueue_indirect_dma source(%dma_start3A_17 : memref<1000000x64xf32, #tpu.memory_space<hbm>>) target(%dma_start3A_12 : memref<128x64xf32, #tpu.memory_space<vmem>>) offsets(%dma_start3A_14 : memref<128xi32, #tpu.memory_space<vmem>>) semaphore(%arg8 : memref<!tpu.dma_semaphore, #tpu.memory_space<semaphore_mem>>)
    %dma_start3A_18 = arith.constant 1 : i32
    %dma_start3A_19 = arith.constant 0 : i32
    %dma_start3A_20 = arith.constant 0 : i32
    %dma_start3A_21 = tpu.memref_slice %arg6[%dma_start3A_18, %dma_start3A_19, %dma_start3A_20] : memref<4x128x64xf32, #tpu.memory_space<vmem>> -> memref<1x128x64xf32, #tpu.memory_space<vmem>>
    %dma_start3A_22 = tpu.memref_squeeze %dma_start3A_21 : memref<1x128x64xf32, #tpu.memory_space<vmem>> -> memref<128x64xf32, #tpu.memory_space<vmem>>
    %dma_start3A_23 = arith.constant 128 : i32
    %dma_start3A_24 = tpu.memref_slice %arg5[%dma_start3A_23] : memref<25600xi32, #tpu.memory_space<vmem>> -> memref<128xi32, #tpu.memory_space<vmem>>
    %dma_start3A_25 = arith.constant 0 : i32
    %dma_start3A_26 = arith.constant 0 : i32
    %dma_start3A_27 = tpu.memref_slice %arg2[%dma_start3A_25, %dma_start3A_26] : memref<1000000x64xf32, #tpu.memory_space<hbm>> -> memref<1000000x64xf32, #tpu.memory_space<hbm>>
    tpu.enqueue_indirect_dma source(%dma_start3A_27 : memref<1000000x64xf32, #tpu.memory_space<hbm>>) target(%dma_start3A_22 : memref<128x64xf32, #tpu.memory_space<vmem>>) offsets(%dma_start3A_24 : memref<128xi32, #tpu.memory_space<vmem>>) semaphore(%arg9 : memref<!tpu.dma_semaphore, #tpu.memory_space<semaphore_mem>>)
    %dma_start3A_28 = arith.constant 2 : i32
    %dma_start3A_29 = arith.constant 0 : i32
    %dma_start3A_30 = arith.constant 0 : i32
    %dma_start3A_31 = tpu.memref_slice %arg6[%dma_start3A_28, %dma_start3A_29, %dma_start3A_30] : memref<4x128x64xf32, #tpu.memory_space<vmem>> -> memref<1x128x64xf32, #tpu.memory_space<vmem>>
    %dma_start3A_32 = tpu.memref_squeeze %dma_start3A_31 : memref<1x128x64xf32, #tpu.memory_space<vmem>> -> memref<128x64xf32, #tpu.memory_space<vmem>>
    %dma_start3A_33 = arith.constant 256 : i32
    %dma_start3A_34 = tpu.memref_slice %arg5[%dma_start3A_33] : memref<25600xi32, #tpu.memory_space<vmem>> -> memref<128xi32, #tpu.memory_space<vmem>>
    %dma_start3A_35 = arith.constant 0 : i32
    %dma_start3A_36 = arith.constant 0 : i32
    %dma_start3A_37 = tpu.memref_slice %arg2[%dma_start3A_35, %dma_start3A_36] : memref<1000000x64xf32, #tpu.memory_space<hbm>> -> memref<1000000x64xf32, #tpu.memory_space<hbm>>
    tpu.enqueue_indirect_dma source(%dma_start3A_37 : memref<1000000x64xf32, #tpu.memory_space<hbm>>) target(%dma_start3A_32 : memref<128x64xf32, #tpu.memory_space<vmem>>) offsets(%dma_start3A_34 : memref<128xi32, #tpu.memory_space<vmem>>) semaphore(%arg10 : memref<!tpu.dma_semaphore, #tpu.memory_space<semaphore_mem>>)
    %dma_start3A_38 = arith.constant 3 : i32
    %dma_start3A_39 = arith.constant 0 : i32
    %dma_start3A_40 = arith.constant 0 : i32
    %dma_start3A_41 = tpu.memref_slice %arg6[%dma_start3A_38, %dma_start3A_39, %dma_start3A_40] : memref<4x128x64xf32, #tpu.memory_space<vmem>> -> memref<1x128x64xf32, #tpu.memory_space<vmem>>
    %dma_start3A_42 = tpu.memref_squeeze %dma_start3A_41 : memref<1x128x64xf32, #tpu.memory_space<vmem>> -> memref<128x64xf32, #tpu.memory_space<vmem>>
    %dma_start3A_43 = arith.constant 384 : i32
    %dma_start3A_44 = tpu.memref_slice %arg5[%dma_start3A_43] : memref<25600xi32, #tpu.memory_space<vmem>> -> memref<128xi32, #tpu.memory_space<vmem>>
    %dma_start3A_45 = arith.constant 0 : i32
    %dma_start3A_46 = arith.constant 0 : i32
    %dma_start3A_47 = tpu.memref_slice %arg2[%dma_start3A_45, %dma_start3A_46] : memref<1000000x64xf32, #tpu.memory_space<hbm>> -> memref<1000000x64xf32, #tpu.memory_space<hbm>>
    tpu.enqueue_indirect_dma source(%dma_start3A_47 : memref<1000000x64xf32, #tpu.memory_space<hbm>>) target(%dma_start3A_42 : memref<128x64xf32, #tpu.memory_space<vmem>>) offsets(%dma_start3A_44 : memref<128xi32, #tpu.memory_space<vmem>>) semaphore(%arg11 : memref<!tpu.dma_semaphore, #tpu.memory_space<semaphore_mem>>)
    %scan3A = arith.constant 0 : i32
    %scan3A_48 = arith.constant 0 : i32
    %scan3A_49 = arith.constant 50 : i32
    %scan3A_50 = arith.addi %scan3A_48, %scan3A_49 : i32
    %scan3A_51 = arith.constant 1 : i32
    scf.for %scan3A_168 = %scan3A_48 to %scan3A_50 step %scan3A_51  : i32 {
      %mul3A_169 = arith.constant 4 : i32
      %mul3A_170 = arith.muli %mul3A_169, %scan3A_168 : i32
      %add3A_171 = arith.constant 0 : i32
      %add3A_172 = arith.addi %mul3A_170, %add3A_171 : i32
      %mul3A_173 = arith.constant 128 : i32
      %mul3A_174 = arith.muli %add3A_172, %mul3A_173 : i32
      %dma_wait3A_175 = arith.constant 0 : i32
      %dma_wait3A_176 = arith.constant 0 : i32
      %dma_wait3A_177 = arith.constant 0 : i32
      %dma_wait3A_178 = tpu.memref_slice %arg6[%dma_wait3A_175, %dma_wait3A_176, %dma_wait3A_177] : memref<4x128x64xf32, #tpu.memory_space<vmem>> -> memref<1x128x64xf32, #tpu.memory_space<vmem>>
      %dma_wait3A_179 = tpu.memref_squeeze %dma_wait3A_178 : memref<1x128x64xf32, #tpu.memory_space<vmem>> -> memref<128x64xf32, #tpu.memory_space<vmem>>
      %dma_wait3A_180 = tpu.memref_slice %arg5[%mul3A_174] : memref<25600xi32, #tpu.memory_space<vmem>> -> memref<128xi32, #tpu.memory_space<vmem>>
      %dma_wait3A_181 = arith.constant 0 : i32
      %dma_wait3A_182 = arith.constant 0 : i32
      %dma_wait3A_183 = tpu.memref_slice %arg2[%dma_wait3A_181, %dma_wait3A_182] : memref<1000000x64xf32, #tpu.memory_space<hbm>> -> memref<1000000x64xf32, #tpu.memory_space<hbm>>
      tpu.wait_indirect_dma semaphore(%arg8 : memref<!tpu.dma_semaphore, #tpu.memory_space<semaphore_mem>>) src(%dma_wait3A_183 : memref<1000000x64xf32, #tpu.memory_space<hbm>>) dst(%dma_wait3A_179 : memref<128x64xf32, #tpu.memory_space<vmem>>)
      %ge3A = arith.constant 4 : i32
      %ge3A_184 = arith.cmpi sge, %add3A_172, %ge3A : i32
      %convert_element_type3A = arith.extui %ge3A_184 : i1 to i32
      %cond3A = arith.constant 0 : i32
      %cond3A_185 = arith.cmpi ne, %convert_element_type3A, %cond3A : i32
      scf.if %cond3A_185 {
        %sub3A = arith.constant 4 : i32
        %sub3A_473 = arith.subi %add3A_172, %sub3A : i32
        %mul3A_474 = arith.constant 1 : i32
        %mul3A_475 = arith.muli %sub3A_473, %mul3A_474 : i32
        %add3A_476 = arith.addi %mul3A_4, %mul3A_475 : i32
        %add3A_477 = arith.constant 0 : i32
        %add3A_478 = arith.addi %add3A_476, %add3A_477 : i32
        %shift_right_logical3A_479 = arith.constant 5 : i32
        %shift_right_logical3A_480 = arith.shrui %add3A_478, %shift_right_logical3A_479 : i32
        %and3A_481 = arith.constant 31 : i32
        %and3A_482 = arith.andi %add3A_478, %and3A_481 : i32
        %dma_wait3A_483 = arith.constant 0 : i32
        %dma_wait3A_484 = arith.constant 0 : i32
        %dma_wait3A_485 = arith.constant 0 : i32
        %dma_wait3A_486 = arith.constant 0 : i32
        %dma_wait3A_487 = tpu.memref_slice %arg7[%dma_wait3A_483, %dma_wait3A_484, %dma_wait3A_485, %dma_wait3A_486] : memref<4x8x8x129xf32, #tpu.memory_space<vmem>> -> memref<1x8x8x128xf32, #tpu.memory_space<vmem>>
        %dma_wait3A_488 = tpu.memref_squeeze %dma_wait3A_487 : memref<1x8x8x128xf32, #tpu.memory_space<vmem>> -> memref<8x8x128xf32, #tpu.memory_space<vmem>>
        %dma_wait3A_489 = arith.constant 0 : i32
        %dma_wait3A_490 = arith.constant 0 : i32
        %dma_wait3A_491 = arith.constant 0 : i32
        %dma_wait3A_492 = tpu.memref_slice %arg4[%shift_right_logical3A_480, %dma_wait3A_489, %and3A_482, %dma_wait3A_490, %dma_wait3A_491] : memref<200x8x32x8x128xf32, #tpu.memory_space<hbm>> -> memref<1x8x1x8x128xf32, #tpu.memory_space<hbm>>
        %dma_wait3A_493 = tpu.memref_squeeze %dma_wait3A_492 : memref<1x8x1x8x128xf32, #tpu.memory_space<hbm>> -> memref<8x8x128xf32, #tpu.memory_space<hbm>>
        %dma_wait3A_494 = arith.constant 0 : i32
        %dma_wait3A_495 = arith.constant 0 : i32
        %dma_wait3A_496 = arith.constant 0 : i32
        %dma_wait3A_497 = tpu.memref_slice %arg4[%shift_right_logical3A_480, %dma_wait3A_494, %and3A_482, %dma_wait3A_495, %dma_wait3A_496] : memref<200x8x32x8x128xf32, #tpu.memory_space<hbm>> -> memref<1x8x1x8x128xf32, #tpu.memory_space<hbm>>
        %dma_wait3A_498 = tpu.memref_squeeze %dma_wait3A_497 : memref<1x8x1x8x128xf32, #tpu.memory_space<hbm>> -> memref<8x8x128xf32, #tpu.memory_space<hbm>>
        %dma_wait3A_499 = arith.constant 0 : i32
        %dma_wait3A_500 = arith.constant 0 : i32
        %dma_wait3A_501 = arith.constant 0 : i32
        %dma_wait3A_502 = tpu.memref_slice %arg7[%dma_wait3A_483, %dma_wait3A_499, %dma_wait3A_500, %dma_wait3A_501] : memref<4x8x8x129xf32, #tpu.memory_space<vmem>> -> memref<1x8x8x128xf32, #tpu.memory_space<vmem>>
        %dma_wait3A_503 = tpu.memref_squeeze %dma_wait3A_502 : memref<1x8x8x128xf32, #tpu.memory_space<vmem>> -> memref<8x8x128xf32, #tpu.memory_space<vmem>>
        tpu.wait_dma2 semaphore(%arg12 : memref<!tpu.dma_semaphore, #tpu.memory_space<semaphore_mem>>) src(%dma_wait3A_503 : memref<8x8x128xf32, #tpu.memory_space<vmem>>) dst(%dma_wait3A_498 : memref<8x8x128xf32, #tpu.memory_space<hbm>>)
      } else {
      }
      %add3A_186 = arith.constant 0 : i32
      %add3A_187 = vector.broadcast %add3A_186 : i32 to vector<16xi32>
      %add3A_188 = arith.addi %shift_right_logical3A_6, %add3A_187 : vector<16xi32>
      %add3A_189 = arith.constant 2 : i32
      %add3A_190 = vector.broadcast %add3A_189 : i32 to vector<16xi32>
      %add3A_191 = arith.addi %shift_right_logical3A_6, %add3A_190 : vector<16xi32>
      %add3A_192 = arith.constant 4 : i32
      %add3A_193 = vector.broadcast %add3A_192 : i32 to vector<16xi32>
      %add3A_194 = arith.addi %shift_right_logical3A_6, %add3A_193 : vector<16xi32>
      %add3A_195 = arith.constant 6 : i32
      %add3A_196 = vector.broadcast %add3A_195 : i32 to vector<16xi32>
      %add3A_197 = arith.addi %shift_right_logical3A_6, %add3A_196 : vector<16xi32>
      %scan3A_198 = arith.constant 0 : i32
      %scan3A_199 = arith.constant 0 : i32
      %scan3A_200 = arith.constant 0 : i32
      %scan3A_201 = arith.constant 0 : i32
      %scan3A_202 = arith.constant 16 : i32
      %scan3A_203 = arith.addi %scan3A_201, %scan3A_202 : i32
      %scan3A_204 = arith.constant 1 : i32
      scf.for %scan3A_473 = %scan3A_201 to %scan3A_203 step %scan3A_204  : i32 {
        %mul3A_474 = arith.constant 8 : i32
        %mul3A_475 = arith.muli %scan3A_473, %mul3A_474 : i32
        %add3A_476 = arith.constant 0 : i32
        %add3A_477 = arith.addi %mul3A_475, %add3A_476 : i32
        %get3A = arith.constant 0 : i32
        %get3A_478 = arith.constant 0 : i32
        %get3A_479 = tpu.memref_slice %arg6[%scan3A_199, %get3A, %get3A_478] : memref<4x128x64xf32, #tpu.memory_space<vmem>> -> memref<1x128x64xf32, #tpu.memory_space<vmem>>
        %get3A_480 = tpu.memref_squeeze %get3A_479 : memref<1x128x64xf32, #tpu.memory_space<vmem>> -> memref<128x64xf32, #tpu.memory_space<vmem>>
        %get3A_481 = arith.index_cast %add3A_477 : i32 to index
        %get3A_482 = arith.constant 0 : index
        %get3A_483 = tpu.vector_load %get3A_480[%get3A_481, %get3A_482] {strides = array<i32>} : memref<128x64xf32, #tpu.memory_space<vmem>>, vector<16xf32>,
        %add3A_484 = arith.constant 0 : i32
        %add3A_485 = arith.addi %mul3A_475, %add3A_484 : i32
        %get3A_486 = arith.constant 0 : i32
        %get3A_487 = arith.constant 0 : i32
        %get3A_488 = tpu.memref_slice %arg6[%scan3A_199, %get3A_486, %get3A_487] : memref<4x128x64xf32, #tpu.memory_space<vmem>> -> memref<1x128x64xf32, #tpu.memory_space<vmem>>
        %get3A_489 = tpu.memref_squeeze %get3A_488 : memref<1x128x64xf32, #tpu.memory_space<vmem>> -> memref<128x64xf32, #tpu.memory_space<vmem>>
        %get3A_490 = arith.index_cast %add3A_485 : i32 to index
        %get3A_491 = arith.constant 16 : index
        %get3A_492 = tpu.vector_load %get3A_489[%get3A_490, %get3A_491] {strides = array<i32>} : memref<128x64xf32, #tpu.memory_space<vmem>>, vector<16xf32>,
        %add3A_493 = arith.constant 0 : i32
        %add3A_494 = arith.addi %mul3A_475, %add3A_493 : i32
        %get3A_495 = arith.constant 0 : i32
        %get3A_496 = arith.constant 0 : i32
        %get3A_497 = tpu.memref_slice %arg6[%scan3A_199, %get3A_495, %get3A_496] : memref<4x128x64xf32, #tpu.memory_space<vmem>> -> memref<1x128x64xf32, #tpu.memory_space<vmem>>
        %get3A_498 = tpu.memref_squeeze %get3A_497 : memref<1x128x64xf32, #tpu.memory_space<vmem>> -> memref<128x64xf32, #tpu.memory_space<vmem>>
        %get3A_499 = arith.index_cast %add3A_494 : i32 to index
        %get3A_500 = arith.constant 32 : index
        %get3A_501 = tpu.vector_load %get3A_498[%get3A_499, %get3A_500] {strides = array<i32>} : memref<128x64xf32, #tpu.memory_space<vmem>>, vector<16xf32>,
        %add3A_502 = arith.constant 0 : i32
        %add3A_503 = arith.addi %mul3A_475, %add3A_502 : i32
        %get3A_504 = arith.constant 0 : i32
        %get3A_505 = arith.constant 0 : i32
        %get3A_506 = tpu.memref_slice %arg6[%scan3A_199, %get3A_504, %get3A_505] : memref<4x128x64xf32, #tpu.memory_space<vmem>> -> memref<1x128x64xf32, #tpu.memory_space<vmem>>
        %get3A_507 = tpu.memref_squeeze %get3A_506 : memref<1x128x64xf32, #tpu.memory_space<vmem>> -> memref<128x64xf32, #tpu.memory_space<vmem>>
        %get3A_508 = arith.index_cast %add3A_503 : i32 to index
        %get3A_509 = arith.constant 48 : index
        %get3A_510 = tpu.vector_load %get3A_507[%get3A_508, %get3A_509] {strides = array<i32>} : memref<128x64xf32, #tpu.memory_space<vmem>>, vector<16xf32>,
        %add3A_511 = arith.constant 1 : i32
        %add3A_512 = arith.addi %mul3A_475, %add3A_511 : i32
        %get3A_513 = arith.constant 0 : i32
        %get3A_514 = arith.constant 0 : i32
        %get3A_515 = tpu.memref_slice %arg6[%scan3A_199, %get3A_513, %get3A_514] : memref<4x128x64xf32, #tpu.memory_space<vmem>> -> memref<1x128x64xf32, #tpu.memory_space<vmem>>
        %get3A_516 = tpu.memref_squeeze %get3A_515 : memref<1x128x64xf32, #tpu.memory_space<vmem>> -> memref<128x64xf32, #tpu.memory_space<vmem>>
        %get3A_517 = arith.index_cast %add3A_512 : i32 to index
        %get3A_518 = arith.constant 0 : index
        %get3A_519 = tpu.vector_load %get3A_516[%get3A_517, %get3A_518] {strides = array<i32>} : memref<128x64xf32, #tpu.memory_space<vmem>>, vector<16xf32>,
        %add3A_520 = arith.constant 1 : i32
        %add3A_521 = arith.addi %mul3A_475, %add3A_520 : i32
        %get3A_522 = arith.constant 0 : i32
        %get3A_523 = arith.constant 0 : i32
        %get3A_524 = tpu.memref_slice %arg6[%scan3A_199, %get3A_522, %get3A_523] : memref<4x128x64xf32, #tpu.memory_space<vmem>> -> memref<1x128x64xf32, #tpu.memory_space<vmem>>
        %get3A_525 = tpu.memref_squeeze %get3A_524 : memref<1x128x64xf32, #tpu.memory_space<vmem>> -> memref<128x64xf32, #tpu.memory_space<vmem>>
        %get3A_526 = arith.index_cast %add3A_521 : i32 to index
        %get3A_527 = arith.constant 16 : index
        %get3A_528 = tpu.vector_load %get3A_525[%get3A_526, %get3A_527] {strides = array<i32>} : memref<128x64xf32, #tpu.memory_space<vmem>>, vector<16xf32>,
        %add3A_529 = arith.constant 1 : i32
        %add3A_530 = arith.addi %mul3A_475, %add3A_529 : i32
        %get3A_531 = arith.constant 0 : i32
        %get3A_532 = arith.constant 0 : i32
        %get3A_533 = tpu.memref_slice %arg6[%scan3A_199, %get3A_531, %get3A_532] : memref<4x128x64xf32, #tpu.memory_space<vmem>> -> memref<1x128x64xf32, #tpu.memory_space<vmem>>
        %get3A_534 = tpu.memref_squeeze %get3A_533 : memref<1x128x64xf32, #tpu.memory_space<vmem>> -> memref<128x64xf32, #tpu.memory_space<vmem>>
        %get3A_535 = arith.index_cast %add3A_530 : i32 to index
        %get3A_536 = arith.constant 32 : index
        %get3A_537 = tpu.vector_load %get3A_534[%get3A_535, %get3A_536] {strides = array<i32>} : memref<128x64xf32, #tpu.memory_space<vmem>>, vector<16xf32>,
        %add3A_538 = arith.constant 1 : i32
        %add3A_539 = arith.addi %mul3A_475, %add3A_538 : i32
        %get3A_540 = arith.constant 0 : i32
        %get3A_541 = arith.constant 0 : i32
        %get3A_542 = tpu.memref_slice %arg6[%scan3A_199, %get3A_540, %get3A_541] : memref<4x128x64xf32, #tpu.memory_space<vmem>> -> memref<1x128x64xf32, #tpu.memory_space<vmem>>
        %get3A_543 = tpu.memref_squeeze %get3A_542 : memref<1x128x64xf32, #tpu.memory_space<vmem>> -> memref<128x64xf32, #tpu.memory_space<vmem>>
        %get3A_544 = arith.index_cast %add3A_539 : i32 to index
        %get3A_545 = arith.constant 48 : index
        %get3A_546 = tpu.vector_load %get3A_543[%get3A_544, %get3A_545] {strides = array<i32>} : memref<128x64xf32, #tpu.memory_space<vmem>>, vector<16xf32>,
        %add3A_547 = arith.constant 2 : i32
        %add3A_548 = arith.addi %mul3A_475, %add3A_547 : i32
        %get3A_549 = arith.constant 0 : i32
        %get3A_550 = arith.constant 0 : i32
        %get3A_551 = tpu.memref_slice %arg6[%scan3A_199, %get3A_549, %get3A_550] : memref<4x128x64xf32, #tpu.memory_space<vmem>> -> memref<1x128x64xf32, #tpu.memory_space<vmem>>
        %get3A_552 = tpu.memref_squeeze %get3A_551 : memref<1x128x64xf32, #tpu.memory_space<vmem>> -> memref<128x64xf32, #tpu.memory_space<vmem>>
        %get3A_553 = arith.index_cast %add3A_548 : i32 to index
        %get3A_554 = arith.constant 0 : index
        %get3A_555 = tpu.vector_load %get3A_552[%get3A_553, %get3A_554] {strides = array<i32>} : memref<128x64xf32, #tpu.memory_space<vmem>>, vector<16xf32>,
        %add3A_556 = arith.constant 2 : i32
        %add3A_557 = arith.addi %mul3A_475, %add3A_556 : i32
        %get3A_558 = arith.constant 0 : i32
        %get3A_559 = arith.constant 0 : i32
        %get3A_560 = tpu.memref_slice %arg6[%scan3A_199, %get3A_558, %get3A_559] : memref<4x128x64xf32, #tpu.memory_space<vmem>> -> memref<1x128x64xf32, #tpu.memory_space<vmem>>
        %get3A_561 = tpu.memref_squeeze %get3A_560 : memref<1x128x64xf32, #tpu.memory_space<vmem>> -> memref<128x64xf32, #tpu.memory_space<vmem>>
        %get3A_562 = arith.index_cast %add3A_557 : i32 to index
        %get3A_563 = arith.constant 16 : index
        %get3A_564 = tpu.vector_load %get3A_561[%get3A_562, %get3A_563] {strides = array<i32>} : memref<128x64xf32, #tpu.memory_space<vmem>>, vector<16xf32>,
        %add3A_565 = arith.constant 2 : i32
        %add3A_566 = arith.addi %mul3A_475, %add3A_565 : i32
        %get3A_567 = arith.constant 0 : i32
        %get3A_568 = arith.constant 0 : i32
        %get3A_569 = tpu.memref_slice %arg6[%scan3A_199, %get3A_567, %get3A_568] : memref<4x128x64xf32, #tpu.memory_space<vmem>> -> memref<1x128x64xf32, #tpu.memory_space<vmem>>
        %get3A_570 = tpu.memref_squeeze %get3A_569 : memref<1x128x64xf32, #tpu.memory_space<vmem>> -> memref<128x64xf32, #tpu.memory_space<vmem>>
        %get3A_571 = arith.index_cast %add3A_566 : i32 to index
        %get3A_572 = arith.constant 32 : index
        %get3A_573 = tpu.vector_load %get3A_570[%get3A_571, %get3A_572] {strides = array<i32>} : memref<128x64xf32, #tpu.memory_space<vmem>>, vector<16xf32>,
        %add3A_574 = arith.constant 2 : i32
        %add3A_575 = arith.addi %mul3A_475, %add3A_574 : i32
        %get3A_576 = arith.constant 0 : i32
        %get3A_577 = arith.constant 0 : i32
        %get3A_578 = tpu.memref_slice %arg6[%scan3A_199, %get3A_576, %get3A_577] : memref<4x128x64xf32, #tpu.memory_space<vmem>> -> memref<1x128x64xf32, #tpu.memory_space<vmem>>
        %get3A_579 = tpu.memref_squeeze %get3A_578 : memref<1x128x64xf32, #tpu.memory_space<vmem>> -> memref<128x64xf32, #tpu.memory_space<vmem>>
        %get3A_580 = arith.index_cast %add3A_575 : i32 to index
        %get3A_581 = arith.constant 48 : index
        %get3A_582 = tpu.vector_load %get3A_579[%get3A_580, %get3A_581] {strides = array<i32>} : memref<128x64xf32, #tpu.memory_space<vmem>>, vector<16xf32>,
        %add3A_583 = arith.constant 3 : i32
        %add3A_584 = arith.addi %mul3A_475, %add3A_583 : i32
        %get3A_585 = arith.constant 0 : i32
        %get3A_586 = arith.constant 0 : i32
        %get3A_587 = tpu.memref_slice %arg6[%scan3A_199, %get3A_585, %get3A_586] : memref<4x128x64xf32, #tpu.memory_space<vmem>> -> memref<1x128x64xf32, #tpu.memory_space<vmem>>
        %get3A_588 = tpu.memref_squeeze %get3A_587 : memref<1x128x64xf32, #tpu.memory_space<vmem>> -> memref<128x64xf32, #tpu.memory_space<vmem>>
        %get3A_589 = arith.index_cast %add3A_584 : i32 to index
        %get3A_590 = arith.constant 0 : index
        %get3A_591 = tpu.vector_load %get3A_588[%get3A_589, %get3A_590] {strides = array<i32>} : memref<128x64xf32, #tpu.memory_space<vmem>>, vector<16xf32>,
        %add3A_592 = arith.constant 3 : i32
        %add3A_593 = arith.addi %mul3A_475, %add3A_592 : i32
        %get3A_594 = arith.constant 0 : i32
        %get3A_595 = arith.constant 0 : i32
        %get3A_596 = tpu.memref_slice %arg6[%scan3A_199, %get3A_594, %get3A_595] : memref<4x128x64xf32, #tpu.memory_space<vmem>> -> memref<1x128x64xf32, #tpu.memory_space<vmem>>
        %get3A_597 = tpu.memref_squeeze %get3A_596 : memref<1x128x64xf32, #tpu.memory_space<vmem>> -> memref<128x64xf32, #tpu.memory_space<vmem>>
        %get3A_598 = arith.index_cast %add3A_593 : i32 to index
        %get3A_599 = arith.constant 16 : index
        %get3A_600 = tpu.vector_load %get3A_597[%get3A_598, %get3A_599] {strides = array<i32>} : memref<128x64xf32, #tpu.memory_space<vmem>>, vector<16xf32>,
        %add3A_601 = arith.constant 3 : i32
        %add3A_602 = arith.addi %mul3A_475, %add3A_601 : i32
        %get3A_603 = arith.constant 0 : i32
        %get3A_604 = arith.constant 0 : i32
        %get3A_605 = tpu.memref_slice %arg6[%scan3A_199, %get3A_603, %get3A_604] : memref<4x128x64xf32, #tpu.memory_space<vmem>> -> memref<1x128x64xf32, #tpu.memory_space<vmem>>
        %get3A_606 = tpu.memref_squeeze %get3A_605 : memref<1x128x64xf32, #tpu.memory_space<vmem>> -> memref<128x64xf32, #tpu.memory_space<vmem>>
        %get3A_607 = arith.index_cast %add3A_602 : i32 to index
        %get3A_608 = arith.constant 32 : index
        %get3A_609 = tpu.vector_load %get3A_606[%get3A_607, %get3A_608] {strides = array<i32>} : memref<128x64xf32, #tpu.memory_space<vmem>>, vector<16xf32>,
        %add3A_610 = arith.constant 3 : i32
        %add3A_611 = arith.addi %mul3A_475, %add3A_610 : i32
        %get3A_612 = arith.constant 0 : i32
        %get3A_613 = arith.constant 0 : i32
        %get3A_614 = tpu.memref_slice %arg6[%scan3A_199, %get3A_612, %get3A_613] : memref<4x128x64xf32, #tpu.memory_space<vmem>> -> memref<1x128x64xf32, #tpu.memory_space<vmem>>
        %get3A_615 = tpu.memref_squeeze %get3A_614 : memref<1x128x64xf32, #tpu.memory_space<vmem>> -> memref<128x64xf32, #tpu.memory_space<vmem>>
        %get3A_616 = arith.index_cast %add3A_611 : i32 to index
        %get3A_617 = arith.constant 48 : index
        %get3A_618 = tpu.vector_load %get3A_615[%get3A_616, %get3A_617] {strides = array<i32>} : memref<128x64xf32, #tpu.memory_space<vmem>>, vector<16xf32>,
        %add3A_619 = arith.constant 4 : i32
        %add3A_620 = arith.addi %mul3A_475, %add3A_619 : i32
        %get3A_621 = arith.constant 0 : i32
        %get3A_622 = arith.constant 0 : i32
        %get3A_623 = tpu.memref_slice %arg6[%scan3A_199, %get3A_621, %get3A_622] : memref<4x128x64xf32, #tpu.memory_space<vmem>> -> memref<1x128x64xf32, #tpu.memory_space<vmem>>
        %get3A_624 = tpu.memref_squeeze %get3A_623 : memref<1x128x64xf32, #tpu.memory_space<vmem>> -> memref<128x64xf32, #tpu.memory_space<vmem>>
        %get3A_625 = arith.index_cast %add3A_620 : i32 to index
        %get3A_626 = arith.constant 0 : index
        %get3A_627 = tpu.vector_load %get3A_624[%get3A_625, %get3A_626] {strides = array<i32>} : memref<128x64xf32, #tpu.memory_space<vmem>>, vector<16xf32>,
        %add3A_628 = arith.constant 4 : i32
        %add3A_629 = arith.addi %mul3A_475, %add3A_628 : i32
        %get3A_630 = arith.constant 0 : i32
        %get3A_631 = arith.constant 0 : i32
        %get3A_632 = tpu.memref_slice %arg6[%scan3A_199, %get3A_630, %get3A_631] : memref<4x128x64xf32, #tpu.memory_space<vmem>> -> memref<1x128x64xf32, #tpu.memory_space<vmem>>
        %get3A_633 = tpu.memref_squeeze %get3A_632 : memref<1x128x64xf32, #tpu.memory_space<vmem>> -> memref<128x64xf32, #tpu.memory_space<vmem>>
        %get3A_634 = arith.index_cast %add3A_629 : i32 to index
        %get3A_635 = arith.constant 16 : index
        %get3A_636 = tpu.vector_load %get3A_633[%get3A_634, %get3A_635] {strides = array<i32>} : memref<128x64xf32, #tpu.memory_space<vmem>>, vector<16xf32>,
        %add3A_637 = arith.constant 4 : i32
        %add3A_638 = arith.addi %mul3A_475, %add3A_637 : i32
        %get3A_639 = arith.constant 0 : i32
        %get3A_640 = arith.constant 0 : i32
        %get3A_641 = tpu.memref_slice %arg6[%scan3A_199, %get3A_639, %get3A_640] : memref<4x128x64xf32, #tpu.memory_space<vmem>> -> memref<1x128x64xf32, #tpu.memory_space<vmem>>
        %get3A_642 = tpu.memref_squeeze %get3A_641 : memref<1x128x64xf32, #tpu.memory_space<vmem>> -> memref<128x64xf32, #tpu.memory_space<vmem>>
        %get3A_643 = arith.index_cast %add3A_638 : i32 to index
        %get3A_644 = arith.constant 32 : index
        %get3A_645 = tpu.vector_load %get3A_642[%get3A_643, %get3A_644] {strides = array<i32>} : memref<128x64xf32, #tpu.memory_space<vmem>>, vector<16xf32>,
        %add3A_646 = arith.constant 4 : i32
        %add3A_647 = arith.addi %mul3A_475, %add3A_646 : i32
        %get3A_648 = arith.constant 0 : i32
        %get3A_649 = arith.constant 0 : i32
        %get3A_650 = tpu.memref_slice %arg6[%scan3A_199, %get3A_648, %get3A_649] : memref<4x128x64xf32, #tpu.memory_space<vmem>> -> memref<1x128x64xf32, #tpu.memory_space<vmem>>
        %get3A_651 = tpu.memref_squeeze %get3A_650 : memref<1x128x64xf32, #tpu.memory_space<vmem>> -> memref<128x64xf32, #tpu.memory_space<vmem>>
        %get3A_652 = arith.index_cast %add3A_647 : i32 to index
        %get3A_653 = arith.constant 48 : index
        %get3A_654 = tpu.vector_load %get3A_651[%get3A_652, %get3A_653] {strides = array<i32>} : memref<128x64xf32, #tpu.memory_space<vmem>>, vector<16xf32>,
        %add3A_655 = arith.constant 5 : i32
        %add3A_656 = arith.addi %mul3A_475, %add3A_655 : i32
        %get3A_657 = arith.constant 0 : i32
        %get3A_658 = arith.constant 0 : i32
        %get3A_659 = tpu.memref_slice %arg6[%scan3A_199, %get3A_657, %get3A_658] : memref<4x128x64xf32, #tpu.memory_space<vmem>> -> memref<1x128x64xf32, #tpu.memory_space<vmem>>
        %get3A_660 = tpu.memref_squeeze %get3A_659 : memref<1x128x64xf32, #tpu.memory_space<vmem>> -> memref<128x64xf32, #tpu.memory_space<vmem>>
        %get3A_661 = arith.index_cast %add3A_656 : i32 to index
        %get3A_662 = arith.constant 0 : index
        %get3A_663 = tpu.vector_load %get3A_660[%get3A_661, %get3A_662] {strides = array<i32>} : memref<128x64xf32, #tpu.memory_space<vmem>>, vector<16xf32>,
        %add3A_664 = arith.constant 5 : i32
        %add3A_665 = arith.addi %mul3A_475, %add3A_664 : i32
        %get3A_666 = arith.constant 0 : i32
        %get3A_667 = arith.constant 0 : i32
        %get3A_668 = tpu.memref_slice %arg6[%scan3A_199, %get3A_666, %get3A_667] : memref<4x128x64xf32, #tpu.memory_space<vmem>> -> memref<1x128x64xf32, #tpu.memory_space<vmem>>
        %get3A_669 = tpu.memref_squeeze %get3A_668 : memref<1x128x64xf32, #tpu.memory_space<vmem>> -> memref<128x64xf32, #tpu.memory_space<vmem>>
        %get3A_670 = arith.index_cast %add3A_665 : i32 to index
        %get3A_671 = arith.constant 16 : index
        %get3A_672 = tpu.vector_load %get3A_669[%get3A_670, %get3A_671] {strides = array<i32>} : memref<128x64xf32, #tpu.memory_space<vmem>>, vector<16xf32>,
        %add3A_673 = arith.constant 5 : i32
        %add3A_674 = arith.addi %mul3A_475, %add3A_673 : i32
        %get3A_675 = arith.constant 0 : i32
        %get3A_676 = arith.constant 0 : i32
        %get3A_677 = tpu.memref_slice %arg6[%scan3A_199, %get3A_675, %get3A_676] : memref<4x128x64xf32, #tpu.memory_space<vmem>> -> memref<1x128x64xf32, #tpu.memory_space<vmem>>
        %get3A_678 = tpu.memref_squeeze %get3A_677 : memref<1x128x64xf32, #tpu.memory_space<vmem>> -> memref<128x64xf32, #tpu.memory_space<vmem>>
        %get3A_679 = arith.index_cast %add3A_674 : i32 to index
        %get3A_680 = arith.constant 32 : index
        %get3A_681 = tpu.vector_load %get3A_678[%get3A_679, %get3A_680] {strides = array<i32>} : memref<128x64xf32, #tpu.memory_space<vmem>>, vector<16xf32>,
        %add3A_682 = arith.constant 5 : i32
        %add3A_683 = arith.addi %mul3A_475, %add3A_682 : i32
        %get3A_684 = arith.constant 0 : i32
        %get3A_685 = arith.constant 0 : i32
        %get3A_686 = tpu.memref_slice %arg6[%scan3A_199, %get3A_684, %get3A_685] : memref<4x128x64xf32, #tpu.memory_space<vmem>> -> memref<1x128x64xf32, #tpu.memory_space<vmem>>
        %get3A_687 = tpu.memref_squeeze %get3A_686 : memref<1x128x64xf32, #tpu.memory_space<vmem>> -> memref<128x64xf32, #tpu.memory_space<vmem>>
        %get3A_688 = arith.index_cast %add3A_683 : i32 to index
        %get3A_689 = arith.constant 48 : index
        %get3A_690 = tpu.vector_load %get3A_687[%get3A_688, %get3A_689] {strides = array<i32>} : memref<128x64xf32, #tpu.memory_space<vmem>>, vector<16xf32>,
        %add3A_691 = arith.constant 6 : i32
        %add3A_692 = arith.addi %mul3A_475, %add3A_691 : i32
        %get3A_693 = arith.constant 0 : i32
        %get3A_694 = arith.constant 0 : i32
        %get3A_695 = tpu.memref_slice %arg6[%scan3A_199, %get3A_693, %get3A_694] : memref<4x128x64xf32, #tpu.memory_space<vmem>> -> memref<1x128x64xf32, #tpu.memory_space<vmem>>
        %get3A_696 = tpu.memref_squeeze %get3A_695 : memref<1x128x64xf32, #tpu.memory_space<vmem>> -> memref<128x64xf32, #tpu.memory_space<vmem>>
        %get3A_697 = arith.index_cast %add3A_692 : i32 to index
        %get3A_698 = arith.constant 0 : index
        %get3A_699 = tpu.vector_load %get3A_696[%get3A_697, %get3A_698] {strides = array<i32>} : memref<128x64xf32, #tpu.memory_space<vmem>>, vector<16xf32>,
        %add3A_700 = arith.constant 6 : i32
        %add3A_701 = arith.addi %mul3A_475, %add3A_700 : i32
        %get3A_702 = arith.constant 0 : i32
        %get3A_703 = arith.constant 0 : i32
        %get3A_704 = tpu.memref_slice %arg6[%scan3A_199, %get3A_702, %get3A_703] : memref<4x128x64xf32, #tpu.memory_space<vmem>> -> memref<1x128x64xf32, #tpu.memory_space<vmem>>
        %get3A_705 = tpu.memref_squeeze %get3A_704 : memref<1x128x64xf32, #tpu.memory_space<vmem>> -> memref<128x64xf32, #tpu.memory_space<vmem>>
        %get3A_706 = arith.index_cast %add3A_701 : i32 to index
        %get3A_707 = arith.constant 16 : index
        %get3A_708 = tpu.vector_load %get3A_705[%get3A_706, %get3A_707] {strides = array<i32>} : memref<128x64xf32, #tpu.memory_space<vmem>>, vector<16xf32>,
        %add3A_709 = arith.constant 6 : i32
        %add3A_710 = arith.addi %mul3A_475, %add3A_709 : i32
        %get3A_711 = arith.constant 0 : i32
        %get3A_712 = arith.constant 0 : i32
        %get3A_713 = tpu.memref_slice %arg6[%scan3A_199, %get3A_711, %get3A_712] : memref<4x128x64xf32, #tpu.memory_space<vmem>> -> memref<1x128x64xf32, #tpu.memory_space<vmem>>
        %get3A_714 = tpu.memref_squeeze %get3A_713 : memref<1x128x64xf32, #tpu.memory_space<vmem>> -> memref<128x64xf32, #tpu.memory_space<vmem>>
        %get3A_715 = arith.index_cast %add3A_710 : i32 to index
        %get3A_716 = arith.constant 32 : index
        %get3A_717 = tpu.vector_load %get3A_714[%get3A_715, %get3A_716] {strides = array<i32>} : memref<128x64xf32, #tpu.memory_space<vmem>>, vector<16xf32>,
        %add3A_718 = arith.constant 6 : i32
        %add3A_719 = arith.addi %mul3A_475, %add3A_718 : i32
        %get3A_720 = arith.constant 0 : i32
        %get3A_721 = arith.constant 0 : i32
        %get3A_722 = tpu.memref_slice %arg6[%scan3A_199, %get3A_720, %get3A_721] : memref<4x128x64xf32, #tpu.memory_space<vmem>> -> memref<1x128x64xf32, #tpu.memory_space<vmem>>
        %get3A_723 = tpu.memref_squeeze %get3A_722 : memref<1x128x64xf32, #tpu.memory_space<vmem>> -> memref<128x64xf32, #tpu.memory_space<vmem>>
        %get3A_724 = arith.index_cast %add3A_719 : i32 to index
        %get3A_725 = arith.constant 48 : index
        %get3A_726 = tpu.vector_load %get3A_723[%get3A_724, %get3A_725] {strides = array<i32>} : memref<128x64xf32, #tpu.memory_space<vmem>>, vector<16xf32>,
        %add3A_727 = arith.constant 7 : i32
        %add3A_728 = arith.addi %mul3A_475, %add3A_727 : i32
        %get3A_729 = arith.constant 0 : i32
        %get3A_730 = arith.constant 0 : i32
        %get3A_731 = tpu.memref_slice %arg6[%scan3A_199, %get3A_729, %get3A_730] : memref<4x128x64xf32, #tpu.memory_space<vmem>> -> memref<1x128x64xf32, #tpu.memory_space<vmem>>
        %get3A_732 = tpu.memref_squeeze %get3A_731 : memref<1x128x64xf32, #tpu.memory_space<vmem>> -> memref<128x64xf32, #tpu.memory_space<vmem>>
        %get3A_733 = arith.index_cast %add3A_728 : i32 to index
        %get3A_734 = arith.constant 0 : index
        %get3A_735 = tpu.vector_load %get3A_732[%get3A_733, %get3A_734] {strides = array<i32>} : memref<128x64xf32, #tpu.memory_space<vmem>>, vector<16xf32>,
        %add3A_736 = arith.constant 7 : i32
        %add3A_737 = arith.addi %mul3A_475, %add3A_736 : i32
        %get3A_738 = arith.constant 0 : i32
        %get3A_739 = arith.constant 0 : i32
        %get3A_740 = tpu.memref_slice %arg6[%scan3A_199, %get3A_738, %get3A_739] : memref<4x128x64xf32, #tpu.memory_space<vmem>> -> memref<1x128x64xf32, #tpu.memory_space<vmem>>
        %get3A_741 = tpu.memref_squeeze %get3A_740 : memref<1x128x64xf32, #tpu.memory_space<vmem>> -> memref<128x64xf32, #tpu.memory_space<vmem>>
        %get3A_742 = arith.index_cast %add3A_737 : i32 to index
        %get3A_743 = arith.constant 16 : index
        %get3A_744 = tpu.vector_load %get3A_741[%get3A_742, %get3A_743] {strides = array<i32>} : memref<128x64xf32, #tpu.memory_space<vmem>>, vector<16xf32>,
        %add3A_745 = arith.constant 7 : i32
        %add3A_746 = arith.addi %mul3A_475, %add3A_745 : i32
        %get3A_747 = arith.constant 0 : i32
        %get3A_748 = arith.constant 0 : i32
        %get3A_749 = tpu.memref_slice %arg6[%scan3A_199, %get3A_747, %get3A_748] : memref<4x128x64xf32, #tpu.memory_space<vmem>> -> memref<1x128x64xf32, #tpu.memory_space<vmem>>
        %get3A_750 = tpu.memref_squeeze %get3A_749 : memref<1x128x64xf32, #tpu.memory_space<vmem>> -> memref<128x64xf32, #tpu.memory_space<vmem>>
        %get3A_751 = arith.index_cast %add3A_746 : i32 to index
        %get3A_752 = arith.constant 32 : index
        %get3A_753 = tpu.vector_load %get3A_750[%get3A_751, %get3A_752] {strides = array<i32>} : memref<128x64xf32, #tpu.memory_space<vmem>>, vector<16xf32>,
        %add3A_754 = arith.constant 7 : i32
        %add3A_755 = arith.addi %mul3A_475, %add3A_754 : i32
        %get3A_756 = arith.constant 0 : i32
        %get3A_757 = arith.constant 0 : i32
        %get3A_758 = tpu.memref_slice %arg6[%scan3A_199, %get3A_756, %get3A_757] : memref<4x128x64xf32, #tpu.memory_space<vmem>> -> memref<1x128x64xf32, #tpu.memory_space<vmem>>
        %get3A_759 = tpu.memref_squeeze %get3A_758 : memref<1x128x64xf32, #tpu.memory_space<vmem>> -> memref<128x64xf32, #tpu.memory_space<vmem>>
        %get3A_760 = arith.index_cast %add3A_755 : i32 to index
        %get3A_761 = arith.constant 48 : index
        %get3A_762 = tpu.vector_load %get3A_759[%get3A_760, %get3A_761] {strides = array<i32>} : memref<128x64xf32, #tpu.memory_space<vmem>>, vector<16xf32>,
        %add3A_763 = arith.constant 0 : i32
        %add3A_764 = arith.addi %mul3A_475, %add3A_763 : i32
        %broadcast_in_dim3A = vector.broadcast %add3A_764 : i32 to vector<16xi32>
        %add3A_765 = arith.constant 1 : i32
        %add3A_766 = arith.addi %mul3A_475, %add3A_765 : i32
        %broadcast_in_dim3A_767 = vector.broadcast %add3A_766 : i32 to vector<16xi32>
        %add3A_768 = arith.constant 2 : i32
        %add3A_769 = arith.addi %mul3A_475, %add3A_768 : i32
        %broadcast_in_dim3A_770 = vector.broadcast %add3A_769 : i32 to vector<16xi32>
        %add3A_771 = arith.constant 3 : i32
        %add3A_772 = arith.addi %mul3A_475, %add3A_771 : i32
        %broadcast_in_dim3A_773 = vector.broadcast %add3A_772 : i32 to vector<16xi32>
        %add3A_774 = arith.constant 4 : i32
        %add3A_775 = arith.addi %mul3A_475, %add3A_774 : i32
        %broadcast_in_dim3A_776 = vector.broadcast %add3A_775 : i32 to vector<16xi32>
        %add3A_777 = arith.constant 5 : i32
        %add3A_778 = arith.addi %mul3A_475, %add3A_777 : i32
        %broadcast_in_dim3A_779 = vector.broadcast %add3A_778 : i32 to vector<16xi32>
        %add3A_780 = arith.constant 6 : i32
        %add3A_781 = arith.addi %mul3A_475, %add3A_780 : i32
        %broadcast_in_dim3A_782 = vector.broadcast %add3A_781 : i32 to vector<16xi32>
        %add3A_783 = arith.constant 7 : i32
        %add3A_784 = arith.addi %mul3A_475, %add3A_783 : i32
        %broadcast_in_dim3A_785 = vector.broadcast %add3A_784 : i32 to vector<16xi32>
        %scatter3A = arith.constant 0 : i32
        %scatter3A_786 = arith.constant 0 : i32
        %scatter3A_787 = arith.constant 0 : i32
        %scatter3A_788 = tpu.memref_slice %arg7[%scan3A_200, %scatter3A, %scatter3A_786, %scatter3A_787] : memref<4x8x8x129xf32, #tpu.memory_space<vmem>> -> memref<1x8x8x129xf32, #tpu.memory_space<vmem>>
        %scatter3A_789 = tpu.memref_squeeze %scatter3A_788 : memref<1x8x8x129xf32, #tpu.memory_space<vmem>> -> memref<8x8x129xf32, #tpu.memory_space<vmem>>
        tpu.vector_store_idx %scatter3A_789[%add3A_188, %and3A_8, %broadcast_in_dim3A], %get3A_483 : memref<8x8x129xf32, #tpu.memory_space<vmem>>[vector<16xi32>, vector<16xi32>, vector<16xi32>], vector<16xf32>,
        %scatter3A_790 = arith.constant 0 : i32
        %scatter3A_791 = arith.constant 0 : i32
        %scatter3A_792 = arith.constant 0 : i32
        %scatter3A_793 = tpu.memref_slice %arg7[%scan3A_200, %scatter3A_790, %scatter3A_791, %scatter3A_792] : memref<4x8x8x129xf32, #tpu.memory_space<vmem>> -> memref<1x8x8x129xf32, #tpu.memory_space<vmem>>
        %scatter3A_794 = tpu.memref_squeeze %scatter3A_793 : memref<1x8x8x129xf32, #tpu.memory_space<vmem>> -> memref<8x8x129xf32, #tpu.memory_space<vmem>>
        tpu.vector_store_idx %scatter3A_794[%add3A_191, %and3A_8, %broadcast_in_dim3A], %get3A_492 : memref<8x8x129xf32, #tpu.memory_space<vmem>>[vector<16xi32>, vector<16xi32>, vector<16xi32>], vector<16xf32>,
        %scatter3A_795 = arith.constant 0 : i32
        %scatter3A_796 = arith.constant 0 : i32
        %scatter3A_797 = arith.constant 0 : i32
        %scatter3A_798 = tpu.memref_slice %arg7[%scan3A_200, %scatter3A_795, %scatter3A_796, %scatter3A_797] : memref<4x8x8x129xf32, #tpu.memory_space<vmem>> -> memref<1x8x8x129xf32, #tpu.memory_space<vmem>>
        %scatter3A_799 = tpu.memref_squeeze %scatter3A_798 : memref<1x8x8x129xf32, #tpu.memory_space<vmem>> -> memref<8x8x129xf32, #tpu.memory_space<vmem>>
        tpu.vector_store_idx %scatter3A_799[%add3A_194, %and3A_8, %broadcast_in_dim3A], %get3A_501 : memref<8x8x129xf32, #tpu.memory_space<vmem>>[vector<16xi32>, vector<16xi32>, vector<16xi32>], vector<16xf32>,
        %scatter3A_800 = arith.constant 0 : i32
        %scatter3A_801 = arith.constant 0 : i32
        %scatter3A_802 = arith.constant 0 : i32
        %scatter3A_803 = tpu.memref_slice %arg7[%scan3A_200, %scatter3A_800, %scatter3A_801, %scatter3A_802] : memref<4x8x8x129xf32, #tpu.memory_space<vmem>> -> memref<1x8x8x129xf32, #tpu.memory_space<vmem>>
        %scatter3A_804 = tpu.memref_squeeze %scatter3A_803 : memref<1x8x8x129xf32, #tpu.memory_space<vmem>> -> memref<8x8x129xf32, #tpu.memory_space<vmem>>
        tpu.vector_store_idx %scatter3A_804[%add3A_197, %and3A_8, %broadcast_in_dim3A], %get3A_510 : memref<8x8x129xf32, #tpu.memory_space<vmem>>[vector<16xi32>, vector<16xi32>, vector<16xi32>], vector<16xf32>,
        %scatter3A_805 = arith.constant 0 : i32
        %scatter3A_806 = arith.constant 0 : i32
        %scatter3A_807 = arith.constant 0 : i32
        %scatter3A_808 = tpu.memref_slice %arg7[%scan3A_200, %scatter3A_805, %scatter3A_806, %scatter3A_807] : memref<4x8x8x129xf32, #tpu.memory_space<vmem>> -> memref<1x8x8x129xf32, #tpu.memory_space<vmem>>
        %scatter3A_809 = tpu.memref_squeeze %scatter3A_808 : memref<1x8x8x129xf32, #tpu.memory_space<vmem>> -> memref<8x8x129xf32, #tpu.memory_space<vmem>>
        tpu.vector_store_idx %scatter3A_809[%add3A_188, %and3A_8, %broadcast_in_dim3A_767], %get3A_519 : memref<8x8x129xf32, #tpu.memory_space<vmem>>[vector<16xi32>, vector<16xi32>, vector<16xi32>], vector<16xf32>,
        %scatter3A_810 = arith.constant 0 : i32
        %scatter3A_811 = arith.constant 0 : i32
        %scatter3A_812 = arith.constant 0 : i32
        %scatter3A_813 = tpu.memref_slice %arg7[%scan3A_200, %scatter3A_810, %scatter3A_811, %scatter3A_812] : memref<4x8x8x129xf32, #tpu.memory_space<vmem>> -> memref<1x8x8x129xf32, #tpu.memory_space<vmem>>
        %scatter3A_814 = tpu.memref_squeeze %scatter3A_813 : memref<1x8x8x129xf32, #tpu.memory_space<vmem>> -> memref<8x8x129xf32, #tpu.memory_space<vmem>>
        tpu.vector_store_idx %scatter3A_814[%add3A_191, %and3A_8, %broadcast_in_dim3A_767], %get3A_528 : memref<8x8x129xf32, #tpu.memory_space<vmem>>[vector<16xi32>, vector<16xi32>, vector<16xi32>], vector<16xf32>,
        %scatter3A_815 = arith.constant 0 : i32
        %scatter3A_816 = arith.constant 0 : i32
        %scatter3A_817 = arith.constant 0 : i32
        %scatter3A_818 = tpu.memref_slice %arg7[%scan3A_200, %scatter3A_815, %scatter3A_816, %scatter3A_817] : memref<4x8x8x129xf32, #tpu.memory_space<vmem>> -> memref<1x8x8x129xf32, #tpu.memory_space<vmem>>
        %scatter3A_819 = tpu.memref_squeeze %scatter3A_818 : memref<1x8x8x129xf32, #tpu.memory_space<vmem>> -> memref<8x8x129xf32, #tpu.memory_space<vmem>>
        tpu.vector_store_idx %scatter3A_819[%add3A_194, %and3A_8, %broadcast_in_dim3A_767], %get3A_537 : memref<8x8x129xf32, #tpu.memory_space<vmem>>[vector<16xi32>, vector<16xi32>, vector<16xi32>], vector<16xf32>,
        %scatter3A_820 = arith.constant 0 : i32
        %scatter3A_821 = arith.constant 0 : i32
        %scatter3A_822 = arith.constant 0 : i32
        %scatter3A_823 = tpu.memref_slice %arg7[%scan3A_200, %scatter3A_820, %scatter3A_821, %scatter3A_822] : memref<4x8x8x129xf32, #tpu.memory_space<vmem>> -> memref<1x8x8x129xf32, #tpu.memory_space<vmem>>
        %scatter3A_824 = tpu.memref_squeeze %scatter3A_823 : memref<1x8x8x129xf32, #tpu.memory_space<vmem>> -> memref<8x8x129xf32, #tpu.memory_space<vmem>>
        tpu.vector_store_idx %scatter3A_824[%add3A_197, %and3A_8, %broadcast_in_dim3A_767], %get3A_546 : memref<8x8x129xf32, #tpu.memory_space<vmem>>[vector<16xi32>, vector<16xi32>, vector<16xi32>], vector<16xf32>,
        %scatter3A_825 = arith.constant 0 : i32
        %scatter3A_826 = arith.constant 0 : i32
        %scatter3A_827 = arith.constant 0 : i32
        %scatter3A_828 = tpu.memref_slice %arg7[%scan3A_200, %scatter3A_825, %scatter3A_826, %scatter3A_827] : memref<4x8x8x129xf32, #tpu.memory_space<vmem>> -> memref<1x8x8x129xf32, #tpu.memory_space<vmem>>
        %scatter3A_829 = tpu.memref_squeeze %scatter3A_828 : memref<1x8x8x129xf32, #tpu.memory_space<vmem>> -> memref<8x8x129xf32, #tpu.memory_space<vmem>>
        tpu.vector_store_idx %scatter3A_829[%add3A_188, %and3A_8, %broadcast_in_dim3A_770], %get3A_555 : memref<8x8x129xf32, #tpu.memory_space<vmem>>[vector<16xi32>, vector<16xi32>, vector<16xi32>], vector<16xf32>,
        %scatter3A_830 = arith.constant 0 : i32
        %scatter3A_831 = arith.constant 0 : i32
        %scatter3A_832 = arith.constant 0 : i32
        %scatter3A_833 = tpu.memref_slice %arg7[%scan3A_200, %scatter3A_830, %scatter3A_831, %scatter3A_832] : memref<4x8x8x129xf32, #tpu.memory_space<vmem>> -> memref<1x8x8x129xf32, #tpu.memory_space<vmem>>
        %scatter3A_834 = tpu.memref_squeeze %scatter3A_833 : memref<1x8x8x129xf32, #tpu.memory_space<vmem>> -> memref<8x8x129xf32, #tpu.memory_space<vmem>>
        tpu.vector_store_idx %scatter3A_834[%add3A_191, %and3A_8, %broadcast_in_dim3A_770], %get3A_564 : memref<8x8x129xf32, #tpu.memory_space<vmem>>[vector<16xi32>, vector<16xi32>, vector<16xi32>], vector<16xf32>,
        %scatter3A_835 = arith.constant 0 : i32
        %scatter3A_836 = arith.constant 0 : i32
        %scatter3A_837 = arith.constant 0 : i32
        %scatter3A_838 = tpu.memref_slice %arg7[%scan3A_200, %scatter3A_835, %scatter3A_836, %scatter3A_837] : memref<4x8x8x129xf32, #tpu.memory_space<vmem>> -> memref<1x8x8x129xf32, #tpu.memory_space<vmem>>
        %scatter3A_839 = tpu.memref_squeeze %scatter3A_838 : memref<1x8x8x129xf32, #tpu.memory_space<vmem>> -> memref<8x8x129xf32, #tpu.memory_space<vmem>>
        tpu.vector_store_idx %scatter3A_839[%add3A_194, %and3A_8, %broadcast_in_dim3A_770], %get3A_573 : memref<8x8x129xf32, #tpu.memory_space<vmem>>[vector<16xi32>, vector<16xi32>, vector<16xi32>], vector<16xf32>,
        %scatter3A_840 = arith.constant 0 : i32
        %scatter3A_841 = arith.constant 0 : i32
        %scatter3A_842 = arith.constant 0 : i32
        %scatter3A_843 = tpu.memref_slice %arg7[%scan3A_200, %scatter3A_840, %scatter3A_841, %scatter3A_842] : memref<4x8x8x129xf32, #tpu.memory_space<vmem>> -> memref<1x8x8x129xf32, #tpu.memory_space<vmem>>
        %scatter3A_844 = tpu.memref_squeeze %scatter3A_843 : memref<1x8x8x129xf32, #tpu.memory_space<vmem>> -> memref<8x8x129xf32, #tpu.memory_space<vmem>>
        tpu.vector_store_idx %scatter3A_844[%add3A_197, %and3A_8, %broadcast_in_dim3A_770], %get3A_582 : memref<8x8x129xf32, #tpu.memory_space<vmem>>[vector<16xi32>, vector<16xi32>, vector<16xi32>], vector<16xf32>,
        %scatter3A_845 = arith.constant 0 : i32
        %scatter3A_846 = arith.constant 0 : i32
        %scatter3A_847 = arith.constant 0 : i32
        %scatter3A_848 = tpu.memref_slice %arg7[%scan3A_200, %scatter3A_845, %scatter3A_846, %scatter3A_847] : memref<4x8x8x129xf32, #tpu.memory_space<vmem>> -> memref<1x8x8x129xf32, #tpu.memory_space<vmem>>
        %scatter3A_849 = tpu.memref_squeeze %scatter3A_848 : memref<1x8x8x129xf32, #tpu.memory_space<vmem>> -> memref<8x8x129xf32, #tpu.memory_space<vmem>>
        tpu.vector_store_idx %scatter3A_849[%add3A_188, %and3A_8, %broadcast_in_dim3A_773], %get3A_591 : memref<8x8x129xf32, #tpu.memory_space<vmem>>[vector<16xi32>, vector<16xi32>, vector<16xi32>], vector<16xf32>,
        %scatter3A_850 = arith.constant 0 : i32
        %scatter3A_851 = arith.constant 0 : i32
        %scatter3A_852 = arith.constant 0 : i32
        %scatter3A_853 = tpu.memref_slice %arg7[%scan3A_200, %scatter3A_850, %scatter3A_851, %scatter3A_852] : memref<4x8x8x129xf32, #tpu.memory_space<vmem>> -> memref<1x8x8x129xf32, #tpu.memory_space<vmem>>
        %scatter3A_854 = tpu.memref_squeeze %scatter3A_853 : memref<1x8x8x129xf32, #tpu.memory_space<vmem>> -> memref<8x8x129xf32, #tpu.memory_space<vmem>>
        tpu.vector_store_idx %scatter3A_854[%add3A_191, %and3A_8, %broadcast_in_dim3A_773], %get3A_600 : memref<8x8x129xf32, #tpu.memory_space<vmem>>[vector<16xi32>, vector<16xi32>, vector<16xi32>], vector<16xf32>,
        %scatter3A_855 = arith.constant 0 : i32
        %scatter3A_856 = arith.constant 0 : i32
        %scatter3A_857 = arith.constant 0 : i32
        %scatter3A_858 = tpu.memref_slice %arg7[%scan3A_200, %scatter3A_855, %scatter3A_856, %scatter3A_857] : memref<4x8x8x129xf32, #tpu.memory_space<vmem>> -> memref<1x8x8x129xf32, #tpu.memory_space<vmem>>
        %scatter3A_859 = tpu.memref_squeeze %scatter3A_858 : memref<1x8x8x129xf32, #tpu.memory_space<vmem>> -> memref<8x8x129xf32, #tpu.memory_space<vmem>>
        tpu.vector_store_idx %scatter3A_859[%add3A_194, %and3A_8, %broadcast_in_dim3A_773], %get3A_609 : memref<8x8x129xf32, #tpu.memory_space<vmem>>[vector<16xi32>, vector<16xi32>, vector<16xi32>], vector<16xf32>,
        %scatter3A_860 = arith.constant 0 : i32
        %scatter3A_861 = arith.constant 0 : i32
        %scatter3A_862 = arith.constant 0 : i32
        %scatter3A_863 = tpu.memref_slice %arg7[%scan3A_200, %scatter3A_860, %scatter3A_861, %scatter3A_862] : memref<4x8x8x129xf32, #tpu.memory_space<vmem>> -> memref<1x8x8x129xf32, #tpu.memory_space<vmem>>
        %scatter3A_864 = tpu.memref_squeeze %scatter3A_863 : memref<1x8x8x129xf32, #tpu.memory_space<vmem>> -> memref<8x8x129xf32, #tpu.memory_space<vmem>>
        tpu.vector_store_idx %scatter3A_864[%add3A_197, %and3A_8, %broadcast_in_dim3A_773], %get3A_618 : memref<8x8x129xf32, #tpu.memory_space<vmem>>[vector<16xi32>, vector<16xi32>, vector<16xi32>], vector<16xf32>,
        %scatter3A_865 = arith.constant 0 : i32
        %scatter3A_866 = arith.constant 0 : i32
        %scatter3A_867 = arith.constant 0 : i32
        %scatter3A_868 = tpu.memref_slice %arg7[%scan3A_200, %scatter3A_865, %scatter3A_866, %scatter3A_867] : memref<4x8x8x129xf32, #tpu.memory_space<vmem>> -> memref<1x8x8x129xf32, #tpu.memory_space<vmem>>
        %scatter3A_869 = tpu.memref_squeeze %scatter3A_868 : memref<1x8x8x129xf32, #tpu.memory_space<vmem>> -> memref<8x8x129xf32, #tpu.memory_space<vmem>>
        tpu.vector_store_idx %scatter3A_869[%add3A_188, %and3A_8, %broadcast_in_dim3A_776], %get3A_627 : memref<8x8x129xf32, #tpu.memory_space<vmem>>[vector<16xi32>, vector<16xi32>, vector<16xi32>], vector<16xf32>,
        %scatter3A_870 = arith.constant 0 : i32
        %scatter3A_871 = arith.constant 0 : i32
        %scatter3A_872 = arith.constant 0 : i32
        %scatter3A_873 = tpu.memref_slice %arg7[%scan3A_200, %scatter3A_870, %scatter3A_871, %scatter3A_872] : memref<4x8x8x129xf32, #tpu.memory_space<vmem>> -> memref<1x8x8x129xf32, #tpu.memory_space<vmem>>
        %scatter3A_874 = tpu.memref_squeeze %scatter3A_873 : memref<1x8x8x129xf32, #tpu.memory_space<vmem>> -> memref<8x8x129xf32, #tpu.memory_space<vmem>>
        tpu.vector_store_idx %scatter3A_874[%add3A_191, %and3A_8, %broadcast_in_dim3A_776], %get3A_636 : memref<8x8x129xf32, #tpu.memory_space<vmem>>[vector<16xi32>, vector<16xi32>, vector<16xi32>], vector<16xf32>,
        %scatter3A_875 = arith.constant 0 : i32
        %scatter3A_876 = arith.constant 0 : i32
        %scatter3A_877 = arith.constant 0 : i32
        %scatter3A_878 = tpu.memref_slice %arg7[%scan3A_200, %scatter3A_875, %scatter3A_876, %scatter3A_877] : memref<4x8x8x129xf32, #tpu.memory_space<vmem>> -> memref<1x8x8x129xf32, #tpu.memory_space<vmem>>
        %scatter3A_879 = tpu.memref_squeeze %scatter3A_878 : memref<1x8x8x129xf32, #tpu.memory_space<vmem>> -> memref<8x8x129xf32, #tpu.memory_space<vmem>>
        tpu.vector_store_idx %scatter3A_879[%add3A_194, %and3A_8, %broadcast_in_dim3A_776], %get3A_645 : memref<8x8x129xf32, #tpu.memory_space<vmem>>[vector<16xi32>, vector<16xi32>, vector<16xi32>], vector<16xf32>,
        %scatter3A_880 = arith.constant 0 : i32
        %scatter3A_881 = arith.constant 0 : i32
        %scatter3A_882 = arith.constant 0 : i32
        %scatter3A_883 = tpu.memref_slice %arg7[%scan3A_200, %scatter3A_880, %scatter3A_881, %scatter3A_882] : memref<4x8x8x129xf32, #tpu.memory_space<vmem>> -> memref<1x8x8x129xf32, #tpu.memory_space<vmem>>
        %scatter3A_884 = tpu.memref_squeeze %scatter3A_883 : memref<1x8x8x129xf32, #tpu.memory_space<vmem>> -> memref<8x8x129xf32, #tpu.memory_space<vmem>>
        tpu.vector_store_idx %scatter3A_884[%add3A_197, %and3A_8, %broadcast_in_dim3A_776], %get3A_654 : memref<8x8x129xf32, #tpu.memory_space<vmem>>[vector<16xi32>, vector<16xi32>, vector<16xi32>], vector<16xf32>,
        %scatter3A_885 = arith.constant 0 : i32
        %scatter3A_886 = arith.constant 0 : i32
        %scatter3A_887 = arith.constant 0 : i32
        %scatter3A_888 = tpu.memref_slice %arg7[%scan3A_200, %scatter3A_885, %scatter3A_886, %scatter3A_887] : memref<4x8x8x129xf32, #tpu.memory_space<vmem>> -> memref<1x8x8x129xf32, #tpu.memory_space<vmem>>
        %scatter3A_889 = tpu.memref_squeeze %scatter3A_888 : memref<1x8x8x129xf32, #tpu.memory_space<vmem>> -> memref<8x8x129xf32, #tpu.memory_space<vmem>>
        tpu.vector_store_idx %scatter3A_889[%add3A_188, %and3A_8, %broadcast_in_dim3A_779], %get3A_663 : memref<8x8x129xf32, #tpu.memory_space<vmem>>[vector<16xi32>, vector<16xi32>, vector<16xi32>], vector<16xf32>,
        %scatter3A_890 = arith.constant 0 : i32
        %scatter3A_891 = arith.constant 0 : i32
        %scatter3A_892 = arith.constant 0 : i32
        %scatter3A_893 = tpu.memref_slice %arg7[%scan3A_200, %scatter3A_890, %scatter3A_891, %scatter3A_892] : memref<4x8x8x129xf32, #tpu.memory_space<vmem>> -> memref<1x8x8x129xf32, #tpu.memory_space<vmem>>
        %scatter3A_894 = tpu.memref_squeeze %scatter3A_893 : memref<1x8x8x129xf32, #tpu.memory_space<vmem>> -> memref<8x8x129xf32, #tpu.memory_space<vmem>>
        tpu.vector_store_idx %scatter3A_894[%add3A_191, %and3A_8, %broadcast_in_dim3A_779], %get3A_672 : memref<8x8x129xf32, #tpu.memory_space<vmem>>[vector<16xi32>, vector<16xi32>, vector<16xi32>], vector<16xf32>,
        %scatter3A_895 = arith.constant 0 : i32
        %scatter3A_896 = arith.constant 0 : i32
        %scatter3A_897 = arith.constant 0 : i32
        %scatter3A_898 = tpu.memref_slice %arg7[%scan3A_200, %scatter3A_895, %scatter3A_896, %scatter3A_897] : memref<4x8x8x129xf32, #tpu.memory_space<vmem>> -> memref<1x8x8x129xf32, #tpu.memory_space<vmem>>
        %scatter3A_899 = tpu.memref_squeeze %scatter3A_898 : memref<1x8x8x129xf32, #tpu.memory_space<vmem>> -> memref<8x8x129xf32, #tpu.memory_space<vmem>>
        tpu.vector_store_idx %scatter3A_899[%add3A_194, %and3A_8, %broadcast_in_dim3A_779], %get3A_681 : memref<8x8x129xf32, #tpu.memory_space<vmem>>[vector<16xi32>, vector<16xi32>, vector<16xi32>], vector<16xf32>,
        %scatter3A_900 = arith.constant 0 : i32
        %scatter3A_901 = arith.constant 0 : i32
        %scatter3A_902 = arith.constant 0 : i32
        %scatter3A_903 = tpu.memref_slice %arg7[%scan3A_200, %scatter3A_900, %scatter3A_901, %scatter3A_902] : memref<4x8x8x129xf32, #tpu.memory_space<vmem>> -> memref<1x8x8x129xf32, #tpu.memory_space<vmem>>
        %scatter3A_904 = tpu.memref_squeeze %scatter3A_903 : memref<1x8x8x129xf32, #tpu.memory_space<vmem>> -> memref<8x8x129xf32, #tpu.memory_space<vmem>>
        tpu.vector_store_idx %scatter3A_904[%add3A_197, %and3A_8, %broadcast_in_dim3A_779], %get3A_690 : memref<8x8x129xf32, #tpu.memory_space<vmem>>[vector<16xi32>, vector<16xi32>, vector<16xi32>], vector<16xf32>,
        %scatter3A_905 = arith.constant 0 : i32
        %scatter3A_906 = arith.constant 0 : i32
        %scatter3A_907 = arith.constant 0 : i32
        %scatter3A_908 = tpu.memref_slice %arg7[%scan3A_200, %scatter3A_905, %scatter3A_906, %scatter3A_907] : memref<4x8x8x129xf32, #tpu.memory_space<vmem>> -> memref<1x8x8x129xf32, #tpu.memory_space<vmem>>
        %scatter3A_909 = tpu.memref_squeeze %scatter3A_908 : memref<1x8x8x129xf32, #tpu.memory_space<vmem>> -> memref<8x8x129xf32, #tpu.memory_space<vmem>>
        tpu.vector_store_idx %scatter3A_909[%add3A_188, %and3A_8, %broadcast_in_dim3A_782], %get3A_699 : memref<8x8x129xf32, #tpu.memory_space<vmem>>[vector<16xi32>, vector<16xi32>, vector<16xi32>], vector<16xf32>,
        %scatter3A_910 = arith.constant 0 : i32
        %scatter3A_911 = arith.constant 0 : i32
        %scatter3A_912 = arith.constant 0 : i32
        %scatter3A_913 = tpu.memref_slice %arg7[%scan3A_200, %scatter3A_910, %scatter3A_911, %scatter3A_912] : memref<4x8x8x129xf32, #tpu.memory_space<vmem>> -> memref<1x8x8x129xf32, #tpu.memory_space<vmem>>
        %scatter3A_914 = tpu.memref_squeeze %scatter3A_913 : memref<1x8x8x129xf32, #tpu.memory_space<vmem>> -> memref<8x8x129xf32, #tpu.memory_space<vmem>>
        tpu.vector_store_idx %scatter3A_914[%add3A_191, %and3A_8, %broadcast_in_dim3A_782], %get3A_708 : memref<8x8x129xf32, #tpu.memory_space<vmem>>[vector<16xi32>, vector<16xi32>, vector<16xi32>], vector<16xf32>,
        %scatter3A_915 = arith.constant 0 : i32
        %scatter3A_916 = arith.constant 0 : i32
        %scatter3A_917 = arith.constant 0 : i32
        %scatter3A_918 = tpu.memref_slice %arg7[%scan3A_200, %scatter3A_915, %scatter3A_916, %scatter3A_917] : memref<4x8x8x129xf32, #tpu.memory_space<vmem>> -> memref<1x8x8x129xf32, #tpu.memory_space<vmem>>
        %scatter3A_919 = tpu.memref_squeeze %scatter3A_918 : memref<1x8x8x129xf32, #tpu.memory_space<vmem>> -> memref<8x8x129xf32, #tpu.memory_space<vmem>>
        tpu.vector_store_idx %scatter3A_919[%add3A_194, %and3A_8, %broadcast_in_dim3A_782], %get3A_717 : memref<8x8x129xf32, #tpu.memory_space<vmem>>[vector<16xi32>, vector<16xi32>, vector<16xi32>], vector<16xf32>,
        %scatter3A_920 = arith.constant 0 : i32
        %scatter3A_921 = arith.constant 0 : i32
        %scatter3A_922 = arith.constant 0 : i32
        %scatter3A_923 = tpu.memref_slice %arg7[%scan3A_200, %scatter3A_920, %scatter3A_921, %scatter3A_922] : memref<4x8x8x129xf32, #tpu.memory_space<vmem>> -> memref<1x8x8x129xf32, #tpu.memory_space<vmem>>
        %scatter3A_924 = tpu.memref_squeeze %scatter3A_923 : memref<1x8x8x129xf32, #tpu.memory_space<vmem>> -> memref<8x8x129xf32, #tpu.memory_space<vmem>>
        tpu.vector_store_idx %scatter3A_924[%add3A_197, %and3A_8, %broadcast_in_dim3A_782], %get3A_726 : memref<8x8x129xf32, #tpu.memory_space<vmem>>[vector<16xi32>, vector<16xi32>, vector<16xi32>], vector<16xf32>,
        %scatter3A_925 = arith.constant 0 : i32
        %scatter3A_926 = arith.constant 0 : i32
        %scatter3A_927 = arith.constant 0 : i32
        %scatter3A_928 = tpu.memref_slice %arg7[%scan3A_200, %scatter3A_925, %scatter3A_926, %scatter3A_927] : memref<4x8x8x129xf32, #tpu.memory_space<vmem>> -> memref<1x8x8x129xf32, #tpu.memory_space<vmem>>
        %scatter3A_929 = tpu.memref_squeeze %scatter3A_928 : memref<1x8x8x129xf32, #tpu.memory_space<vmem>> -> memref<8x8x129xf32, #tpu.memory_space<vmem>>
        tpu.vector_store_idx %scatter3A_929[%add3A_188, %and3A_8, %broadcast_in_dim3A_785], %get3A_735 : memref<8x8x129xf32, #tpu.memory_space<vmem>>[vector<16xi32>, vector<16xi32>, vector<16xi32>], vector<16xf32>,
        %scatter3A_930 = arith.constant 0 : i32
        %scatter3A_931 = arith.constant 0 : i32
        %scatter3A_932 = arith.constant 0 : i32
        %scatter3A_933 = tpu.memref_slice %arg7[%scan3A_200, %scatter3A_930, %scatter3A_931, %scatter3A_932] : memref<4x8x8x129xf32, #tpu.memory_space<vmem>> -> memref<1x8x8x129xf32, #tpu.memory_space<vmem>>
        %scatter3A_934 = tpu.memref_squeeze %scatter3A_933 : memref<1x8x8x129xf32, #tpu.memory_space<vmem>> -> memref<8x8x129xf32, #tpu.memory_space<vmem>>
        tpu.vector_store_idx %scatter3A_934[%add3A_191, %and3A_8, %broadcast_in_dim3A_785], %get3A_744 : memref<8x8x129xf32, #tpu.memory_space<vmem>>[vector<16xi32>, vector<16xi32>, vector<16xi32>], vector<16xf32>,
        %scatter3A_935 = arith.constant 0 : i32
        %scatter3A_936 = arith.constant 0 : i32
        %scatter3A_937 = arith.constant 0 : i32
        %scatter3A_938 = tpu.memref_slice %arg7[%scan3A_200, %scatter3A_935, %scatter3A_936, %scatter3A_937] : memref<4x8x8x129xf32, #tpu.memory_space<vmem>> -> memref<1x8x8x129xf32, #tpu.memory_space<vmem>>
        %scatter3A_939 = tpu.memref_squeeze %scatter3A_938 : memref<1x8x8x129xf32, #tpu.memory_space<vmem>> -> memref<8x8x129xf32, #tpu.memory_space<vmem>>
        tpu.vector_store_idx %scatter3A_939[%add3A_194, %and3A_8, %broadcast_in_dim3A_785], %get3A_753 : memref<8x8x129xf32, #tpu.memory_space<vmem>>[vector<16xi32>, vector<16xi32>, vector<16xi32>], vector<16xf32>,
        %scatter3A_940 = arith.constant 0 : i32
        %scatter3A_941 = arith.constant 0 : i32
        %scatter3A_942 = arith.constant 0 : i32
        %scatter3A_943 = tpu.memref_slice %arg7[%scan3A_200, %scatter3A_940, %scatter3A_941, %scatter3A_942] : memref<4x8x8x129xf32, #tpu.memory_space<vmem>> -> memref<1x8x8x129xf32, #tpu.memory_space<vmem>>
        %scatter3A_944 = tpu.memref_squeeze %scatter3A_943 : memref<1x8x8x129xf32, #tpu.memory_space<vmem>> -> memref<8x8x129xf32, #tpu.memory_space<vmem>>
        tpu.vector_store_idx %scatter3A_944[%add3A_197, %and3A_8, %broadcast_in_dim3A_785], %get3A_762 : memref<8x8x129xf32, #tpu.memory_space<vmem>>[vector<16xi32>, vector<16xi32>, vector<16xi32>], vector<16xf32>,
      }
      %scan3A_205 = arith.constant 16 : i32
      %mul3A_206 = arith.constant 1 : i32
      %mul3A_207 = arith.muli %add3A_172, %mul3A_206 : i32
      %add3A_208 = arith.addi %mul3A_4, %mul3A_207 : i32
      %add3A_209 = arith.constant 0 : i32
      %add3A_210 = arith.addi %add3A_208, %add3A_209 : i32
      %shift_right_logical3A_211 = arith.constant 5 : i32
      %shift_right_logical3A_212 = arith.shrui %add3A_210, %shift_right_logical3A_211 : i32
      %and3A_213 = arith.constant 31 : i32
      %and3A_214 = arith.andi %add3A_210, %and3A_213 : i32
      %dma_start3A_215 = arith.constant 0 : i32
      %dma_start3A_216 = arith.constant 0 : i32
      %dma_start3A_217 = arith.constant 0 : i32
      %dma_start3A_218 = arith.constant 0 : i32
      %dma_start3A_219 = tpu.memref_slice %arg7[%dma_start3A_215, %dma_start3A_216, %dma_start3A_217, %dma_start3A_218] : memref<4x8x8x129xf32, #tpu.memory_space<vmem>> -> memref<1x8x8x128xf32, #tpu.memory_space<vmem>>
      %dma_start3A_220 = tpu.memref_squeeze %dma_start3A_219 : memref<1x8x8x128xf32, #tpu.memory_space<vmem>> -> memref<8x8x128xf32, #tpu.memory_space<vmem>>
      %dma_start3A_221 = arith.constant 0 : i32
      %dma_start3A_222 = arith.constant 0 : i32
      %dma_start3A_223 = arith.constant 0 : i32
      %dma_start3A_224 = tpu.memref_slice %arg4[%shift_right_logical3A_212, %dma_start3A_221, %and3A_214, %dma_start3A_222, %dma_start3A_223] : memref<200x8x32x8x128xf32, #tpu.memory_space<hbm>> -> memref<1x8x1x8x128xf32, #tpu.memory_space<hbm>>
      %dma_start3A_225 = tpu.memref_squeeze %dma_start3A_224 : memref<1x8x1x8x128xf32, #tpu.memory_space<hbm>> -> memref<8x8x128xf32, #tpu.memory_space<hbm>>
      %dma_start3A_226 = arith.constant 0 : i32
      %dma_start3A_227 = arith.constant 0 : i32
      %dma_start3A_228 = arith.constant 0 : i32
      %dma_start3A_229 = tpu.memref_slice %arg4[%shift_right_logical3A_212, %dma_start3A_226, %and3A_214, %dma_start3A_227, %dma_start3A_228] : memref<200x8x32x8x128xf32, #tpu.memory_space<hbm>> -> memref<1x8x1x8x128xf32, #tpu.memory_space<hbm>>
      %dma_start3A_230 = tpu.memref_squeeze %dma_start3A_229 : memref<1x8x1x8x128xf32, #tpu.memory_space<hbm>> -> memref<8x8x128xf32, #tpu.memory_space<hbm>>
      %dma_start3A_231 = arith.constant 0 : i32
      %dma_start3A_232 = arith.constant 0 : i32
      %dma_start3A_233 = arith.constant 0 : i32
      %dma_start3A_234 = tpu.memref_slice %arg7[%dma_start3A_215, %dma_start3A_231, %dma_start3A_232, %dma_start3A_233] : memref<4x8x8x129xf32, #tpu.memory_space<vmem>> -> memref<1x8x8x128xf32, #tpu.memory_space<vmem>>
      %dma_start3A_235 = tpu.memref_squeeze %dma_start3A_234 : memref<1x8x8x128xf32, #tpu.memory_space<vmem>> -> memref<8x8x128xf32, #tpu.memory_space<vmem>>
      tpu.enqueue_dma source(%dma_start3A_235 : memref<8x8x128xf32, #tpu.memory_space<vmem>>) target(%dma_start3A_230 : memref<8x8x128xf32, #tpu.memory_space<hbm>>) target_semaphore(%arg12 : memref<!tpu.dma_semaphore, #tpu.memory_space<semaphore_mem>>)
      %add3A_236 = arith.constant 4 : i32
      %add3A_237 = arith.addi %add3A_172, %add3A_236 : i32
      %lt3A = arith.constant 200 : i32
      %lt3A_238 = arith.cmpi slt, %add3A_237, %lt3A : i32
      %convert_element_type3A_239 = arith.extui %lt3A_238 : i1 to i32
      %cond3A_240 = arith.constant 0 : i32
      %cond3A_241 = arith.cmpi ne, %convert_element_type3A_239, %cond3A_240 : i32
      scf.if %cond3A_241 {
        %add3A_473 = arith.constant 4 : i32
        %add3A_474 = arith.addi %add3A_172, %add3A_473 : i32
        %mul3A_475 = arith.constant 128 : i32
        %mul3A_476 = arith.muli %add3A_474, %mul3A_475 : i32
        %dma_start3A_477 = arith.constant 0 : i32
        %dma_start3A_478 = arith.constant 0 : i32
        %dma_start3A_479 = arith.constant 0 : i32
        %dma_start3A_480 = tpu.memref_slice %arg6[%dma_start3A_477, %dma_start3A_478, %dma_start3A_479] : memref<4x128x64xf32, #tpu.memory_space<vmem>> -> memref<1x128x64xf32, #tpu.memory_space<vmem>>
        %dma_start3A_481 = tpu.memref_squeeze %dma_start3A_480 : memref<1x128x64xf32, #tpu.memory_space<vmem>> -> memref<128x64xf32, #tpu.memory_space<vmem>>
        %dma_start3A_482 = tpu.memref_slice %arg5[%mul3A_476] : memref<25600xi32, #tpu.memory_space<vmem>> -> memref<128xi32, #tpu.memory_space<vmem>>
        %dma_start3A_483 = arith.constant 0 : i32
        %dma_start3A_484 = arith.constant 0 : i32
        %dma_start3A_485 = tpu.memref_slice %arg2[%dma_start3A_483, %dma_start3A_484] : memref<1000000x64xf32, #tpu.memory_space<hbm>> -> memref<1000000x64xf32, #tpu.memory_space<hbm>>
        tpu.enqueue_indirect_dma source(%dma_start3A_485 : memref<1000000x64xf32, #tpu.memory_space<hbm>>) target(%dma_start3A_481 : memref<128x64xf32, #tpu.memory_space<vmem>>) offsets(%dma_start3A_482 : memref<128xi32, #tpu.memory_space<vmem>>) semaphore(%arg8 : memref<!tpu.dma_semaphore, #tpu.memory_space<semaphore_mem>>)
      } else {
      }
      %mul3A_242 = arith.constant 4 : i32
      %mul3A_243 = arith.muli %mul3A_242, %scan3A_168 : i32
      %add3A_244 = arith.constant 1 : i32
      %add3A_245 = arith.addi %mul3A_243, %add3A_244 : i32
      %mul3A_246 = arith.constant 128 : i32
      %mul3A_247 = arith.muli %add3A_245, %mul3A_246 : i32
      %dma_wait3A_248 = arith.constant 1 : i32
      %dma_wait3A_249 = arith.constant 0 : i32
      %dma_wait3A_250 = arith.constant 0 : i32
      %dma_wait3A_251 = tpu.memref_slice %arg6[%dma_wait3A_248, %dma_wait3A_249, %dma_wait3A_250] : memref<4x128x64xf32, #tpu.memory_space<vmem>> -> memref<1x128x64xf32, #tpu.memory_space<vmem>>
      %dma_wait3A_252 = tpu.memref_squeeze %dma_wait3A_251 : memref<1x128x64xf32, #tpu.memory_space<vmem>> -> memref<128x64xf32, #tpu.memory_space<vmem>>
      %dma_wait3A_253 = tpu.memref_slice %arg5[%mul3A_247] : memref<25600xi32, #tpu.memory_space<vmem>> -> memref<128xi32, #tpu.memory_space<vmem>>
      %dma_wait3A_254 = arith.constant 0 : i32
      %dma_wait3A_255 = arith.constant 0 : i32
      %dma_wait3A_256 = tpu.memref_slice %arg2[%dma_wait3A_254, %dma_wait3A_255] : memref<1000000x64xf32, #tpu.memory_space<hbm>> -> memref<1000000x64xf32, #tpu.memory_space<hbm>>
      tpu.wait_indirect_dma semaphore(%arg9 : memref<!tpu.dma_semaphore, #tpu.memory_space<semaphore_mem>>) src(%dma_wait3A_256 : memref<1000000x64xf32, #tpu.memory_space<hbm>>) dst(%dma_wait3A_252 : memref<128x64xf32, #tpu.memory_space<vmem>>)
      %ge3A_257 = arith.constant 4 : i32
      %ge3A_258 = arith.cmpi sge, %add3A_245, %ge3A_257 : i32
      %convert_element_type3A_259 = arith.extui %ge3A_258 : i1 to i32
      %cond3A_260 = arith.constant 0 : i32
      %cond3A_261 = arith.cmpi ne, %convert_element_type3A_259, %cond3A_260 : i32
      scf.if %cond3A_261 {
        %sub3A = arith.constant 4 : i32
        %sub3A_473 = arith.subi %add3A_245, %sub3A : i32
        %mul3A_474 = arith.constant 1 : i32
        %mul3A_475 = arith.muli %sub3A_473, %mul3A_474 : i32
        %add3A_476 = arith.addi %mul3A_4, %mul3A_475 : i32
        %add3A_477 = arith.constant 0 : i32
        %add3A_478 = arith.addi %add3A_476, %add3A_477 : i32
        %shift_right_logical3A_479 = arith.constant 5 : i32
        %shift_right_logical3A_480 = arith.shrui %add3A_478, %shift_right_logical3A_479 : i32
        %and3A_481 = arith.constant 31 : i32
        %and3A_482 = arith.andi %add3A_478, %and3A_481 : i32
        %dma_wait3A_483 = arith.constant 1 : i32
        %dma_wait3A_484 = arith.constant 0 : i32
        %dma_wait3A_485 = arith.constant 0 : i32
        %dma_wait3A_486 = arith.constant 0 : i32
        %dma_wait3A_487 = tpu.memref_slice %arg7[%dma_wait3A_483, %dma_wait3A_484, %dma_wait3A_485, %dma_wait3A_486] : memref<4x8x8x129xf32, #tpu.memory_space<vmem>> -> memref<1x8x8x128xf32, #tpu.memory_space<vmem>>
        %dma_wait3A_488 = tpu.memref_squeeze %dma_wait3A_487 : memref<1x8x8x128xf32, #tpu.memory_space<vmem>> -> memref<8x8x128xf32, #tpu.memory_space<vmem>>
        %dma_wait3A_489 = arith.constant 0 : i32
        %dma_wait3A_490 = arith.constant 0 : i32
        %dma_wait3A_491 = arith.constant 0 : i32
        %dma_wait3A_492 = tpu.memref_slice %arg4[%shift_right_logical3A_480, %dma_wait3A_489, %and3A_482, %dma_wait3A_490, %dma_wait3A_491] : memref<200x8x32x8x128xf32, #tpu.memory_space<hbm>> -> memref<1x8x1x8x128xf32, #tpu.memory_space<hbm>>
        %dma_wait3A_493 = tpu.memref_squeeze %dma_wait3A_492 : memref<1x8x1x8x128xf32, #tpu.memory_space<hbm>> -> memref<8x8x128xf32, #tpu.memory_space<hbm>>
        %dma_wait3A_494 = arith.constant 0 : i32
        %dma_wait3A_495 = arith.constant 0 : i32
        %dma_wait3A_496 = arith.constant 0 : i32
        %dma_wait3A_497 = tpu.memref_slice %arg4[%shift_right_logical3A_480, %dma_wait3A_494, %and3A_482, %dma_wait3A_495, %dma_wait3A_496] : memref<200x8x32x8x128xf32, #tpu.memory_space<hbm>> -> memref<1x8x1x8x128xf32, #tpu.memory_space<hbm>>
        %dma_wait3A_498 = tpu.memref_squeeze %dma_wait3A_497 : memref<1x8x1x8x128xf32, #tpu.memory_space<hbm>> -> memref<8x8x128xf32, #tpu.memory_space<hbm>>
        %dma_wait3A_499 = arith.constant 0 : i32
        %dma_wait3A_500 = arith.constant 0 : i32
        %dma_wait3A_501 = arith.constant 0 : i32
        %dma_wait3A_502 = tpu.memref_slice %arg7[%dma_wait3A_483, %dma_wait3A_499, %dma_wait3A_500, %dma_wait3A_501] : memref<4x8x8x129xf32, #tpu.memory_space<vmem>> -> memref<1x8x8x128xf32, #tpu.memory_space<vmem>>
        %dma_wait3A_503 = tpu.memref_squeeze %dma_wait3A_502 : memref<1x8x8x128xf32, #tpu.memory_space<vmem>> -> memref<8x8x128xf32, #tpu.memory_space<vmem>>
        tpu.wait_dma2 semaphore(%arg13 : memref<!tpu.dma_semaphore, #tpu.memory_space<semaphore_mem>>) src(%dma_wait3A_503 : memref<8x8x128xf32, #tpu.memory_space<vmem>>) dst(%dma_wait3A_498 : memref<8x8x128xf32, #tpu.memory_space<hbm>>)
      } else {
      }
      %add3A_262 = arith.constant 0 : i32
      %add3A_263 = vector.broadcast %add3A_262 : i32 to vector<16xi32>
      %add3A_264 = arith.addi %shift_right_logical3A_6, %add3A_263 : vector<16xi32>
      %add3A_265 = arith.constant 2 : i32
      %add3A_266 = vector.broadcast %add3A_265 : i32 to vector<16xi32>
      %add3A_267 = arith.addi %shift_right_logical3A_6, %add3A_266 : vector<16xi32>
      %add3A_268 = arith.constant 4 : i32
      %add3A_269 = vector.broadcast %add3A_268 : i32 to vector<16xi32>
      %add3A_270 = arith.addi %shift_right_logical3A_6, %add3A_269 : vector<16xi32>
      %add3A_271 = arith.constant 6 : i32
      %add3A_272 = vector.broadcast %add3A_271 : i32 to vector<16xi32>
      %add3A_273 = arith.addi %shift_right_logical3A_6, %add3A_272 : vector<16xi32>
      %scan3A_274 = arith.constant 0 : i32
      %scan3A_275 = arith.constant 1 : i32
      %scan3A_276 = arith.constant 1 : i32
      %scan3A_277 = arith.constant 0 : i32
      %scan3A_278 = arith.constant 16 : i32
      %scan3A_279 = arith.addi %scan3A_277, %scan3A_278 : i32
      %scan3A_280 = arith.constant 1 : i32
      scf.for %scan3A_473 = %scan3A_277 to %scan3A_279 step %scan3A_280  : i32 {
        %mul3A_474 = arith.constant 8 : i32
        %mul3A_475 = arith.muli %scan3A_473, %mul3A_474 : i32
        %add3A_476 = arith.constant 0 : i32
        %add3A_477 = arith.addi %mul3A_475, %add3A_476 : i32
        %get3A = arith.constant 0 : i32
        %get3A_478 = arith.constant 0 : i32
        %get3A_479 = tpu.memref_slice %arg6[%scan3A_275, %get3A, %get3A_478] : memref<4x128x64xf32, #tpu.memory_space<vmem>> -> memref<1x128x64xf32, #tpu.memory_space<vmem>>
        %get3A_480 = tpu.memref_squeeze %get3A_479 : memref<1x128x64xf32, #tpu.memory_space<vmem>> -> memref<128x64xf32, #tpu.memory_space<vmem>>
        %get3A_481 = arith.index_cast %add3A_477 : i32 to index
        %get3A_482 = arith.constant 0 : index
        %get3A_483 = tpu.vector_load %get3A_480[%get3A_481, %get3A_482] {strides = array<i32>} : memref<128x64xf32, #tpu.memory_space<vmem>>, vector<16xf32>,
        %add3A_484 = arith.constant 0 : i32
        %add3A_485 = arith.addi %mul3A_475, %add3A_484 : i32
        %get3A_486 = arith.constant 0 : i32
        %get3A_487 = arith.constant 0 : i32
        %get3A_488 = tpu.memref_slice %arg6[%scan3A_275, %get3A_486, %get3A_487] : memref<4x128x64xf32, #tpu.memory_space<vmem>> -> memref<1x128x64xf32, #tpu.memory_space<vmem>>
        %get3A_489 = tpu.memref_squeeze %get3A_488 : memref<1x128x64xf32, #tpu.memory_space<vmem>> -> memref<128x64xf32, #tpu.memory_space<vmem>>
        %get3A_490 = arith.index_cast %add3A_485 : i32 to index
        %get3A_491 = arith.constant 16 : index
        %get3A_492 = tpu.vector_load %get3A_489[%get3A_490, %get3A_491] {strides = array<i32>} : memref<128x64xf32, #tpu.memory_space<vmem>>, vector<16xf32>,
        %add3A_493 = arith.constant 0 : i32
        %add3A_494 = arith.addi %mul3A_475, %add3A_493 : i32
        %get3A_495 = arith.constant 0 : i32
        %get3A_496 = arith.constant 0 : i32
        %get3A_497 = tpu.memref_slice %arg6[%scan3A_275, %get3A_495, %get3A_496] : memref<4x128x64xf32, #tpu.memory_space<vmem>> -> memref<1x128x64xf32, #tpu.memory_space<vmem>>
        %get3A_498 = tpu.memref_squeeze %get3A_497 : memref<1x128x64xf32, #tpu.memory_space<vmem>> -> memref<128x64xf32, #tpu.memory_space<vmem>>
        %get3A_499 = arith.index_cast %add3A_494 : i32 to index
        %get3A_500 = arith.constant 32 : index
        %get3A_501 = tpu.vector_load %get3A_498[%get3A_499, %get3A_500] {strides = array<i32>} : memref<128x64xf32, #tpu.memory_space<vmem>>, vector<16xf32>,
        %add3A_502 = arith.constant 0 : i32
        %add3A_503 = arith.addi %mul3A_475, %add3A_502 : i32
        %get3A_504 = arith.constant 0 : i32
        %get3A_505 = arith.constant 0 : i32
        %get3A_506 = tpu.memref_slice %arg6[%scan3A_275, %get3A_504, %get3A_505] : memref<4x128x64xf32, #tpu.memory_space<vmem>> -> memref<1x128x64xf32, #tpu.memory_space<vmem>>
        %get3A_507 = tpu.memref_squeeze %get3A_506 : memref<1x128x64xf32, #tpu.memory_space<vmem>> -> memref<128x64xf32, #tpu.memory_space<vmem>>
        %get3A_508 = arith.index_cast %add3A_503 : i32 to index
        %get3A_509 = arith.constant 48 : index
        %get3A_510 = tpu.vector_load %get3A_507[%get3A_508, %get3A_509] {strides = array<i32>} : memref<128x64xf32, #tpu.memory_space<vmem>>, vector<16xf32>,
        %add3A_511 = arith.constant 1 : i32
        %add3A_512 = arith.addi %mul3A_475, %add3A_511 : i32
        %get3A_513 = arith.constant 0 : i32
        %get3A_514 = arith.constant 0 : i32
        %get3A_515 = tpu.memref_slice %arg6[%scan3A_275, %get3A_513, %get3A_514] : memref<4x128x64xf32, #tpu.memory_space<vmem>> -> memref<1x128x64xf32, #tpu.memory_space<vmem>>
        %get3A_516 = tpu.memref_squeeze %get3A_515 : memref<1x128x64xf32, #tpu.memory_space<vmem>> -> memref<128x64xf32, #tpu.memory_space<vmem>>
        %get3A_517 = arith.index_cast %add3A_512 : i32 to index
        %get3A_518 = arith.constant 0 : index
        %get3A_519 = tpu.vector_load %get3A_516[%get3A_517, %get3A_518] {strides = array<i32>} : memref<128x64xf32, #tpu.memory_space<vmem>>, vector<16xf32>,
        %add3A_520 = arith.constant 1 : i32
        %add3A_521 = arith.addi %mul3A_475, %add3A_520 : i32
        %get3A_522 = arith.constant 0 : i32
        %get3A_523 = arith.constant 0 : i32
        %get3A_524 = tpu.memref_slice %arg6[%scan3A_275, %get3A_522, %get3A_523] : memref<4x128x64xf32, #tpu.memory_space<vmem>> -> memref<1x128x64xf32, #tpu.memory_space<vmem>>
        %get3A_525 = tpu.memref_squeeze %get3A_524 : memref<1x128x64xf32, #tpu.memory_space<vmem>> -> memref<128x64xf32, #tpu.memory_space<vmem>>
        %get3A_526 = arith.index_cast %add3A_521 : i32 to index
        %get3A_527 = arith.constant 16 : index
        %get3A_528 = tpu.vector_load %get3A_525[%get3A_526, %get3A_527] {strides = array<i32>} : memref<128x64xf32, #tpu.memory_space<vmem>>, vector<16xf32>,
        %add3A_529 = arith.constant 1 : i32
        %add3A_530 = arith.addi %mul3A_475, %add3A_529 : i32
        %get3A_531 = arith.constant 0 : i32
        %get3A_532 = arith.constant 0 : i32
        %get3A_533 = tpu.memref_slice %arg6[%scan3A_275, %get3A_531, %get3A_532] : memref<4x128x64xf32, #tpu.memory_space<vmem>> -> memref<1x128x64xf32, #tpu.memory_space<vmem>>
        %get3A_534 = tpu.memref_squeeze %get3A_533 : memref<1x128x64xf32, #tpu.memory_space<vmem>> -> memref<128x64xf32, #tpu.memory_space<vmem>>
        %get3A_535 = arith.index_cast %add3A_530 : i32 to index
        %get3A_536 = arith.constant 32 : index
        %get3A_537 = tpu.vector_load %get3A_534[%get3A_535, %get3A_536] {strides = array<i32>} : memref<128x64xf32, #tpu.memory_space<vmem>>, vector<16xf32>,
        %add3A_538 = arith.constant 1 : i32
        %add3A_539 = arith.addi %mul3A_475, %add3A_538 : i32
        %get3A_540 = arith.constant 0 : i32
        %get3A_541 = arith.constant 0 : i32
        %get3A_542 = tpu.memref_slice %arg6[%scan3A_275, %get3A_540, %get3A_541] : memref<4x128x64xf32, #tpu.memory_space<vmem>> -> memref<1x128x64xf32, #tpu.memory_space<vmem>>
        %get3A_543 = tpu.memref_squeeze %get3A_542 : memref<1x128x64xf32, #tpu.memory_space<vmem>> -> memref<128x64xf32, #tpu.memory_space<vmem>>
        %get3A_544 = arith.index_cast %add3A_539 : i32 to index
        %get3A_545 = arith.constant 48 : index
        %get3A_546 = tpu.vector_load %get3A_543[%get3A_544, %get3A_545] {strides = array<i32>} : memref<128x64xf32, #tpu.memory_space<vmem>>, vector<16xf32>,
        %add3A_547 = arith.constant 2 : i32
        %add3A_548 = arith.addi %mul3A_475, %add3A_547 : i32
        %get3A_549 = arith.constant 0 : i32
        %get3A_550 = arith.constant 0 : i32
        %get3A_551 = tpu.memref_slice %arg6[%scan3A_275, %get3A_549, %get3A_550] : memref<4x128x64xf32, #tpu.memory_space<vmem>> -> memref<1x128x64xf32, #tpu.memory_space<vmem>>
        %get3A_552 = tpu.memref_squeeze %get3A_551 : memref<1x128x64xf32, #tpu.memory_space<vmem>> -> memref<128x64xf32, #tpu.memory_space<vmem>>
        %get3A_553 = arith.index_cast %add3A_548 : i32 to index
        %get3A_554 = arith.constant 0 : index
        %get3A_555 = tpu.vector_load %get3A_552[%get3A_553, %get3A_554] {strides = array<i32>} : memref<128x64xf32, #tpu.memory_space<vmem>>, vector<16xf32>,
        %add3A_556 = arith.constant 2 : i32
        %add3A_557 = arith.addi %mul3A_475, %add3A_556 : i32
        %get3A_558 = arith.constant 0 : i32
        %get3A_559 = arith.constant 0 : i32
        %get3A_560 = tpu.memref_slice %arg6[%scan3A_275, %get3A_558, %get3A_559] : memref<4x128x64xf32, #tpu.memory_space<vmem>> -> memref<1x128x64xf32, #tpu.memory_space<vmem>>
        %get3A_561 = tpu.memref_squeeze %get3A_560 : memref<1x128x64xf32, #tpu.memory_space<vmem>> -> memref<128x64xf32, #tpu.memory_space<vmem>>
        %get3A_562 = arith.index_cast %add3A_557 : i32 to index
        %get3A_563 = arith.constant 16 : index
        %get3A_564 = tpu.vector_load %get3A_561[%get3A_562, %get3A_563] {strides = array<i32>} : memref<128x64xf32, #tpu.memory_space<vmem>>, vector<16xf32>,
        %add3A_565 = arith.constant 2 : i32
        %add3A_566 = arith.addi %mul3A_475, %add3A_565 : i32
        %get3A_567 = arith.constant 0 : i32
        %get3A_568 = arith.constant 0 : i32
        %get3A_569 = tpu.memref_slice %arg6[%scan3A_275, %get3A_567, %get3A_568] : memref<4x128x64xf32, #tpu.memory_space<vmem>> -> memref<1x128x64xf32, #tpu.memory_space<vmem>>
        %get3A_570 = tpu.memref_squeeze %get3A_569 : memref<1x128x64xf32, #tpu.memory_space<vmem>> -> memref<128x64xf32, #tpu.memory_space<vmem>>
        %get3A_571 = arith.index_cast %add3A_566 : i32 to index
        %get3A_572 = arith.constant 32 : index
        %get3A_573 = tpu.vector_load %get3A_570[%get3A_571, %get3A_572] {strides = array<i32>} : memref<128x64xf32, #tpu.memory_space<vmem>>, vector<16xf32>,
        %add3A_574 = arith.constant 2 : i32
        %add3A_575 = arith.addi %mul3A_475, %add3A_574 : i32
        %get3A_576 = arith.constant 0 : i32
        %get3A_577 = arith.constant 0 : i32
        %get3A_578 = tpu.memref_slice %arg6[%scan3A_275, %get3A_576, %get3A_577] : memref<4x128x64xf32, #tpu.memory_space<vmem>> -> memref<1x128x64xf32, #tpu.memory_space<vmem>>
        %get3A_579 = tpu.memref_squeeze %get3A_578 : memref<1x128x64xf32, #tpu.memory_space<vmem>> -> memref<128x64xf32, #tpu.memory_space<vmem>>
        %get3A_580 = arith.index_cast %add3A_575 : i32 to index
        %get3A_581 = arith.constant 48 : index
        %get3A_582 = tpu.vector_load %get3A_579[%get3A_580, %get3A_581] {strides = array<i32>} : memref<128x64xf32, #tpu.memory_space<vmem>>, vector<16xf32>,
        %add3A_583 = arith.constant 3 : i32
        %add3A_584 = arith.addi %mul3A_475, %add3A_583 : i32
        %get3A_585 = arith.constant 0 : i32
        %get3A_586 = arith.constant 0 : i32
        %get3A_587 = tpu.memref_slice %arg6[%scan3A_275, %get3A_585, %get3A_586] : memref<4x128x64xf32, #tpu.memory_space<vmem>> -> memref<1x128x64xf32, #tpu.memory_space<vmem>>
        %get3A_588 = tpu.memref_squeeze %get3A_587 : memref<1x128x64xf32, #tpu.memory_space<vmem>> -> memref<128x64xf32, #tpu.memory_space<vmem>>
        %get3A_589 = arith.index_cast %add3A_584 : i32 to index
        %get3A_590 = arith.constant 0 : index
        %get3A_591 = tpu.vector_load %get3A_588[%get3A_589, %get3A_590] {strides = array<i32>} : memref<128x64xf32, #tpu.memory_space<vmem>>, vector<16xf32>,
        %add3A_592 = arith.constant 3 : i32
        %add3A_593 = arith.addi %mul3A_475, %add3A_592 : i32
        %get3A_594 = arith.constant 0 : i32
        %get3A_595 = arith.constant 0 : i32
        %get3A_596 = tpu.memref_slice %arg6[%scan3A_275, %get3A_594, %get3A_595] : memref<4x128x64xf32, #tpu.memory_space<vmem>> -> memref<1x128x64xf32, #tpu.memory_space<vmem>>
        %get3A_597 = tpu.memref_squeeze %get3A_596 : memref<1x128x64xf32, #tpu.memory_space<vmem>> -> memref<128x64xf32, #tpu.memory_space<vmem>>
        %get3A_598 = arith.index_cast %add3A_593 : i32 to index
        %get3A_599 = arith.constant 16 : index
        %get3A_600 = tpu.vector_load %get3A_597[%get3A_598, %get3A_599] {strides = array<i32>} : memref<128x64xf32, #tpu.memory_space<vmem>>, vector<16xf32>,
        %add3A_601 = arith.constant 3 : i32
        %add3A_602 = arith.addi %mul3A_475, %add3A_601 : i32
        %get3A_603 = arith.constant 0 : i32
        %get3A_604 = arith.constant 0 : i32
        %get3A_605 = tpu.memref_slice %arg6[%scan3A_275, %get3A_603, %get3A_604] : memref<4x128x64xf32, #tpu.memory_space<vmem>> -> memref<1x128x64xf32, #tpu.memory_space<vmem>>
        %get3A_606 = tpu.memref_squeeze %get3A_605 : memref<1x128x64xf32, #tpu.memory_space<vmem>> -> memref<128x64xf32, #tpu.memory_space<vmem>>
        %get3A_607 = arith.index_cast %add3A_602 : i32 to index
        %get3A_608 = arith.constant 32 : index
        %get3A_609 = tpu.vector_load %get3A_606[%get3A_607, %get3A_608] {strides = array<i32>} : memref<128x64xf32, #tpu.memory_space<vmem>>, vector<16xf32>,
        %add3A_610 = arith.constant 3 : i32
        %add3A_611 = arith.addi %mul3A_475, %add3A_610 : i32
        %get3A_612 = arith.constant 0 : i32
        %get3A_613 = arith.constant 0 : i32
        %get3A_614 = tpu.memref_slice %arg6[%scan3A_275, %get3A_612, %get3A_613] : memref<4x128x64xf32, #tpu.memory_space<vmem>> -> memref<1x128x64xf32, #tpu.memory_space<vmem>>
        %get3A_615 = tpu.memref_squeeze %get3A_614 : memref<1x128x64xf32, #tpu.memory_space<vmem>> -> memref<128x64xf32, #tpu.memory_space<vmem>>
        %get3A_616 = arith.index_cast %add3A_611 : i32 to index
        %get3A_617 = arith.constant 48 : index
        %get3A_618 = tpu.vector_load %get3A_615[%get3A_616, %get3A_617] {strides = array<i32>} : memref<128x64xf32, #tpu.memory_space<vmem>>, vector<16xf32>,
        %add3A_619 = arith.constant 4 : i32
        %add3A_620 = arith.addi %mul3A_475, %add3A_619 : i32
        %get3A_621 = arith.constant 0 : i32
        %get3A_622 = arith.constant 0 : i32
        %get3A_623 = tpu.memref_slice %arg6[%scan3A_275, %get3A_621, %get3A_622] : memref<4x128x64xf32, #tpu.memory_space<vmem>> -> memref<1x128x64xf32, #tpu.memory_space<vmem>>
        %get3A_624 = tpu.memref_squeeze %get3A_623 : memref<1x128x64xf32, #tpu.memory_space<vmem>> -> memref<128x64xf32, #tpu.memory_space<vmem>>
        %get3A_625 = arith.index_cast %add3A_620 : i32 to index
        %get3A_626 = arith.constant 0 : index
        %get3A_627 = tpu.vector_load %get3A_624[%get3A_625, %get3A_626] {strides = array<i32>} : memref<128x64xf32, #tpu.memory_space<vmem>>, vector<16xf32>,
        %add3A_628 = arith.constant 4 : i32
        %add3A_629 = arith.addi %mul3A_475, %add3A_628 : i32
        %get3A_630 = arith.constant 0 : i32
        %get3A_631 = arith.constant 0 : i32
        %get3A_632 = tpu.memref_slice %arg6[%scan3A_275, %get3A_630, %get3A_631] : memref<4x128x64xf32, #tpu.memory_space<vmem>> -> memref<1x128x64xf32, #tpu.memory_space<vmem>>
        %get3A_633 = tpu.memref_squeeze %get3A_632 : memref<1x128x64xf32, #tpu.memory_space<vmem>> -> memref<128x64xf32, #tpu.memory_space<vmem>>
        %get3A_634 = arith.index_cast %add3A_629 : i32 to index
        %get3A_635 = arith.constant 16 : index
        %get3A_636 = tpu.vector_load %get3A_633[%get3A_634, %get3A_635] {strides = array<i32>} : memref<128x64xf32, #tpu.memory_space<vmem>>, vector<16xf32>,
        %add3A_637 = arith.constant 4 : i32
        %add3A_638 = arith.addi %mul3A_475, %add3A_637 : i32
        %get3A_639 = arith.constant 0 : i32
        %get3A_640 = arith.constant 0 : i32
        %get3A_641 = tpu.memref_slice %arg6[%scan3A_275, %get3A_639, %get3A_640] : memref<4x128x64xf32, #tpu.memory_space<vmem>> -> memref<1x128x64xf32, #tpu.memory_space<vmem>>
        %get3A_642 = tpu.memref_squeeze %get3A_641 : memref<1x128x64xf32, #tpu.memory_space<vmem>> -> memref<128x64xf32, #tpu.memory_space<vmem>>
        %get3A_643 = arith.index_cast %add3A_638 : i32 to index
        %get3A_644 = arith.constant 32 : index
        %get3A_645 = tpu.vector_load %get3A_642[%get3A_643, %get3A_644] {strides = array<i32>} : memref<128x64xf32, #tpu.memory_space<vmem>>, vector<16xf32>,
        %add3A_646 = arith.constant 4 : i32
        %add3A_647 = arith.addi %mul3A_475, %add3A_646 : i32
        %get3A_648 = arith.constant 0 : i32
        %get3A_649 = arith.constant 0 : i32
        %get3A_650 = tpu.memref_slice %arg6[%scan3A_275, %get3A_648, %get3A_649] : memref<4x128x64xf32, #tpu.memory_space<vmem>> -> memref<1x128x64xf32, #tpu.memory_space<vmem>>
        %get3A_651 = tpu.memref_squeeze %get3A_650 : memref<1x128x64xf32, #tpu.memory_space<vmem>> -> memref<128x64xf32, #tpu.memory_space<vmem>>
        %get3A_652 = arith.index_cast %add3A_647 : i32 to index
        %get3A_653 = arith.constant 48 : index
        %get3A_654 = tpu.vector_load %get3A_651[%get3A_652, %get3A_653] {strides = array<i32>} : memref<128x64xf32, #tpu.memory_space<vmem>>, vector<16xf32>,
        %add3A_655 = arith.constant 5 : i32
        %add3A_656 = arith.addi %mul3A_475, %add3A_655 : i32
        %get3A_657 = arith.constant 0 : i32
        %get3A_658 = arith.constant 0 : i32
        %get3A_659 = tpu.memref_slice %arg6[%scan3A_275, %get3A_657, %get3A_658] : memref<4x128x64xf32, #tpu.memory_space<vmem>> -> memref<1x128x64xf32, #tpu.memory_space<vmem>>
        %get3A_660 = tpu.memref_squeeze %get3A_659 : memref<1x128x64xf32, #tpu.memory_space<vmem>> -> memref<128x64xf32, #tpu.memory_space<vmem>>
        %get3A_661 = arith.index_cast %add3A_656 : i32 to index
        %get3A_662 = arith.constant 0 : index
        %get3A_663 = tpu.vector_load %get3A_660[%get3A_661, %get3A_662] {strides = array<i32>} : memref<128x64xf32, #tpu.memory_space<vmem>>, vector<16xf32>,
        %add3A_664 = arith.constant 5 : i32
        %add3A_665 = arith.addi %mul3A_475, %add3A_664 : i32
        %get3A_666 = arith.constant 0 : i32
        %get3A_667 = arith.constant 0 : i32
        %get3A_668 = tpu.memref_slice %arg6[%scan3A_275, %get3A_666, %get3A_667] : memref<4x128x64xf32, #tpu.memory_space<vmem>> -> memref<1x128x64xf32, #tpu.memory_space<vmem>>
        %get3A_669 = tpu.memref_squeeze %get3A_668 : memref<1x128x64xf32, #tpu.memory_space<vmem>> -> memref<128x64xf32, #tpu.memory_space<vmem>>
        %get3A_670 = arith.index_cast %add3A_665 : i32 to index
        %get3A_671 = arith.constant 16 : index
        %get3A_672 = tpu.vector_load %get3A_669[%get3A_670, %get3A_671] {strides = array<i32>} : memref<128x64xf32, #tpu.memory_space<vmem>>, vector<16xf32>,
        %add3A_673 = arith.constant 5 : i32
        %add3A_674 = arith.addi %mul3A_475, %add3A_673 : i32
        %get3A_675 = arith.constant 0 : i32
        %get3A_676 = arith.constant 0 : i32
        %get3A_677 = tpu.memref_slice %arg6[%scan3A_275, %get3A_675, %get3A_676] : memref<4x128x64xf32, #tpu.memory_space<vmem>> -> memref<1x128x64xf32, #tpu.memory_space<vmem>>
        %get3A_678 = tpu.memref_squeeze %get3A_677 : memref<1x128x64xf32, #tpu.memory_space<vmem>> -> memref<128x64xf32, #tpu.memory_space<vmem>>
        %get3A_679 = arith.index_cast %add3A_674 : i32 to index
        %get3A_680 = arith.constant 32 : index
        %get3A_681 = tpu.vector_load %get3A_678[%get3A_679, %get3A_680] {strides = array<i32>} : memref<128x64xf32, #tpu.memory_space<vmem>>, vector<16xf32>,
        %add3A_682 = arith.constant 5 : i32
        %add3A_683 = arith.addi %mul3A_475, %add3A_682 : i32
        %get3A_684 = arith.constant 0 : i32
        %get3A_685 = arith.constant 0 : i32
        %get3A_686 = tpu.memref_slice %arg6[%scan3A_275, %get3A_684, %get3A_685] : memref<4x128x64xf32, #tpu.memory_space<vmem>> -> memref<1x128x64xf32, #tpu.memory_space<vmem>>
        %get3A_687 = tpu.memref_squeeze %get3A_686 : memref<1x128x64xf32, #tpu.memory_space<vmem>> -> memref<128x64xf32, #tpu.memory_space<vmem>>
        %get3A_688 = arith.index_cast %add3A_683 : i32 to index
        %get3A_689 = arith.constant 48 : index
        %get3A_690 = tpu.vector_load %get3A_687[%get3A_688, %get3A_689] {strides = array<i32>} : memref<128x64xf32, #tpu.memory_space<vmem>>, vector<16xf32>,
        %add3A_691 = arith.constant 6 : i32
        %add3A_692 = arith.addi %mul3A_475, %add3A_691 : i32
        %get3A_693 = arith.constant 0 : i32
        %get3A_694 = arith.constant 0 : i32
        %get3A_695 = tpu.memref_slice %arg6[%scan3A_275, %get3A_693, %get3A_694] : memref<4x128x64xf32, #tpu.memory_space<vmem>> -> memref<1x128x64xf32, #tpu.memory_space<vmem>>
        %get3A_696 = tpu.memref_squeeze %get3A_695 : memref<1x128x64xf32, #tpu.memory_space<vmem>> -> memref<128x64xf32, #tpu.memory_space<vmem>>
        %get3A_697 = arith.index_cast %add3A_692 : i32 to index
        %get3A_698 = arith.constant 0 : index
        %get3A_699 = tpu.vector_load %get3A_696[%get3A_697, %get3A_698] {strides = array<i32>} : memref<128x64xf32, #tpu.memory_space<vmem>>, vector<16xf32>,
        %add3A_700 = arith.constant 6 : i32
        %add3A_701 = arith.addi %mul3A_475, %add3A_700 : i32
        %get3A_702 = arith.constant 0 : i32
        %get3A_703 = arith.constant 0 : i32
        %get3A_704 = tpu.memref_slice %arg6[%scan3A_275, %get3A_702, %get3A_703] : memref<4x128x64xf32, #tpu.memory_space<vmem>> -> memref<1x128x64xf32, #tpu.memory_space<vmem>>
        %get3A_705 = tpu.memref_squeeze %get3A_704 : memref<1x128x64xf32, #tpu.memory_space<vmem>> -> memref<128x64xf32, #tpu.memory_space<vmem>>
        %get3A_706 = arith.index_cast %add3A_701 : i32 to index
        %get3A_707 = arith.constant 16 : index
        %get3A_708 = tpu.vector_load %get3A_705[%get3A_706, %get3A_707] {strides = array<i32>} : memref<128x64xf32, #tpu.memory_space<vmem>>, vector<16xf32>,
        %add3A_709 = arith.constant 6 : i32
        %add3A_710 = arith.addi %mul3A_475, %add3A_709 : i32
        %get3A_711 = arith.constant 0 : i32
        %get3A_712 = arith.constant 0 : i32
        %get3A_713 = tpu.memref_slice %arg6[%scan3A_275, %get3A_711, %get3A_712] : memref<4x128x64xf32, #tpu.memory_space<vmem>> -> memref<1x128x64xf32, #tpu.memory_space<vmem>>
        %get3A_714 = tpu.memref_squeeze %get3A_713 : memref<1x128x64xf32, #tpu.memory_space<vmem>> -> memref<128x64xf32, #tpu.memory_space<vmem>>
        %get3A_715 = arith.index_cast %add3A_710 : i32 to index
        %get3A_716 = arith.constant 32 : index
        %get3A_717 = tpu.vector_load %get3A_714[%get3A_715, %get3A_716] {strides = array<i32>} : memref<128x64xf32, #tpu.memory_space<vmem>>, vector<16xf32>,
        %add3A_718 = arith.constant 6 : i32
        %add3A_719 = arith.addi %mul3A_475, %add3A_718 : i32
        %get3A_720 = arith.constant 0 : i32
        %get3A_721 = arith.constant 0 : i32
        %get3A_722 = tpu.memref_slice %arg6[%scan3A_275, %get3A_720, %get3A_721] : memref<4x128x64xf32, #tpu.memory_space<vmem>> -> memref<1x128x64xf32, #tpu.memory_space<vmem>>
        %get3A_723 = tpu.memref_squeeze %get3A_722 : memref<1x128x64xf32, #tpu.memory_space<vmem>> -> memref<128x64xf32, #tpu.memory_space<vmem>>
        %get3A_724 = arith.index_cast %add3A_719 : i32 to index
        %get3A_725 = arith.constant 48 : index
        %get3A_726 = tpu.vector_load %get3A_723[%get3A_724, %get3A_725] {strides = array<i32>} : memref<128x64xf32, #tpu.memory_space<vmem>>, vector<16xf32>,
        %add3A_727 = arith.constant 7 : i32
        %add3A_728 = arith.addi %mul3A_475, %add3A_727 : i32
        %get3A_729 = arith.constant 0 : i32
        %get3A_730 = arith.constant 0 : i32
        %get3A_731 = tpu.memref_slice %arg6[%scan3A_275, %get3A_729, %get3A_730] : memref<4x128x64xf32, #tpu.memory_space<vmem>> -> memref<1x128x64xf32, #tpu.memory_space<vmem>>
        %get3A_732 = tpu.memref_squeeze %get3A_731 : memref<1x128x64xf32, #tpu.memory_space<vmem>> -> memref<128x64xf32, #tpu.memory_space<vmem>>
        %get3A_733 = arith.index_cast %add3A_728 : i32 to index
        %get3A_734 = arith.constant 0 : index
        %get3A_735 = tpu.vector_load %get3A_732[%get3A_733, %get3A_734] {strides = array<i32>} : memref<128x64xf32, #tpu.memory_space<vmem>>, vector<16xf32>,
        %add3A_736 = arith.constant 7 : i32
        %add3A_737 = arith.addi %mul3A_475, %add3A_736 : i32
        %get3A_738 = arith.constant 0 : i32
        %get3A_739 = arith.constant 0 : i32
        %get3A_740 = tpu.memref_slice %arg6[%scan3A_275, %get3A_738, %get3A_739] : memref<4x128x64xf32, #tpu.memory_space<vmem>> -> memref<1x128x64xf32, #tpu.memory_space<vmem>>
        %get3A_741 = tpu.memref_squeeze %get3A_740 : memref<1x128x64xf32, #tpu.memory_space<vmem>> -> memref<128x64xf32, #tpu.memory_space<vmem>>
        %get3A_742 = arith.index_cast %add3A_737 : i32 to index
        %get3A_743 = arith.constant 16 : index
        %get3A_744 = tpu.vector_load %get3A_741[%get3A_742, %get3A_743] {strides = array<i32>} : memref<128x64xf32, #tpu.memory_space<vmem>>, vector<16xf32>,
        %add3A_745 = arith.constant 7 : i32
        %add3A_746 = arith.addi %mul3A_475, %add3A_745 : i32
        %get3A_747 = arith.constant 0 : i32
        %get3A_748 = arith.constant 0 : i32
        %get3A_749 = tpu.memref_slice %arg6[%scan3A_275, %get3A_747, %get3A_748] : memref<4x128x64xf32, #tpu.memory_space<vmem>> -> memref<1x128x64xf32, #tpu.memory_space<vmem>>
        %get3A_750 = tpu.memref_squeeze %get3A_749 : memref<1x128x64xf32, #tpu.memory_space<vmem>> -> memref<128x64xf32, #tpu.memory_space<vmem>>
        %get3A_751 = arith.index_cast %add3A_746 : i32 to index
        %get3A_752 = arith.constant 32 : index
        %get3A_753 = tpu.vector_load %get3A_750[%get3A_751, %get3A_752] {strides = array<i32>} : memref<128x64xf32, #tpu.memory_space<vmem>>, vector<16xf32>,
        %add3A_754 = arith.constant 7 : i32
        %add3A_755 = arith.addi %mul3A_475, %add3A_754 : i32
        %get3A_756 = arith.constant 0 : i32
        %get3A_757 = arith.constant 0 : i32
        %get3A_758 = tpu.memref_slice %arg6[%scan3A_275, %get3A_756, %get3A_757] : memref<4x128x64xf32, #tpu.memory_space<vmem>> -> memref<1x128x64xf32, #tpu.memory_space<vmem>>
        %get3A_759 = tpu.memref_squeeze %get3A_758 : memref<1x128x64xf32, #tpu.memory_space<vmem>> -> memref<128x64xf32, #tpu.memory_space<vmem>>
        %get3A_760 = arith.index_cast %add3A_755 : i32 to index
        %get3A_761 = arith.constant 48 : index
        %get3A_762 = tpu.vector_load %get3A_759[%get3A_760, %get3A_761] {strides = array<i32>} : memref<128x64xf32, #tpu.memory_space<vmem>>, vector<16xf32>,
        %add3A_763 = arith.constant 0 : i32
        %add3A_764 = arith.addi %mul3A_475, %add3A_763 : i32
        %broadcast_in_dim3A = vector.broadcast %add3A_764 : i32 to vector<16xi32>
        %add3A_765 = arith.constant 1 : i32
        %add3A_766 = arith.addi %mul3A_475, %add3A_765 : i32
        %broadcast_in_dim3A_767 = vector.broadcast %add3A_766 : i32 to vector<16xi32>
        %add3A_768 = arith.constant 2 : i32
        %add3A_769 = arith.addi %mul3A_475, %add3A_768 : i32
        %broadcast_in_dim3A_770 = vector.broadcast %add3A_769 : i32 to vector<16xi32>
        %add3A_771 = arith.constant 3 : i32
        %add3A_772 = arith.addi %mul3A_475, %add3A_771 : i32
        %broadcast_in_dim3A_773 = vector.broadcast %add3A_772 : i32 to vector<16xi32>
        %add3A_774 = arith.constant 4 : i32
        %add3A_775 = arith.addi %mul3A_475, %add3A_774 : i32
        %broadcast_in_dim3A_776 = vector.broadcast %add3A_775 : i32 to vector<16xi32>
        %add3A_777 = arith.constant 5 : i32
        %add3A_778 = arith.addi %mul3A_475, %add3A_777 : i32
        %broadcast_in_dim3A_779 = vector.broadcast %add3A_778 : i32 to vector<16xi32>
        %add3A_780 = arith.constant 6 : i32
        %add3A_781 = arith.addi %mul3A_475, %add3A_780 : i32
        %broadcast_in_dim3A_782 = vector.broadcast %add3A_781 : i32 to vector<16xi32>
        %add3A_783 = arith.constant 7 : i32
        %add3A_784 = arith.addi %mul3A_475, %add3A_783 : i32
        %broadcast_in_dim3A_785 = vector.broadcast %add3A_784 : i32 to vector<16xi32>
        %scatter3A = arith.constant 0 : i32
        %scatter3A_786 = arith.constant 0 : i32
        %scatter3A_787 = arith.constant 0 : i32
        %scatter3A_788 = tpu.memref_slice %arg7[%scan3A_276, %scatter3A, %scatter3A_786, %scatter3A_787] : memref<4x8x8x129xf32, #tpu.memory_space<vmem>> -> memref<1x8x8x129xf32, #tpu.memory_space<vmem>>
        %scatter3A_789 = tpu.memref_squeeze %scatter3A_788 : memref<1x8x8x129xf32, #tpu.memory_space<vmem>> -> memref<8x8x129xf32, #tpu.memory_space<vmem>>
        tpu.vector_store_idx %scatter3A_789[%add3A_264, %and3A_8, %broadcast_in_dim3A], %get3A_483 : memref<8x8x129xf32, #tpu.memory_space<vmem>>[vector<16xi32>, vector<16xi32>, vector<16xi32>], vector<16xf32>,
        %scatter3A_790 = arith.constant 0 : i32
        %scatter3A_791 = arith.constant 0 : i32
        %scatter3A_792 = arith.constant 0 : i32
        %scatter3A_793 = tpu.memref_slice %arg7[%scan3A_276, %scatter3A_790, %scatter3A_791, %scatter3A_792] : memref<4x8x8x129xf32, #tpu.memory_space<vmem>> -> memref<1x8x8x129xf32, #tpu.memory_space<vmem>>
        %scatter3A_794 = tpu.memref_squeeze %scatter3A_793 : memref<1x8x8x129xf32, #tpu.memory_space<vmem>> -> memref<8x8x129xf32, #tpu.memory_space<vmem>>
        tpu.vector_store_idx %scatter3A_794[%add3A_267, %and3A_8, %broadcast_in_dim3A], %get3A_492 : memref<8x8x129xf32, #tpu.memory_space<vmem>>[vector<16xi32>, vector<16xi32>, vector<16xi32>], vector<16xf32>,
        %scatter3A_795 = arith.constant 0 : i32
        %scatter3A_796 = arith.constant 0 : i32
        %scatter3A_797 = arith.constant 0 : i32
        %scatter3A_798 = tpu.memref_slice %arg7[%scan3A_276, %scatter3A_795, %scatter3A_796, %scatter3A_797] : memref<4x8x8x129xf32, #tpu.memory_space<vmem>> -> memref<1x8x8x129xf32, #tpu.memory_space<vmem>>
        %scatter3A_799 = tpu.memref_squeeze %scatter3A_798 : memref<1x8x8x129xf32, #tpu.memory_space<vmem>> -> memref<8x8x129xf32, #tpu.memory_space<vmem>>
        tpu.vector_store_idx %scatter3A_799[%add3A_270, %and3A_8, %broadcast_in_dim3A], %get3A_501 : memref<8x8x129xf32, #tpu.memory_space<vmem>>[vector<16xi32>, vector<16xi32>, vector<16xi32>], vector<16xf32>,
        %scatter3A_800 = arith.constant 0 : i32
        %scatter3A_801 = arith.constant 0 : i32
        %scatter3A_802 = arith.constant 0 : i32
        %scatter3A_803 = tpu.memref_slice %arg7[%scan3A_276, %scatter3A_800, %scatter3A_801, %scatter3A_802] : memref<4x8x8x129xf32, #tpu.memory_space<vmem>> -> memref<1x8x8x129xf32, #tpu.memory_space<vmem>>
        %scatter3A_804 = tpu.memref_squeeze %scatter3A_803 : memref<1x8x8x129xf32, #tpu.memory_space<vmem>> -> memref<8x8x129xf32, #tpu.memory_space<vmem>>
        tpu.vector_store_idx %scatter3A_804[%add3A_273, %and3A_8, %broadcast_in_dim3A], %get3A_510 : memref<8x8x129xf32, #tpu.memory_space<vmem>>[vector<16xi32>, vector<16xi32>, vector<16xi32>], vector<16xf32>,
        %scatter3A_805 = arith.constant 0 : i32
        %scatter3A_806 = arith.constant 0 : i32
        %scatter3A_807 = arith.constant 0 : i32
        %scatter3A_808 = tpu.memref_slice %arg7[%scan3A_276, %scatter3A_805, %scatter3A_806, %scatter3A_807] : memref<4x8x8x129xf32, #tpu.memory_space<vmem>> -> memref<1x8x8x129xf32, #tpu.memory_space<vmem>>
        %scatter3A_809 = tpu.memref_squeeze %scatter3A_808 : memref<1x8x8x129xf32, #tpu.memory_space<vmem>> -> memref<8x8x129xf32, #tpu.memory_space<vmem>>
        tpu.vector_store_idx %scatter3A_809[%add3A_264, %and3A_8, %broadcast_in_dim3A_767], %get3A_519 : memref<8x8x129xf32, #tpu.memory_space<vmem>>[vector<16xi32>, vector<16xi32>, vector<16xi32>], vector<16xf32>,
        %scatter3A_810 = arith.constant 0 : i32
        %scatter3A_811 = arith.constant 0 : i32
        %scatter3A_812 = arith.constant 0 : i32
        %scatter3A_813 = tpu.memref_slice %arg7[%scan3A_276, %scatter3A_810, %scatter3A_811, %scatter3A_812] : memref<4x8x8x129xf32, #tpu.memory_space<vmem>> -> memref<1x8x8x129xf32, #tpu.memory_space<vmem>>
        %scatter3A_814 = tpu.memref_squeeze %scatter3A_813 : memref<1x8x8x129xf32, #tpu.memory_space<vmem>> -> memref<8x8x129xf32, #tpu.memory_space<vmem>>
        tpu.vector_store_idx %scatter3A_814[%add3A_267, %and3A_8, %broadcast_in_dim3A_767], %get3A_528 : memref<8x8x129xf32, #tpu.memory_space<vmem>>[vector<16xi32>, vector<16xi32>, vector<16xi32>], vector<16xf32>,
        %scatter3A_815 = arith.constant 0 : i32
        %scatter3A_816 = arith.constant 0 : i32
        %scatter3A_817 = arith.constant 0 : i32
        %scatter3A_818 = tpu.memref_slice %arg7[%scan3A_276, %scatter3A_815, %scatter3A_816, %scatter3A_817] : memref<4x8x8x129xf32, #tpu.memory_space<vmem>> -> memref<1x8x8x129xf32, #tpu.memory_space<vmem>>
        %scatter3A_819 = tpu.memref_squeeze %scatter3A_818 : memref<1x8x8x129xf32, #tpu.memory_space<vmem>> -> memref<8x8x129xf32, #tpu.memory_space<vmem>>
        tpu.vector_store_idx %scatter3A_819[%add3A_270, %and3A_8, %broadcast_in_dim3A_767], %get3A_537 : memref<8x8x129xf32, #tpu.memory_space<vmem>>[vector<16xi32>, vector<16xi32>, vector<16xi32>], vector<16xf32>,
        %scatter3A_820 = arith.constant 0 : i32
        %scatter3A_821 = arith.constant 0 : i32
        %scatter3A_822 = arith.constant 0 : i32
        %scatter3A_823 = tpu.memref_slice %arg7[%scan3A_276, %scatter3A_820, %scatter3A_821, %scatter3A_822] : memref<4x8x8x129xf32, #tpu.memory_space<vmem>> -> memref<1x8x8x129xf32, #tpu.memory_space<vmem>>
        %scatter3A_824 = tpu.memref_squeeze %scatter3A_823 : memref<1x8x8x129xf32, #tpu.memory_space<vmem>> -> memref<8x8x129xf32, #tpu.memory_space<vmem>>
        tpu.vector_store_idx %scatter3A_824[%add3A_273, %and3A_8, %broadcast_in_dim3A_767], %get3A_546 : memref<8x8x129xf32, #tpu.memory_space<vmem>>[vector<16xi32>, vector<16xi32>, vector<16xi32>], vector<16xf32>,
        %scatter3A_825 = arith.constant 0 : i32
        %scatter3A_826 = arith.constant 0 : i32
        %scatter3A_827 = arith.constant 0 : i32
        %scatter3A_828 = tpu.memref_slice %arg7[%scan3A_276, %scatter3A_825, %scatter3A_826, %scatter3A_827] : memref<4x8x8x129xf32, #tpu.memory_space<vmem>> -> memref<1x8x8x129xf32, #tpu.memory_space<vmem>>
        %scatter3A_829 = tpu.memref_squeeze %scatter3A_828 : memref<1x8x8x129xf32, #tpu.memory_space<vmem>> -> memref<8x8x129xf32, #tpu.memory_space<vmem>>
        tpu.vector_store_idx %scatter3A_829[%add3A_264, %and3A_8, %broadcast_in_dim3A_770], %get3A_555 : memref<8x8x129xf32, #tpu.memory_space<vmem>>[vector<16xi32>, vector<16xi32>, vector<16xi32>], vector<16xf32>,
        %scatter3A_830 = arith.constant 0 : i32
        %scatter3A_831 = arith.constant 0 : i32
        %scatter3A_832 = arith.constant 0 : i32
        %scatter3A_833 = tpu.memref_slice %arg7[%scan3A_276, %scatter3A_830, %scatter3A_831, %scatter3A_832] : memref<4x8x8x129xf32, #tpu.memory_space<vmem>> -> memref<1x8x8x129xf32, #tpu.memory_space<vmem>>
        %scatter3A_834 = tpu.memref_squeeze %scatter3A_833 : memref<1x8x8x129xf32, #tpu.memory_space<vmem>> -> memref<8x8x129xf32, #tpu.memory_space<vmem>>
        tpu.vector_store_idx %scatter3A_834[%add3A_267, %and3A_8, %broadcast_in_dim3A_770], %get3A_564 : memref<8x8x129xf32, #tpu.memory_space<vmem>>[vector<16xi32>, vector<16xi32>, vector<16xi32>], vector<16xf32>,
        %scatter3A_835 = arith.constant 0 : i32
        %scatter3A_836 = arith.constant 0 : i32
        %scatter3A_837 = arith.constant 0 : i32
        %scatter3A_838 = tpu.memref_slice %arg7[%scan3A_276, %scatter3A_835, %scatter3A_836, %scatter3A_837] : memref<4x8x8x129xf32, #tpu.memory_space<vmem>> -> memref<1x8x8x129xf32, #tpu.memory_space<vmem>>
        %scatter3A_839 = tpu.memref_squeeze %scatter3A_838 : memref<1x8x8x129xf32, #tpu.memory_space<vmem>> -> memref<8x8x129xf32, #tpu.memory_space<vmem>>
        tpu.vector_store_idx %scatter3A_839[%add3A_270, %and3A_8, %broadcast_in_dim3A_770], %get3A_573 : memref<8x8x129xf32, #tpu.memory_space<vmem>>[vector<16xi32>, vector<16xi32>, vector<16xi32>], vector<16xf32>,
        %scatter3A_840 = arith.constant 0 : i32
        %scatter3A_841 = arith.constant 0 : i32
        %scatter3A_842 = arith.constant 0 : i32
        %scatter3A_843 = tpu.memref_slice %arg7[%scan3A_276, %scatter3A_840, %scatter3A_841, %scatter3A_842] : memref<4x8x8x129xf32, #tpu.memory_space<vmem>> -> memref<1x8x8x129xf32, #tpu.memory_space<vmem>>
        %scatter3A_844 = tpu.memref_squeeze %scatter3A_843 : memref<1x8x8x129xf32, #tpu.memory_space<vmem>> -> memref<8x8x129xf32, #tpu.memory_space<vmem>>
        tpu.vector_store_idx %scatter3A_844[%add3A_273, %and3A_8, %broadcast_in_dim3A_770], %get3A_582 : memref<8x8x129xf32, #tpu.memory_space<vmem>>[vector<16xi32>, vector<16xi32>, vector<16xi32>], vector<16xf32>,
        %scatter3A_845 = arith.constant 0 : i32
        %scatter3A_846 = arith.constant 0 : i32
        %scatter3A_847 = arith.constant 0 : i32
        %scatter3A_848 = tpu.memref_slice %arg7[%scan3A_276, %scatter3A_845, %scatter3A_846, %scatter3A_847] : memref<4x8x8x129xf32, #tpu.memory_space<vmem>> -> memref<1x8x8x129xf32, #tpu.memory_space<vmem>>
        %scatter3A_849 = tpu.memref_squeeze %scatter3A_848 : memref<1x8x8x129xf32, #tpu.memory_space<vmem>> -> memref<8x8x129xf32, #tpu.memory_space<vmem>>
        tpu.vector_store_idx %scatter3A_849[%add3A_264, %and3A_8, %broadcast_in_dim3A_773], %get3A_591 : memref<8x8x129xf32, #tpu.memory_space<vmem>>[vector<16xi32>, vector<16xi32>, vector<16xi32>], vector<16xf32>,
        %scatter3A_850 = arith.constant 0 : i32
        %scatter3A_851 = arith.constant 0 : i32
        %scatter3A_852 = arith.constant 0 : i32
        %scatter3A_853 = tpu.memref_slice %arg7[%scan3A_276, %scatter3A_850, %scatter3A_851, %scatter3A_852] : memref<4x8x8x129xf32, #tpu.memory_space<vmem>> -> memref<1x8x8x129xf32, #tpu.memory_space<vmem>>
        %scatter3A_854 = tpu.memref_squeeze %scatter3A_853 : memref<1x8x8x129xf32, #tpu.memory_space<vmem>> -> memref<8x8x129xf32, #tpu.memory_space<vmem>>
        tpu.vector_store_idx %scatter3A_854[%add3A_267, %and3A_8, %broadcast_in_dim3A_773], %get3A_600 : memref<8x8x129xf32, #tpu.memory_space<vmem>>[vector<16xi32>, vector<16xi32>, vector<16xi32>], vector<16xf32>,
        %scatter3A_855 = arith.constant 0 : i32
        %scatter3A_856 = arith.constant 0 : i32
        %scatter3A_857 = arith.constant 0 : i32
        %scatter3A_858 = tpu.memref_slice %arg7[%scan3A_276, %scatter3A_855, %scatter3A_856, %scatter3A_857] : memref<4x8x8x129xf32, #tpu.memory_space<vmem>> -> memref<1x8x8x129xf32, #tpu.memory_space<vmem>>
        %scatter3A_859 = tpu.memref_squeeze %scatter3A_858 : memref<1x8x8x129xf32, #tpu.memory_space<vmem>> -> memref<8x8x129xf32, #tpu.memory_space<vmem>>
        tpu.vector_store_idx %scatter3A_859[%add3A_270, %and3A_8, %broadcast_in_dim3A_773], %get3A_609 : memref<8x8x129xf32, #tpu.memory_space<vmem>>[vector<16xi32>, vector<16xi32>, vector<16xi32>], vector<16xf32>,
        %scatter3A_860 = arith.constant 0 : i32
        %scatter3A_861 = arith.constant 0 : i32
        %scatter3A_862 = arith.constant 0 : i32
        %scatter3A_863 = tpu.memref_slice %arg7[%scan3A_276, %scatter3A_860, %scatter3A_861, %scatter3A_862] : memref<4x8x8x129xf32, #tpu.memory_space<vmem>> -> memref<1x8x8x129xf32, #tpu.memory_space<vmem>>
        %scatter3A_864 = tpu.memref_squeeze %scatter3A_863 : memref<1x8x8x129xf32, #tpu.memory_space<vmem>> -> memref<8x8x129xf32, #tpu.memory_space<vmem>>
        tpu.vector_store_idx %scatter3A_864[%add3A_273, %and3A_8, %broadcast_in_dim3A_773], %get3A_618 : memref<8x8x129xf32, #tpu.memory_space<vmem>>[vector<16xi32>, vector<16xi32>, vector<16xi32>], vector<16xf32>,
        %scatter3A_865 = arith.constant 0 : i32
        %scatter3A_866 = arith.constant 0 : i32
        %scatter3A_867 = arith.constant 0 : i32
        %scatter3A_868 = tpu.memref_slice %arg7[%scan3A_276, %scatter3A_865, %scatter3A_866, %scatter3A_867] : memref<4x8x8x129xf32, #tpu.memory_space<vmem>> -> memref<1x8x8x129xf32, #tpu.memory_space<vmem>>
        %scatter3A_869 = tpu.memref_squeeze %scatter3A_868 : memref<1x8x8x129xf32, #tpu.memory_space<vmem>> -> memref<8x8x129xf32, #tpu.memory_space<vmem>>
        tpu.vector_store_idx %scatter3A_869[%add3A_264, %and3A_8, %broadcast_in_dim3A_776], %get3A_627 : memref<8x8x129xf32, #tpu.memory_space<vmem>>[vector<16xi32>, vector<16xi32>, vector<16xi32>], vector<16xf32>,
        %scatter3A_870 = arith.constant 0 : i32
        %scatter3A_871 = arith.constant 0 : i32
        %scatter3A_872 = arith.constant 0 : i32
        %scatter3A_873 = tpu.memref_slice %arg7[%scan3A_276, %scatter3A_870, %scatter3A_871, %scatter3A_872] : memref<4x8x8x129xf32, #tpu.memory_space<vmem>> -> memref<1x8x8x129xf32, #tpu.memory_space<vmem>>
        %scatter3A_874 = tpu.memref_squeeze %scatter3A_873 : memref<1x8x8x129xf32, #tpu.memory_space<vmem>> -> memref<8x8x129xf32, #tpu.memory_space<vmem>>
        tpu.vector_store_idx %scatter3A_874[%add3A_267, %and3A_8, %broadcast_in_dim3A_776], %get3A_636 : memref<8x8x129xf32, #tpu.memory_space<vmem>>[vector<16xi32>, vector<16xi32>, vector<16xi32>], vector<16xf32>,
        %scatter3A_875 = arith.constant 0 : i32
        %scatter3A_876 = arith.constant 0 : i32
        %scatter3A_877 = arith.constant 0 : i32
        %scatter3A_878 = tpu.memref_slice %arg7[%scan3A_276, %scatter3A_875, %scatter3A_876, %scatter3A_877] : memref<4x8x8x129xf32, #tpu.memory_space<vmem>> -> memref<1x8x8x129xf32, #tpu.memory_space<vmem>>
        %scatter3A_879 = tpu.memref_squeeze %scatter3A_878 : memref<1x8x8x129xf32, #tpu.memory_space<vmem>> -> memref<8x8x129xf32, #tpu.memory_space<vmem>>
        tpu.vector_store_idx %scatter3A_879[%add3A_270, %and3A_8, %broadcast_in_dim3A_776], %get3A_645 : memref<8x8x129xf32, #tpu.memory_space<vmem>>[vector<16xi32>, vector<16xi32>, vector<16xi32>], vector<16xf32>,
        %scatter3A_880 = arith.constant 0 : i32
        %scatter3A_881 = arith.constant 0 : i32
        %scatter3A_882 = arith.constant 0 : i32
        %scatter3A_883 = tpu.memref_slice %arg7[%scan3A_276, %scatter3A_880, %scatter3A_881, %scatter3A_882] : memref<4x8x8x129xf32, #tpu.memory_space<vmem>> -> memref<1x8x8x129xf32, #tpu.memory_space<vmem>>
        %scatter3A_884 = tpu.memref_squeeze %scatter3A_883 : memref<1x8x8x129xf32, #tpu.memory_space<vmem>> -> memref<8x8x129xf32, #tpu.memory_space<vmem>>
        tpu.vector_store_idx %scatter3A_884[%add3A_273, %and3A_8, %broadcast_in_dim3A_776], %get3A_654 : memref<8x8x129xf32, #tpu.memory_space<vmem>>[vector<16xi32>, vector<16xi32>, vector<16xi32>], vector<16xf32>,
        %scatter3A_885 = arith.constant 0 : i32
        %scatter3A_886 = arith.constant 0 : i32
        %scatter3A_887 = arith.constant 0 : i32
        %scatter3A_888 = tpu.memref_slice %arg7[%scan3A_276, %scatter3A_885, %scatter3A_886, %scatter3A_887] : memref<4x8x8x129xf32, #tpu.memory_space<vmem>> -> memref<1x8x8x129xf32, #tpu.memory_space<vmem>>
        %scatter3A_889 = tpu.memref_squeeze %scatter3A_888 : memref<1x8x8x129xf32, #tpu.memory_space<vmem>> -> memref<8x8x129xf32, #tpu.memory_space<vmem>>
        tpu.vector_store_idx %scatter3A_889[%add3A_264, %and3A_8, %broadcast_in_dim3A_779], %get3A_663 : memref<8x8x129xf32, #tpu.memory_space<vmem>>[vector<16xi32>, vector<16xi32>, vector<16xi32>], vector<16xf32>,
        %scatter3A_890 = arith.constant 0 : i32
        %scatter3A_891 = arith.constant 0 : i32
        %scatter3A_892 = arith.constant 0 : i32
        %scatter3A_893 = tpu.memref_slice %arg7[%scan3A_276, %scatter3A_890, %scatter3A_891, %scatter3A_892] : memref<4x8x8x129xf32, #tpu.memory_space<vmem>> -> memref<1x8x8x129xf32, #tpu.memory_space<vmem>>
        %scatter3A_894 = tpu.memref_squeeze %scatter3A_893 : memref<1x8x8x129xf32, #tpu.memory_space<vmem>> -> memref<8x8x129xf32, #tpu.memory_space<vmem>>
        tpu.vector_store_idx %scatter3A_894[%add3A_267, %and3A_8, %broadcast_in_dim3A_779], %get3A_672 : memref<8x8x129xf32, #tpu.memory_space<vmem>>[vector<16xi32>, vector<16xi32>, vector<16xi32>], vector<16xf32>,
        %scatter3A_895 = arith.constant 0 : i32
        %scatter3A_896 = arith.constant 0 : i32
        %scatter3A_897 = arith.constant 0 : i32
        %scatter3A_898 = tpu.memref_slice %arg7[%scan3A_276, %scatter3A_895, %scatter3A_896, %scatter3A_897] : memref<4x8x8x129xf32, #tpu.memory_space<vmem>> -> memref<1x8x8x129xf32, #tpu.memory_space<vmem>>
        %scatter3A_899 = tpu.memref_squeeze %scatter3A_898 : memref<1x8x8x129xf32, #tpu.memory_space<vmem>> -> memref<8x8x129xf32, #tpu.memory_space<vmem>>
        tpu.vector_store_idx %scatter3A_899[%add3A_270, %and3A_8, %broadcast_in_dim3A_779], %get3A_681 : memref<8x8x129xf32, #tpu.memory_space<vmem>>[vector<16xi32>, vector<16xi32>, vector<16xi32>], vector<16xf32>,
        %scatter3A_900 = arith.constant 0 : i32
        %scatter3A_901 = arith.constant 0 : i32
        %scatter3A_902 = arith.constant 0 : i32
        %scatter3A_903 = tpu.memref_slice %arg7[%scan3A_276, %scatter3A_900, %scatter3A_901, %scatter3A_902] : memref<4x8x8x129xf32, #tpu.memory_space<vmem>> -> memref<1x8x8x129xf32, #tpu.memory_space<vmem>>
        %scatter3A_904 = tpu.memref_squeeze %scatter3A_903 : memref<1x8x8x129xf32, #tpu.memory_space<vmem>> -> memref<8x8x129xf32, #tpu.memory_space<vmem>>
        tpu.vector_store_idx %scatter3A_904[%add3A_273, %and3A_8, %broadcast_in_dim3A_779], %get3A_690 : memref<8x8x129xf32, #tpu.memory_space<vmem>>[vector<16xi32>, vector<16xi32>, vector<16xi32>], vector<16xf32>,
        %scatter3A_905 = arith.constant 0 : i32
        %scatter3A_906 = arith.constant 0 : i32
        %scatter3A_907 = arith.constant 0 : i32
        %scatter3A_908 = tpu.memref_slice %arg7[%scan3A_276, %scatter3A_905, %scatter3A_906, %scatter3A_907] : memref<4x8x8x129xf32, #tpu.memory_space<vmem>> -> memref<1x8x8x129xf32, #tpu.memory_space<vmem>>
        %scatter3A_909 = tpu.memref_squeeze %scatter3A_908 : memref<1x8x8x129xf32, #tpu.memory_space<vmem>> -> memref<8x8x129xf32, #tpu.memory_space<vmem>>
        tpu.vector_store_idx %scatter3A_909[%add3A_264, %and3A_8, %broadcast_in_dim3A_782], %get3A_699 : memref<8x8x129xf32, #tpu.memory_space<vmem>>[vector<16xi32>, vector<16xi32>, vector<16xi32>], vector<16xf32>,
        %scatter3A_910 = arith.constant 0 : i32
        %scatter3A_911 = arith.constant 0 : i32
        %scatter3A_912 = arith.constant 0 : i32
        %scatter3A_913 = tpu.memref_slice %arg7[%scan3A_276, %scatter3A_910, %scatter3A_911, %scatter3A_912] : memref<4x8x8x129xf32, #tpu.memory_space<vmem>> -> memref<1x8x8x129xf32, #tpu.memory_space<vmem>>
        %scatter3A_914 = tpu.memref_squeeze %scatter3A_913 : memref<1x8x8x129xf32, #tpu.memory_space<vmem>> -> memref<8x8x129xf32, #tpu.memory_space<vmem>>
        tpu.vector_store_idx %scatter3A_914[%add3A_267, %and3A_8, %broadcast_in_dim3A_782], %get3A_708 : memref<8x8x129xf32, #tpu.memory_space<vmem>>[vector<16xi32>, vector<16xi32>, vector<16xi32>], vector<16xf32>,
        %scatter3A_915 = arith.constant 0 : i32
        %scatter3A_916 = arith.constant 0 : i32
        %scatter3A_917 = arith.constant 0 : i32
        %scatter3A_918 = tpu.memref_slice %arg7[%scan3A_276, %scatter3A_915, %scatter3A_916, %scatter3A_917] : memref<4x8x8x129xf32, #tpu.memory_space<vmem>> -> memref<1x8x8x129xf32, #tpu.memory_space<vmem>>
        %scatter3A_919 = tpu.memref_squeeze %scatter3A_918 : memref<1x8x8x129xf32, #tpu.memory_space<vmem>> -> memref<8x8x129xf32, #tpu.memory_space<vmem>>
        tpu.vector_store_idx %scatter3A_919[%add3A_270, %and3A_8, %broadcast_in_dim3A_782], %get3A_717 : memref<8x8x129xf32, #tpu.memory_space<vmem>>[vector<16xi32>, vector<16xi32>, vector<16xi32>], vector<16xf32>,
        %scatter3A_920 = arith.constant 0 : i32
        %scatter3A_921 = arith.constant 0 : i32
        %scatter3A_922 = arith.constant 0 : i32
        %scatter3A_923 = tpu.memref_slice %arg7[%scan3A_276, %scatter3A_920, %scatter3A_921, %scatter3A_922] : memref<4x8x8x129xf32, #tpu.memory_space<vmem>> -> memref<1x8x8x129xf32, #tpu.memory_space<vmem>>
        %scatter3A_924 = tpu.memref_squeeze %scatter3A_923 : memref<1x8x8x129xf32, #tpu.memory_space<vmem>> -> memref<8x8x129xf32, #tpu.memory_space<vmem>>
        tpu.vector_store_idx %scatter3A_924[%add3A_273, %and3A_8, %broadcast_in_dim3A_782], %get3A_726 : memref<8x8x129xf32, #tpu.memory_space<vmem>>[vector<16xi32>, vector<16xi32>, vector<16xi32>], vector<16xf32>,
        %scatter3A_925 = arith.constant 0 : i32
        %scatter3A_926 = arith.constant 0 : i32
        %scatter3A_927 = arith.constant 0 : i32
        %scatter3A_928 = tpu.memref_slice %arg7[%scan3A_276, %scatter3A_925, %scatter3A_926, %scatter3A_927] : memref<4x8x8x129xf32, #tpu.memory_space<vmem>> -> memref<1x8x8x129xf32, #tpu.memory_space<vmem>>
        %scatter3A_929 = tpu.memref_squeeze %scatter3A_928 : memref<1x8x8x129xf32, #tpu.memory_space<vmem>> -> memref<8x8x129xf32, #tpu.memory_space<vmem>>
        tpu.vector_store_idx %scatter3A_929[%add3A_264, %and3A_8, %broadcast_in_dim3A_785], %get3A_735 : memref<8x8x129xf32, #tpu.memory_space<vmem>>[vector<16xi32>, vector<16xi32>, vector<16xi32>], vector<16xf32>,
        %scatter3A_930 = arith.constant 0 : i32
        %scatter3A_931 = arith.constant 0 : i32
        %scatter3A_932 = arith.constant 0 : i32
        %scatter3A_933 = tpu.memref_slice %arg7[%scan3A_276, %scatter3A_930, %scatter3A_931, %scatter3A_932] : memref<4x8x8x129xf32, #tpu.memory_space<vmem>> -> memref<1x8x8x129xf32, #tpu.memory_space<vmem>>
        %scatter3A_934 = tpu.memref_squeeze %scatter3A_933 : memref<1x8x8x129xf32, #tpu.memory_space<vmem>> -> memref<8x8x129xf32, #tpu.memory_space<vmem>>
        tpu.vector_store_idx %scatter3A_934[%add3A_267, %and3A_8, %broadcast_in_dim3A_785], %get3A_744 : memref<8x8x129xf32, #tpu.memory_space<vmem>>[vector<16xi32>, vector<16xi32>, vector<16xi32>], vector<16xf32>,
        %scatter3A_935 = arith.constant 0 : i32
        %scatter3A_936 = arith.constant 0 : i32
        %scatter3A_937 = arith.constant 0 : i32
        %scatter3A_938 = tpu.memref_slice %arg7[%scan3A_276, %scatter3A_935, %scatter3A_936, %scatter3A_937] : memref<4x8x8x129xf32, #tpu.memory_space<vmem>> -> memref<1x8x8x129xf32, #tpu.memory_space<vmem>>
        %scatter3A_939 = tpu.memref_squeeze %scatter3A_938 : memref<1x8x8x129xf32, #tpu.memory_space<vmem>> -> memref<8x8x129xf32, #tpu.memory_space<vmem>>
        tpu.vector_store_idx %scatter3A_939[%add3A_270, %and3A_8, %broadcast_in_dim3A_785], %get3A_753 : memref<8x8x129xf32, #tpu.memory_space<vmem>>[vector<16xi32>, vector<16xi32>, vector<16xi32>], vector<16xf32>,
        %scatter3A_940 = arith.constant 0 : i32
        %scatter3A_941 = arith.constant 0 : i32
        %scatter3A_942 = arith.constant 0 : i32
        %scatter3A_943 = tpu.memref_slice %arg7[%scan3A_276, %scatter3A_940, %scatter3A_941, %scatter3A_942] : memref<4x8x8x129xf32, #tpu.memory_space<vmem>> -> memref<1x8x8x129xf32, #tpu.memory_space<vmem>>
        %scatter3A_944 = tpu.memref_squeeze %scatter3A_943 : memref<1x8x8x129xf32, #tpu.memory_space<vmem>> -> memref<8x8x129xf32, #tpu.memory_space<vmem>>
        tpu.vector_store_idx %scatter3A_944[%add3A_273, %and3A_8, %broadcast_in_dim3A_785], %get3A_762 : memref<8x8x129xf32, #tpu.memory_space<vmem>>[vector<16xi32>, vector<16xi32>, vector<16xi32>], vector<16xf32>,
      }
      %scan3A_281 = arith.constant 16 : i32
      %mul3A_282 = arith.constant 1 : i32
      %mul3A_283 = arith.muli %add3A_245, %mul3A_282 : i32
      %add3A_284 = arith.addi %mul3A_4, %mul3A_283 : i32
      %add3A_285 = arith.constant 0 : i32
      %add3A_286 = arith.addi %add3A_284, %add3A_285 : i32
      %shift_right_logical3A_287 = arith.constant 5 : i32
      %shift_right_logical3A_288 = arith.shrui %add3A_286, %shift_right_logical3A_287 : i32
      %and3A_289 = arith.constant 31 : i32
      %and3A_290 = arith.andi %add3A_286, %and3A_289 : i32
      %dma_start3A_291 = arith.constant 1 : i32
      %dma_start3A_292 = arith.constant 0 : i32
      %dma_start3A_293 = arith.constant 0 : i32
      %dma_start3A_294 = arith.constant 0 : i32
      %dma_start3A_295 = tpu.memref_slice %arg7[%dma_start3A_291, %dma_start3A_292, %dma_start3A_293, %dma_start3A_294] : memref<4x8x8x129xf32, #tpu.memory_space<vmem>> -> memref<1x8x8x128xf32, #tpu.memory_space<vmem>>
      %dma_start3A_296 = tpu.memref_squeeze %dma_start3A_295 : memref<1x8x8x128xf32, #tpu.memory_space<vmem>> -> memref<8x8x128xf32, #tpu.memory_space<vmem>>
      %dma_start3A_297 = arith.constant 0 : i32
      %dma_start3A_298 = arith.constant 0 : i32
      %dma_start3A_299 = arith.constant 0 : i32
      %dma_start3A_300 = tpu.memref_slice %arg4[%shift_right_logical3A_288, %dma_start3A_297, %and3A_290, %dma_start3A_298, %dma_start3A_299] : memref<200x8x32x8x128xf32, #tpu.memory_space<hbm>> -> memref<1x8x1x8x128xf32, #tpu.memory_space<hbm>>
      %dma_start3A_301 = tpu.memref_squeeze %dma_start3A_300 : memref<1x8x1x8x128xf32, #tpu.memory_space<hbm>> -> memref<8x8x128xf32, #tpu.memory_space<hbm>>
      %dma_start3A_302 = arith.constant 0 : i32
      %dma_start3A_303 = arith.constant 0 : i32
      %dma_start3A_304 = arith.constant 0 : i32
      %dma_start3A_305 = tpu.memref_slice %arg4[%shift_right_logical3A_288, %dma_start3A_302, %and3A_290, %dma_start3A_303, %dma_start3A_304] : memref<200x8x32x8x128xf32, #tpu.memory_space<hbm>> -> memref<1x8x1x8x128xf32, #tpu.memory_space<hbm>>
      %dma_start3A_306 = tpu.memref_squeeze %dma_start3A_305 : memref<1x8x1x8x128xf32, #tpu.memory_space<hbm>> -> memref<8x8x128xf32, #tpu.memory_space<hbm>>
      %dma_start3A_307 = arith.constant 0 : i32
      %dma_start3A_308 = arith.constant 0 : i32
      %dma_start3A_309 = arith.constant 0 : i32
      %dma_start3A_310 = tpu.memref_slice %arg7[%dma_start3A_291, %dma_start3A_307, %dma_start3A_308, %dma_start3A_309] : memref<4x8x8x129xf32, #tpu.memory_space<vmem>> -> memref<1x8x8x128xf32, #tpu.memory_space<vmem>>
      %dma_start3A_311 = tpu.memref_squeeze %dma_start3A_310 : memref<1x8x8x128xf32, #tpu.memory_space<vmem>> -> memref<8x8x128xf32, #tpu.memory_space<vmem>>
      tpu.enqueue_dma source(%dma_start3A_311 : memref<8x8x128xf32, #tpu.memory_space<vmem>>) target(%dma_start3A_306 : memref<8x8x128xf32, #tpu.memory_space<hbm>>) target_semaphore(%arg13 : memref<!tpu.dma_semaphore, #tpu.memory_space<semaphore_mem>>)
      %add3A_312 = arith.constant 4 : i32
      %add3A_313 = arith.addi %add3A_245, %add3A_312 : i32
      %lt3A_314 = arith.constant 200 : i32
      %lt3A_315 = arith.cmpi slt, %add3A_313, %lt3A_314 : i32
      %convert_element_type3A_316 = arith.extui %lt3A_315 : i1 to i32
      %cond3A_317 = arith.constant 0 : i32
      %cond3A_318 = arith.cmpi ne, %convert_element_type3A_316, %cond3A_317 : i32
      scf.if %cond3A_318 {
        %add3A_473 = arith.constant 4 : i32
        %add3A_474 = arith.addi %add3A_245, %add3A_473 : i32
        %mul3A_475 = arith.constant 128 : i32
        %mul3A_476 = arith.muli %add3A_474, %mul3A_475 : i32
        %dma_start3A_477 = arith.constant 1 : i32
        %dma_start3A_478 = arith.constant 0 : i32
        %dma_start3A_479 = arith.constant 0 : i32
        %dma_start3A_480 = tpu.memref_slice %arg6[%dma_start3A_477, %dma_start3A_478, %dma_start3A_479] : memref<4x128x64xf32, #tpu.memory_space<vmem>> -> memref<1x128x64xf32, #tpu.memory_space<vmem>>
        %dma_start3A_481 = tpu.memref_squeeze %dma_start3A_480 : memref<1x128x64xf32, #tpu.memory_space<vmem>> -> memref<128x64xf32, #tpu.memory_space<vmem>>
        %dma_start3A_482 = tpu.memref_slice %arg5[%mul3A_476] : memref<25600xi32, #tpu.memory_space<vmem>> -> memref<128xi32, #tpu.memory_space<vmem>>
        %dma_start3A_483 = arith.constant 0 : i32
        %dma_start3A_484 = arith.constant 0 : i32
        %dma_start3A_485 = tpu.memref_slice %arg2[%dma_start3A_483, %dma_start3A_484] : memref<1000000x64xf32, #tpu.memory_space<hbm>> -> memref<1000000x64xf32, #tpu.memory_space<hbm>>
        tpu.enqueue_indirect_dma source(%dma_start3A_485 : memref<1000000x64xf32, #tpu.memory_space<hbm>>) target(%dma_start3A_481 : memref<128x64xf32, #tpu.memory_space<vmem>>) offsets(%dma_start3A_482 : memref<128xi32, #tpu.memory_space<vmem>>) semaphore(%arg9 : memref<!tpu.dma_semaphore, #tpu.memory_space<semaphore_mem>>)
      } else {
      }
      %mul3A_319 = arith.constant 4 : i32
      %mul3A_320 = arith.muli %mul3A_319, %scan3A_168 : i32
      %add3A_321 = arith.constant 2 : i32
      %add3A_322 = arith.addi %mul3A_320, %add3A_321 : i32
      %mul3A_323 = arith.constant 128 : i32
      %mul3A_324 = arith.muli %add3A_322, %mul3A_323 : i32
      %dma_wait3A_325 = arith.constant 2 : i32
      %dma_wait3A_326 = arith.constant 0 : i32
      %dma_wait3A_327 = arith.constant 0 : i32
      %dma_wait3A_328 = tpu.memref_slice %arg6[%dma_wait3A_325, %dma_wait3A_326, %dma_wait3A_327] : memref<4x128x64xf32, #tpu.memory_space<vmem>> -> memref<1x128x64xf32, #tpu.memory_space<vmem>>
      %dma_wait3A_329 = tpu.memref_squeeze %dma_wait3A_328 : memref<1x128x64xf32, #tpu.memory_space<vmem>> -> memref<128x64xf32, #tpu.memory_space<vmem>>
      %dma_wait3A_330 = tpu.memref_slice %arg5[%mul3A_324] : memref<25600xi32, #tpu.memory_space<vmem>> -> memref<128xi32, #tpu.memory_space<vmem>>
      %dma_wait3A_331 = arith.constant 0 : i32
      %dma_wait3A_332 = arith.constant 0 : i32
      %dma_wait3A_333 = tpu.memref_slice %arg2[%dma_wait3A_331, %dma_wait3A_332] : memref<1000000x64xf32, #tpu.memory_space<hbm>> -> memref<1000000x64xf32, #tpu.memory_space<hbm>>
      tpu.wait_indirect_dma semaphore(%arg10 : memref<!tpu.dma_semaphore, #tpu.memory_space<semaphore_mem>>) src(%dma_wait3A_333 : memref<1000000x64xf32, #tpu.memory_space<hbm>>) dst(%dma_wait3A_329 : memref<128x64xf32, #tpu.memory_space<vmem>>)
      %ge3A_334 = arith.constant 4 : i32
      %ge3A_335 = arith.cmpi sge, %add3A_322, %ge3A_334 : i32
      %convert_element_type3A_336 = arith.extui %ge3A_335 : i1 to i32
      %cond3A_337 = arith.constant 0 : i32
      %cond3A_338 = arith.cmpi ne, %convert_element_type3A_336, %cond3A_337 : i32
      scf.if %cond3A_338 {
        %sub3A = arith.constant 4 : i32
        %sub3A_473 = arith.subi %add3A_322, %sub3A : i32
        %mul3A_474 = arith.constant 1 : i32
        %mul3A_475 = arith.muli %sub3A_473, %mul3A_474 : i32
        %add3A_476 = arith.addi %mul3A_4, %mul3A_475 : i32
        %add3A_477 = arith.constant 0 : i32
        %add3A_478 = arith.addi %add3A_476, %add3A_477 : i32
        %shift_right_logical3A_479 = arith.constant 5 : i32
        %shift_right_logical3A_480 = arith.shrui %add3A_478, %shift_right_logical3A_479 : i32
        %and3A_481 = arith.constant 31 : i32
        %and3A_482 = arith.andi %add3A_478, %and3A_481 : i32
        %dma_wait3A_483 = arith.constant 2 : i32
        %dma_wait3A_484 = arith.constant 0 : i32
        %dma_wait3A_485 = arith.constant 0 : i32
        %dma_wait3A_486 = arith.constant 0 : i32
        %dma_wait3A_487 = tpu.memref_slice %arg7[%dma_wait3A_483, %dma_wait3A_484, %dma_wait3A_485, %dma_wait3A_486] : memref<4x8x8x129xf32, #tpu.memory_space<vmem>> -> memref<1x8x8x128xf32, #tpu.memory_space<vmem>>
        %dma_wait3A_488 = tpu.memref_squeeze %dma_wait3A_487 : memref<1x8x8x128xf32, #tpu.memory_space<vmem>> -> memref<8x8x128xf32, #tpu.memory_space<vmem>>
        %dma_wait3A_489 = arith.constant 0 : i32
        %dma_wait3A_490 = arith.constant 0 : i32
        %dma_wait3A_491 = arith.constant 0 : i32
        %dma_wait3A_492 = tpu.memref_slice %arg4[%shift_right_logical3A_480, %dma_wait3A_489, %and3A_482, %dma_wait3A_490, %dma_wait3A_491] : memref<200x8x32x8x128xf32, #tpu.memory_space<hbm>> -> memref<1x8x1x8x128xf32, #tpu.memory_space<hbm>>
        %dma_wait3A_493 = tpu.memref_squeeze %dma_wait3A_492 : memref<1x8x1x8x128xf32, #tpu.memory_space<hbm>> -> memref<8x8x128xf32, #tpu.memory_space<hbm>>
        %dma_wait3A_494 = arith.constant 0 : i32
        %dma_wait3A_495 = arith.constant 0 : i32
        %dma_wait3A_496 = arith.constant 0 : i32
        %dma_wait3A_497 = tpu.memref_slice %arg4[%shift_right_logical3A_480, %dma_wait3A_494, %and3A_482, %dma_wait3A_495, %dma_wait3A_496] : memref<200x8x32x8x128xf32, #tpu.memory_space<hbm>> -> memref<1x8x1x8x128xf32, #tpu.memory_space<hbm>>
        %dma_wait3A_498 = tpu.memref_squeeze %dma_wait3A_497 : memref<1x8x1x8x128xf32, #tpu.memory_space<hbm>> -> memref<8x8x128xf32, #tpu.memory_space<hbm>>
        %dma_wait3A_499 = arith.constant 0 : i32
        %dma_wait3A_500 = arith.constant 0 : i32
        %dma_wait3A_501 = arith.constant 0 : i32
        %dma_wait3A_502 = tpu.memref_slice %arg7[%dma_wait3A_483, %dma_wait3A_499, %dma_wait3A_500, %dma_wait3A_501] : memref<4x8x8x129xf32, #tpu.memory_space<vmem>> -> memref<1x8x8x128xf32, #tpu.memory_space<vmem>>
        %dma_wait3A_503 = tpu.memref_squeeze %dma_wait3A_502 : memref<1x8x8x128xf32, #tpu.memory_space<vmem>> -> memref<8x8x128xf32, #tpu.memory_space<vmem>>
        tpu.wait_dma2 semaphore(%arg14 : memref<!tpu.dma_semaphore, #tpu.memory_space<semaphore_mem>>) src(%dma_wait3A_503 : memref<8x8x128xf32, #tpu.memory_space<vmem>>) dst(%dma_wait3A_498 : memref<8x8x128xf32, #tpu.memory_space<hbm>>)
      } else {
      }
      %add3A_339 = arith.constant 0 : i32
      %add3A_340 = vector.broadcast %add3A_339 : i32 to vector<16xi32>
      %add3A_341 = arith.addi %shift_right_logical3A_6, %add3A_340 : vector<16xi32>
      %add3A_342 = arith.constant 2 : i32
      %add3A_343 = vector.broadcast %add3A_342 : i32 to vector<16xi32>
      %add3A_344 = arith.addi %shift_right_logical3A_6, %add3A_343 : vector<16xi32>
      %add3A_345 = arith.constant 4 : i32
      %add3A_346 = vector.broadcast %add3A_345 : i32 to vector<16xi32>
      %add3A_347 = arith.addi %shift_right_logical3A_6, %add3A_346 : vector<16xi32>
      %add3A_348 = arith.constant 6 : i32
      %add3A_349 = vector.broadcast %add3A_348 : i32 to vector<16xi32>
      %add3A_350 = arith.addi %shift_right_logical3A_6, %add3A_349 : vector<16xi32>
      %scan3A_351 = arith.constant 0 : i32
      %scan3A_352 = arith.constant 2 : i32
      %scan3A_353 = arith.constant 2 : i32
      %scan3A_354 = arith.constant 0 : i32
      %scan3A_355 = arith.constant 16 : i32
      %scan3A_356 = arith.addi %scan3A_354, %scan3A_355 : i32
      %scan3A_357 = arith.constant 1 : i32
      scf.for %scan3A_473 = %scan3A_354 to %scan3A_356 step %scan3A_357  : i32 {
        %mul3A_474 = arith.constant 8 : i32
        %mul3A_475 = arith.muli %scan3A_473, %mul3A_474 : i32
        %add3A_476 = arith.constant 0 : i32
        %add3A_477 = arith.addi %mul3A_475, %add3A_476 : i32
        %get3A = arith.constant 0 : i32
        %get3A_478 = arith.constant 0 : i32
        %get3A_479 = tpu.memref_slice %arg6[%scan3A_352, %get3A, %get3A_478] : memref<4x128x64xf32, #tpu.memory_space<vmem>> -> memref<1x128x64xf32, #tpu.memory_space<vmem>>
        %get3A_480 = tpu.memref_squeeze %get3A_479 : memref<1x128x64xf32, #tpu.memory_space<vmem>> -> memref<128x64xf32, #tpu.memory_space<vmem>>
        %get3A_481 = arith.index_cast %add3A_477 : i32 to index
        %get3A_482 = arith.constant 0 : index
        %get3A_483 = tpu.vector_load %get3A_480[%get3A_481, %get3A_482] {strides = array<i32>} : memref<128x64xf32, #tpu.memory_space<vmem>>, vector<16xf32>,
        %add3A_484 = arith.constant 0 : i32
        %add3A_485 = arith.addi %mul3A_475, %add3A_484 : i32
        %get3A_486 = arith.constant 0 : i32
        %get3A_487 = arith.constant 0 : i32
        %get3A_488 = tpu.memref_slice %arg6[%scan3A_352, %get3A_486, %get3A_487] : memref<4x128x64xf32, #tpu.memory_space<vmem>> -> memref<1x128x64xf32, #tpu.memory_space<vmem>>
        %get3A_489 = tpu.memref_squeeze %get3A_488 : memref<1x128x64xf32, #tpu.memory_space<vmem>> -> memref<128x64xf32, #tpu.memory_space<vmem>>
        %get3A_490 = arith.index_cast %add3A_485 : i32 to index
        %get3A_491 = arith.constant 16 : index
        %get3A_492 = tpu.vector_load %get3A_489[%get3A_490, %get3A_491] {strides = array<i32>} : memref<128x64xf32, #tpu.memory_space<vmem>>, vector<16xf32>,
        %add3A_493 = arith.constant 0 : i32
        %add3A_494 = arith.addi %mul3A_475, %add3A_493 : i32
        %get3A_495 = arith.constant 0 : i32
        %get3A_496 = arith.constant 0 : i32
        %get3A_497 = tpu.memref_slice %arg6[%scan3A_352, %get3A_495, %get3A_496] : memref<4x128x64xf32, #tpu.memory_space<vmem>> -> memref<1x128x64xf32, #tpu.memory_space<vmem>>
        %get3A_498 = tpu.memref_squeeze %get3A_497 : memref<1x128x64xf32, #tpu.memory_space<vmem>> -> memref<128x64xf32, #tpu.memory_space<vmem>>
        %get3A_499 = arith.index_cast %add3A_494 : i32 to index
        %get3A_500 = arith.constant 32 : index
        %get3A_501 = tpu.vector_load %get3A_498[%get3A_499, %get3A_500] {strides = array<i32>} : memref<128x64xf32, #tpu.memory_space<vmem>>, vector<16xf32>,
        %add3A_502 = arith.constant 0 : i32
        %add3A_503 = arith.addi %mul3A_475, %add3A_502 : i32
        %get3A_504 = arith.constant 0 : i32
        %get3A_505 = arith.constant 0 : i32
        %get3A_506 = tpu.memref_slice %arg6[%scan3A_352, %get3A_504, %get3A_505] : memref<4x128x64xf32, #tpu.memory_space<vmem>> -> memref<1x128x64xf32, #tpu.memory_space<vmem>>
        %get3A_507 = tpu.memref_squeeze %get3A_506 : memref<1x128x64xf32, #tpu.memory_space<vmem>> -> memref<128x64xf32, #tpu.memory_space<vmem>>
        %get3A_508 = arith.index_cast %add3A_503 : i32 to index
        %get3A_509 = arith.constant 48 : index
        %get3A_510 = tpu.vector_load %get3A_507[%get3A_508, %get3A_509] {strides = array<i32>} : memref<128x64xf32, #tpu.memory_space<vmem>>, vector<16xf32>,
        %add3A_511 = arith.constant 1 : i32
        %add3A_512 = arith.addi %mul3A_475, %add3A_511 : i32
        %get3A_513 = arith.constant 0 : i32
        %get3A_514 = arith.constant 0 : i32
        %get3A_515 = tpu.memref_slice %arg6[%scan3A_352, %get3A_513, %get3A_514] : memref<4x128x64xf32, #tpu.memory_space<vmem>> -> memref<1x128x64xf32, #tpu.memory_space<vmem>>
        %get3A_516 = tpu.memref_squeeze %get3A_515 : memref<1x128x64xf32, #tpu.memory_space<vmem>> -> memref<128x64xf32, #tpu.memory_space<vmem>>
        %get3A_517 = arith.index_cast %add3A_512 : i32 to index
        %get3A_518 = arith.constant 0 : index
        %get3A_519 = tpu.vector_load %get3A_516[%get3A_517, %get3A_518] {strides = array<i32>} : memref<128x64xf32, #tpu.memory_space<vmem>>, vector<16xf32>,
        %add3A_520 = arith.constant 1 : i32
        %add3A_521 = arith.addi %mul3A_475, %add3A_520 : i32
        %get3A_522 = arith.constant 0 : i32
        %get3A_523 = arith.constant 0 : i32
        %get3A_524 = tpu.memref_slice %arg6[%scan3A_352, %get3A_522, %get3A_523] : memref<4x128x64xf32, #tpu.memory_space<vmem>> -> memref<1x128x64xf32, #tpu.memory_space<vmem>>
        %get3A_525 = tpu.memref_squeeze %get3A_524 : memref<1x128x64xf32, #tpu.memory_space<vmem>> -> memref<128x64xf32, #tpu.memory_space<vmem>>
        %get3A_526 = arith.index_cast %add3A_521 : i32 to index
        %get3A_527 = arith.constant 16 : index
        %get3A_528 = tpu.vector_load %get3A_525[%get3A_526, %get3A_527] {strides = array<i32>} : memref<128x64xf32, #tpu.memory_space<vmem>>, vector<16xf32>,
        %add3A_529 = arith.constant 1 : i32
        %add3A_530 = arith.addi %mul3A_475, %add3A_529 : i32
        %get3A_531 = arith.constant 0 : i32
        %get3A_532 = arith.constant 0 : i32
        %get3A_533 = tpu.memref_slice %arg6[%scan3A_352, %get3A_531, %get3A_532] : memref<4x128x64xf32, #tpu.memory_space<vmem>> -> memref<1x128x64xf32, #tpu.memory_space<vmem>>
        %get3A_534 = tpu.memref_squeeze %get3A_533 : memref<1x128x64xf32, #tpu.memory_space<vmem>> -> memref<128x64xf32, #tpu.memory_space<vmem>>
        %get3A_535 = arith.index_cast %add3A_530 : i32 to index
        %get3A_536 = arith.constant 32 : index
        %get3A_537 = tpu.vector_load %get3A_534[%get3A_535, %get3A_536] {strides = array<i32>} : memref<128x64xf32, #tpu.memory_space<vmem>>, vector<16xf32>,
        %add3A_538 = arith.constant 1 : i32
        %add3A_539 = arith.addi %mul3A_475, %add3A_538 : i32
        %get3A_540 = arith.constant 0 : i32
        %get3A_541 = arith.constant 0 : i32
        %get3A_542 = tpu.memref_slice %arg6[%scan3A_352, %get3A_540, %get3A_541] : memref<4x128x64xf32, #tpu.memory_space<vmem>> -> memref<1x128x64xf32, #tpu.memory_space<vmem>>
        %get3A_543 = tpu.memref_squeeze %get3A_542 : memref<1x128x64xf32, #tpu.memory_space<vmem>> -> memref<128x64xf32, #tpu.memory_space<vmem>>
        %get3A_544 = arith.index_cast %add3A_539 : i32 to index
        %get3A_545 = arith.constant 48 : index
        %get3A_546 = tpu.vector_load %get3A_543[%get3A_544, %get3A_545] {strides = array<i32>} : memref<128x64xf32, #tpu.memory_space<vmem>>, vector<16xf32>,
        %add3A_547 = arith.constant 2 : i32
        %add3A_548 = arith.addi %mul3A_475, %add3A_547 : i32
        %get3A_549 = arith.constant 0 : i32
        %get3A_550 = arith.constant 0 : i32
        %get3A_551 = tpu.memref_slice %arg6[%scan3A_352, %get3A_549, %get3A_550] : memref<4x128x64xf32, #tpu.memory_space<vmem>> -> memref<1x128x64xf32, #tpu.memory_space<vmem>>
        %get3A_552 = tpu.memref_squeeze %get3A_551 : memref<1x128x64xf32, #tpu.memory_space<vmem>> -> memref<128x64xf32, #tpu.memory_space<vmem>>
        %get3A_553 = arith.index_cast %add3A_548 : i32 to index
        %get3A_554 = arith.constant 0 : index
        %get3A_555 = tpu.vector_load %get3A_552[%get3A_553, %get3A_554] {strides = array<i32>} : memref<128x64xf32, #tpu.memory_space<vmem>>, vector<16xf32>,
        %add3A_556 = arith.constant 2 : i32
        %add3A_557 = arith.addi %mul3A_475, %add3A_556 : i32
        %get3A_558 = arith.constant 0 : i32
        %get3A_559 = arith.constant 0 : i32
        %get3A_560 = tpu.memref_slice %arg6[%scan3A_352, %get3A_558, %get3A_559] : memref<4x128x64xf32, #tpu.memory_space<vmem>> -> memref<1x128x64xf32, #tpu.memory_space<vmem>>
        %get3A_561 = tpu.memref_squeeze %get3A_560 : memref<1x128x64xf32, #tpu.memory_space<vmem>> -> memref<128x64xf32, #tpu.memory_space<vmem>>
        %get3A_562 = arith.index_cast %add3A_557 : i32 to index
        %get3A_563 = arith.constant 16 : index
        %get3A_564 = tpu.vector_load %get3A_561[%get3A_562, %get3A_563] {strides = array<i32>} : memref<128x64xf32, #tpu.memory_space<vmem>>, vector<16xf32>,
        %add3A_565 = arith.constant 2 : i32
        %add3A_566 = arith.addi %mul3A_475, %add3A_565 : i32
        %get3A_567 = arith.constant 0 : i32
        %get3A_568 = arith.constant 0 : i32
        %get3A_569 = tpu.memref_slice %arg6[%scan3A_352, %get3A_567, %get3A_568] : memref<4x128x64xf32, #tpu.memory_space<vmem>> -> memref<1x128x64xf32, #tpu.memory_space<vmem>>
        %get3A_570 = tpu.memref_squeeze %get3A_569 : memref<1x128x64xf32, #tpu.memory_space<vmem>> -> memref<128x64xf32, #tpu.memory_space<vmem>>
        %get3A_571 = arith.index_cast %add3A_566 : i32 to index
        %get3A_572 = arith.constant 32 : index
        %get3A_573 = tpu.vector_load %get3A_570[%get3A_571, %get3A_572] {strides = array<i32>} : memref<128x64xf32, #tpu.memory_space<vmem>>, vector<16xf32>,
        %add3A_574 = arith.constant 2 : i32
        %add3A_575 = arith.addi %mul3A_475, %add3A_574 : i32
        %get3A_576 = arith.constant 0 : i32
        %get3A_577 = arith.constant 0 : i32
        %get3A_578 = tpu.memref_slice %arg6[%scan3A_352, %get3A_576, %get3A_577] : memref<4x128x64xf32, #tpu.memory_space<vmem>> -> memref<1x128x64xf32, #tpu.memory_space<vmem>>
        %get3A_579 = tpu.memref_squeeze %get3A_578 : memref<1x128x64xf32, #tpu.memory_space<vmem>> -> memref<128x64xf32, #tpu.memory_space<vmem>>
        %get3A_580 = arith.index_cast %add3A_575 : i32 to index
        %get3A_581 = arith.constant 48 : index
        %get3A_582 = tpu.vector_load %get3A_579[%get3A_580, %get3A_581] {strides = array<i32>} : memref<128x64xf32, #tpu.memory_space<vmem>>, vector<16xf32>,
        %add3A_583 = arith.constant 3 : i32
        %add3A_584 = arith.addi %mul3A_475, %add3A_583 : i32
        %get3A_585 = arith.constant 0 : i32
        %get3A_586 = arith.constant 0 : i32
        %get3A_587 = tpu.memref_slice %arg6[%scan3A_352, %get3A_585, %get3A_586] : memref<4x128x64xf32, #tpu.memory_space<vmem>> -> memref<1x128x64xf32, #tpu.memory_space<vmem>>
        %get3A_588 = tpu.memref_squeeze %get3A_587 : memref<1x128x64xf32, #tpu.memory_space<vmem>> -> memref<128x64xf32, #tpu.memory_space<vmem>>
        %get3A_589 = arith.index_cast %add3A_584 : i32 to index
        %get3A_590 = arith.constant 0 : index
        %get3A_591 = tpu.vector_load %get3A_588[%get3A_589, %get3A_590] {strides = array<i32>} : memref<128x64xf32, #tpu.memory_space<vmem>>, vector<16xf32>,
        %add3A_592 = arith.constant 3 : i32
        %add3A_593 = arith.addi %mul3A_475, %add3A_592 : i32
        %get3A_594 = arith.constant 0 : i32
        %get3A_595 = arith.constant 0 : i32
        %get3A_596 = tpu.memref_slice %arg6[%scan3A_352, %get3A_594, %get3A_595] : memref<4x128x64xf32, #tpu.memory_space<vmem>> -> memref<1x128x64xf32, #tpu.memory_space<vmem>>
        %get3A_597 = tpu.memref_squeeze %get3A_596 : memref<1x128x64xf32, #tpu.memory_space<vmem>> -> memref<128x64xf32, #tpu.memory_space<vmem>>
        %get3A_598 = arith.index_cast %add3A_593 : i32 to index
        %get3A_599 = arith.constant 16 : index
        %get3A_600 = tpu.vector_load %get3A_597[%get3A_598, %get3A_599] {strides = array<i32>} : memref<128x64xf32, #tpu.memory_space<vmem>>, vector<16xf32>,
        %add3A_601 = arith.constant 3 : i32
        %add3A_602 = arith.addi %mul3A_475, %add3A_601 : i32
        %get3A_603 = arith.constant 0 : i32
        %get3A_604 = arith.constant 0 : i32
        %get3A_605 = tpu.memref_slice %arg6[%scan3A_352, %get3A_603, %get3A_604] : memref<4x128x64xf32, #tpu.memory_space<vmem>> -> memref<1x128x64xf32, #tpu.memory_space<vmem>>
        %get3A_606 = tpu.memref_squeeze %get3A_605 : memref<1x128x64xf32, #tpu.memory_space<vmem>> -> memref<128x64xf32, #tpu.memory_space<vmem>>
        %get3A_607 = arith.index_cast %add3A_602 : i32 to index
        %get3A_608 = arith.constant 32 : index
        %get3A_609 = tpu.vector_load %get3A_606[%get3A_607, %get3A_608] {strides = array<i32>} : memref<128x64xf32, #tpu.memory_space<vmem>>, vector<16xf32>,
        %add3A_610 = arith.constant 3 : i32
        %add3A_611 = arith.addi %mul3A_475, %add3A_610 : i32
        %get3A_612 = arith.constant 0 : i32
        %get3A_613 = arith.constant 0 : i32
        %get3A_614 = tpu.memref_slice %arg6[%scan3A_352, %get3A_612, %get3A_613] : memref<4x128x64xf32, #tpu.memory_space<vmem>> -> memref<1x128x64xf32, #tpu.memory_space<vmem>>
        %get3A_615 = tpu.memref_squeeze %get3A_614 : memref<1x128x64xf32, #tpu.memory_space<vmem>> -> memref<128x64xf32, #tpu.memory_space<vmem>>
        %get3A_616 = arith.index_cast %add3A_611 : i32 to index
        %get3A_617 = arith.constant 48 : index
        %get3A_618 = tpu.vector_load %get3A_615[%get3A_616, %get3A_617] {strides = array<i32>} : memref<128x64xf32, #tpu.memory_space<vmem>>, vector<16xf32>,
        %add3A_619 = arith.constant 4 : i32
        %add3A_620 = arith.addi %mul3A_475, %add3A_619 : i32
        %get3A_621 = arith.constant 0 : i32
        %get3A_622 = arith.constant 0 : i32
        %get3A_623 = tpu.memref_slice %arg6[%scan3A_352, %get3A_621, %get3A_622] : memref<4x128x64xf32, #tpu.memory_space<vmem>> -> memref<1x128x64xf32, #tpu.memory_space<vmem>>
        %get3A_624 = tpu.memref_squeeze %get3A_623 : memref<1x128x64xf32, #tpu.memory_space<vmem>> -> memref<128x64xf32, #tpu.memory_space<vmem>>
        %get3A_625 = arith.index_cast %add3A_620 : i32 to index
        %get3A_626 = arith.constant 0 : index
        %get3A_627 = tpu.vector_load %get3A_624[%get3A_625, %get3A_626] {strides = array<i32>} : memref<128x64xf32, #tpu.memory_space<vmem>>, vector<16xf32>,
        %add3A_628 = arith.constant 4 : i32
        %add3A_629 = arith.addi %mul3A_475, %add3A_628 : i32
        %get3A_630 = arith.constant 0 : i32
        %get3A_631 = arith.constant 0 : i32
        %get3A_632 = tpu.memref_slice %arg6[%scan3A_352, %get3A_630, %get3A_631] : memref<4x128x64xf32, #tpu.memory_space<vmem>> -> memref<1x128x64xf32, #tpu.memory_space<vmem>>
        %get3A_633 = tpu.memref_squeeze %get3A_632 : memref<1x128x64xf32, #tpu.memory_space<vmem>> -> memref<128x64xf32, #tpu.memory_space<vmem>>
        %get3A_634 = arith.index_cast %add3A_629 : i32 to index
        %get3A_635 = arith.constant 16 : index
        %get3A_636 = tpu.vector_load %get3A_633[%get3A_634, %get3A_635] {strides = array<i32>} : memref<128x64xf32, #tpu.memory_space<vmem>>, vector<16xf32>,
        %add3A_637 = arith.constant 4 : i32
        %add3A_638 = arith.addi %mul3A_475, %add3A_637 : i32
        %get3A_639 = arith.constant 0 : i32
        %get3A_640 = arith.constant 0 : i32
        %get3A_641 = tpu.memref_slice %arg6[%scan3A_352, %get3A_639, %get3A_640] : memref<4x128x64xf32, #tpu.memory_space<vmem>> -> memref<1x128x64xf32, #tpu.memory_space<vmem>>
        %get3A_642 = tpu.memref_squeeze %get3A_641 : memref<1x128x64xf32, #tpu.memory_space<vmem>> -> memref<128x64xf32, #tpu.memory_space<vmem>>
        %get3A_643 = arith.index_cast %add3A_638 : i32 to index
        %get3A_644 = arith.constant 32 : index
        %get3A_645 = tpu.vector_load %get3A_642[%get3A_643, %get3A_644] {strides = array<i32>} : memref<128x64xf32, #tpu.memory_space<vmem>>, vector<16xf32>,
        %add3A_646 = arith.constant 4 : i32
        %add3A_647 = arith.addi %mul3A_475, %add3A_646 : i32
        %get3A_648 = arith.constant 0 : i32
        %get3A_649 = arith.constant 0 : i32
        %get3A_650 = tpu.memref_slice %arg6[%scan3A_352, %get3A_648, %get3A_649] : memref<4x128x64xf32, #tpu.memory_space<vmem>> -> memref<1x128x64xf32, #tpu.memory_space<vmem>>
        %get3A_651 = tpu.memref_squeeze %get3A_650 : memref<1x128x64xf32, #tpu.memory_space<vmem>> -> memref<128x64xf32, #tpu.memory_space<vmem>>
        %get3A_652 = arith.index_cast %add3A_647 : i32 to index
        %get3A_653 = arith.constant 48 : index
        %get3A_654 = tpu.vector_load %get3A_651[%get3A_652, %get3A_653] {strides = array<i32>} : memref<128x64xf32, #tpu.memory_space<vmem>>, vector<16xf32>,
        %add3A_655 = arith.constant 5 : i32
        %add3A_656 = arith.addi %mul3A_475, %add3A_655 : i32
        %get3A_657 = arith.constant 0 : i32
        %get3A_658 = arith.constant 0 : i32
        %get3A_659 = tpu.memref_slice %arg6[%scan3A_352, %get3A_657, %get3A_658] : memref<4x128x64xf32, #tpu.memory_space<vmem>> -> memref<1x128x64xf32, #tpu.memory_space<vmem>>
        %get3A_660 = tpu.memref_squeeze %get3A_659 : memref<1x128x64xf32, #tpu.memory_space<vmem>> -> memref<128x64xf32, #tpu.memory_space<vmem>>
        %get3A_661 = arith.index_cast %add3A_656 : i32 to index
        %get3A_662 = arith.constant 0 : index
        %get3A_663 = tpu.vector_load %get3A_660[%get3A_661, %get3A_662] {strides = array<i32>} : memref<128x64xf32, #tpu.memory_space<vmem>>, vector<16xf32>,
        %add3A_664 = arith.constant 5 : i32
        %add3A_665 = arith.addi %mul3A_475, %add3A_664 : i32
        %get3A_666 = arith.constant 0 : i32
        %get3A_667 = arith.constant 0 : i32
        %get3A_668 = tpu.memref_slice %arg6[%scan3A_352, %get3A_666, %get3A_667] : memref<4x128x64xf32, #tpu.memory_space<vmem>> -> memref<1x128x64xf32, #tpu.memory_space<vmem>>
        %get3A_669 = tpu.memref_squeeze %get3A_668 : memref<1x128x64xf32, #tpu.memory_space<vmem>> -> memref<128x64xf32, #tpu.memory_space<vmem>>
        %get3A_670 = arith.index_cast %add3A_665 : i32 to index
        %get3A_671 = arith.constant 16 : index
        %get3A_672 = tpu.vector_load %get3A_669[%get3A_670, %get3A_671] {strides = array<i32>} : memref<128x64xf32, #tpu.memory_space<vmem>>, vector<16xf32>,
        %add3A_673 = arith.constant 5 : i32
        %add3A_674 = arith.addi %mul3A_475, %add3A_673 : i32
        %get3A_675 = arith.constant 0 : i32
        %get3A_676 = arith.constant 0 : i32
        %get3A_677 = tpu.memref_slice %arg6[%scan3A_352, %get3A_675, %get3A_676] : memref<4x128x64xf32, #tpu.memory_space<vmem>> -> memref<1x128x64xf32, #tpu.memory_space<vmem>>
        %get3A_678 = tpu.memref_squeeze %get3A_677 : memref<1x128x64xf32, #tpu.memory_space<vmem>> -> memref<128x64xf32, #tpu.memory_space<vmem>>
        %get3A_679 = arith.index_cast %add3A_674 : i32 to index
        %get3A_680 = arith.constant 32 : index
        %get3A_681 = tpu.vector_load %get3A_678[%get3A_679, %get3A_680] {strides = array<i32>} : memref<128x64xf32, #tpu.memory_space<vmem>>, vector<16xf32>,
        %add3A_682 = arith.constant 5 : i32
        %add3A_683 = arith.addi %mul3A_475, %add3A_682 : i32
        %get3A_684 = arith.constant 0 : i32
        %get3A_685 = arith.constant 0 : i32
        %get3A_686 = tpu.memref_slice %arg6[%scan3A_352, %get3A_684, %get3A_685] : memref<4x128x64xf32, #tpu.memory_space<vmem>> -> memref<1x128x64xf32, #tpu.memory_space<vmem>>
        %get3A_687 = tpu.memref_squeeze %get3A_686 : memref<1x128x64xf32, #tpu.memory_space<vmem>> -> memref<128x64xf32, #tpu.memory_space<vmem>>
        %get3A_688 = arith.index_cast %add3A_683 : i32 to index
        %get3A_689 = arith.constant 48 : index
        %get3A_690 = tpu.vector_load %get3A_687[%get3A_688, %get3A_689] {strides = array<i32>} : memref<128x64xf32, #tpu.memory_space<vmem>>, vector<16xf32>,
        %add3A_691 = arith.constant 6 : i32
        %add3A_692 = arith.addi %mul3A_475, %add3A_691 : i32
        %get3A_693 = arith.constant 0 : i32
        %get3A_694 = arith.constant 0 : i32
        %get3A_695 = tpu.memref_slice %arg6[%scan3A_352, %get3A_693, %get3A_694] : memref<4x128x64xf32, #tpu.memory_space<vmem>> -> memref<1x128x64xf32, #tpu.memory_space<vmem>>
        %get3A_696 = tpu.memref_squeeze %get3A_695 : memref<1x128x64xf32, #tpu.memory_space<vmem>> -> memref<128x64xf32, #tpu.memory_space<vmem>>
        %get3A_697 = arith.index_cast %add3A_692 : i32 to index
        %get3A_698 = arith.constant 0 : index
        %get3A_699 = tpu.vector_load %get3A_696[%get3A_697, %get3A_698] {strides = array<i32>} : memref<128x64xf32, #tpu.memory_space<vmem>>, vector<16xf32>,
        %add3A_700 = arith.constant 6 : i32
        %add3A_701 = arith.addi %mul3A_475, %add3A_700 : i32
        %get3A_702 = arith.constant 0 : i32
        %get3A_703 = arith.constant 0 : i32
        %get3A_704 = tpu.memref_slice %arg6[%scan3A_352, %get3A_702, %get3A_703] : memref<4x128x64xf32, #tpu.memory_space<vmem>> -> memref<1x128x64xf32, #tpu.memory_space<vmem>>
        %get3A_705 = tpu.memref_squeeze %get3A_704 : memref<1x128x64xf32, #tpu.memory_space<vmem>> -> memref<128x64xf32, #tpu.memory_space<vmem>>
        %get3A_706 = arith.index_cast %add3A_701 : i32 to index
        %get3A_707 = arith.constant 16 : index
        %get3A_708 = tpu.vector_load %get3A_705[%get3A_706, %get3A_707] {strides = array<i32>} : memref<128x64xf32, #tpu.memory_space<vmem>>, vector<16xf32>,
        %add3A_709 = arith.constant 6 : i32
        %add3A_710 = arith.addi %mul3A_475, %add3A_709 : i32
        %get3A_711 = arith.constant 0 : i32
        %get3A_712 = arith.constant 0 : i32
        %get3A_713 = tpu.memref_slice %arg6[%scan3A_352, %get3A_711, %get3A_712] : memref<4x128x64xf32, #tpu.memory_space<vmem>> -> memref<1x128x64xf32, #tpu.memory_space<vmem>>
        %get3A_714 = tpu.memref_squeeze %get3A_713 : memref<1x128x64xf32, #tpu.memory_space<vmem>> -> memref<128x64xf32, #tpu.memory_space<vmem>>
        %get3A_715 = arith.index_cast %add3A_710 : i32 to index
        %get3A_716 = arith.constant 32 : index
        %get3A_717 = tpu.vector_load %get3A_714[%get3A_715, %get3A_716] {strides = array<i32>} : memref<128x64xf32, #tpu.memory_space<vmem>>, vector<16xf32>,
        %add3A_718 = arith.constant 6 : i32
        %add3A_719 = arith.addi %mul3A_475, %add3A_718 : i32
        %get3A_720 = arith.constant 0 : i32
        %get3A_721 = arith.constant 0 : i32
        %get3A_722 = tpu.memref_slice %arg6[%scan3A_352, %get3A_720, %get3A_721] : memref<4x128x64xf32, #tpu.memory_space<vmem>> -> memref<1x128x64xf32, #tpu.memory_space<vmem>>
        %get3A_723 = tpu.memref_squeeze %get3A_722 : memref<1x128x64xf32, #tpu.memory_space<vmem>> -> memref<128x64xf32, #tpu.memory_space<vmem>>
        %get3A_724 = arith.index_cast %add3A_719 : i32 to index
        %get3A_725 = arith.constant 48 : index
        %get3A_726 = tpu.vector_load %get3A_723[%get3A_724, %get3A_725] {strides = array<i32>} : memref<128x64xf32, #tpu.memory_space<vmem>>, vector<16xf32>,
        %add3A_727 = arith.constant 7 : i32
        %add3A_728 = arith.addi %mul3A_475, %add3A_727 : i32
        %get3A_729 = arith.constant 0 : i32
        %get3A_730 = arith.constant 0 : i32
        %get3A_731 = tpu.memref_slice %arg6[%scan3A_352, %get3A_729, %get3A_730] : memref<4x128x64xf32, #tpu.memory_space<vmem>> -> memref<1x128x64xf32, #tpu.memory_space<vmem>>
        %get3A_732 = tpu.memref_squeeze %get3A_731 : memref<1x128x64xf32, #tpu.memory_space<vmem>> -> memref<128x64xf32, #tpu.memory_space<vmem>>
        %get3A_733 = arith.index_cast %add3A_728 : i32 to index
        %get3A_734 = arith.constant 0 : index
        %get3A_735 = tpu.vector_load %get3A_732[%get3A_733, %get3A_734] {strides = array<i32>} : memref<128x64xf32, #tpu.memory_space<vmem>>, vector<16xf32>,
        %add3A_736 = arith.constant 7 : i32
        %add3A_737 = arith.addi %mul3A_475, %add3A_736 : i32
        %get3A_738 = arith.constant 0 : i32
        %get3A_739 = arith.constant 0 : i32
        %get3A_740 = tpu.memref_slice %arg6[%scan3A_352, %get3A_738, %get3A_739] : memref<4x128x64xf32, #tpu.memory_space<vmem>> -> memref<1x128x64xf32, #tpu.memory_space<vmem>>
        %get3A_741 = tpu.memref_squeeze %get3A_740 : memref<1x128x64xf32, #tpu.memory_space<vmem>> -> memref<128x64xf32, #tpu.memory_space<vmem>>
        %get3A_742 = arith.index_cast %add3A_737 : i32 to index
        %get3A_743 = arith.constant 16 : index
        %get3A_744 = tpu.vector_load %get3A_741[%get3A_742, %get3A_743] {strides = array<i32>} : memref<128x64xf32, #tpu.memory_space<vmem>>, vector<16xf32>,
        %add3A_745 = arith.constant 7 : i32
        %add3A_746 = arith.addi %mul3A_475, %add3A_745 : i32
        %get3A_747 = arith.constant 0 : i32
        %get3A_748 = arith.constant 0 : i32
        %get3A_749 = tpu.memref_slice %arg6[%scan3A_352, %get3A_747, %get3A_748] : memref<4x128x64xf32, #tpu.memory_space<vmem>> -> memref<1x128x64xf32, #tpu.memory_space<vmem>>
        %get3A_750 = tpu.memref_squeeze %get3A_749 : memref<1x128x64xf32, #tpu.memory_space<vmem>> -> memref<128x64xf32, #tpu.memory_space<vmem>>
        %get3A_751 = arith.index_cast %add3A_746 : i32 to index
        %get3A_752 = arith.constant 32 : index
        %get3A_753 = tpu.vector_load %get3A_750[%get3A_751, %get3A_752] {strides = array<i32>} : memref<128x64xf32, #tpu.memory_space<vmem>>, vector<16xf32>,
        %add3A_754 = arith.constant 7 : i32
        %add3A_755 = arith.addi %mul3A_475, %add3A_754 : i32
        %get3A_756 = arith.constant 0 : i32
        %get3A_757 = arith.constant 0 : i32
        %get3A_758 = tpu.memref_slice %arg6[%scan3A_352, %get3A_756, %get3A_757] : memref<4x128x64xf32, #tpu.memory_space<vmem>> -> memref<1x128x64xf32, #tpu.memory_space<vmem>>
        %get3A_759 = tpu.memref_squeeze %get3A_758 : memref<1x128x64xf32, #tpu.memory_space<vmem>> -> memref<128x64xf32, #tpu.memory_space<vmem>>
        %get3A_760 = arith.index_cast %add3A_755 : i32 to index
        %get3A_761 = arith.constant 48 : index
        %get3A_762 = tpu.vector_load %get3A_759[%get3A_760, %get3A_761] {strides = array<i32>} : memref<128x64xf32, #tpu.memory_space<vmem>>, vector<16xf32>,
        %add3A_763 = arith.constant 0 : i32
        %add3A_764 = arith.addi %mul3A_475, %add3A_763 : i32
        %broadcast_in_dim3A = vector.broadcast %add3A_764 : i32 to vector<16xi32>
        %add3A_765 = arith.constant 1 : i32
        %add3A_766 = arith.addi %mul3A_475, %add3A_765 : i32
        %broadcast_in_dim3A_767 = vector.broadcast %add3A_766 : i32 to vector<16xi32>
        %add3A_768 = arith.constant 2 : i32
        %add3A_769 = arith.addi %mul3A_475, %add3A_768 : i32
        %broadcast_in_dim3A_770 = vector.broadcast %add3A_769 : i32 to vector<16xi32>
        %add3A_771 = arith.constant 3 : i32
        %add3A_772 = arith.addi %mul3A_475, %add3A_771 : i32
        %broadcast_in_dim3A_773 = vector.broadcast %add3A_772 : i32 to vector<16xi32>
        %add3A_774 = arith.constant 4 : i32
        %add3A_775 = arith.addi %mul3A_475, %add3A_774 : i32
        %broadcast_in_dim3A_776 = vector.broadcast %add3A_775 : i32 to vector<16xi32>
        %add3A_777 = arith.constant 5 : i32
        %add3A_778 = arith.addi %mul3A_475, %add3A_777 : i32
        %broadcast_in_dim3A_779 = vector.broadcast %add3A_778 : i32 to vector<16xi32>
        %add3A_780 = arith.constant 6 : i32
        %add3A_781 = arith.addi %mul3A_475, %add3A_780 : i32
        %broadcast_in_dim3A_782 = vector.broadcast %add3A_781 : i32 to vector<16xi32>
        %add3A_783 = arith.constant 7 : i32
        %add3A_784 = arith.addi %mul3A_475, %add3A_783 : i32
        %broadcast_in_dim3A_785 = vector.broadcast %add3A_784 : i32 to vector<16xi32>
        %scatter3A = arith.constant 0 : i32
        %scatter3A_786 = arith.constant 0 : i32
        %scatter3A_787 = arith.constant 0 : i32
        %scatter3A_788 = tpu.memref_slice %arg7[%scan3A_353, %scatter3A, %scatter3A_786, %scatter3A_787] : memref<4x8x8x129xf32, #tpu.memory_space<vmem>> -> memref<1x8x8x129xf32, #tpu.memory_space<vmem>>
        %scatter3A_789 = tpu.memref_squeeze %scatter3A_788 : memref<1x8x8x129xf32, #tpu.memory_space<vmem>> -> memref<8x8x129xf32, #tpu.memory_space<vmem>>
        tpu.vector_store_idx %scatter3A_789[%add3A_341, %and3A_8, %broadcast_in_dim3A], %get3A_483 : memref<8x8x129xf32, #tpu.memory_space<vmem>>[vector<16xi32>, vector<16xi32>, vector<16xi32>], vector<16xf32>,
        %scatter3A_790 = arith.constant 0 : i32
        %scatter3A_791 = arith.constant 0 : i32
        %scatter3A_792 = arith.constant 0 : i32
        %scatter3A_793 = tpu.memref_slice %arg7[%scan3A_353, %scatter3A_790, %scatter3A_791, %scatter3A_792] : memref<4x8x8x129xf32, #tpu.memory_space<vmem>> -> memref<1x8x8x129xf32, #tpu.memory_space<vmem>>
        %scatter3A_794 = tpu.memref_squeeze %scatter3A_793 : memref<1x8x8x129xf32, #tpu.memory_space<vmem>> -> memref<8x8x129xf32, #tpu.memory_space<vmem>>
        tpu.vector_store_idx %scatter3A_794[%add3A_344, %and3A_8, %broadcast_in_dim3A], %get3A_492 : memref<8x8x129xf32, #tpu.memory_space<vmem>>[vector<16xi32>, vector<16xi32>, vector<16xi32>], vector<16xf32>,
        %scatter3A_795 = arith.constant 0 : i32
        %scatter3A_796 = arith.constant 0 : i32
        %scatter3A_797 = arith.constant 0 : i32
        %scatter3A_798 = tpu.memref_slice %arg7[%scan3A_353, %scatter3A_795, %scatter3A_796, %scatter3A_797] : memref<4x8x8x129xf32, #tpu.memory_space<vmem>> -> memref<1x8x8x129xf32, #tpu.memory_space<vmem>>
        %scatter3A_799 = tpu.memref_squeeze %scatter3A_798 : memref<1x8x8x129xf32, #tpu.memory_space<vmem>> -> memref<8x8x129xf32, #tpu.memory_space<vmem>>
        tpu.vector_store_idx %scatter3A_799[%add3A_347, %and3A_8, %broadcast_in_dim3A], %get3A_501 : memref<8x8x129xf32, #tpu.memory_space<vmem>>[vector<16xi32>, vector<16xi32>, vector<16xi32>], vector<16xf32>,
        %scatter3A_800 = arith.constant 0 : i32
        %scatter3A_801 = arith.constant 0 : i32
        %scatter3A_802 = arith.constant 0 : i32
        %scatter3A_803 = tpu.memref_slice %arg7[%scan3A_353, %scatter3A_800, %scatter3A_801, %scatter3A_802] : memref<4x8x8x129xf32, #tpu.memory_space<vmem>> -> memref<1x8x8x129xf32, #tpu.memory_space<vmem>>
        %scatter3A_804 = tpu.memref_squeeze %scatter3A_803 : memref<1x8x8x129xf32, #tpu.memory_space<vmem>> -> memref<8x8x129xf32, #tpu.memory_space<vmem>>
        tpu.vector_store_idx %scatter3A_804[%add3A_350, %and3A_8, %broadcast_in_dim3A], %get3A_510 : memref<8x8x129xf32, #tpu.memory_space<vmem>>[vector<16xi32>, vector<16xi32>, vector<16xi32>], vector<16xf32>,
        %scatter3A_805 = arith.constant 0 : i32
        %scatter3A_806 = arith.constant 0 : i32
        %scatter3A_807 = arith.constant 0 : i32
        %scatter3A_808 = tpu.memref_slice %arg7[%scan3A_353, %scatter3A_805, %scatter3A_806, %scatter3A_807] : memref<4x8x8x129xf32, #tpu.memory_space<vmem>> -> memref<1x8x8x129xf32, #tpu.memory_space<vmem>>
        %scatter3A_809 = tpu.memref_squeeze %scatter3A_808 : memref<1x8x8x129xf32, #tpu.memory_space<vmem>> -> memref<8x8x129xf32, #tpu.memory_space<vmem>>
        tpu.vector_store_idx %scatter3A_809[%add3A_341, %and3A_8, %broadcast_in_dim3A_767], %get3A_519 : memref<8x8x129xf32, #tpu.memory_space<vmem>>[vector<16xi32>, vector<16xi32>, vector<16xi32>], vector<16xf32>,
        %scatter3A_810 = arith.constant 0 : i32
        %scatter3A_811 = arith.constant 0 : i32
        %scatter3A_812 = arith.constant 0 : i32
        %scatter3A_813 = tpu.memref_slice %arg7[%scan3A_353, %scatter3A_810, %scatter3A_811, %scatter3A_812] : memref<4x8x8x129xf32, #tpu.memory_space<vmem>> -> memref<1x8x8x129xf32, #tpu.memory_space<vmem>>
        %scatter3A_814 = tpu.memref_squeeze %scatter3A_813 : memref<1x8x8x129xf32, #tpu.memory_space<vmem>> -> memref<8x8x129xf32, #tpu.memory_space<vmem>>
        tpu.vector_store_idx %scatter3A_814[%add3A_344, %and3A_8, %broadcast_in_dim3A_767], %get3A_528 : memref<8x8x129xf32, #tpu.memory_space<vmem>>[vector<16xi32>, vector<16xi32>, vector<16xi32>], vector<16xf32>,
        %scatter3A_815 = arith.constant 0 : i32
        %scatter3A_816 = arith.constant 0 : i32
        %scatter3A_817 = arith.constant 0 : i32
        %scatter3A_818 = tpu.memref_slice %arg7[%scan3A_353, %scatter3A_815, %scatter3A_816, %scatter3A_817] : memref<4x8x8x129xf32, #tpu.memory_space<vmem>> -> memref<1x8x8x129xf32, #tpu.memory_space<vmem>>
        %scatter3A_819 = tpu.memref_squeeze %scatter3A_818 : memref<1x8x8x129xf32, #tpu.memory_space<vmem>> -> memref<8x8x129xf32, #tpu.memory_space<vmem>>
        tpu.vector_store_idx %scatter3A_819[%add3A_347, %and3A_8, %broadcast_in_dim3A_767], %get3A_537 : memref<8x8x129xf32, #tpu.memory_space<vmem>>[vector<16xi32>, vector<16xi32>, vector<16xi32>], vector<16xf32>,
        %scatter3A_820 = arith.constant 0 : i32
        %scatter3A_821 = arith.constant 0 : i32
        %scatter3A_822 = arith.constant 0 : i32
        %scatter3A_823 = tpu.memref_slice %arg7[%scan3A_353, %scatter3A_820, %scatter3A_821, %scatter3A_822] : memref<4x8x8x129xf32, #tpu.memory_space<vmem>> -> memref<1x8x8x129xf32, #tpu.memory_space<vmem>>
        %scatter3A_824 = tpu.memref_squeeze %scatter3A_823 : memref<1x8x8x129xf32, #tpu.memory_space<vmem>> -> memref<8x8x129xf32, #tpu.memory_space<vmem>>
        tpu.vector_store_idx %scatter3A_824[%add3A_350, %and3A_8, %broadcast_in_dim3A_767], %get3A_546 : memref<8x8x129xf32, #tpu.memory_space<vmem>>[vector<16xi32>, vector<16xi32>, vector<16xi32>], vector<16xf32>,
        %scatter3A_825 = arith.constant 0 : i32
        %scatter3A_826 = arith.constant 0 : i32
        %scatter3A_827 = arith.constant 0 : i32
        %scatter3A_828 = tpu.memref_slice %arg7[%scan3A_353, %scatter3A_825, %scatter3A_826, %scatter3A_827] : memref<4x8x8x129xf32, #tpu.memory_space<vmem>> -> memref<1x8x8x129xf32, #tpu.memory_space<vmem>>
        %scatter3A_829 = tpu.memref_squeeze %scatter3A_828 : memref<1x8x8x129xf32, #tpu.memory_space<vmem>> -> memref<8x8x129xf32, #tpu.memory_space<vmem>>
        tpu.vector_store_idx %scatter3A_829[%add3A_341, %and3A_8, %broadcast_in_dim3A_770], %get3A_555 : memref<8x8x129xf32, #tpu.memory_space<vmem>>[vector<16xi32>, vector<16xi32>, vector<16xi32>], vector<16xf32>,
        %scatter3A_830 = arith.constant 0 : i32
        %scatter3A_831 = arith.constant 0 : i32
        %scatter3A_832 = arith.constant 0 : i32
        %scatter3A_833 = tpu.memref_slice %arg7[%scan3A_353, %scatter3A_830, %scatter3A_831, %scatter3A_832] : memref<4x8x8x129xf32, #tpu.memory_space<vmem>> -> memref<1x8x8x129xf32, #tpu.memory_space<vmem>>
        %scatter3A_834 = tpu.memref_squeeze %scatter3A_833 : memref<1x8x8x129xf32, #tpu.memory_space<vmem>> -> memref<8x8x129xf32, #tpu.memory_space<vmem>>
        tpu.vector_store_idx %scatter3A_834[%add3A_344, %and3A_8, %broadcast_in_dim3A_770], %get3A_564 : memref<8x8x129xf32, #tpu.memory_space<vmem>>[vector<16xi32>, vector<16xi32>, vector<16xi32>], vector<16xf32>,
        %scatter3A_835 = arith.constant 0 : i32
        %scatter3A_836 = arith.constant 0 : i32
        %scatter3A_837 = arith.constant 0 : i32
        %scatter3A_838 = tpu.memref_slice %arg7[%scan3A_353, %scatter3A_835, %scatter3A_836, %scatter3A_837] : memref<4x8x8x129xf32, #tpu.memory_space<vmem>> -> memref<1x8x8x129xf32, #tpu.memory_space<vmem>>
        %scatter3A_839 = tpu.memref_squeeze %scatter3A_838 : memref<1x8x8x129xf32, #tpu.memory_space<vmem>> -> memref<8x8x129xf32, #tpu.memory_space<vmem>>
        tpu.vector_store_idx %scatter3A_839[%add3A_347, %and3A_8, %broadcast_in_dim3A_770], %get3A_573 : memref<8x8x129xf32, #tpu.memory_space<vmem>>[vector<16xi32>, vector<16xi32>, vector<16xi32>], vector<16xf32>,
        %scatter3A_840 = arith.constant 0 : i32
        %scatter3A_841 = arith.constant 0 : i32
        %scatter3A_842 = arith.constant 0 : i32
        %scatter3A_843 = tpu.memref_slice %arg7[%scan3A_353, %scatter3A_840, %scatter3A_841, %scatter3A_842] : memref<4x8x8x129xf32, #tpu.memory_space<vmem>> -> memref<1x8x8x129xf32, #tpu.memory_space<vmem>>
        %scatter3A_844 = tpu.memref_squeeze %scatter3A_843 : memref<1x8x8x129xf32, #tpu.memory_space<vmem>> -> memref<8x8x129xf32, #tpu.memory_space<vmem>>
        tpu.vector_store_idx %scatter3A_844[%add3A_350, %and3A_8, %broadcast_in_dim3A_770], %get3A_582 : memref<8x8x129xf32, #tpu.memory_space<vmem>>[vector<16xi32>, vector<16xi32>, vector<16xi32>], vector<16xf32>,
        %scatter3A_845 = arith.constant 0 : i32
        %scatter3A_846 = arith.constant 0 : i32
        %scatter3A_847 = arith.constant 0 : i32
        %scatter3A_848 = tpu.memref_slice %arg7[%scan3A_353, %scatter3A_845, %scatter3A_846, %scatter3A_847] : memref<4x8x8x129xf32, #tpu.memory_space<vmem>> -> memref<1x8x8x129xf32, #tpu.memory_space<vmem>>
        %scatter3A_849 = tpu.memref_squeeze %scatter3A_848 : memref<1x8x8x129xf32, #tpu.memory_space<vmem>> -> memref<8x8x129xf32, #tpu.memory_space<vmem>>
        tpu.vector_store_idx %scatter3A_849[%add3A_341, %and3A_8, %broadcast_in_dim3A_773], %get3A_591 : memref<8x8x129xf32, #tpu.memory_space<vmem>>[vector<16xi32>, vector<16xi32>, vector<16xi32>], vector<16xf32>,
        %scatter3A_850 = arith.constant 0 : i32
        %scatter3A_851 = arith.constant 0 : i32
        %scatter3A_852 = arith.constant 0 : i32
        %scatter3A_853 = tpu.memref_slice %arg7[%scan3A_353, %scatter3A_850, %scatter3A_851, %scatter3A_852] : memref<4x8x8x129xf32, #tpu.memory_space<vmem>> -> memref<1x8x8x129xf32, #tpu.memory_space<vmem>>
        %scatter3A_854 = tpu.memref_squeeze %scatter3A_853 : memref<1x8x8x129xf32, #tpu.memory_space<vmem>> -> memref<8x8x129xf32, #tpu.memory_space<vmem>>
        tpu.vector_store_idx %scatter3A_854[%add3A_344, %and3A_8, %broadcast_in_dim3A_773], %get3A_600 : memref<8x8x129xf32, #tpu.memory_space<vmem>>[vector<16xi32>, vector<16xi32>, vector<16xi32>], vector<16xf32>,
        %scatter3A_855 = arith.constant 0 : i32
        %scatter3A_856 = arith.constant 0 : i32
        %scatter3A_857 = arith.constant 0 : i32
        %scatter3A_858 = tpu.memref_slice %arg7[%scan3A_353, %scatter3A_855, %scatter3A_856, %scatter3A_857] : memref<4x8x8x129xf32, #tpu.memory_space<vmem>> -> memref<1x8x8x129xf32, #tpu.memory_space<vmem>>
        %scatter3A_859 = tpu.memref_squeeze %scatter3A_858 : memref<1x8x8x129xf32, #tpu.memory_space<vmem>> -> memref<8x8x129xf32, #tpu.memory_space<vmem>>
        tpu.vector_store_idx %scatter3A_859[%add3A_347, %and3A_8, %broadcast_in_dim3A_773], %get3A_609 : memref<8x8x129xf32, #tpu.memory_space<vmem>>[vector<16xi32>, vector<16xi32>, vector<16xi32>], vector<16xf32>,
        %scatter3A_860 = arith.constant 0 : i32
        %scatter3A_861 = arith.constant 0 : i32
        %scatter3A_862 = arith.constant 0 : i32
        %scatter3A_863 = tpu.memref_slice %arg7[%scan3A_353, %scatter3A_860, %scatter3A_861, %scatter3A_862] : memref<4x8x8x129xf32, #tpu.memory_space<vmem>> -> memref<1x8x8x129xf32, #tpu.memory_space<vmem>>
        %scatter3A_864 = tpu.memref_squeeze %scatter3A_863 : memref<1x8x8x129xf32, #tpu.memory_space<vmem>> -> memref<8x8x129xf32, #tpu.memory_space<vmem>>
        tpu.vector_store_idx %scatter3A_864[%add3A_350, %and3A_8, %broadcast_in_dim3A_773], %get3A_618 : memref<8x8x129xf32, #tpu.memory_space<vmem>>[vector<16xi32>, vector<16xi32>, vector<16xi32>], vector<16xf32>,
        %scatter3A_865 = arith.constant 0 : i32
        %scatter3A_866 = arith.constant 0 : i32
        %scatter3A_867 = arith.constant 0 : i32
        %scatter3A_868 = tpu.memref_slice %arg7[%scan3A_353, %scatter3A_865, %scatter3A_866, %scatter3A_867] : memref<4x8x8x129xf32, #tpu.memory_space<vmem>> -> memref<1x8x8x129xf32, #tpu.memory_space<vmem>>
        %scatter3A_869 = tpu.memref_squeeze %scatter3A_868 : memref<1x8x8x129xf32, #tpu.memory_space<vmem>> -> memref<8x8x129xf32, #tpu.memory_space<vmem>>
        tpu.vector_store_idx %scatter3A_869[%add3A_341, %and3A_8, %broadcast_in_dim3A_776], %get3A_627 : memref<8x8x129xf32, #tpu.memory_space<vmem>>[vector<16xi32>, vector<16xi32>, vector<16xi32>], vector<16xf32>,
        %scatter3A_870 = arith.constant 0 : i32
        %scatter3A_871 = arith.constant 0 : i32
        %scatter3A_872 = arith.constant 0 : i32
        %scatter3A_873 = tpu.memref_slice %arg7[%scan3A_353, %scatter3A_870, %scatter3A_871, %scatter3A_872] : memref<4x8x8x129xf32, #tpu.memory_space<vmem>> -> memref<1x8x8x129xf32, #tpu.memory_space<vmem>>
        %scatter3A_874 = tpu.memref_squeeze %scatter3A_873 : memref<1x8x8x129xf32, #tpu.memory_space<vmem>> -> memref<8x8x129xf32, #tpu.memory_space<vmem>>
        tpu.vector_store_idx %scatter3A_874[%add3A_344, %and3A_8, %broadcast_in_dim3A_776], %get3A_636 : memref<8x8x129xf32, #tpu.memory_space<vmem>>[vector<16xi32>, vector<16xi32>, vector<16xi32>], vector<16xf32>,
        %scatter3A_875 = arith.constant 0 : i32
        %scatter3A_876 = arith.constant 0 : i32
        %scatter3A_877 = arith.constant 0 : i32
        %scatter3A_878 = tpu.memref_slice %arg7[%scan3A_353, %scatter3A_875, %scatter3A_876, %scatter3A_877] : memref<4x8x8x129xf32, #tpu.memory_space<vmem>> -> memref<1x8x8x129xf32, #tpu.memory_space<vmem>>
        %scatter3A_879 = tpu.memref_squeeze %scatter3A_878 : memref<1x8x8x129xf32, #tpu.memory_space<vmem>> -> memref<8x8x129xf32, #tpu.memory_space<vmem>>
        tpu.vector_store_idx %scatter3A_879[%add3A_347, %and3A_8, %broadcast_in_dim3A_776], %get3A_645 : memref<8x8x129xf32, #tpu.memory_space<vmem>>[vector<16xi32>, vector<16xi32>, vector<16xi32>], vector<16xf32>,
        %scatter3A_880 = arith.constant 0 : i32
        %scatter3A_881 = arith.constant 0 : i32
        %scatter3A_882 = arith.constant 0 : i32
        %scatter3A_883 = tpu.memref_slice %arg7[%scan3A_353, %scatter3A_880, %scatter3A_881, %scatter3A_882] : memref<4x8x8x129xf32, #tpu.memory_space<vmem>> -> memref<1x8x8x129xf32, #tpu.memory_space<vmem>>
        %scatter3A_884 = tpu.memref_squeeze %scatter3A_883 : memref<1x8x8x129xf32, #tpu.memory_space<vmem>> -> memref<8x8x129xf32, #tpu.memory_space<vmem>>
        tpu.vector_store_idx %scatter3A_884[%add3A_350, %and3A_8, %broadcast_in_dim3A_776], %get3A_654 : memref<8x8x129xf32, #tpu.memory_space<vmem>>[vector<16xi32>, vector<16xi32>, vector<16xi32>], vector<16xf32>,
        %scatter3A_885 = arith.constant 0 : i32
        %scatter3A_886 = arith.constant 0 : i32
        %scatter3A_887 = arith.constant 0 : i32
        %scatter3A_888 = tpu.memref_slice %arg7[%scan3A_353, %scatter3A_885, %scatter3A_886, %scatter3A_887] : memref<4x8x8x129xf32, #tpu.memory_space<vmem>> -> memref<1x8x8x129xf32, #tpu.memory_space<vmem>>
        %scatter3A_889 = tpu.memref_squeeze %scatter3A_888 : memref<1x8x8x129xf32, #tpu.memory_space<vmem>> -> memref<8x8x129xf32, #tpu.memory_space<vmem>>
        tpu.vector_store_idx %scatter3A_889[%add3A_341, %and3A_8, %broadcast_in_dim3A_779], %get3A_663 : memref<8x8x129xf32, #tpu.memory_space<vmem>>[vector<16xi32>, vector<16xi32>, vector<16xi32>], vector<16xf32>,
        %scatter3A_890 = arith.constant 0 : i32
        %scatter3A_891 = arith.constant 0 : i32
        %scatter3A_892 = arith.constant 0 : i32
        %scatter3A_893 = tpu.memref_slice %arg7[%scan3A_353, %scatter3A_890, %scatter3A_891, %scatter3A_892] : memref<4x8x8x129xf32, #tpu.memory_space<vmem>> -> memref<1x8x8x129xf32, #tpu.memory_space<vmem>>
        %scatter3A_894 = tpu.memref_squeeze %scatter3A_893 : memref<1x8x8x129xf32, #tpu.memory_space<vmem>> -> memref<8x8x129xf32, #tpu.memory_space<vmem>>
        tpu.vector_store_idx %scatter3A_894[%add3A_344, %and3A_8, %broadcast_in_dim3A_779], %get3A_672 : memref<8x8x129xf32, #tpu.memory_space<vmem>>[vector<16xi32>, vector<16xi32>, vector<16xi32>], vector<16xf32>,
        %scatter3A_895 = arith.constant 0 : i32
        %scatter3A_896 = arith.constant 0 : i32
        %scatter3A_897 = arith.constant 0 : i32
        %scatter3A_898 = tpu.memref_slice %arg7[%scan3A_353, %scatter3A_895, %scatter3A_896, %scatter3A_897] : memref<4x8x8x129xf32, #tpu.memory_space<vmem>> -> memref<1x8x8x129xf32, #tpu.memory_space<vmem>>
        %scatter3A_899 = tpu.memref_squeeze %scatter3A_898 : memref<1x8x8x129xf32, #tpu.memory_space<vmem>> -> memref<8x8x129xf32, #tpu.memory_space<vmem>>
        tpu.vector_store_idx %scatter3A_899[%add3A_347, %and3A_8, %broadcast_in_dim3A_779], %get3A_681 : memref<8x8x129xf32, #tpu.memory_space<vmem>>[vector<16xi32>, vector<16xi32>, vector<16xi32>], vector<16xf32>,
        %scatter3A_900 = arith.constant 0 : i32
        %scatter3A_901 = arith.constant 0 : i32
        %scatter3A_902 = arith.constant 0 : i32
        %scatter3A_903 = tpu.memref_slice %arg7[%scan3A_353, %scatter3A_900, %scatter3A_901, %scatter3A_902] : memref<4x8x8x129xf32, #tpu.memory_space<vmem>> -> memref<1x8x8x129xf32, #tpu.memory_space<vmem>>
        %scatter3A_904 = tpu.memref_squeeze %scatter3A_903 : memref<1x8x8x129xf32, #tpu.memory_space<vmem>> -> memref<8x8x129xf32, #tpu.memory_space<vmem>>
        tpu.vector_store_idx %scatter3A_904[%add3A_350, %and3A_8, %broadcast_in_dim3A_779], %get3A_690 : memref<8x8x129xf32, #tpu.memory_space<vmem>>[vector<16xi32>, vector<16xi32>, vector<16xi32>], vector<16xf32>,
        %scatter3A_905 = arith.constant 0 : i32
        %scatter3A_906 = arith.constant 0 : i32
        %scatter3A_907 = arith.constant 0 : i32
        %scatter3A_908 = tpu.memref_slice %arg7[%scan3A_353, %scatter3A_905, %scatter3A_906, %scatter3A_907] : memref<4x8x8x129xf32, #tpu.memory_space<vmem>> -> memref<1x8x8x129xf32, #tpu.memory_space<vmem>>
        %scatter3A_909 = tpu.memref_squeeze %scatter3A_908 : memref<1x8x8x129xf32, #tpu.memory_space<vmem>> -> memref<8x8x129xf32, #tpu.memory_space<vmem>>
        tpu.vector_store_idx %scatter3A_909[%add3A_341, %and3A_8, %broadcast_in_dim3A_782], %get3A_699 : memref<8x8x129xf32, #tpu.memory_space<vmem>>[vector<16xi32>, vector<16xi32>, vector<16xi32>], vector<16xf32>,
        %scatter3A_910 = arith.constant 0 : i32
        %scatter3A_911 = arith.constant 0 : i32
        %scatter3A_912 = arith.constant 0 : i32
        %scatter3A_913 = tpu.memref_slice %arg7[%scan3A_353, %scatter3A_910, %scatter3A_911, %scatter3A_912] : memref<4x8x8x129xf32, #tpu.memory_space<vmem>> -> memref<1x8x8x129xf32, #tpu.memory_space<vmem>>
        %scatter3A_914 = tpu.memref_squeeze %scatter3A_913 : memref<1x8x8x129xf32, #tpu.memory_space<vmem>> -> memref<8x8x129xf32, #tpu.memory_space<vmem>>
        tpu.vector_store_idx %scatter3A_914[%add3A_344, %and3A_8, %broadcast_in_dim3A_782], %get3A_708 : memref<8x8x129xf32, #tpu.memory_space<vmem>>[vector<16xi32>, vector<16xi32>, vector<16xi32>], vector<16xf32>,
        %scatter3A_915 = arith.constant 0 : i32
        %scatter3A_916 = arith.constant 0 : i32
        %scatter3A_917 = arith.constant 0 : i32
        %scatter3A_918 = tpu.memref_slice %arg7[%scan3A_353, %scatter3A_915, %scatter3A_916, %scatter3A_917] : memref<4x8x8x129xf32, #tpu.memory_space<vmem>> -> memref<1x8x8x129xf32, #tpu.memory_space<vmem>>
        %scatter3A_919 = tpu.memref_squeeze %scatter3A_918 : memref<1x8x8x129xf32, #tpu.memory_space<vmem>> -> memref<8x8x129xf32, #tpu.memory_space<vmem>>
        tpu.vector_store_idx %scatter3A_919[%add3A_347, %and3A_8, %broadcast_in_dim3A_782], %get3A_717 : memref<8x8x129xf32, #tpu.memory_space<vmem>>[vector<16xi32>, vector<16xi32>, vector<16xi32>], vector<16xf32>,
        %scatter3A_920 = arith.constant 0 : i32
        %scatter3A_921 = arith.constant 0 : i32
        %scatter3A_922 = arith.constant 0 : i32
        %scatter3A_923 = tpu.memref_slice %arg7[%scan3A_353, %scatter3A_920, %scatter3A_921, %scatter3A_922] : memref<4x8x8x129xf32, #tpu.memory_space<vmem>> -> memref<1x8x8x129xf32, #tpu.memory_space<vmem>>
        %scatter3A_924 = tpu.memref_squeeze %scatter3A_923 : memref<1x8x8x129xf32, #tpu.memory_space<vmem>> -> memref<8x8x129xf32, #tpu.memory_space<vmem>>
        tpu.vector_store_idx %scatter3A_924[%add3A_350, %and3A_8, %broadcast_in_dim3A_782], %get3A_726 : memref<8x8x129xf32, #tpu.memory_space<vmem>>[vector<16xi32>, vector<16xi32>, vector<16xi32>], vector<16xf32>,
        %scatter3A_925 = arith.constant 0 : i32
        %scatter3A_926 = arith.constant 0 : i32
        %scatter3A_927 = arith.constant 0 : i32
        %scatter3A_928 = tpu.memref_slice %arg7[%scan3A_353, %scatter3A_925, %scatter3A_926, %scatter3A_927] : memref<4x8x8x129xf32, #tpu.memory_space<vmem>> -> memref<1x8x8x129xf32, #tpu.memory_space<vmem>>
        %scatter3A_929 = tpu.memref_squeeze %scatter3A_928 : memref<1x8x8x129xf32, #tpu.memory_space<vmem>> -> memref<8x8x129xf32, #tpu.memory_space<vmem>>
        tpu.vector_store_idx %scatter3A_929[%add3A_341, %and3A_8, %broadcast_in_dim3A_785], %get3A_735 : memref<8x8x129xf32, #tpu.memory_space<vmem>>[vector<16xi32>, vector<16xi32>, vector<16xi32>], vector<16xf32>,
        %scatter3A_930 = arith.constant 0 : i32
        %scatter3A_931 = arith.constant 0 : i32
        %scatter3A_932 = arith.constant 0 : i32
        %scatter3A_933 = tpu.memref_slice %arg7[%scan3A_353, %scatter3A_930, %scatter3A_931, %scatter3A_932] : memref<4x8x8x129xf32, #tpu.memory_space<vmem>> -> memref<1x8x8x129xf32, #tpu.memory_space<vmem>>
        %scatter3A_934 = tpu.memref_squeeze %scatter3A_933 : memref<1x8x8x129xf32, #tpu.memory_space<vmem>> -> memref<8x8x129xf32, #tpu.memory_space<vmem>>
        tpu.vector_store_idx %scatter3A_934[%add3A_344, %and3A_8, %broadcast_in_dim3A_785], %get3A_744 : memref<8x8x129xf32, #tpu.memory_space<vmem>>[vector<16xi32>, vector<16xi32>, vector<16xi32>], vector<16xf32>,
        %scatter3A_935 = arith.constant 0 : i32
        %scatter3A_936 = arith.constant 0 : i32
        %scatter3A_937 = arith.constant 0 : i32
        %scatter3A_938 = tpu.memref_slice %arg7[%scan3A_353, %scatter3A_935, %scatter3A_936, %scatter3A_937] : memref<4x8x8x129xf32, #tpu.memory_space<vmem>> -> memref<1x8x8x129xf32, #tpu.memory_space<vmem>>
        %scatter3A_939 = tpu.memref_squeeze %scatter3A_938 : memref<1x8x8x129xf32, #tpu.memory_space<vmem>> -> memref<8x8x129xf32, #tpu.memory_space<vmem>>
        tpu.vector_store_idx %scatter3A_939[%add3A_347, %and3A_8, %broadcast_in_dim3A_785], %get3A_753 : memref<8x8x129xf32, #tpu.memory_space<vmem>>[vector<16xi32>, vector<16xi32>, vector<16xi32>], vector<16xf32>,
        %scatter3A_940 = arith.constant 0 : i32
        %scatter3A_941 = arith.constant 0 : i32
        %scatter3A_942 = arith.constant 0 : i32
        %scatter3A_943 = tpu.memref_slice %arg7[%scan3A_353, %scatter3A_940, %scatter3A_941, %scatter3A_942] : memref<4x8x8x129xf32, #tpu.memory_space<vmem>> -> memref<1x8x8x129xf32, #tpu.memory_space<vmem>>
        %scatter3A_944 = tpu.memref_squeeze %scatter3A_943 : memref<1x8x8x129xf32, #tpu.memory_space<vmem>> -> memref<8x8x129xf32, #tpu.memory_space<vmem>>
        tpu.vector_store_idx %scatter3A_944[%add3A_350, %and3A_8, %broadcast_in_dim3A_785], %get3A_762 : memref<8x8x129xf32, #tpu.memory_space<vmem>>[vector<16xi32>, vector<16xi32>, vector<16xi32>], vector<16xf32>,
      }
      %scan3A_358 = arith.constant 16 : i32
      %mul3A_359 = arith.constant 1 : i32
      %mul3A_360 = arith.muli %add3A_322, %mul3A_359 : i32
      %add3A_361 = arith.addi %mul3A_4, %mul3A_360 : i32
      %add3A_362 = arith.constant 0 : i32
      %add3A_363 = arith.addi %add3A_361, %add3A_362 : i32
      %shift_right_logical3A_364 = arith.constant 5 : i32
      %shift_right_logical3A_365 = arith.shrui %add3A_363, %shift_right_logical3A_364 : i32
      %and3A_366 = arith.constant 31 : i32
      %and3A_367 = arith.andi %add3A_363, %and3A_366 : i32
      %dma_start3A_368 = arith.constant 2 : i32
      %dma_start3A_369 = arith.constant 0 : i32
      %dma_start3A_370 = arith.constant 0 : i32
      %dma_start3A_371 = arith.constant 0 : i32
      %dma_start3A_372 = tpu.memref_slice %arg7[%dma_start3A_368, %dma_start3A_369, %dma_start3A_370, %dma_start3A_371] : memref<4x8x8x129xf32, #tpu.memory_space<vmem>> -> memref<1x8x8x128xf32, #tpu.memory_space<vmem>>
      %dma_start3A_373 = tpu.memref_squeeze %dma_start3A_372 : memref<1x8x8x128xf32, #tpu.memory_space<vmem>> -> memref<8x8x128xf32, #tpu.memory_space<vmem>>
      %dma_start3A_374 = arith.constant 0 : i32
      %dma_start3A_375 = arith.constant 0 : i32
      %dma_start3A_376 = arith.constant 0 : i32
      %dma_start3A_377 = tpu.memref_slice %arg4[%shift_right_logical3A_365, %dma_start3A_374, %and3A_367, %dma_start3A_375, %dma_start3A_376] : memref<200x8x32x8x128xf32, #tpu.memory_space<hbm>> -> memref<1x8x1x8x128xf32, #tpu.memory_space<hbm>>
      %dma_start3A_378 = tpu.memref_squeeze %dma_start3A_377 : memref<1x8x1x8x128xf32, #tpu.memory_space<hbm>> -> memref<8x8x128xf32, #tpu.memory_space<hbm>>
      %dma_start3A_379 = arith.constant 0 : i32
      %dma_start3A_380 = arith.constant 0 : i32
      %dma_start3A_381 = arith.constant 0 : i32
      %dma_start3A_382 = tpu.memref_slice %arg4[%shift_right_logical3A_365, %dma_start3A_379, %and3A_367, %dma_start3A_380, %dma_start3A_381] : memref<200x8x32x8x128xf32, #tpu.memory_space<hbm>> -> memref<1x8x1x8x128xf32, #tpu.memory_space<hbm>>
      %dma_start3A_383 = tpu.memref_squeeze %dma_start3A_382 : memref<1x8x1x8x128xf32, #tpu.memory_space<hbm>> -> memref<8x8x128xf32, #tpu.memory_space<hbm>>
      %dma_start3A_384 = arith.constant 0 : i32
      %dma_start3A_385 = arith.constant 0 : i32
      %dma_start3A_386 = arith.constant 0 : i32
      %dma_start3A_387 = tpu.memref_slice %arg7[%dma_start3A_368, %dma_start3A_384, %dma_start3A_385, %dma_start3A_386] : memref<4x8x8x129xf32, #tpu.memory_space<vmem>> -> memref<1x8x8x128xf32, #tpu.memory_space<vmem>>
      %dma_start3A_388 = tpu.memref_squeeze %dma_start3A_387 : memref<1x8x8x128xf32, #tpu.memory_space<vmem>> -> memref<8x8x128xf32, #tpu.memory_space<vmem>>
      tpu.enqueue_dma source(%dma_start3A_388 : memref<8x8x128xf32, #tpu.memory_space<vmem>>) target(%dma_start3A_383 : memref<8x8x128xf32, #tpu.memory_space<hbm>>) target_semaphore(%arg14 : memref<!tpu.dma_semaphore, #tpu.memory_space<semaphore_mem>>)
      %add3A_389 = arith.constant 4 : i32
      %add3A_390 = arith.addi %add3A_322, %add3A_389 : i32
      %lt3A_391 = arith.constant 200 : i32
      %lt3A_392 = arith.cmpi slt, %add3A_390, %lt3A_391 : i32
      %convert_element_type3A_393 = arith.extui %lt3A_392 : i1 to i32
      %cond3A_394 = arith.constant 0 : i32
      %cond3A_395 = arith.cmpi ne, %convert_element_type3A_393, %cond3A_394 : i32
      scf.if %cond3A_395 {
        %add3A_473 = arith.constant 4 : i32
        %add3A_474 = arith.addi %add3A_322, %add3A_473 : i32
        %mul3A_475 = arith.constant 128 : i32
        %mul3A_476 = arith.muli %add3A_474, %mul3A_475 : i32
        %dma_start3A_477 = arith.constant 2 : i32
        %dma_start3A_478 = arith.constant 0 : i32
        %dma_start3A_479 = arith.constant 0 : i32
        %dma_start3A_480 = tpu.memref_slice %arg6[%dma_start3A_477, %dma_start3A_478, %dma_start3A_479] : memref<4x128x64xf32, #tpu.memory_space<vmem>> -> memref<1x128x64xf32, #tpu.memory_space<vmem>>
        %dma_start3A_481 = tpu.memref_squeeze %dma_start3A_480 : memref<1x128x64xf32, #tpu.memory_space<vmem>> -> memref<128x64xf32, #tpu.memory_space<vmem>>
        %dma_start3A_482 = tpu.memref_slice %arg5[%mul3A_476] : memref<25600xi32, #tpu.memory_space<vmem>> -> memref<128xi32, #tpu.memory_space<vmem>>
        %dma_start3A_483 = arith.constant 0 : i32
        %dma_start3A_484 = arith.constant 0 : i32
        %dma_start3A_485 = tpu.memref_slice %arg2[%dma_start3A_483, %dma_start3A_484] : memref<1000000x64xf32, #tpu.memory_space<hbm>> -> memref<1000000x64xf32, #tpu.memory_space<hbm>>
        tpu.enqueue_indirect_dma source(%dma_start3A_485 : memref<1000000x64xf32, #tpu.memory_space<hbm>>) target(%dma_start3A_481 : memref<128x64xf32, #tpu.memory_space<vmem>>) offsets(%dma_start3A_482 : memref<128xi32, #tpu.memory_space<vmem>>) semaphore(%arg10 : memref<!tpu.dma_semaphore, #tpu.memory_space<semaphore_mem>>)
      } else {
      }
      %mul3A_396 = arith.constant 4 : i32
      %mul3A_397 = arith.muli %mul3A_396, %scan3A_168 : i32
      %add3A_398 = arith.constant 3 : i32
      %add3A_399 = arith.addi %mul3A_397, %add3A_398 : i32
      %mul3A_400 = arith.constant 128 : i32
      %mul3A_401 = arith.muli %add3A_399, %mul3A_400 : i32
      %dma_wait3A_402 = arith.constant 3 : i32
      %dma_wait3A_403 = arith.constant 0 : i32
      %dma_wait3A_404 = arith.constant 0 : i32
      %dma_wait3A_405 = tpu.memref_slice %arg6[%dma_wait3A_402, %dma_wait3A_403, %dma_wait3A_404] : memref<4x128x64xf32, #tpu.memory_space<vmem>> -> memref<1x128x64xf32, #tpu.memory_space<vmem>>
      %dma_wait3A_406 = tpu.memref_squeeze %dma_wait3A_405 : memref<1x128x64xf32, #tpu.memory_space<vmem>> -> memref<128x64xf32, #tpu.memory_space<vmem>>
      %dma_wait3A_407 = tpu.memref_slice %arg5[%mul3A_401] : memref<25600xi32, #tpu.memory_space<vmem>> -> memref<128xi32, #tpu.memory_space<vmem>>
      %dma_wait3A_408 = arith.constant 0 : i32
      %dma_wait3A_409 = arith.constant 0 : i32
      %dma_wait3A_410 = tpu.memref_slice %arg2[%dma_wait3A_408, %dma_wait3A_409] : memref<1000000x64xf32, #tpu.memory_space<hbm>> -> memref<1000000x64xf32, #tpu.memory_space<hbm>>
      tpu.wait_indirect_dma semaphore(%arg11 : memref<!tpu.dma_semaphore, #tpu.memory_space<semaphore_mem>>) src(%dma_wait3A_410 : memref<1000000x64xf32, #tpu.memory_space<hbm>>) dst(%dma_wait3A_406 : memref<128x64xf32, #tpu.memory_space<vmem>>)
      %ge3A_411 = arith.constant 4 : i32
      %ge3A_412 = arith.cmpi sge, %add3A_399, %ge3A_411 : i32
      %convert_element_type3A_413 = arith.extui %ge3A_412 : i1 to i32
      %cond3A_414 = arith.constant 0 : i32
      %cond3A_415 = arith.cmpi ne, %convert_element_type3A_413, %cond3A_414 : i32
      scf.if %cond3A_415 {
        %sub3A = arith.constant 4 : i32
        %sub3A_473 = arith.subi %add3A_399, %sub3A : i32
        %mul3A_474 = arith.constant 1 : i32
        %mul3A_475 = arith.muli %sub3A_473, %mul3A_474 : i32
        %add3A_476 = arith.addi %mul3A_4, %mul3A_475 : i32
        %add3A_477 = arith.constant 0 : i32
        %add3A_478 = arith.addi %add3A_476, %add3A_477 : i32
        %shift_right_logical3A_479 = arith.constant 5 : i32
        %shift_right_logical3A_480 = arith.shrui %add3A_478, %shift_right_logical3A_479 : i32
        %and3A_481 = arith.constant 31 : i32
        %and3A_482 = arith.andi %add3A_478, %and3A_481 : i32
        %dma_wait3A_483 = arith.constant 3 : i32
        %dma_wait3A_484 = arith.constant 0 : i32
        %dma_wait3A_485 = arith.constant 0 : i32
        %dma_wait3A_486 = arith.constant 0 : i32
        %dma_wait3A_487 = tpu.memref_slice %arg7[%dma_wait3A_483, %dma_wait3A_484, %dma_wait3A_485, %dma_wait3A_486] : memref<4x8x8x129xf32, #tpu.memory_space<vmem>> -> memref<1x8x8x128xf32, #tpu.memory_space<vmem>>
        %dma_wait3A_488 = tpu.memref_squeeze %dma_wait3A_487 : memref<1x8x8x128xf32, #tpu.memory_space<vmem>> -> memref<8x8x128xf32, #tpu.memory_space<vmem>>
        %dma_wait3A_489 = arith.constant 0 : i32
        %dma_wait3A_490 = arith.constant 0 : i32
        %dma_wait3A_491 = arith.constant 0 : i32
        %dma_wait3A_492 = tpu.memref_slice %arg4[%shift_right_logical3A_480, %dma_wait3A_489, %and3A_482, %dma_wait3A_490, %dma_wait3A_491] : memref<200x8x32x8x128xf32, #tpu.memory_space<hbm>> -> memref<1x8x1x8x128xf32, #tpu.memory_space<hbm>>
        %dma_wait3A_493 = tpu.memref_squeeze %dma_wait3A_492 : memref<1x8x1x8x128xf32, #tpu.memory_space<hbm>> -> memref<8x8x128xf32, #tpu.memory_space<hbm>>
        %dma_wait3A_494 = arith.constant 0 : i32
        %dma_wait3A_495 = arith.constant 0 : i32
        %dma_wait3A_496 = arith.constant 0 : i32
        %dma_wait3A_497 = tpu.memref_slice %arg4[%shift_right_logical3A_480, %dma_wait3A_494, %and3A_482, %dma_wait3A_495, %dma_wait3A_496] : memref<200x8x32x8x128xf32, #tpu.memory_space<hbm>> -> memref<1x8x1x8x128xf32, #tpu.memory_space<hbm>>
        %dma_wait3A_498 = tpu.memref_squeeze %dma_wait3A_497 : memref<1x8x1x8x128xf32, #tpu.memory_space<hbm>> -> memref<8x8x128xf32, #tpu.memory_space<hbm>>
        %dma_wait3A_499 = arith.constant 0 : i32
        %dma_wait3A_500 = arith.constant 0 : i32
        %dma_wait3A_501 = arith.constant 0 : i32
        %dma_wait3A_502 = tpu.memref_slice %arg7[%dma_wait3A_483, %dma_wait3A_499, %dma_wait3A_500, %dma_wait3A_501] : memref<4x8x8x129xf32, #tpu.memory_space<vmem>> -> memref<1x8x8x128xf32, #tpu.memory_space<vmem>>
        %dma_wait3A_503 = tpu.memref_squeeze %dma_wait3A_502 : memref<1x8x8x128xf32, #tpu.memory_space<vmem>> -> memref<8x8x128xf32, #tpu.memory_space<vmem>>
        tpu.wait_dma2 semaphore(%arg15 : memref<!tpu.dma_semaphore, #tpu.memory_space<semaphore_mem>>) src(%dma_wait3A_503 : memref<8x8x128xf32, #tpu.memory_space<vmem>>) dst(%dma_wait3A_498 : memref<8x8x128xf32, #tpu.memory_space<hbm>>)
      } else {
      }
      %add3A_416 = arith.constant 0 : i32
      %add3A_417 = vector.broadcast %add3A_416 : i32 to vector<16xi32>
      %add3A_418 = arith.addi %shift_right_logical3A_6, %add3A_417 : vector<16xi32>
      %add3A_419 = arith.constant 2 : i32
      %add3A_420 = vector.broadcast %add3A_419 : i32 to vector<16xi32>
      %add3A_421 = arith.addi %shift_right_logical3A_6, %add3A_420 : vector<16xi32>
      %add3A_422 = arith.constant 4 : i32
      %add3A_423 = vector.broadcast %add3A_422 : i32 to vector<16xi32>
      %add3A_424 = arith.addi %shift_right_logical3A_6, %add3A_423 : vector<16xi32>
      %add3A_425 = arith.constant 6 : i32
      %add3A_426 = vector.broadcast %add3A_425 : i32 to vector<16xi32>
      %add3A_427 = arith.addi %shift_right_logical3A_6, %add3A_426 : vector<16xi32>
      %scan3A_428 = arith.constant 0 : i32
      %scan3A_429 = arith.constant 3 : i32
      %scan3A_430 = arith.constant 3 : i32
      %scan3A_431 = arith.constant 0 : i32
      %scan3A_432 = arith.constant 16 : i32
      %scan3A_433 = arith.addi %scan3A_431, %scan3A_432 : i32
      %scan3A_434 = arith.constant 1 : i32
      scf.for %scan3A_473 = %scan3A_431 to %scan3A_433 step %scan3A_434  : i32 {
        %mul3A_474 = arith.constant 8 : i32
        %mul3A_475 = arith.muli %scan3A_473, %mul3A_474 : i32
        %add3A_476 = arith.constant 0 : i32
        %add3A_477 = arith.addi %mul3A_475, %add3A_476 : i32
        %get3A = arith.constant 0 : i32
        %get3A_478 = arith.constant 0 : i32
        %get3A_479 = tpu.memref_slice %arg6[%scan3A_429, %get3A, %get3A_478] : memref<4x128x64xf32, #tpu.memory_space<vmem>> -> memref<1x128x64xf32, #tpu.memory_space<vmem>>
        %get3A_480 = tpu.memref_squeeze %get3A_479 : memref<1x128x64xf32, #tpu.memory_space<vmem>> -> memref<128x64xf32, #tpu.memory_space<vmem>>
        %get3A_481 = arith.index_cast %add3A_477 : i32 to index
        %get3A_482 = arith.constant 0 : index
        %get3A_483 = tpu.vector_load %get3A_480[%get3A_481, %get3A_482] {strides = array<i32>} : memref<128x64xf32, #tpu.memory_space<vmem>>, vector<16xf32>,
        %add3A_484 = arith.constant 0 : i32
        %add3A_485 = arith.addi %mul3A_475, %add3A_484 : i32
        %get3A_486 = arith.constant 0 : i32
        %get3A_487 = arith.constant 0 : i32
        %get3A_488 = tpu.memref_slice %arg6[%scan3A_429, %get3A_486, %get3A_487] : memref<4x128x64xf32, #tpu.memory_space<vmem>> -> memref<1x128x64xf32, #tpu.memory_space<vmem>>
        %get3A_489 = tpu.memref_squeeze %get3A_488 : memref<1x128x64xf32, #tpu.memory_space<vmem>> -> memref<128x64xf32, #tpu.memory_space<vmem>>
        %get3A_490 = arith.index_cast %add3A_485 : i32 to index
        %get3A_491 = arith.constant 16 : index
        %get3A_492 = tpu.vector_load %get3A_489[%get3A_490, %get3A_491] {strides = array<i32>} : memref<128x64xf32, #tpu.memory_space<vmem>>, vector<16xf32>,
        %add3A_493 = arith.constant 0 : i32
        %add3A_494 = arith.addi %mul3A_475, %add3A_493 : i32
        %get3A_495 = arith.constant 0 : i32
        %get3A_496 = arith.constant 0 : i32
        %get3A_497 = tpu.memref_slice %arg6[%scan3A_429, %get3A_495, %get3A_496] : memref<4x128x64xf32, #tpu.memory_space<vmem>> -> memref<1x128x64xf32, #tpu.memory_space<vmem>>
        %get3A_498 = tpu.memref_squeeze %get3A_497 : memref<1x128x64xf32, #tpu.memory_space<vmem>> -> memref<128x64xf32, #tpu.memory_space<vmem>>
        %get3A_499 = arith.index_cast %add3A_494 : i32 to index
        %get3A_500 = arith.constant 32 : index
        %get3A_501 = tpu.vector_load %get3A_498[%get3A_499, %get3A_500] {strides = array<i32>} : memref<128x64xf32, #tpu.memory_space<vmem>>, vector<16xf32>,
        %add3A_502 = arith.constant 0 : i32
        %add3A_503 = arith.addi %mul3A_475, %add3A_502 : i32
        %get3A_504 = arith.constant 0 : i32
        %get3A_505 = arith.constant 0 : i32
        %get3A_506 = tpu.memref_slice %arg6[%scan3A_429, %get3A_504, %get3A_505] : memref<4x128x64xf32, #tpu.memory_space<vmem>> -> memref<1x128x64xf32, #tpu.memory_space<vmem>>
        %get3A_507 = tpu.memref_squeeze %get3A_506 : memref<1x128x64xf32, #tpu.memory_space<vmem>> -> memref<128x64xf32, #tpu.memory_space<vmem>>
        %get3A_508 = arith.index_cast %add3A_503 : i32 to index
        %get3A_509 = arith.constant 48 : index
        %get3A_510 = tpu.vector_load %get3A_507[%get3A_508, %get3A_509] {strides = array<i32>} : memref<128x64xf32, #tpu.memory_space<vmem>>, vector<16xf32>,
        %add3A_511 = arith.constant 1 : i32
        %add3A_512 = arith.addi %mul3A_475, %add3A_511 : i32
        %get3A_513 = arith.constant 0 : i32
        %get3A_514 = arith.constant 0 : i32
        %get3A_515 = tpu.memref_slice %arg6[%scan3A_429, %get3A_513, %get3A_514] : memref<4x128x64xf32, #tpu.memory_space<vmem>> -> memref<1x128x64xf32, #tpu.memory_space<vmem>>
        %get3A_516 = tpu.memref_squeeze %get3A_515 : memref<1x128x64xf32, #tpu.memory_space<vmem>> -> memref<128x64xf32, #tpu.memory_space<vmem>>
        %get3A_517 = arith.index_cast %add3A_512 : i32 to index
        %get3A_518 = arith.constant 0 : index
        %get3A_519 = tpu.vector_load %get3A_516[%get3A_517, %get3A_518] {strides = array<i32>} : memref<128x64xf32, #tpu.memory_space<vmem>>, vector<16xf32>,
        %add3A_520 = arith.constant 1 : i32
        %add3A_521 = arith.addi %mul3A_475, %add3A_520 : i32
        %get3A_522 = arith.constant 0 : i32
        %get3A_523 = arith.constant 0 : i32
        %get3A_524 = tpu.memref_slice %arg6[%scan3A_429, %get3A_522, %get3A_523] : memref<4x128x64xf32, #tpu.memory_space<vmem>> -> memref<1x128x64xf32, #tpu.memory_space<vmem>>
        %get3A_525 = tpu.memref_squeeze %get3A_524 : memref<1x128x64xf32, #tpu.memory_space<vmem>> -> memref<128x64xf32, #tpu.memory_space<vmem>>
        %get3A_526 = arith.index_cast %add3A_521 : i32 to index
        %get3A_527 = arith.constant 16 : index
        %get3A_528 = tpu.vector_load %get3A_525[%get3A_526, %get3A_527] {strides = array<i32>} : memref<128x64xf32, #tpu.memory_space<vmem>>, vector<16xf32>,
        %add3A_529 = arith.constant 1 : i32
        %add3A_530 = arith.addi %mul3A_475, %add3A_529 : i32
        %get3A_531 = arith.constant 0 : i32
        %get3A_532 = arith.constant 0 : i32
        %get3A_533 = tpu.memref_slice %arg6[%scan3A_429, %get3A_531, %get3A_532] : memref<4x128x64xf32, #tpu.memory_space<vmem>> -> memref<1x128x64xf32, #tpu.memory_space<vmem>>
        %get3A_534 = tpu.memref_squeeze %get3A_533 : memref<1x128x64xf32, #tpu.memory_space<vmem>> -> memref<128x64xf32, #tpu.memory_space<vmem>>
        %get3A_535 = arith.index_cast %add3A_530 : i32 to index
        %get3A_536 = arith.constant 32 : index
        %get3A_537 = tpu.vector_load %get3A_534[%get3A_535, %get3A_536] {strides = array<i32>} : memref<128x64xf32, #tpu.memory_space<vmem>>, vector<16xf32>,
        %add3A_538 = arith.constant 1 : i32
        %add3A_539 = arith.addi %mul3A_475, %add3A_538 : i32
        %get3A_540 = arith.constant 0 : i32
        %get3A_541 = arith.constant 0 : i32
        %get3A_542 = tpu.memref_slice %arg6[%scan3A_429, %get3A_540, %get3A_541] : memref<4x128x64xf32, #tpu.memory_space<vmem>> -> memref<1x128x64xf32, #tpu.memory_space<vmem>>
        %get3A_543 = tpu.memref_squeeze %get3A_542 : memref<1x128x64xf32, #tpu.memory_space<vmem>> -> memref<128x64xf32, #tpu.memory_space<vmem>>
        %get3A_544 = arith.index_cast %add3A_539 : i32 to index
        %get3A_545 = arith.constant 48 : index
        %get3A_546 = tpu.vector_load %get3A_543[%get3A_544, %get3A_545] {strides = array<i32>} : memref<128x64xf32, #tpu.memory_space<vmem>>, vector<16xf32>,
        %add3A_547 = arith.constant 2 : i32
        %add3A_548 = arith.addi %mul3A_475, %add3A_547 : i32
        %get3A_549 = arith.constant 0 : i32
        %get3A_550 = arith.constant 0 : i32
        %get3A_551 = tpu.memref_slice %arg6[%scan3A_429, %get3A_549, %get3A_550] : memref<4x128x64xf32, #tpu.memory_space<vmem>> -> memref<1x128x64xf32, #tpu.memory_space<vmem>>
        %get3A_552 = tpu.memref_squeeze %get3A_551 : memref<1x128x64xf32, #tpu.memory_space<vmem>> -> memref<128x64xf32, #tpu.memory_space<vmem>>
        %get3A_553 = arith.index_cast %add3A_548 : i32 to index
        %get3A_554 = arith.constant 0 : index
        %get3A_555 = tpu.vector_load %get3A_552[%get3A_553, %get3A_554] {strides = array<i32>} : memref<128x64xf32, #tpu.memory_space<vmem>>, vector<16xf32>,
        %add3A_556 = arith.constant 2 : i32
        %add3A_557 = arith.addi %mul3A_475, %add3A_556 : i32
        %get3A_558 = arith.constant 0 : i32
        %get3A_559 = arith.constant 0 : i32
        %get3A_560 = tpu.memref_slice %arg6[%scan3A_429, %get3A_558, %get3A_559] : memref<4x128x64xf32, #tpu.memory_space<vmem>> -> memref<1x128x64xf32, #tpu.memory_space<vmem>>
        %get3A_561 = tpu.memref_squeeze %get3A_560 : memref<1x128x64xf32, #tpu.memory_space<vmem>> -> memref<128x64xf32, #tpu.memory_space<vmem>>
        %get3A_562 = arith.index_cast %add3A_557 : i32 to index
        %get3A_563 = arith.constant 16 : index
        %get3A_564 = tpu.vector_load %get3A_561[%get3A_562, %get3A_563] {strides = array<i32>} : memref<128x64xf32, #tpu.memory_space<vmem>>, vector<16xf32>,
        %add3A_565 = arith.constant 2 : i32
        %add3A_566 = arith.addi %mul3A_475, %add3A_565 : i32
        %get3A_567 = arith.constant 0 : i32
        %get3A_568 = arith.constant 0 : i32
        %get3A_569 = tpu.memref_slice %arg6[%scan3A_429, %get3A_567, %get3A_568] : memref<4x128x64xf32, #tpu.memory_space<vmem>> -> memref<1x128x64xf32, #tpu.memory_space<vmem>>
        %get3A_570 = tpu.memref_squeeze %get3A_569 : memref<1x128x64xf32, #tpu.memory_space<vmem>> -> memref<128x64xf32, #tpu.memory_space<vmem>>
        %get3A_571 = arith.index_cast %add3A_566 : i32 to index
        %get3A_572 = arith.constant 32 : index
        %get3A_573 = tpu.vector_load %get3A_570[%get3A_571, %get3A_572] {strides = array<i32>} : memref<128x64xf32, #tpu.memory_space<vmem>>, vector<16xf32>,
        %add3A_574 = arith.constant 2 : i32
        %add3A_575 = arith.addi %mul3A_475, %add3A_574 : i32
        %get3A_576 = arith.constant 0 : i32
        %get3A_577 = arith.constant 0 : i32
        %get3A_578 = tpu.memref_slice %arg6[%scan3A_429, %get3A_576, %get3A_577] : memref<4x128x64xf32, #tpu.memory_space<vmem>> -> memref<1x128x64xf32, #tpu.memory_space<vmem>>
        %get3A_579 = tpu.memref_squeeze %get3A_578 : memref<1x128x64xf32, #tpu.memory_space<vmem>> -> memref<128x64xf32, #tpu.memory_space<vmem>>
        %get3A_580 = arith.index_cast %add3A_575 : i32 to index
        %get3A_581 = arith.constant 48 : index
        %get3A_582 = tpu.vector_load %get3A_579[%get3A_580, %get3A_581] {strides = array<i32>} : memref<128x64xf32, #tpu.memory_space<vmem>>, vector<16xf32>,
        %add3A_583 = arith.constant 3 : i32
        %add3A_584 = arith.addi %mul3A_475, %add3A_583 : i32
        %get3A_585 = arith.constant 0 : i32
        %get3A_586 = arith.constant 0 : i32
        %get3A_587 = tpu.memref_slice %arg6[%scan3A_429, %get3A_585, %get3A_586] : memref<4x128x64xf32, #tpu.memory_space<vmem>> -> memref<1x128x64xf32, #tpu.memory_space<vmem>>
        %get3A_588 = tpu.memref_squeeze %get3A_587 : memref<1x128x64xf32, #tpu.memory_space<vmem>> -> memref<128x64xf32, #tpu.memory_space<vmem>>
        %get3A_589 = arith.index_cast %add3A_584 : i32 to index
        %get3A_590 = arith.constant 0 : index
        %get3A_591 = tpu.vector_load %get3A_588[%get3A_589, %get3A_590] {strides = array<i32>} : memref<128x64xf32, #tpu.memory_space<vmem>>, vector<16xf32>,
        %add3A_592 = arith.constant 3 : i32
        %add3A_593 = arith.addi %mul3A_475, %add3A_592 : i32
        %get3A_594 = arith.constant 0 : i32
        %get3A_595 = arith.constant 0 : i32
        %get3A_596 = tpu.memref_slice %arg6[%scan3A_429, %get3A_594, %get3A_595] : memref<4x128x64xf32, #tpu.memory_space<vmem>> -> memref<1x128x64xf32, #tpu.memory_space<vmem>>
        %get3A_597 = tpu.memref_squeeze %get3A_596 : memref<1x128x64xf32, #tpu.memory_space<vmem>> -> memref<128x64xf32, #tpu.memory_space<vmem>>
        %get3A_598 = arith.index_cast %add3A_593 : i32 to index
        %get3A_599 = arith.constant 16 : index
        %get3A_600 = tpu.vector_load %get3A_597[%get3A_598, %get3A_599] {strides = array<i32>} : memref<128x64xf32, #tpu.memory_space<vmem>>, vector<16xf32>,
        %add3A_601 = arith.constant 3 : i32
        %add3A_602 = arith.addi %mul3A_475, %add3A_601 : i32
        %get3A_603 = arith.constant 0 : i32
        %get3A_604 = arith.constant 0 : i32
        %get3A_605 = tpu.memref_slice %arg6[%scan3A_429, %get3A_603, %get3A_604] : memref<4x128x64xf32, #tpu.memory_space<vmem>> -> memref<1x128x64xf32, #tpu.memory_space<vmem>>
        %get3A_606 = tpu.memref_squeeze %get3A_605 : memref<1x128x64xf32, #tpu.memory_space<vmem>> -> memref<128x64xf32, #tpu.memory_space<vmem>>
        %get3A_607 = arith.index_cast %add3A_602 : i32 to index
        %get3A_608 = arith.constant 32 : index
        %get3A_609 = tpu.vector_load %get3A_606[%get3A_607, %get3A_608] {strides = array<i32>} : memref<128x64xf32, #tpu.memory_space<vmem>>, vector<16xf32>,
        %add3A_610 = arith.constant 3 : i32
        %add3A_611 = arith.addi %mul3A_475, %add3A_610 : i32
        %get3A_612 = arith.constant 0 : i32
        %get3A_613 = arith.constant 0 : i32
        %get3A_614 = tpu.memref_slice %arg6[%scan3A_429, %get3A_612, %get3A_613] : memref<4x128x64xf32, #tpu.memory_space<vmem>> -> memref<1x128x64xf32, #tpu.memory_space<vmem>>
        %get3A_615 = tpu.memref_squeeze %get3A_614 : memref<1x128x64xf32, #tpu.memory_space<vmem>> -> memref<128x64xf32, #tpu.memory_space<vmem>>
        %get3A_616 = arith.index_cast %add3A_611 : i32 to index
        %get3A_617 = arith.constant 48 : index
        %get3A_618 = tpu.vector_load %get3A_615[%get3A_616, %get3A_617] {strides = array<i32>} : memref<128x64xf32, #tpu.memory_space<vmem>>, vector<16xf32>,
        %add3A_619 = arith.constant 4 : i32
        %add3A_620 = arith.addi %mul3A_475, %add3A_619 : i32
        %get3A_621 = arith.constant 0 : i32
        %get3A_622 = arith.constant 0 : i32
        %get3A_623 = tpu.memref_slice %arg6[%scan3A_429, %get3A_621, %get3A_622] : memref<4x128x64xf32, #tpu.memory_space<vmem>> -> memref<1x128x64xf32, #tpu.memory_space<vmem>>
        %get3A_624 = tpu.memref_squeeze %get3A_623 : memref<1x128x64xf32, #tpu.memory_space<vmem>> -> memref<128x64xf32, #tpu.memory_space<vmem>>
        %get3A_625 = arith.index_cast %add3A_620 : i32 to index
        %get3A_626 = arith.constant 0 : index
        %get3A_627 = tpu.vector_load %get3A_624[%get3A_625, %get3A_626] {strides = array<i32>} : memref<128x64xf32, #tpu.memory_space<vmem>>, vector<16xf32>,
        %add3A_628 = arith.constant 4 : i32
        %add3A_629 = arith.addi %mul3A_475, %add3A_628 : i32
        %get3A_630 = arith.constant 0 : i32
        %get3A_631 = arith.constant 0 : i32
        %get3A_632 = tpu.memref_slice %arg6[%scan3A_429, %get3A_630, %get3A_631] : memref<4x128x64xf32, #tpu.memory_space<vmem>> -> memref<1x128x64xf32, #tpu.memory_space<vmem>>
        %get3A_633 = tpu.memref_squeeze %get3A_632 : memref<1x128x64xf32, #tpu.memory_space<vmem>> -> memref<128x64xf32, #tpu.memory_space<vmem>>
        %get3A_634 = arith.index_cast %add3A_629 : i32 to index
        %get3A_635 = arith.constant 16 : index
        %get3A_636 = tpu.vector_load %get3A_633[%get3A_634, %get3A_635] {strides = array<i32>} : memref<128x64xf32, #tpu.memory_space<vmem>>, vector<16xf32>,
        %add3A_637 = arith.constant 4 : i32
        %add3A_638 = arith.addi %mul3A_475, %add3A_637 : i32
        %get3A_639 = arith.constant 0 : i32
        %get3A_640 = arith.constant 0 : i32
        %get3A_641 = tpu.memref_slice %arg6[%scan3A_429, %get3A_639, %get3A_640] : memref<4x128x64xf32, #tpu.memory_space<vmem>> -> memref<1x128x64xf32, #tpu.memory_space<vmem>>
        %get3A_642 = tpu.memref_squeeze %get3A_641 : memref<1x128x64xf32, #tpu.memory_space<vmem>> -> memref<128x64xf32, #tpu.memory_space<vmem>>
        %get3A_643 = arith.index_cast %add3A_638 : i32 to index
        %get3A_644 = arith.constant 32 : index
        %get3A_645 = tpu.vector_load %get3A_642[%get3A_643, %get3A_644] {strides = array<i32>} : memref<128x64xf32, #tpu.memory_space<vmem>>, vector<16xf32>,
        %add3A_646 = arith.constant 4 : i32
        %add3A_647 = arith.addi %mul3A_475, %add3A_646 : i32
        %get3A_648 = arith.constant 0 : i32
        %get3A_649 = arith.constant 0 : i32
        %get3A_650 = tpu.memref_slice %arg6[%scan3A_429, %get3A_648, %get3A_649] : memref<4x128x64xf32, #tpu.memory_space<vmem>> -> memref<1x128x64xf32, #tpu.memory_space<vmem>>
        %get3A_651 = tpu.memref_squeeze %get3A_650 : memref<1x128x64xf32, #tpu.memory_space<vmem>> -> memref<128x64xf32, #tpu.memory_space<vmem>>
        %get3A_652 = arith.index_cast %add3A_647 : i32 to index
        %get3A_653 = arith.constant 48 : index
        %get3A_654 = tpu.vector_load %get3A_651[%get3A_652, %get3A_653] {strides = array<i32>} : memref<128x64xf32, #tpu.memory_space<vmem>>, vector<16xf32>,
        %add3A_655 = arith.constant 5 : i32
        %add3A_656 = arith.addi %mul3A_475, %add3A_655 : i32
        %get3A_657 = arith.constant 0 : i32
        %get3A_658 = arith.constant 0 : i32
        %get3A_659 = tpu.memref_slice %arg6[%scan3A_429, %get3A_657, %get3A_658] : memref<4x128x64xf32, #tpu.memory_space<vmem>> -> memref<1x128x64xf32, #tpu.memory_space<vmem>>
        %get3A_660 = tpu.memref_squeeze %get3A_659 : memref<1x128x64xf32, #tpu.memory_space<vmem>> -> memref<128x64xf32, #tpu.memory_space<vmem>>
        %get3A_661 = arith.index_cast %add3A_656 : i32 to index
        %get3A_662 = arith.constant 0 : index
        %get3A_663 = tpu.vector_load %get3A_660[%get3A_661, %get3A_662] {strides = array<i32>} : memref<128x64xf32, #tpu.memory_space<vmem>>, vector<16xf32>,
        %add3A_664 = arith.constant 5 : i32
        %add3A_665 = arith.addi %mul3A_475, %add3A_664 : i32
        %get3A_666 = arith.constant 0 : i32
        %get3A_667 = arith.constant 0 : i32
        %get3A_668 = tpu.memref_slice %arg6[%scan3A_429, %get3A_666, %get3A_667] : memref<4x128x64xf32, #tpu.memory_space<vmem>> -> memref<1x128x64xf32, #tpu.memory_space<vmem>>
        %get3A_669 = tpu.memref_squeeze %get3A_668 : memref<1x128x64xf32, #tpu.memory_space<vmem>> -> memref<128x64xf32, #tpu.memory_space<vmem>>
        %get3A_670 = arith.index_cast %add3A_665 : i32 to index
        %get3A_671 = arith.constant 16 : index
        %get3A_672 = tpu.vector_load %get3A_669[%get3A_670, %get3A_671] {strides = array<i32>} : memref<128x64xf32, #tpu.memory_space<vmem>>, vector<16xf32>,
        %add3A_673 = arith.constant 5 : i32
        %add3A_674 = arith.addi %mul3A_475, %add3A_673 : i32
        %get3A_675 = arith.constant 0 : i32
        %get3A_676 = arith.constant 0 : i32
        %get3A_677 = tpu.memref_slice %arg6[%scan3A_429, %get3A_675, %get3A_676] : memref<4x128x64xf32, #tpu.memory_space<vmem>> -> memref<1x128x64xf32, #tpu.memory_space<vmem>>
        %get3A_678 = tpu.memref_squeeze %get3A_677 : memref<1x128x64xf32, #tpu.memory_space<vmem>> -> memref<128x64xf32, #tpu.memory_space<vmem>>
        %get3A_679 = arith.index_cast %add3A_674 : i32 to index
        %get3A_680 = arith.constant 32 : index
        %get3A_681 = tpu.vector_load %get3A_678[%get3A_679, %get3A_680] {strides = array<i32>} : memref<128x64xf32, #tpu.memory_space<vmem>>, vector<16xf32>,
        %add3A_682 = arith.constant 5 : i32
        %add3A_683 = arith.addi %mul3A_475, %add3A_682 : i32
        %get3A_684 = arith.constant 0 : i32
        %get3A_685 = arith.constant 0 : i32
        %get3A_686 = tpu.memref_slice %arg6[%scan3A_429, %get3A_684, %get3A_685] : memref<4x128x64xf32, #tpu.memory_space<vmem>> -> memref<1x128x64xf32, #tpu.memory_space<vmem>>
        %get3A_687 = tpu.memref_squeeze %get3A_686 : memref<1x128x64xf32, #tpu.memory_space<vmem>> -> memref<128x64xf32, #tpu.memory_space<vmem>>
        %get3A_688 = arith.index_cast %add3A_683 : i32 to index
        %get3A_689 = arith.constant 48 : index
        %get3A_690 = tpu.vector_load %get3A_687[%get3A_688, %get3A_689] {strides = array<i32>} : memref<128x64xf32, #tpu.memory_space<vmem>>, vector<16xf32>,
        %add3A_691 = arith.constant 6 : i32
        %add3A_692 = arith.addi %mul3A_475, %add3A_691 : i32
        %get3A_693 = arith.constant 0 : i32
        %get3A_694 = arith.constant 0 : i32
        %get3A_695 = tpu.memref_slice %arg6[%scan3A_429, %get3A_693, %get3A_694] : memref<4x128x64xf32, #tpu.memory_space<vmem>> -> memref<1x128x64xf32, #tpu.memory_space<vmem>>
        %get3A_696 = tpu.memref_squeeze %get3A_695 : memref<1x128x64xf32, #tpu.memory_space<vmem>> -> memref<128x64xf32, #tpu.memory_space<vmem>>
        %get3A_697 = arith.index_cast %add3A_692 : i32 to index
        %get3A_698 = arith.constant 0 : index
        %get3A_699 = tpu.vector_load %get3A_696[%get3A_697, %get3A_698] {strides = array<i32>} : memref<128x64xf32, #tpu.memory_space<vmem>>, vector<16xf32>,
        %add3A_700 = arith.constant 6 : i32
        %add3A_701 = arith.addi %mul3A_475, %add3A_700 : i32
        %get3A_702 = arith.constant 0 : i32
        %get3A_703 = arith.constant 0 : i32
        %get3A_704 = tpu.memref_slice %arg6[%scan3A_429, %get3A_702, %get3A_703] : memref<4x128x64xf32, #tpu.memory_space<vmem>> -> memref<1x128x64xf32, #tpu.memory_space<vmem>>
        %get3A_705 = tpu.memref_squeeze %get3A_704 : memref<1x128x64xf32, #tpu.memory_space<vmem>> -> memref<128x64xf32, #tpu.memory_space<vmem>>
        %get3A_706 = arith.index_cast %add3A_701 : i32 to index
        %get3A_707 = arith.constant 16 : index
        %get3A_708 = tpu.vector_load %get3A_705[%get3A_706, %get3A_707] {strides = array<i32>} : memref<128x64xf32, #tpu.memory_space<vmem>>, vector<16xf32>,
        %add3A_709 = arith.constant 6 : i32
        %add3A_710 = arith.addi %mul3A_475, %add3A_709 : i32
        %get3A_711 = arith.constant 0 : i32
        %get3A_712 = arith.constant 0 : i32
        %get3A_713 = tpu.memref_slice %arg6[%scan3A_429, %get3A_711, %get3A_712] : memref<4x128x64xf32, #tpu.memory_space<vmem>> -> memref<1x128x64xf32, #tpu.memory_space<vmem>>
        %get3A_714 = tpu.memref_squeeze %get3A_713 : memref<1x128x64xf32, #tpu.memory_space<vmem>> -> memref<128x64xf32, #tpu.memory_space<vmem>>
        %get3A_715 = arith.index_cast %add3A_710 : i32 to index
        %get3A_716 = arith.constant 32 : index
        %get3A_717 = tpu.vector_load %get3A_714[%get3A_715, %get3A_716] {strides = array<i32>} : memref<128x64xf32, #tpu.memory_space<vmem>>, vector<16xf32>,
        %add3A_718 = arith.constant 6 : i32
        %add3A_719 = arith.addi %mul3A_475, %add3A_718 : i32
        %get3A_720 = arith.constant 0 : i32
        %get3A_721 = arith.constant 0 : i32
        %get3A_722 = tpu.memref_slice %arg6[%scan3A_429, %get3A_720, %get3A_721] : memref<4x128x64xf32, #tpu.memory_space<vmem>> -> memref<1x128x64xf32, #tpu.memory_space<vmem>>
        %get3A_723 = tpu.memref_squeeze %get3A_722 : memref<1x128x64xf32, #tpu.memory_space<vmem>> -> memref<128x64xf32, #tpu.memory_space<vmem>>
        %get3A_724 = arith.index_cast %add3A_719 : i32 to index
        %get3A_725 = arith.constant 48 : index
        %get3A_726 = tpu.vector_load %get3A_723[%get3A_724, %get3A_725] {strides = array<i32>} : memref<128x64xf32, #tpu.memory_space<vmem>>, vector<16xf32>,
        %add3A_727 = arith.constant 7 : i32
        %add3A_728 = arith.addi %mul3A_475, %add3A_727 : i32
        %get3A_729 = arith.constant 0 : i32
        %get3A_730 = arith.constant 0 : i32
        %get3A_731 = tpu.memref_slice %arg6[%scan3A_429, %get3A_729, %get3A_730] : memref<4x128x64xf32, #tpu.memory_space<vmem>> -> memref<1x128x64xf32, #tpu.memory_space<vmem>>
        %get3A_732 = tpu.memref_squeeze %get3A_731 : memref<1x128x64xf32, #tpu.memory_space<vmem>> -> memref<128x64xf32, #tpu.memory_space<vmem>>
        %get3A_733 = arith.index_cast %add3A_728 : i32 to index
        %get3A_734 = arith.constant 0 : index
        %get3A_735 = tpu.vector_load %get3A_732[%get3A_733, %get3A_734] {strides = array<i32>} : memref<128x64xf32, #tpu.memory_space<vmem>>, vector<16xf32>,
        %add3A_736 = arith.constant 7 : i32
        %add3A_737 = arith.addi %mul3A_475, %add3A_736 : i32
        %get3A_738 = arith.constant 0 : i32
        %get3A_739 = arith.constant 0 : i32
        %get3A_740 = tpu.memref_slice %arg6[%scan3A_429, %get3A_738, %get3A_739] : memref<4x128x64xf32, #tpu.memory_space<vmem>> -> memref<1x128x64xf32, #tpu.memory_space<vmem>>
        %get3A_741 = tpu.memref_squeeze %get3A_740 : memref<1x128x64xf32, #tpu.memory_space<vmem>> -> memref<128x64xf32, #tpu.memory_space<vmem>>
        %get3A_742 = arith.index_cast %add3A_737 : i32 to index
        %get3A_743 = arith.constant 16 : index
        %get3A_744 = tpu.vector_load %get3A_741[%get3A_742, %get3A_743] {strides = array<i32>} : memref<128x64xf32, #tpu.memory_space<vmem>>, vector<16xf32>,
        %add3A_745 = arith.constant 7 : i32
        %add3A_746 = arith.addi %mul3A_475, %add3A_745 : i32
        %get3A_747 = arith.constant 0 : i32
        %get3A_748 = arith.constant 0 : i32
        %get3A_749 = tpu.memref_slice %arg6[%scan3A_429, %get3A_747, %get3A_748] : memref<4x128x64xf32, #tpu.memory_space<vmem>> -> memref<1x128x64xf32, #tpu.memory_space<vmem>>
        %get3A_750 = tpu.memref_squeeze %get3A_749 : memref<1x128x64xf32, #tpu.memory_space<vmem>> -> memref<128x64xf32, #tpu.memory_space<vmem>>
        %get3A_751 = arith.index_cast %add3A_746 : i32 to index
        %get3A_752 = arith.constant 32 : index
        %get3A_753 = tpu.vector_load %get3A_750[%get3A_751, %get3A_752] {strides = array<i32>} : memref<128x64xf32, #tpu.memory_space<vmem>>, vector<16xf32>,
        %add3A_754 = arith.constant 7 : i32
        %add3A_755 = arith.addi %mul3A_475, %add3A_754 : i32
        %get3A_756 = arith.constant 0 : i32
        %get3A_757 = arith.constant 0 : i32
        %get3A_758 = tpu.memref_slice %arg6[%scan3A_429, %get3A_756, %get3A_757] : memref<4x128x64xf32, #tpu.memory_space<vmem>> -> memref<1x128x64xf32, #tpu.memory_space<vmem>>
        %get3A_759 = tpu.memref_squeeze %get3A_758 : memref<1x128x64xf32, #tpu.memory_space<vmem>> -> memref<128x64xf32, #tpu.memory_space<vmem>>
        %get3A_760 = arith.index_cast %add3A_755 : i32 to index
        %get3A_761 = arith.constant 48 : index
        %get3A_762 = tpu.vector_load %get3A_759[%get3A_760, %get3A_761] {strides = array<i32>} : memref<128x64xf32, #tpu.memory_space<vmem>>, vector<16xf32>,
        %add3A_763 = arith.constant 0 : i32
        %add3A_764 = arith.addi %mul3A_475, %add3A_763 : i32
        %broadcast_in_dim3A = vector.broadcast %add3A_764 : i32 to vector<16xi32>
        %add3A_765 = arith.constant 1 : i32
        %add3A_766 = arith.addi %mul3A_475, %add3A_765 : i32
        %broadcast_in_dim3A_767 = vector.broadcast %add3A_766 : i32 to vector<16xi32>
        %add3A_768 = arith.constant 2 : i32
        %add3A_769 = arith.addi %mul3A_475, %add3A_768 : i32
        %broadcast_in_dim3A_770 = vector.broadcast %add3A_769 : i32 to vector<16xi32>
        %add3A_771 = arith.constant 3 : i32
        %add3A_772 = arith.addi %mul3A_475, %add3A_771 : i32
        %broadcast_in_dim3A_773 = vector.broadcast %add3A_772 : i32 to vector<16xi32>
        %add3A_774 = arith.constant 4 : i32
        %add3A_775 = arith.addi %mul3A_475, %add3A_774 : i32
        %broadcast_in_dim3A_776 = vector.broadcast %add3A_775 : i32 to vector<16xi32>
        %add3A_777 = arith.constant 5 : i32
        %add3A_778 = arith.addi %mul3A_475, %add3A_777 : i32
        %broadcast_in_dim3A_779 = vector.broadcast %add3A_778 : i32 to vector<16xi32>
        %add3A_780 = arith.constant 6 : i32
        %add3A_781 = arith.addi %mul3A_475, %add3A_780 : i32
        %broadcast_in_dim3A_782 = vector.broadcast %add3A_781 : i32 to vector<16xi32>
        %add3A_783 = arith.constant 7 : i32
        %add3A_784 = arith.addi %mul3A_475, %add3A_783 : i32
        %broadcast_in_dim3A_785 = vector.broadcast %add3A_784 : i32 to vector<16xi32>
        %scatter3A = arith.constant 0 : i32
        %scatter3A_786 = arith.constant 0 : i32
        %scatter3A_787 = arith.constant 0 : i32
        %scatter3A_788 = tpu.memref_slice %arg7[%scan3A_430, %scatter3A, %scatter3A_786, %scatter3A_787] : memref<4x8x8x129xf32, #tpu.memory_space<vmem>> -> memref<1x8x8x129xf32, #tpu.memory_space<vmem>>
        %scatter3A_789 = tpu.memref_squeeze %scatter3A_788 : memref<1x8x8x129xf32, #tpu.memory_space<vmem>> -> memref<8x8x129xf32, #tpu.memory_space<vmem>>
        tpu.vector_store_idx %scatter3A_789[%add3A_418, %and3A_8, %broadcast_in_dim3A], %get3A_483 : memref<8x8x129xf32, #tpu.memory_space<vmem>>[vector<16xi32>, vector<16xi32>, vector<16xi32>], vector<16xf32>,
        %scatter3A_790 = arith.constant 0 : i32
        %scatter3A_791 = arith.constant 0 : i32
        %scatter3A_792 = arith.constant 0 : i32
        %scatter3A_793 = tpu.memref_slice %arg7[%scan3A_430, %scatter3A_790, %scatter3A_791, %scatter3A_792] : memref<4x8x8x129xf32, #tpu.memory_space<vmem>> -> memref<1x8x8x129xf32, #tpu.memory_space<vmem>>
        %scatter3A_794 = tpu.memref_squeeze %scatter3A_793 : memref<1x8x8x129xf32, #tpu.memory_space<vmem>> -> memref<8x8x129xf32, #tpu.memory_space<vmem>>
        tpu.vector_store_idx %scatter3A_794[%add3A_421, %and3A_8, %broadcast_in_dim3A], %get3A_492 : memref<8x8x129xf32, #tpu.memory_space<vmem>>[vector<16xi32>, vector<16xi32>, vector<16xi32>], vector<16xf32>,
        %scatter3A_795 = arith.constant 0 : i32
        %scatter3A_796 = arith.constant 0 : i32
        %scatter3A_797 = arith.constant 0 : i32
        %scatter3A_798 = tpu.memref_slice %arg7[%scan3A_430, %scatter3A_795, %scatter3A_796, %scatter3A_797] : memref<4x8x8x129xf32, #tpu.memory_space<vmem>> -> memref<1x8x8x129xf32, #tpu.memory_space<vmem>>
        %scatter3A_799 = tpu.memref_squeeze %scatter3A_798 : memref<1x8x8x129xf32, #tpu.memory_space<vmem>> -> memref<8x8x129xf32, #tpu.memory_space<vmem>>
        tpu.vector_store_idx %scatter3A_799[%add3A_424, %and3A_8, %broadcast_in_dim3A], %get3A_501 : memref<8x8x129xf32, #tpu.memory_space<vmem>>[vector<16xi32>, vector<16xi32>, vector<16xi32>], vector<16xf32>,
        %scatter3A_800 = arith.constant 0 : i32
        %scatter3A_801 = arith.constant 0 : i32
        %scatter3A_802 = arith.constant 0 : i32
        %scatter3A_803 = tpu.memref_slice %arg7[%scan3A_430, %scatter3A_800, %scatter3A_801, %scatter3A_802] : memref<4x8x8x129xf32, #tpu.memory_space<vmem>> -> memref<1x8x8x129xf32, #tpu.memory_space<vmem>>
        %scatter3A_804 = tpu.memref_squeeze %scatter3A_803 : memref<1x8x8x129xf32, #tpu.memory_space<vmem>> -> memref<8x8x129xf32, #tpu.memory_space<vmem>>
        tpu.vector_store_idx %scatter3A_804[%add3A_427, %and3A_8, %broadcast_in_dim3A], %get3A_510 : memref<8x8x129xf32, #tpu.memory_space<vmem>>[vector<16xi32>, vector<16xi32>, vector<16xi32>], vector<16xf32>,
        %scatter3A_805 = arith.constant 0 : i32
        %scatter3A_806 = arith.constant 0 : i32
        %scatter3A_807 = arith.constant 0 : i32
        %scatter3A_808 = tpu.memref_slice %arg7[%scan3A_430, %scatter3A_805, %scatter3A_806, %scatter3A_807] : memref<4x8x8x129xf32, #tpu.memory_space<vmem>> -> memref<1x8x8x129xf32, #tpu.memory_space<vmem>>
        %scatter3A_809 = tpu.memref_squeeze %scatter3A_808 : memref<1x8x8x129xf32, #tpu.memory_space<vmem>> -> memref<8x8x129xf32, #tpu.memory_space<vmem>>
        tpu.vector_store_idx %scatter3A_809[%add3A_418, %and3A_8, %broadcast_in_dim3A_767], %get3A_519 : memref<8x8x129xf32, #tpu.memory_space<vmem>>[vector<16xi32>, vector<16xi32>, vector<16xi32>], vector<16xf32>,
        %scatter3A_810 = arith.constant 0 : i32
        %scatter3A_811 = arith.constant 0 : i32
        %scatter3A_812 = arith.constant 0 : i32
        %scatter3A_813 = tpu.memref_slice %arg7[%scan3A_430, %scatter3A_810, %scatter3A_811, %scatter3A_812] : memref<4x8x8x129xf32, #tpu.memory_space<vmem>> -> memref<1x8x8x129xf32, #tpu.memory_space<vmem>>
        %scatter3A_814 = tpu.memref_squeeze %scatter3A_813 : memref<1x8x8x129xf32, #tpu.memory_space<vmem>> -> memref<8x8x129xf32, #tpu.memory_space<vmem>>
        tpu.vector_store_idx %scatter3A_814[%add3A_421, %and3A_8, %broadcast_in_dim3A_767], %get3A_528 : memref<8x8x129xf32, #tpu.memory_space<vmem>>[vector<16xi32>, vector<16xi32>, vector<16xi32>], vector<16xf32>,
        %scatter3A_815 = arith.constant 0 : i32
        %scatter3A_816 = arith.constant 0 : i32
        %scatter3A_817 = arith.constant 0 : i32
        %scatter3A_818 = tpu.memref_slice %arg7[%scan3A_430, %scatter3A_815, %scatter3A_816, %scatter3A_817] : memref<4x8x8x129xf32, #tpu.memory_space<vmem>> -> memref<1x8x8x129xf32, #tpu.memory_space<vmem>>
        %scatter3A_819 = tpu.memref_squeeze %scatter3A_818 : memref<1x8x8x129xf32, #tpu.memory_space<vmem>> -> memref<8x8x129xf32, #tpu.memory_space<vmem>>
        tpu.vector_store_idx %scatter3A_819[%add3A_424, %and3A_8, %broadcast_in_dim3A_767], %get3A_537 : memref<8x8x129xf32, #tpu.memory_space<vmem>>[vector<16xi32>, vector<16xi32>, vector<16xi32>], vector<16xf32>,
        %scatter3A_820 = arith.constant 0 : i32
        %scatter3A_821 = arith.constant 0 : i32
        %scatter3A_822 = arith.constant 0 : i32
        %scatter3A_823 = tpu.memref_slice %arg7[%scan3A_430, %scatter3A_820, %scatter3A_821, %scatter3A_822] : memref<4x8x8x129xf32, #tpu.memory_space<vmem>> -> memref<1x8x8x129xf32, #tpu.memory_space<vmem>>
        %scatter3A_824 = tpu.memref_squeeze %scatter3A_823 : memref<1x8x8x129xf32, #tpu.memory_space<vmem>> -> memref<8x8x129xf32, #tpu.memory_space<vmem>>
        tpu.vector_store_idx %scatter3A_824[%add3A_427, %and3A_8, %broadcast_in_dim3A_767], %get3A_546 : memref<8x8x129xf32, #tpu.memory_space<vmem>>[vector<16xi32>, vector<16xi32>, vector<16xi32>], vector<16xf32>,
        %scatter3A_825 = arith.constant 0 : i32
        %scatter3A_826 = arith.constant 0 : i32
        %scatter3A_827 = arith.constant 0 : i32
        %scatter3A_828 = tpu.memref_slice %arg7[%scan3A_430, %scatter3A_825, %scatter3A_826, %scatter3A_827] : memref<4x8x8x129xf32, #tpu.memory_space<vmem>> -> memref<1x8x8x129xf32, #tpu.memory_space<vmem>>
        %scatter3A_829 = tpu.memref_squeeze %scatter3A_828 : memref<1x8x8x129xf32, #tpu.memory_space<vmem>> -> memref<8x8x129xf32, #tpu.memory_space<vmem>>
        tpu.vector_store_idx %scatter3A_829[%add3A_418, %and3A_8, %broadcast_in_dim3A_770], %get3A_555 : memref<8x8x129xf32, #tpu.memory_space<vmem>>[vector<16xi32>, vector<16xi32>, vector<16xi32>], vector<16xf32>,
        %scatter3A_830 = arith.constant 0 : i32
        %scatter3A_831 = arith.constant 0 : i32
        %scatter3A_832 = arith.constant 0 : i32
        %scatter3A_833 = tpu.memref_slice %arg7[%scan3A_430, %scatter3A_830, %scatter3A_831, %scatter3A_832] : memref<4x8x8x129xf32, #tpu.memory_space<vmem>> -> memref<1x8x8x129xf32, #tpu.memory_space<vmem>>
        %scatter3A_834 = tpu.memref_squeeze %scatter3A_833 : memref<1x8x8x129xf32, #tpu.memory_space<vmem>> -> memref<8x8x129xf32, #tpu.memory_space<vmem>>
        tpu.vector_store_idx %scatter3A_834[%add3A_421, %and3A_8, %broadcast_in_dim3A_770], %get3A_564 : memref<8x8x129xf32, #tpu.memory_space<vmem>>[vector<16xi32>, vector<16xi32>, vector<16xi32>], vector<16xf32>,
        %scatter3A_835 = arith.constant 0 : i32
        %scatter3A_836 = arith.constant 0 : i32
        %scatter3A_837 = arith.constant 0 : i32
        %scatter3A_838 = tpu.memref_slice %arg7[%scan3A_430, %scatter3A_835, %scatter3A_836, %scatter3A_837] : memref<4x8x8x129xf32, #tpu.memory_space<vmem>> -> memref<1x8x8x129xf32, #tpu.memory_space<vmem>>
        %scatter3A_839 = tpu.memref_squeeze %scatter3A_838 : memref<1x8x8x129xf32, #tpu.memory_space<vmem>> -> memref<8x8x129xf32, #tpu.memory_space<vmem>>
        tpu.vector_store_idx %scatter3A_839[%add3A_424, %and3A_8, %broadcast_in_dim3A_770], %get3A_573 : memref<8x8x129xf32, #tpu.memory_space<vmem>>[vector<16xi32>, vector<16xi32>, vector<16xi32>], vector<16xf32>,
        %scatter3A_840 = arith.constant 0 : i32
        %scatter3A_841 = arith.constant 0 : i32
        %scatter3A_842 = arith.constant 0 : i32
        %scatter3A_843 = tpu.memref_slice %arg7[%scan3A_430, %scatter3A_840, %scatter3A_841, %scatter3A_842] : memref<4x8x8x129xf32, #tpu.memory_space<vmem>> -> memref<1x8x8x129xf32, #tpu.memory_space<vmem>>
        %scatter3A_844 = tpu.memref_squeeze %scatter3A_843 : memref<1x8x8x129xf32, #tpu.memory_space<vmem>> -> memref<8x8x129xf32, #tpu.memory_space<vmem>>
        tpu.vector_store_idx %scatter3A_844[%add3A_427, %and3A_8, %broadcast_in_dim3A_770], %get3A_582 : memref<8x8x129xf32, #tpu.memory_space<vmem>>[vector<16xi32>, vector<16xi32>, vector<16xi32>], vector<16xf32>,
        %scatter3A_845 = arith.constant 0 : i32
        %scatter3A_846 = arith.constant 0 : i32
        %scatter3A_847 = arith.constant 0 : i32
        %scatter3A_848 = tpu.memref_slice %arg7[%scan3A_430, %scatter3A_845, %scatter3A_846, %scatter3A_847] : memref<4x8x8x129xf32, #tpu.memory_space<vmem>> -> memref<1x8x8x129xf32, #tpu.memory_space<vmem>>
        %scatter3A_849 = tpu.memref_squeeze %scatter3A_848 : memref<1x8x8x129xf32, #tpu.memory_space<vmem>> -> memref<8x8x129xf32, #tpu.memory_space<vmem>>
        tpu.vector_store_idx %scatter3A_849[%add3A_418, %and3A_8, %broadcast_in_dim3A_773], %get3A_591 : memref<8x8x129xf32, #tpu.memory_space<vmem>>[vector<16xi32>, vector<16xi32>, vector<16xi32>], vector<16xf32>,
        %scatter3A_850 = arith.constant 0 : i32
        %scatter3A_851 = arith.constant 0 : i32
        %scatter3A_852 = arith.constant 0 : i32
        %scatter3A_853 = tpu.memref_slice %arg7[%scan3A_430, %scatter3A_850, %scatter3A_851, %scatter3A_852] : memref<4x8x8x129xf32, #tpu.memory_space<vmem>> -> memref<1x8x8x129xf32, #tpu.memory_space<vmem>>
        %scatter3A_854 = tpu.memref_squeeze %scatter3A_853 : memref<1x8x8x129xf32, #tpu.memory_space<vmem>> -> memref<8x8x129xf32, #tpu.memory_space<vmem>>
        tpu.vector_store_idx %scatter3A_854[%add3A_421, %and3A_8, %broadcast_in_dim3A_773], %get3A_600 : memref<8x8x129xf32, #tpu.memory_space<vmem>>[vector<16xi32>, vector<16xi32>, vector<16xi32>], vector<16xf32>,
        %scatter3A_855 = arith.constant 0 : i32
        %scatter3A_856 = arith.constant 0 : i32
        %scatter3A_857 = arith.constant 0 : i32
        %scatter3A_858 = tpu.memref_slice %arg7[%scan3A_430, %scatter3A_855, %scatter3A_856, %scatter3A_857] : memref<4x8x8x129xf32, #tpu.memory_space<vmem>> -> memref<1x8x8x129xf32, #tpu.memory_space<vmem>>
        %scatter3A_859 = tpu.memref_squeeze %scatter3A_858 : memref<1x8x8x129xf32, #tpu.memory_space<vmem>> -> memref<8x8x129xf32, #tpu.memory_space<vmem>>
        tpu.vector_store_idx %scatter3A_859[%add3A_424, %and3A_8, %broadcast_in_dim3A_773], %get3A_609 : memref<8x8x129xf32, #tpu.memory_space<vmem>>[vector<16xi32>, vector<16xi32>, vector<16xi32>], vector<16xf32>,
        %scatter3A_860 = arith.constant 0 : i32
        %scatter3A_861 = arith.constant 0 : i32
        %scatter3A_862 = arith.constant 0 : i32
        %scatter3A_863 = tpu.memref_slice %arg7[%scan3A_430, %scatter3A_860, %scatter3A_861, %scatter3A_862] : memref<4x8x8x129xf32, #tpu.memory_space<vmem>> -> memref<1x8x8x129xf32, #tpu.memory_space<vmem>>
        %scatter3A_864 = tpu.memref_squeeze %scatter3A_863 : memref<1x8x8x129xf32, #tpu.memory_space<vmem>> -> memref<8x8x129xf32, #tpu.memory_space<vmem>>
        tpu.vector_store_idx %scatter3A_864[%add3A_427, %and3A_8, %broadcast_in_dim3A_773], %get3A_618 : memref<8x8x129xf32, #tpu.memory_space<vmem>>[vector<16xi32>, vector<16xi32>, vector<16xi32>], vector<16xf32>,
        %scatter3A_865 = arith.constant 0 : i32
        %scatter3A_866 = arith.constant 0 : i32
        %scatter3A_867 = arith.constant 0 : i32
        %scatter3A_868 = tpu.memref_slice %arg7[%scan3A_430, %scatter3A_865, %scatter3A_866, %scatter3A_867] : memref<4x8x8x129xf32, #tpu.memory_space<vmem>> -> memref<1x8x8x129xf32, #tpu.memory_space<vmem>>
        %scatter3A_869 = tpu.memref_squeeze %scatter3A_868 : memref<1x8x8x129xf32, #tpu.memory_space<vmem>> -> memref<8x8x129xf32, #tpu.memory_space<vmem>>
        tpu.vector_store_idx %scatter3A_869[%add3A_418, %and3A_8, %broadcast_in_dim3A_776], %get3A_627 : memref<8x8x129xf32, #tpu.memory_space<vmem>>[vector<16xi32>, vector<16xi32>, vector<16xi32>], vector<16xf32>,
        %scatter3A_870 = arith.constant 0 : i32
        %scatter3A_871 = arith.constant 0 : i32
        %scatter3A_872 = arith.constant 0 : i32
        %scatter3A_873 = tpu.memref_slice %arg7[%scan3A_430, %scatter3A_870, %scatter3A_871, %scatter3A_872] : memref<4x8x8x129xf32, #tpu.memory_space<vmem>> -> memref<1x8x8x129xf32, #tpu.memory_space<vmem>>
        %scatter3A_874 = tpu.memref_squeeze %scatter3A_873 : memref<1x8x8x129xf32, #tpu.memory_space<vmem>> -> memref<8x8x129xf32, #tpu.memory_space<vmem>>
        tpu.vector_store_idx %scatter3A_874[%add3A_421, %and3A_8, %broadcast_in_dim3A_776], %get3A_636 : memref<8x8x129xf32, #tpu.memory_space<vmem>>[vector<16xi32>, vector<16xi32>, vector<16xi32>], vector<16xf32>,
        %scatter3A_875 = arith.constant 0 : i32
        %scatter3A_876 = arith.constant 0 : i32
        %scatter3A_877 = arith.constant 0 : i32
        %scatter3A_878 = tpu.memref_slice %arg7[%scan3A_430, %scatter3A_875, %scatter3A_876, %scatter3A_877] : memref<4x8x8x129xf32, #tpu.memory_space<vmem>> -> memref<1x8x8x129xf32, #tpu.memory_space<vmem>>
        %scatter3A_879 = tpu.memref_squeeze %scatter3A_878 : memref<1x8x8x129xf32, #tpu.memory_space<vmem>> -> memref<8x8x129xf32, #tpu.memory_space<vmem>>
        tpu.vector_store_idx %scatter3A_879[%add3A_424, %and3A_8, %broadcast_in_dim3A_776], %get3A_645 : memref<8x8x129xf32, #tpu.memory_space<vmem>>[vector<16xi32>, vector<16xi32>, vector<16xi32>], vector<16xf32>,
        %scatter3A_880 = arith.constant 0 : i32
        %scatter3A_881 = arith.constant 0 : i32
        %scatter3A_882 = arith.constant 0 : i32
        %scatter3A_883 = tpu.memref_slice %arg7[%scan3A_430, %scatter3A_880, %scatter3A_881, %scatter3A_882] : memref<4x8x8x129xf32, #tpu.memory_space<vmem>> -> memref<1x8x8x129xf32, #tpu.memory_space<vmem>>
        %scatter3A_884 = tpu.memref_squeeze %scatter3A_883 : memref<1x8x8x129xf32, #tpu.memory_space<vmem>> -> memref<8x8x129xf32, #tpu.memory_space<vmem>>
        tpu.vector_store_idx %scatter3A_884[%add3A_427, %and3A_8, %broadcast_in_dim3A_776], %get3A_654 : memref<8x8x129xf32, #tpu.memory_space<vmem>>[vector<16xi32>, vector<16xi32>, vector<16xi32>], vector<16xf32>,
        %scatter3A_885 = arith.constant 0 : i32
        %scatter3A_886 = arith.constant 0 : i32
        %scatter3A_887 = arith.constant 0 : i32
        %scatter3A_888 = tpu.memref_slice %arg7[%scan3A_430, %scatter3A_885, %scatter3A_886, %scatter3A_887] : memref<4x8x8x129xf32, #tpu.memory_space<vmem>> -> memref<1x8x8x129xf32, #tpu.memory_space<vmem>>
        %scatter3A_889 = tpu.memref_squeeze %scatter3A_888 : memref<1x8x8x129xf32, #tpu.memory_space<vmem>> -> memref<8x8x129xf32, #tpu.memory_space<vmem>>
        tpu.vector_store_idx %scatter3A_889[%add3A_418, %and3A_8, %broadcast_in_dim3A_779], %get3A_663 : memref<8x8x129xf32, #tpu.memory_space<vmem>>[vector<16xi32>, vector<16xi32>, vector<16xi32>], vector<16xf32>,
        %scatter3A_890 = arith.constant 0 : i32
        %scatter3A_891 = arith.constant 0 : i32
        %scatter3A_892 = arith.constant 0 : i32
        %scatter3A_893 = tpu.memref_slice %arg7[%scan3A_430, %scatter3A_890, %scatter3A_891, %scatter3A_892] : memref<4x8x8x129xf32, #tpu.memory_space<vmem>> -> memref<1x8x8x129xf32, #tpu.memory_space<vmem>>
        %scatter3A_894 = tpu.memref_squeeze %scatter3A_893 : memref<1x8x8x129xf32, #tpu.memory_space<vmem>> -> memref<8x8x129xf32, #tpu.memory_space<vmem>>
        tpu.vector_store_idx %scatter3A_894[%add3A_421, %and3A_8, %broadcast_in_dim3A_779], %get3A_672 : memref<8x8x129xf32, #tpu.memory_space<vmem>>[vector<16xi32>, vector<16xi32>, vector<16xi32>], vector<16xf32>,
        %scatter3A_895 = arith.constant 0 : i32
        %scatter3A_896 = arith.constant 0 : i32
        %scatter3A_897 = arith.constant 0 : i32
        %scatter3A_898 = tpu.memref_slice %arg7[%scan3A_430, %scatter3A_895, %scatter3A_896, %scatter3A_897] : memref<4x8x8x129xf32, #tpu.memory_space<vmem>> -> memref<1x8x8x129xf32, #tpu.memory_space<vmem>>
        %scatter3A_899 = tpu.memref_squeeze %scatter3A_898 : memref<1x8x8x129xf32, #tpu.memory_space<vmem>> -> memref<8x8x129xf32, #tpu.memory_space<vmem>>
        tpu.vector_store_idx %scatter3A_899[%add3A_424, %and3A_8, %broadcast_in_dim3A_779], %get3A_681 : memref<8x8x129xf32, #tpu.memory_space<vmem>>[vector<16xi32>, vector<16xi32>, vector<16xi32>], vector<16xf32>,
        %scatter3A_900 = arith.constant 0 : i32
        %scatter3A_901 = arith.constant 0 : i32
        %scatter3A_902 = arith.constant 0 : i32
        %scatter3A_903 = tpu.memref_slice %arg7[%scan3A_430, %scatter3A_900, %scatter3A_901, %scatter3A_902] : memref<4x8x8x129xf32, #tpu.memory_space<vmem>> -> memref<1x8x8x129xf32, #tpu.memory_space<vmem>>
        %scatter3A_904 = tpu.memref_squeeze %scatter3A_903 : memref<1x8x8x129xf32, #tpu.memory_space<vmem>> -> memref<8x8x129xf32, #tpu.memory_space<vmem>>
        tpu.vector_store_idx %scatter3A_904[%add3A_427, %and3A_8, %broadcast_in_dim3A_779], %get3A_690 : memref<8x8x129xf32, #tpu.memory_space<vmem>>[vector<16xi32>, vector<16xi32>, vector<16xi32>], vector<16xf32>,
        %scatter3A_905 = arith.constant 0 : i32
        %scatter3A_906 = arith.constant 0 : i32
        %scatter3A_907 = arith.constant 0 : i32
        %scatter3A_908 = tpu.memref_slice %arg7[%scan3A_430, %scatter3A_905, %scatter3A_906, %scatter3A_907] : memref<4x8x8x129xf32, #tpu.memory_space<vmem>> -> memref<1x8x8x129xf32, #tpu.memory_space<vmem>>
        %scatter3A_909 = tpu.memref_squeeze %scatter3A_908 : memref<1x8x8x129xf32, #tpu.memory_space<vmem>> -> memref<8x8x129xf32, #tpu.memory_space<vmem>>
        tpu.vector_store_idx %scatter3A_909[%add3A_418, %and3A_8, %broadcast_in_dim3A_782], %get3A_699 : memref<8x8x129xf32, #tpu.memory_space<vmem>>[vector<16xi32>, vector<16xi32>, vector<16xi32>], vector<16xf32>,
        %scatter3A_910 = arith.constant 0 : i32
        %scatter3A_911 = arith.constant 0 : i32
        %scatter3A_912 = arith.constant 0 : i32
        %scatter3A_913 = tpu.memref_slice %arg7[%scan3A_430, %scatter3A_910, %scatter3A_911, %scatter3A_912] : memref<4x8x8x129xf32, #tpu.memory_space<vmem>> -> memref<1x8x8x129xf32, #tpu.memory_space<vmem>>
        %scatter3A_914 = tpu.memref_squeeze %scatter3A_913 : memref<1x8x8x129xf32, #tpu.memory_space<vmem>> -> memref<8x8x129xf32, #tpu.memory_space<vmem>>
        tpu.vector_store_idx %scatter3A_914[%add3A_421, %and3A_8, %broadcast_in_dim3A_782], %get3A_708 : memref<8x8x129xf32, #tpu.memory_space<vmem>>[vector<16xi32>, vector<16xi32>, vector<16xi32>], vector<16xf32>,
        %scatter3A_915 = arith.constant 0 : i32
        %scatter3A_916 = arith.constant 0 : i32
        %scatter3A_917 = arith.constant 0 : i32
        %scatter3A_918 = tpu.memref_slice %arg7[%scan3A_430, %scatter3A_915, %scatter3A_916, %scatter3A_917] : memref<4x8x8x129xf32, #tpu.memory_space<vmem>> -> memref<1x8x8x129xf32, #tpu.memory_space<vmem>>
        %scatter3A_919 = tpu.memref_squeeze %scatter3A_918 : memref<1x8x8x129xf32, #tpu.memory_space<vmem>> -> memref<8x8x129xf32, #tpu.memory_space<vmem>>
        tpu.vector_store_idx %scatter3A_919[%add3A_424, %and3A_8, %broadcast_in_dim3A_782], %get3A_717 : memref<8x8x129xf32, #tpu.memory_space<vmem>>[vector<16xi32>, vector<16xi32>, vector<16xi32>], vector<16xf32>,
        %scatter3A_920 = arith.constant 0 : i32
        %scatter3A_921 = arith.constant 0 : i32
        %scatter3A_922 = arith.constant 0 : i32
        %scatter3A_923 = tpu.memref_slice %arg7[%scan3A_430, %scatter3A_920, %scatter3A_921, %scatter3A_922] : memref<4x8x8x129xf32, #tpu.memory_space<vmem>> -> memref<1x8x8x129xf32, #tpu.memory_space<vmem>>
        %scatter3A_924 = tpu.memref_squeeze %scatter3A_923 : memref<1x8x8x129xf32, #tpu.memory_space<vmem>> -> memref<8x8x129xf32, #tpu.memory_space<vmem>>
        tpu.vector_store_idx %scatter3A_924[%add3A_427, %and3A_8, %broadcast_in_dim3A_782], %get3A_726 : memref<8x8x129xf32, #tpu.memory_space<vmem>>[vector<16xi32>, vector<16xi32>, vector<16xi32>], vector<16xf32>,
        %scatter3A_925 = arith.constant 0 : i32
        %scatter3A_926 = arith.constant 0 : i32
        %scatter3A_927 = arith.constant 0 : i32
        %scatter3A_928 = tpu.memref_slice %arg7[%scan3A_430, %scatter3A_925, %scatter3A_926, %scatter3A_927] : memref<4x8x8x129xf32, #tpu.memory_space<vmem>> -> memref<1x8x8x129xf32, #tpu.memory_space<vmem>>
        %scatter3A_929 = tpu.memref_squeeze %scatter3A_928 : memref<1x8x8x129xf32, #tpu.memory_space<vmem>> -> memref<8x8x129xf32, #tpu.memory_space<vmem>>
        tpu.vector_store_idx %scatter3A_929[%add3A_418, %and3A_8, %broadcast_in_dim3A_785], %get3A_735 : memref<8x8x129xf32, #tpu.memory_space<vmem>>[vector<16xi32>, vector<16xi32>, vector<16xi32>], vector<16xf32>,
        %scatter3A_930 = arith.constant 0 : i32
        %scatter3A_931 = arith.constant 0 : i32
        %scatter3A_932 = arith.constant 0 : i32
        %scatter3A_933 = tpu.memref_slice %arg7[%scan3A_430, %scatter3A_930, %scatter3A_931, %scatter3A_932] : memref<4x8x8x129xf32, #tpu.memory_space<vmem>> -> memref<1x8x8x129xf32, #tpu.memory_space<vmem>>
        %scatter3A_934 = tpu.memref_squeeze %scatter3A_933 : memref<1x8x8x129xf32, #tpu.memory_space<vmem>> -> memref<8x8x129xf32, #tpu.memory_space<vmem>>
        tpu.vector_store_idx %scatter3A_934[%add3A_421, %and3A_8, %broadcast_in_dim3A_785], %get3A_744 : memref<8x8x129xf32, #tpu.memory_space<vmem>>[vector<16xi32>, vector<16xi32>, vector<16xi32>], vector<16xf32>,
        %scatter3A_935 = arith.constant 0 : i32
        %scatter3A_936 = arith.constant 0 : i32
        %scatter3A_937 = arith.constant 0 : i32
        %scatter3A_938 = tpu.memref_slice %arg7[%scan3A_430, %scatter3A_935, %scatter3A_936, %scatter3A_937] : memref<4x8x8x129xf32, #tpu.memory_space<vmem>> -> memref<1x8x8x129xf32, #tpu.memory_space<vmem>>
        %scatter3A_939 = tpu.memref_squeeze %scatter3A_938 : memref<1x8x8x129xf32, #tpu.memory_space<vmem>> -> memref<8x8x129xf32, #tpu.memory_space<vmem>>
        tpu.vector_store_idx %scatter3A_939[%add3A_424, %and3A_8, %broadcast_in_dim3A_785], %get3A_753 : memref<8x8x129xf32, #tpu.memory_space<vmem>>[vector<16xi32>, vector<16xi32>, vector<16xi32>], vector<16xf32>,
        %scatter3A_940 = arith.constant 0 : i32
        %scatter3A_941 = arith.constant 0 : i32
        %scatter3A_942 = arith.constant 0 : i32
        %scatter3A_943 = tpu.memref_slice %arg7[%scan3A_430, %scatter3A_940, %scatter3A_941, %scatter3A_942] : memref<4x8x8x129xf32, #tpu.memory_space<vmem>> -> memref<1x8x8x129xf32, #tpu.memory_space<vmem>>
        %scatter3A_944 = tpu.memref_squeeze %scatter3A_943 : memref<1x8x8x129xf32, #tpu.memory_space<vmem>> -> memref<8x8x129xf32, #tpu.memory_space<vmem>>
        tpu.vector_store_idx %scatter3A_944[%add3A_427, %and3A_8, %broadcast_in_dim3A_785], %get3A_762 : memref<8x8x129xf32, #tpu.memory_space<vmem>>[vector<16xi32>, vector<16xi32>, vector<16xi32>], vector<16xf32>,
      }
      %scan3A_435 = arith.constant 16 : i32
      %mul3A_436 = arith.constant 1 : i32
      %mul3A_437 = arith.muli %add3A_399, %mul3A_436 : i32
      %add3A_438 = arith.addi %mul3A_4, %mul3A_437 : i32
      %add3A_439 = arith.constant 0 : i32
      %add3A_440 = arith.addi %add3A_438, %add3A_439 : i32
      %shift_right_logical3A_441 = arith.constant 5 : i32
      %shift_right_logical3A_442 = arith.shrui %add3A_440, %shift_right_logical3A_441 : i32
      %and3A_443 = arith.constant 31 : i32
      %and3A_444 = arith.andi %add3A_440, %and3A_443 : i32
      %dma_start3A_445 = arith.constant 3 : i32
      %dma_start3A_446 = arith.constant 0 : i32
      %dma_start3A_447 = arith.constant 0 : i32
      %dma_start3A_448 = arith.constant 0 : i32
      %dma_start3A_449 = tpu.memref_slice %arg7[%dma_start3A_445, %dma_start3A_446, %dma_start3A_447, %dma_start3A_448] : memref<4x8x8x129xf32, #tpu.memory_space<vmem>> -> memref<1x8x8x128xf32, #tpu.memory_space<vmem>>
      %dma_start3A_450 = tpu.memref_squeeze %dma_start3A_449 : memref<1x8x8x128xf32, #tpu.memory_space<vmem>> -> memref<8x8x128xf32, #tpu.memory_space<vmem>>
      %dma_start3A_451 = arith.constant 0 : i32
      %dma_start3A_452 = arith.constant 0 : i32
      %dma_start3A_453 = arith.constant 0 : i32
      %dma_start3A_454 = tpu.memref_slice %arg4[%shift_right_logical3A_442, %dma_start3A_451, %and3A_444, %dma_start3A_452, %dma_start3A_453] : memref<200x8x32x8x128xf32, #tpu.memory_space<hbm>> -> memref<1x8x1x8x128xf32, #tpu.memory_space<hbm>>
      %dma_start3A_455 = tpu.memref_squeeze %dma_start3A_454 : memref<1x8x1x8x128xf32, #tpu.memory_space<hbm>> -> memref<8x8x128xf32, #tpu.memory_space<hbm>>
      %dma_start3A_456 = arith.constant 0 : i32
      %dma_start3A_457 = arith.constant 0 : i32
      %dma_start3A_458 = arith.constant 0 : i32
      %dma_start3A_459 = tpu.memref_slice %arg4[%shift_right_logical3A_442, %dma_start3A_456, %and3A_444, %dma_start3A_457, %dma_start3A_458] : memref<200x8x32x8x128xf32, #tpu.memory_space<hbm>> -> memref<1x8x1x8x128xf32, #tpu.memory_space<hbm>>
      %dma_start3A_460 = tpu.memref_squeeze %dma_start3A_459 : memref<1x8x1x8x128xf32, #tpu.memory_space<hbm>> -> memref<8x8x128xf32, #tpu.memory_space<hbm>>
      %dma_start3A_461 = arith.constant 0 : i32
      %dma_start3A_462 = arith.constant 0 : i32
      %dma_start3A_463 = arith.constant 0 : i32
      %dma_start3A_464 = tpu.memref_slice %arg7[%dma_start3A_445, %dma_start3A_461, %dma_start3A_462, %dma_start3A_463] : memref<4x8x8x129xf32, #tpu.memory_space<vmem>> -> memref<1x8x8x128xf32, #tpu.memory_space<vmem>>
      %dma_start3A_465 = tpu.memref_squeeze %dma_start3A_464 : memref<1x8x8x128xf32, #tpu.memory_space<vmem>> -> memref<8x8x128xf32, #tpu.memory_space<vmem>>
      tpu.enqueue_dma source(%dma_start3A_465 : memref<8x8x128xf32, #tpu.memory_space<vmem>>) target(%dma_start3A_460 : memref<8x8x128xf32, #tpu.memory_space<hbm>>) target_semaphore(%arg15 : memref<!tpu.dma_semaphore, #tpu.memory_space<semaphore_mem>>)
      %add3A_466 = arith.constant 4 : i32
      %add3A_467 = arith.addi %add3A_399, %add3A_466 : i32
      %lt3A_468 = arith.constant 200 : i32
      %lt3A_469 = arith.cmpi slt, %add3A_467, %lt3A_468 : i32
      %convert_element_type3A_470 = arith.extui %lt3A_469 : i1 to i32
      %cond3A_471 = arith.constant 0 : i32
      %cond3A_472 = arith.cmpi ne, %convert_element_type3A_470, %cond3A_471 : i32
      scf.if %cond3A_472 {
        %add3A_473 = arith.constant 4 : i32
        %add3A_474 = arith.addi %add3A_399, %add3A_473 : i32
        %mul3A_475 = arith.constant 128 : i32
        %mul3A_476 = arith.muli %add3A_474, %mul3A_475 : i32
        %dma_start3A_477 = arith.constant 3 : i32
        %dma_start3A_478 = arith.constant 0 : i32
        %dma_start3A_479 = arith.constant 0 : i32
        %dma_start3A_480 = tpu.memref_slice %arg6[%dma_start3A_477, %dma_start3A_478, %dma_start3A_479] : memref<4x128x64xf32, #tpu.memory_space<vmem>> -> memref<1x128x64xf32, #tpu.memory_space<vmem>>
        %dma_start3A_481 = tpu.memref_squeeze %dma_start3A_480 : memref<1x128x64xf32, #tpu.memory_space<vmem>> -> memref<128x64xf32, #tpu.memory_space<vmem>>
        %dma_start3A_482 = tpu.memref_slice %arg5[%mul3A_476] : memref<25600xi32, #tpu.memory_space<vmem>> -> memref<128xi32, #tpu.memory_space<vmem>>
        %dma_start3A_483 = arith.constant 0 : i32
        %dma_start3A_484 = arith.constant 0 : i32
        %dma_start3A_485 = tpu.memref_slice %arg2[%dma_start3A_483, %dma_start3A_484] : memref<1000000x64xf32, #tpu.memory_space<hbm>> -> memref<1000000x64xf32, #tpu.memory_space<hbm>>
        tpu.enqueue_indirect_dma source(%dma_start3A_485 : memref<1000000x64xf32, #tpu.memory_space<hbm>>) target(%dma_start3A_481 : memref<128x64xf32, #tpu.memory_space<vmem>>) offsets(%dma_start3A_482 : memref<128xi32, #tpu.memory_space<vmem>>) semaphore(%arg11 : memref<!tpu.dma_semaphore, #tpu.memory_space<semaphore_mem>>)
      } else {
      }
    }
    %scan3A_52 = arith.constant 50 : i32
    %add3A_53 = arith.constant 196 : i32
    %add3A_54 = arith.addi %mul3A_4, %add3A_53 : i32
    %add3A_55 = arith.constant 0 : i32
    %add3A_56 = arith.addi %add3A_54, %add3A_55 : i32
    %shift_right_logical3A_57 = arith.constant 5 : i32
    %shift_right_logical3A_58 = arith.shrui %add3A_56, %shift_right_logical3A_57 : i32
    %and3A_59 = arith.constant 31 : i32
    %and3A_60 = arith.andi %add3A_56, %and3A_59 : i32
    %dma_wait3A = arith.constant 0 : i32
    %dma_wait3A_61 = arith.constant 0 : i32
    %dma_wait3A_62 = arith.constant 0 : i32
    %dma_wait3A_63 = arith.constant 0 : i32
    %dma_wait3A_64 = tpu.memref_slice %arg7[%dma_wait3A, %dma_wait3A_61, %dma_wait3A_62, %dma_wait3A_63] : memref<4x8x8x129xf32, #tpu.memory_space<vmem>> -> memref<1x8x8x128xf32, #tpu.memory_space<vmem>>
    %dma_wait3A_65 = tpu.memref_squeeze %dma_wait3A_64 : memref<1x8x8x128xf32, #tpu.memory_space<vmem>> -> memref<8x8x128xf32, #tpu.memory_space<vmem>>
    %dma_wait3A_66 = arith.constant 0 : i32
    %dma_wait3A_67 = arith.constant 0 : i32
    %dma_wait3A_68 = arith.constant 0 : i32
    %dma_wait3A_69 = tpu.memref_slice %arg4[%shift_right_logical3A_58, %dma_wait3A_66, %and3A_60, %dma_wait3A_67, %dma_wait3A_68] : memref<200x8x32x8x128xf32, #tpu.memory_space<hbm>> -> memref<1x8x1x8x128xf32, #tpu.memory_space<hbm>>
    %dma_wait3A_70 = tpu.memref_squeeze %dma_wait3A_69 : memref<1x8x1x8x128xf32, #tpu.memory_space<hbm>> -> memref<8x8x128xf32, #tpu.memory_space<hbm>>
    %dma_wait3A_71 = arith.constant 0 : i32
    %dma_wait3A_72 = arith.constant 0 : i32
    %dma_wait3A_73 = arith.constant 0 : i32
    %dma_wait3A_74 = tpu.memref_slice %arg4[%shift_right_logical3A_58, %dma_wait3A_71, %and3A_60, %dma_wait3A_72, %dma_wait3A_73] : memref<200x8x32x8x128xf32, #tpu.memory_space<hbm>> -> memref<1x8x1x8x128xf32, #tpu.memory_space<hbm>>
    %dma_wait3A_75 = tpu.memref_squeeze %dma_wait3A_74 : memref<1x8x1x8x128xf32, #tpu.memory_space<hbm>> -> memref<8x8x128xf32, #tpu.memory_space<hbm>>
    %dma_wait3A_76 = arith.constant 0 : i32
    %dma_wait3A_77 = arith.constant 0 : i32
    %dma_wait3A_78 = arith.constant 0 : i32
    %dma_wait3A_79 = tpu.memref_slice %arg7[%dma_wait3A, %dma_wait3A_76, %dma_wait3A_77, %dma_wait3A_78] : memref<4x8x8x129xf32, #tpu.memory_space<vmem>> -> memref<1x8x8x128xf32, #tpu.memory_space<vmem>>
    %dma_wait3A_80 = tpu.memref_squeeze %dma_wait3A_79 : memref<1x8x8x128xf32, #tpu.memory_space<vmem>> -> memref<8x8x128xf32, #tpu.memory_space<vmem>>
    tpu.wait_dma2 semaphore(%arg12 : memref<!tpu.dma_semaphore, #tpu.memory_space<semaphore_mem>>) src(%dma_wait3A_80 : memref<8x8x128xf32, #tpu.memory_space<vmem>>) dst(%dma_wait3A_75 : memref<8x8x128xf32, #tpu.memory_space<hbm>>)
    %add3A_81 = arith.constant 197 : i32
    %add3A_82 = arith.addi %mul3A_4, %add3A_81 : i32
    %add3A_83 = arith.constant 0 : i32
    %add3A_84 = arith.addi %add3A_82, %add3A_83 : i32
    %shift_right_logical3A_85 = arith.constant 5 : i32
    %shift_right_logical3A_86 = arith.shrui %add3A_84, %shift_right_logical3A_85 : i32
    %and3A_87 = arith.constant 31 : i32
    %and3A_88 = arith.andi %add3A_84, %and3A_87 : i32
    %dma_wait3A_89 = arith.constant 1 : i32
    %dma_wait3A_90 = arith.constant 0 : i32
    %dma_wait3A_91 = arith.constant 0 : i32
    %dma_wait3A_92 = arith.constant 0 : i32
    %dma_wait3A_93 = tpu.memref_slice %arg7[%dma_wait3A_89, %dma_wait3A_90, %dma_wait3A_91, %dma_wait3A_92] : memref<4x8x8x129xf32, #tpu.memory_space<vmem>> -> memref<1x8x8x128xf32, #tpu.memory_space<vmem>>
    %dma_wait3A_94 = tpu.memref_squeeze %dma_wait3A_93 : memref<1x8x8x128xf32, #tpu.memory_space<vmem>> -> memref<8x8x128xf32, #tpu.memory_space<vmem>>
    %dma_wait3A_95 = arith.constant 0 : i32
    %dma_wait3A_96 = arith.constant 0 : i32
    %dma_wait3A_97 = arith.constant 0 : i32
    %dma_wait3A_98 = tpu.memref_slice %arg4[%shift_right_logical3A_86, %dma_wait3A_95, %and3A_88, %dma_wait3A_96, %dma_wait3A_97] : memref<200x8x32x8x128xf32, #tpu.memory_space<hbm>> -> memref<1x8x1x8x128xf32, #tpu.memory_space<hbm>>
    %dma_wait3A_99 = tpu.memref_squeeze %dma_wait3A_98 : memref<1x8x1x8x128xf32, #tpu.memory_space<hbm>> -> memref<8x8x128xf32, #tpu.memory_space<hbm>>
    %dma_wait3A_100 = arith.constant 0 : i32
    %dma_wait3A_101 = arith.constant 0 : i32
    %dma_wait3A_102 = arith.constant 0 : i32
    %dma_wait3A_103 = tpu.memref_slice %arg4[%shift_right_logical3A_86, %dma_wait3A_100, %and3A_88, %dma_wait3A_101, %dma_wait3A_102] : memref<200x8x32x8x128xf32, #tpu.memory_space<hbm>> -> memref<1x8x1x8x128xf32, #tpu.memory_space<hbm>>
    %dma_wait3A_104 = tpu.memref_squeeze %dma_wait3A_103 : memref<1x8x1x8x128xf32, #tpu.memory_space<hbm>> -> memref<8x8x128xf32, #tpu.memory_space<hbm>>
    %dma_wait3A_105 = arith.constant 0 : i32
    %dma_wait3A_106 = arith.constant 0 : i32
    %dma_wait3A_107 = arith.constant 0 : i32
    %dma_wait3A_108 = tpu.memref_slice %arg7[%dma_wait3A_89, %dma_wait3A_105, %dma_wait3A_106, %dma_wait3A_107] : memref<4x8x8x129xf32, #tpu.memory_space<vmem>> -> memref<1x8x8x128xf32, #tpu.memory_space<vmem>>
    %dma_wait3A_109 = tpu.memref_squeeze %dma_wait3A_108 : memref<1x8x8x128xf32, #tpu.memory_space<vmem>> -> memref<8x8x128xf32, #tpu.memory_space<vmem>>
    tpu.wait_dma2 semaphore(%arg13 : memref<!tpu.dma_semaphore, #tpu.memory_space<semaphore_mem>>) src(%dma_wait3A_109 : memref<8x8x128xf32, #tpu.memory_space<vmem>>) dst(%dma_wait3A_104 : memref<8x8x128xf32, #tpu.memory_space<hbm>>)
    %add3A_110 = arith.constant 198 : i32
    %add3A_111 = arith.addi %mul3A_4, %add3A_110 : i32
    %add3A_112 = arith.constant 0 : i32
    %add3A_113 = arith.addi %add3A_111, %add3A_112 : i32
    %shift_right_logical3A_114 = arith.constant 5 : i32
    %shift_right_logical3A_115 = arith.shrui %add3A_113, %shift_right_logical3A_114 : i32
    %and3A_116 = arith.constant 31 : i32
    %and3A_117 = arith.andi %add3A_113, %and3A_116 : i32
    %dma_wait3A_118 = arith.constant 2 : i32
    %dma_wait3A_119 = arith.constant 0 : i32
    %dma_wait3A_120 = arith.constant 0 : i32
    %dma_wait3A_121 = arith.constant 0 : i32
    %dma_wait3A_122 = tpu.memref_slice %arg7[%dma_wait3A_118, %dma_wait3A_119, %dma_wait3A_120, %dma_wait3A_121] : memref<4x8x8x129xf32, #tpu.memory_space<vmem>> -> memref<1x8x8x128xf32, #tpu.memory_space<vmem>>
    %dma_wait3A_123 = tpu.memref_squeeze %dma_wait3A_122 : memref<1x8x8x128xf32, #tpu.memory_space<vmem>> -> memref<8x8x128xf32, #tpu.memory_space<vmem>>
    %dma_wait3A_124 = arith.constant 0 : i32
    %dma_wait3A_125 = arith.constant 0 : i32
    %dma_wait3A_126 = arith.constant 0 : i32
    %dma_wait3A_127 = tpu.memref_slice %arg4[%shift_right_logical3A_115, %dma_wait3A_124, %and3A_117, %dma_wait3A_125, %dma_wait3A_126] : memref<200x8x32x8x128xf32, #tpu.memory_space<hbm>> -> memref<1x8x1x8x128xf32, #tpu.memory_space<hbm>>
    %dma_wait3A_128 = tpu.memref_squeeze %dma_wait3A_127 : memref<1x8x1x8x128xf32, #tpu.memory_space<hbm>> -> memref<8x8x128xf32, #tpu.memory_space<hbm>>
    %dma_wait3A_129 = arith.constant 0 : i32
    %dma_wait3A_130 = arith.constant 0 : i32
    %dma_wait3A_131 = arith.constant 0 : i32
    %dma_wait3A_132 = tpu.memref_slice %arg4[%shift_right_logical3A_115, %dma_wait3A_129, %and3A_117, %dma_wait3A_130, %dma_wait3A_131] : memref<200x8x32x8x128xf32, #tpu.memory_space<hbm>> -> memref<1x8x1x8x128xf32, #tpu.memory_space<hbm>>
    %dma_wait3A_133 = tpu.memref_squeeze %dma_wait3A_132 : memref<1x8x1x8x128xf32, #tpu.memory_space<hbm>> -> memref<8x8x128xf32, #tpu.memory_space<hbm>>
    %dma_wait3A_134 = arith.constant 0 : i32
    %dma_wait3A_135 = arith.constant 0 : i32
    %dma_wait3A_136 = arith.constant 0 : i32
    %dma_wait3A_137 = tpu.memref_slice %arg7[%dma_wait3A_118, %dma_wait3A_134, %dma_wait3A_135, %dma_wait3A_136] : memref<4x8x8x129xf32, #tpu.memory_space<vmem>> -> memref<1x8x8x128xf32, #tpu.memory_space<vmem>>
    %dma_wait3A_138 = tpu.memref_squeeze %dma_wait3A_137 : memref<1x8x8x128xf32, #tpu.memory_space<vmem>> -> memref<8x8x128xf32, #tpu.memory_space<vmem>>
    tpu.wait_dma2 semaphore(%arg14 : memref<!tpu.dma_semaphore, #tpu.memory_space<semaphore_mem>>) src(%dma_wait3A_138 : memref<8x8x128xf32, #tpu.memory_space<vmem>>) dst(%dma_wait3A_133 : memref<8x8x128xf32, #tpu.memory_space<hbm>>)
    %add3A_139 = arith.constant 199 : i32
    %add3A_140 = arith.addi %mul3A_4, %add3A_139 : i32
    %add3A_141 = arith.constant 0 : i32
    %add3A_142 = arith.addi %add3A_140, %add3A_141 : i32
    %shift_right_logical3A_143 = arith.constant 5 : i32
    %shift_right_logical3A_144 = arith.shrui %add3A_142, %shift_right_logical3A_143 : i32
    %and3A_145 = arith.constant 31 : i32
    %and3A_146 = arith.andi %add3A_142, %and3A_145 : i32
    %dma_wait3A_147 = arith.constant 3 : i32
    %dma_wait3A_148 = arith.constant 0 : i32
    %dma_wait3A_149 = arith.constant 0 : i32
    %dma_wait3A_150 = arith.constant 0 : i32
    %dma_wait3A_151 = tpu.memref_slice %arg7[%dma_wait3A_147, %dma_wait3A_148, %dma_wait3A_149, %dma_wait3A_150] : memref<4x8x8x129xf32, #tpu.memory_space<vmem>> -> memref<1x8x8x128xf32, #tpu.memory_space<vmem>>
    %dma_wait3A_152 = tpu.memref_squeeze %dma_wait3A_151 : memref<1x8x8x128xf32, #tpu.memory_space<vmem>> -> memref<8x8x128xf32, #tpu.memory_space<vmem>>
    %dma_wait3A_153 = arith.constant 0 : i32
    %dma_wait3A_154 = arith.constant 0 : i32
    %dma_wait3A_155 = arith.constant 0 : i32
    %dma_wait3A_156 = tpu.memref_slice %arg4[%shift_right_logical3A_144, %dma_wait3A_153, %and3A_146, %dma_wait3A_154, %dma_wait3A_155] : memref<200x8x32x8x128xf32, #tpu.memory_space<hbm>> -> memref<1x8x1x8x128xf32, #tpu.memory_space<hbm>>
    %dma_wait3A_157 = tpu.memref_squeeze %dma_wait3A_156 : memref<1x8x1x8x128xf32, #tpu.memory_space<hbm>> -> memref<8x8x128xf32, #tpu.memory_space<hbm>>
    %dma_wait3A_158 = arith.constant 0 : i32
    %dma_wait3A_159 = arith.constant 0 : i32
    %dma_wait3A_160 = arith.constant 0 : i32
    %dma_wait3A_161 = tpu.memref_slice %arg4[%shift_right_logical3A_144, %dma_wait3A_158, %and3A_146, %dma_wait3A_159, %dma_wait3A_160] : memref<200x8x32x8x128xf32, #tpu.memory_space<hbm>> -> memref<1x8x1x8x128xf32, #tpu.memory_space<hbm>>
    %dma_wait3A_162 = tpu.memref_squeeze %dma_wait3A_161 : memref<1x8x1x8x128xf32, #tpu.memory_space<hbm>> -> memref<8x8x128xf32, #tpu.memory_space<hbm>>
    %dma_wait3A_163 = arith.constant 0 : i32
    %dma_wait3A_164 = arith.constant 0 : i32
    %dma_wait3A_165 = arith.constant 0 : i32
    %dma_wait3A_166 = tpu.memref_slice %arg7[%dma_wait3A_147, %dma_wait3A_163, %dma_wait3A_164, %dma_wait3A_165] : memref<4x8x8x129xf32, #tpu.memory_space<vmem>> -> memref<1x8x8x128xf32, #tpu.memory_space<vmem>>
    %dma_wait3A_167 = tpu.memref_squeeze %dma_wait3A_166 : memref<1x8x8x128xf32, #tpu.memory_space<vmem>> -> memref<8x8x128xf32, #tpu.memory_space<vmem>>
    tpu.wait_dma2 semaphore(%arg15 : memref<!tpu.dma_semaphore, #tpu.memory_space<semaphore_mem>>) src(%dma_wait3A_167 : memref<8x8x128xf32, #tpu.memory_space<vmem>>) dst(%dma_wait3A_162 : memref<8x8x128xf32, #tpu.memory_space<hbm>>)
    return
  }
}

</mosaic_0001>

<sc_bundles>
// kernel: kernel.3.cloned.1.call-start
scs
__scs_entry_jumppad:
0x0: {  	(pc) =	sbr.rel $0x88, $3  }
0x1: {  	(tag) =	ssettag $0x0;
	lr =	simm.s32 $0x1  }
0x2: {  	[smem:$0x3F9F] =	sst lr;
	_ =	strace $0xD0000000  }
0x3: {  	_ = 	snop  }
0x4: {  	_ = 	snop  }
0x5: {  	_ = 	snop  }
0x6: {  	_ = 	snop  }
0x7: {  	_ = 	snop  }
__scs_overlays_trampoline_lowered:
0x8: {  	[smem:$0x3FAE] =	sst s0  }
0x9: {  	[smem:$0x3FAF] =	sst s1  }
0xa: {  	[smem:$0x3FB0] =	sst s2  }
0xb: {  	[smem:$0x3FB1] =	sst s3  }
0xc: {  	[smem:$0x3FB2] =	sst s4  }
0xd: {  	[smem:$0x3FB3] =	sst s5  }
0xe: {  	[smem:$0x3FB4] =	sst s6  }
0xf: {  	[smem:$0x3FB5] =	sst s7  }
0x10: {  	[smem:$0x3FB6] =	sst s8  }
0x11: {  	[smem:$0x3FB7] =	sst s9;
	s0 =	simm.s32 @!p0 $0x0  }
0x12: {  	s1 =	sld [smem:$0x3F9D];
	s0 =	simm.s32 @p0 $0x1  }
0x13: {  	[smem:$0x3FB8] =	sst s0;
	s0 =	simm.s32 @!p1 $0x0  }
0x14: {  	s2 =	sld [smem:$0x3F9C];
	s0 =	simm.s32 @p1 $0x1  }
0x15: {  	[smem:$0x3FB9] =	sst s0;
	s0 =	simm.s32 @!p2 $0x0  }
0x16: {  	s3 =	sld [smem:$0x3FDB];
	s0 =	simm.s32 @p2 $0x1  }
0x17: {  	s4 =	simm.s32 $0x1BF5;
	[smem:$0x3FBB] =	sst s0  }
0x18: {  	s0 =	sld [smem:$0x3F9E];
	_ =	swait.ge [sflag:s4], $0x0  }
0x19: {  	s7 =	sld [smem:$0x3F9F]  }
0x1a: {  	s8 =	sadd.s32 $0xFFFFE003, lr  }
0x1b: {  	s9 =	sadd.s32 $0xFFFFFEF7, lr;
	s5 =	simm.s32 $0xFFFFFFFF;
	p2 =	slt.u32 s8, $0xFFFFF086  }
0x1c: {  	p1 =	slt.u32 s9, $0xF7A;
	s5 =	simm.s32 @!p2 $0x0  }
0x1d: {  	s5 =	simm.s32 @p1 $0x1;
	p0 =	seq.s32 s7, s2  }
0x1e: {  	s7 =	smul.u32 @!p0 $0xF7A, s2;
	p2 =	seq.s32 @!p0 s5, $0x0  }
0x1f: {  	s9 =	smul.u32 $0xF7A, s1;
	s8 =	simm.s32 @!p0 $0x1BF5;
	p2 =	por !p2, p0  }
0x20: {  	[sflag:s8] =	ssyncset.s32 @!p0 $0xFFFFF086;
	s6 =	sadd.s32 @!p0 s3, s7;
	s7 =	simm.s32 @!p0 $0x108  }
0x21: {  	s3 =	sadd.s32 s3, s9;
	s6 =	sadd.s32 @!p0 $0x88, s6;
	s7 =	simm.s32 @p2 $0x1082  }
0x22: {  	[simem:s7], [sflag:s8] =	dma.local @!p0 [hbm:s6], $0xF7A  }
0x23: {  	s9 =	sor.u32 $0xD0000000, s2;
	s6 =	simm.s32 $0x108;
	_ =	swait.ge @!p0 [sflag:s8], $0x0  }
0x24: {  	s3 =	sadd.s32 $0x88, s3;
	s6 =	simm.s32 @!p1 $0x1082;
	[sflag:s4] =	ssyncset.s32 $0xFFFFF086  }
0x25: {  	[simem:s6], [sflag:s4] =	dma.local [hbm:s3], $0xF7A  }
0x26: {  	[smem:$0x3F9F] =	sst s1;
	(tag) =	ssettag s2;
	_ =	strace s9  }
0x27: {  	s1 =	sld [smem:$0x3FAF]  }
0x28: {  	s2 =	sld [smem:$0x3FB0]  }
0x29: {  	s4 =	sld [smem:$0x3FB2]  }
0x2a: {  	p0 =	seq.s32 s5, $0x0;
	s5 =	sld [smem:$0x3FB3]  }
0x2b: {  	s6 =	sld [smem:$0x3FB4]  }
0x2c: {  	s7 =	sld [smem:$0x3FB5]  }
0x2d: {  	s3 =	simm.s32 $0x108;
	s8 =	sld [smem:$0x3FB6]  }
0x2e: {  	s3 =	simm.s32 @!p0 $0x1082;
	s9 =	sld [smem:$0x3FB7]  }
0x2f: {  	lr =	sadd.s32 s0, s3;
	s0 =	sld [smem:$0x3FAE]  }
0x30: {  	s3 =	sld [smem:$0x3FB1]  }
0x31: {  	[smem:$0x3FBA] =	sst s10  }
0x32: {  	s10 =	sld [smem:$0x3FB8];
	_ =	sdelay $0x3  }
0x33: {  	p0 =	seq.s32 s10, $0x1;
	s10 =	sld [smem:$0x3FBA];
	_ =	sdelay $0x3  }
0x34: {  	[smem:$0x3FBA] =	sst s10  }
0x35: {  	s10 =	sld [smem:$0x3FB9];
	_ =	sdelay $0x3  }
0x36: {  	p1 =	seq.s32 s10, $0x1;
	s10 =	sld [smem:$0x3FBA];
	_ =	sdelay $0x3  }
0x37: {  	[smem:$0x3FBA] =	sst s10  }
0x38: {  	s10 =	sld [smem:$0x3FBB]  }
0x39: {  	_ = 	snop;
	(pc) =	sbr.ind lr, $3  }
0x3a: {  	_ = 	snop  }
0x3b: {  	_ = 	snop  }
0x3c: {  	p2 =	seq.s32 s10, $0x1;
	s10 =	sld [smem:$0x3FBA]  }
0x3d: {  	_ =	shalt  }
0x3e: {  	_ =	shalt  }
0x3f: {  	_ =	shalt  }
0x40: {  	_ =	shalt  }
0x41: {  	_ =	shalt  }
0x42: {  	_ =	shalt  }
0x43: {  	_ =	shalt  }
0x44: {  	_ =	shalt  }
0x45: {  	_ =	shalt  }
0x46: {  	_ =	shalt  }
0x47: {  	_ =	shalt  }
0x48: {  	_ =	shalt  }
0x49: {  	_ =	shalt  }
0x4a: {  	_ =	shalt  }
0x4b: {  	_ =	shalt  }
0x4c: {  	_ =	shalt  }
0x4d: {  	_ =	shalt  }
0x4e: {  	_ =	shalt  }
0x4f: {  	_ =	shalt  }
0x50: {  	_ =	shalt  }
0x51: {  	_ =	shalt  }
0x52: {  	_ =	shalt  }
0x53: {  	_ =	shalt  }
0x54: {  	_ =	shalt  }
0x55: {  	_ =	shalt  }
0x56: {  	_ =	shalt  }
0x57: {  	_ =	shalt  }
0x58: {  	_ =	shalt  }
0x59: {  	_ =	shalt  }
0x5a: {  	_ =	shalt  }
0x5b: {  	_ =	shalt  }
0x5c: {  	_ =	shalt  }
0x5d: {  	_ =	shalt  }
0x5e: {  	_ =	shalt  }
0x5f: {  	_ =	shalt  }
0x60: {  	_ =	shalt  }
0x61: {  	_ =	shalt  }
0x62: {  	_ =	shalt  }
0x63: {  	_ =	shalt  }
0x64: {  	_ =	shalt  }
0x65: {  	_ =	shalt  }
0x66: {  	_ =	shalt  }
0x67: {  	_ =	shalt  }
0x68: {  	_ =	shalt  }
0x69: {  	_ =	shalt  }
0x6a: {  	_ =	shalt  }
0x6b: {  	_ =	shalt  }
0x6c: {  	_ =	shalt  }
0x6d: {  	_ =	shalt  }
0x6e: {  	_ =	shalt  }
0x6f: {  	_ =	shalt  }
0x70: {  	_ =	shalt  }
0x71: {  	_ =	shalt  }
0x72: {  	_ =	shalt  }
0x73: {  	_ =	shalt  }
0x74: {  	_ =	shalt  }
0x75: {  	_ =	shalt  }
0x76: {  	_ =	shalt  }
0x77: {  	_ =	shalt  }
0x78: {  	_ =	shalt  }
0x79: {  	_ =	shalt  }
0x7a: {  	_ =	shalt  }
0x7b: {  	_ =	shalt  }
0x7c: {  	_ =	shalt  }
0x7d: {  	_ =	shalt  }
0x7e: {  	_ =	shalt  }
0x7f: {  	_ =	shalt  }
0x80: {  	_ =	shalt  }
0x81: {  	_ =	shalt  }
0x82: {  	_ =	shalt  }
0x83: {  	_ =	shalt  }
0x84: {  	_ =	shalt  }
0x85: {  	_ =	shalt  }
0x86: {  	_ =	shalt  }
0x87: {  	_ =	shalt  }
.Lfunc_end0:
.L_simem_size_0:
called_computation_lowered:
.L_overlay_start_0:
0x88: {  	s2 =	sld [smem:$0x3FD9]  }
0x89: {  	s3 =	sld [smem:$0x3FFE];
	_ =	sdelay $0x1  }
0x8a: {  	s1 =	srdreg.scid  }
0x8b: {  	s0 =	sand.u32 $0x1, s1  }
0x8c: {  	s17 =	sshll.u32 s0, $0xA;
	s2 =	sadd.s32 s3, s2  }
0x8d: {  	s2 =	sadd.s32 s2, s17  }
0x8e: {  	[smem:$0x3FC6] =	sst s2  }
0x8f: {  	_ = 	snop  }
0x90: {  	s2 =	sld [smem:$0x3FD0];
	(tm) =	ssettm $0x1  }
0x91: {  	s18 =	sld [smem:$0x3FFB];
	_ =	sdelay $0x3  }
0x92: {  	_ =	strace s18  }
0x93: {  	s3 =	sld [smem:$0x3FFC];
	_ =	sdelay $0x3  }
0x94: {  	_ =	strace s3  }
0x95: {  	s3 =	sld [smem:$0x3FFD];
	_ =	sdelay $0x3  }
0x96: {  	_ =	strace s3  }
0x97: {  	_ =	strace $0x8FFFFFFF  }
0x98: {  	s19 =	sld [smem:$0x3FDB];
	_ =	sdelay $0x1  }
0x99: {  	s4 =	simm.s32 $_scs_section_size  }
0x9a: {  	s5 =	simm.s32 $_size__tile_overlayer_lowered;
	s6 =	simm.s32 $_tile_overlayer_lowered  }
0x9b: {  	s22 =	simm.s32 $0x1BFF;
	s21 =	sshll.u32 s6, $0x1;
	s3 =	sadd.s32 s4, s19  }
0x9c: {  	s7 =	simm.s32 $0x0;
	s20 =	sshll.u32 s5, $0x1;
	s5 =	sadd.s32 s21, s3  }
0x9d: {  	[timem:s7], [sflag:s22] =	dma.local [hbm:s5], s20  }
0x9e: {  	_ =	swait.ge [sflag:s22], s20  }
0x9f: {  	s4 =	ssub.s32 $0x0, s20;
	[sflag:s22] =	ssyncset.done $0x0  }
0xa0: {  	[sflag:s22] =	ssyncadd.s32 s4;
	_ =	sdelay $0x1  }
0xa1: {  	s23 =	simm.s32 $0x1B8B  }
0xa2: {  	_ =	swait.ge [sflag:s23], $0x1  }
0xa3: {  	[sflag:s23] =	ssyncset.done $0x0  }
0xa4: {  	s25 =	simm.s32 $0x1B8E;
	s24 =	sld [smem:$0x3FFE];
	[sflag:s23] =	ssyncadd.s32 $0xFFFFFFFF  }
0xa5: {  	s26 =	simm.s32 $execute0_lowered;
	[smem:$0x3FD2] =	sst s25  }
0xa6: {  	s5 =	sshll.u32 s26, $0x1;
	_ =	strace $0x80000046;
	[dreg:$0x1] =	wrdreg $0xFFFFFFFF  }
0xa7: {  	s28 =	simm.s32 $_size_execute0_lowered;
	s3 =	sadd.s32 s3, s5;
	[dreg:$0x0] =	wrdreg $0x0  }
0xa8: {  	s5 =	sshll.u32 s28, $0x1;
	[dreg:$0x2] =	wrdreg s3  }
0xa9: {  	[dreg:$0x3] =	wrdreg s5  }
0xaa: {  	[dreg:$0x4] =	wrdreg $0xC0  }
0xab: {  	_ =	task [dreg:s7], $0x5FFFF  }
0xac: {  	[dreg:$0x1] =	wrdreg $0xFFFFFFFF  }
0xad: {  	[dreg:$0x0] =	wrdreg $0x60  }
0xae: {  	[dreg:$0x2] =	wrdreg s24  }
0xaf: {  	[dreg:$0x3] =	wrdreg s2  }
0xb0: {  	[dreg:$0x4] =	wrdreg $0x9  }
0xb1: {  	_ =	task.clear_ibuf [dreg:s7], $0x5FFFF;
	_ =	strace $0x90000046  }
0xb2: {  	s29 =	simm.s32 $0x9;
	_ =	strace $0x80000048  }
0xb3: {  	_ =	swait.ge [sflag:s29], $0x1  }
0xb4: {  	[sflag:s29] =	ssyncadd.s32 $0xFFFFFFFF  }
0xb5: {  	_ =	strace $0x90000048  }
0xb6: {  	_ =	sfence  }
0xb7: {  	s30 =	sld [smem:$0x0];
	_ =	sdelay $0x2  }
0xb8: {  	s31 =	sshll.u32 s1, $0xD;
	s1 =	sshrl.u32 s1, $0x2  }
0xb9: {  	s3 =	sand.u32 $0x4000, s31;
	s1 =	sadd.s32 s1, s30  }
0xba: {  	s0 =	sor.u32 s3, s0;
	s1 =	sshll.u32 s1, $0x11  }
0xbb: {  	s0 =	sor.u32 s1, s0  }
0xbc: {  	s0 =	sadd.s32 $0x8F2B, s0  }
0xbd: {  	[sflag:s0] =	ssyncadd.remote.s32 $0x1  }
0xbe: {  	_ =	sfence.sel $0xFFFF  }
0xbf: {  	[dreg:$0x0] =	wrdreg $0xFFFFFFFF;
	(pc) =	sbr.abs _section_cstart, $3  }
0xc0: {  	[dreg:$0x1] =	wrdreg $0xFFFFFFFF  }
0xc1: {  	_ =	task.clear_ibuf [dreg:s7], $0x2FFFF;
	_ =	strace $0x9FFFFFFF  }
0xc2: {  	(tm) =	ssettm $0x7FFFFFFF  }
0xc3: {  	_ =	shalt  }
tec
execute0_lowered:
.L_overlay_start_1:
0x0: {  	(tag) =	ssettag $0x1  }
0x1: {  	s3 =	stileid.u32;
	v0 =	vlaneseq.u32  }
0x2: {  	s0 =	rddreg [dreg:$0x0];
	s4 =	sshll.u32 s3, $0x1;
	v10 =	vmul.u32 $0x88, v0;
	s3 =	simm.s32 $0x0  }
0x3: {  	[smem:$0x7FF] =	sst s3  }
0x4: {  	s2 =	rddreg [dreg:$0x1];
	v29 =	vadd.s32 $0x880, v10;
	_ =	strace $0x80000047;
	[tilespmem:$0x1FFF0] =	vst v10  }
0x5: {  	v30 =	vadd.s32 $0x1100, v10;
	[tilespmem:$0x1FE30] =	vst v29  }
0x6: {  	v32 =	vadd.s32 $0x1980, v10;
	[tilespmem:$0x1FE40] =	vst v30  }
0x7: {  	v19 =	vor.u32 $0x1, v10;
	[tilespmem:$0x1FE50] =	vst v32  }
0x8: {  	vm0 =	vcmask $0x300;
	v0 =	vimm.s32 $0x0;
	v27 =	vadd.s32 $0x881, v10;
	[tilespmem:$0x1FE60] =	vst v19  }
0x9: {  	v1 =	vsel vm0, $0x3, v0;
	v0 =	vadd.s32 $0x1101, v10;
	[tilespmem:$0x1FE70] =	vst v27  }
0xa: {  	v2 =	vadd.s32 $0x1981, v10;
	[tilespmem:$0x1FE80] =	vst v0  }
0xb: {  	v3 =	vor.u32 $0x2, v10;
	[tilespmem:$0x1FE90] =	vst v2  }
0xc: {  	v4 =	vadd.s32 $0x882, v10;
	[tilespmem:$0x1FEA0] =	vst v3  }
0xd: {  	v23 =	vor.u32 $0x3, v10;
	[tilespmem:$0x1FEB0] =	vst v4  }
0xe: {  	v28 =	vadd.s32 $0x1103, v10;
	[tilespmem:$0x1FEC0] =	vst v23  }
0xf: {  	v22 =	vor.u32 $0x4, v10;
	[tilespmem:$0x1FED0] =	vst v28  }
0x10: {  	v26 =	vadd.s32 $0x1104, v10;
	[tilespmem:$0x1FEE0] =	vst v22  }
0x11: {  	v15 =	vadd.s32 $0x1982, v10;
	[tilespmem:$0x1FEF0] =	vst v26  }
0x12: {  	v16 =	vadd.s32 $0x883, v10;
	[tilespmem:$0x1FF00] =	vst v15  }
0x13: {  	v5 =	vadd.s32 $0x885, v10;
	[tilespmem:$0x1FF10] =	vst v16  }
0x14: {  	v63 =	vadd.s32 $0x1105, v10;
	[tilespmem:$0x1FF20] =	vst v5  }
0x15: {  	v21 =	vadd.s32 $0x1985, v10;
	[tilespmem:$0x1FF30] =	vst v63  }
0x16: {  	v31 =	vor.u32 $0x6, v10;
	[tilespmem:$0x1FF40] =	vst v21  }
0x17: {  	s1 =	srdreg.scid;
	s8 =	simm.s32 $0x9;
	s9 =	simm.s32 $0x80;
	v17 =	vadd.s32 $0x1983, v10;
	[tilespmem:$0x1FF50] =	vst v31  }
0x18: {  	s15 =	simm.s32 $0xC400;
	s16 =	simm.s32 $0x1;
	s17 =	simm.s32 $0xE400;
	v25 =	vadd.s32 $0x886, v10;
	[tilespmem:$0x1FF60] =	vst v17  }
0x19: {  	s18 =	simm.s32 $0x2;
	s19 =	simm.s32 $0x10600;
	s1 =	sand.u32 $0x1, s1;
	v18 =	vadd.s32 $0x1106, v10;
	[tilespmem:$0x1FF70] =	vst v25  }
0x1a: {  	s20 =	simm.s32 $0x3;
	s21 =	simm.s32 $0x12800;
	s5 =	sor.u32 s1, s4;
	v6 =	vadd.s32 $0x1986, v10;
	[tilespmem:$0x1FF80] =	vst v18  }
0x1b: {  	s22 =	simm.s32 $0x4;
	s23 =	simm.s32 $0x14A00;
	s6 =	smul.u32 $0xC80, s5;
	v7 =	vor.u32 $0x7, v10;
	[tilespmem:$0x1FF90] =	vst v6  }
.Ltmp0:
0x1c: {  	s24 =	simm.s32 $0x5;
	s25 =	simm.s32 $0x6;
	v8 =	vadd.s32 $0x887, v10;
	[tilespmem:$0x1FFA0] =	vst v7;
	(pc) =	sbr.rel .LBB2_1-.Ltmp0, $4  }
0x1d: {  	s26 =	simm.s32 $0x7;
	s28 =	simm.s32 $0x8;
	s1 =	ssub.s32 $0x2, s1;
	v9 =	vadd.s32 $0x1107, v10;
	[tilespmem:$0x1FFB0] =	vst v8  }
0x1e: {  	s4 =	sadd.s32 $0xF42A00, s0;
	s7 =	sshrl.u32 s1, $0x1;
	v11 =	vadd.s32 $0x1987, v10;
	[tilespmem:$0x1FFC0] =	vst v9;
	s0 =	sadd.s32 s6, s0  }
0x1f: {  	s29 =	simm.s32 $0x0;
	v24 =	vadd.s32 $0x1102, v10;
	s1 =	ssub.s32 s1, s7;
	[tilespmem:$0x1FFD0] =	vst v11;
	s0 =	sadd.s32 $0x600, s0  }
0x20: {  	s5 =	smul.u32 $0xC8, s5;
	v20 =	vadd.s32 $0x884, v10;
	v12 =	vadd.s32 $0x1984, v10;
	v13 =	vor.u32 $0x5, v10;
	[tilespmem:$0x1FFE0] =	vst v24;
	s7 =	smax.u32 s1, $0x1;
	[dreg:$0x3] =	wrdreg s0  }
.LBB2_20:
0x21: {  	_ =	swait.ge [sflag:s24], $0x2000  }
0x22: {  	[sflag:s24] =	ssyncset.done $0x0  }
0x23: {  	[sflag:s24] =	ssyncadd.s32 $0xFFFFE000  }
0x24: {  	_ =	swait.ge [sflag:s25], $0x2000  }
0x25: {  	[sflag:s25] =	ssyncset.done $0x0  }
0x26: {  	[sflag:s25] =	ssyncadd.s32 $0xFFFFE000  }
0x27: {  	_ =	swait.ge [sflag:s26], $0x2000  }
0x28: {  	s29 =	sadd.s32 $0x1, s29;
	[sflag:s26] =	ssyncset.done $0x0  }
0x29: {  	p0 =	sne.s32 s29, s7;
	[sflag:s26] =	ssyncadd.s32 $0xFFFFE000  }
.Ltmp1:
0x2a: {  	_ =	swait.ge [sflag:s28], $0x2000;
	(pc) =	sbr.rel @!p0 .LBB2_21-.Ltmp1, $4  }
0x2b: {  	v23 =	vld [tilespmem:$0x1FEC0]  }
0x2c: {  	v28 =	vld [tilespmem:$0x1FED0]  }
0x2d: {  	[sflag:s28] =	ssyncset.done $0x0;
	v22 =	vld [tilespmem:$0x1FEE0]  }
0x2e: {  	v26 =	vld [tilespmem:$0x1FEF0];
	[sflag:s28] =	ssyncadd.s32 $0xFFFFE000  }
.LBB2_1:
0x2f: {  	s0 =	rddreg [dreg:$0x3]  }
0x30: {  	[tilespmem:s3], [sflag:$0x9] =	stream.linear.gather [hbm4b:s0+s3], $0x6400, $0x38;
	[tilespmem:$0x16C00] =	vst v63  }
0x31: {  	_ =	swait.ge [sflag:s8], $0x6400  }
0x32: {  	[sflag:s8] =	ssyncset.done $0x0  }
0x33: {  	s12 =	simm.s32 $0x6400;
	[sflag:s8] =	ssyncadd.s32 $0xFFFF9C00  }
0x34: {  	[tilespmem:s12], [sflag:$0x1] =	stream.indirect.gather [hbm4b:s4+s9], $0x40, s3, s9, $0xb8;
	[tilespmem:$0x16C00] =	vst v63  }
0x35: {  	s13 =	simm.s32 $0x8400  }
0x36: {  	[tilespmem:s13], [sflag:$0x2] =	stream.indirect.gather [hbm4b:s4+s9], $0x40, s9, s9, $0xb8;
	[tilespmem:$0x16C00] =	vst v63  }
0x37: {  	s14 =	simm.s32 $0x100;
	s1 =	simm.s32 $0xA400  }
0x38: {  	[tilespmem:s1], [sflag:$0x3] =	stream.indirect.gather [hbm4b:s4+s9], $0x40, s14, s9, $0xb8;
	[tilespmem:$0x16C00] =	vst v63  }
0x39: {  	s31 =	simm.s32 $0x180;
	s30 =	simm.s32 $0x0  }
0x3a: {  	v18 =	vmov v5;
	[tilespmem:s15], [sflag:$0x4] =	stream.indirect.gather [hbm4b:s4+s9], $0x40, s31, s9, $0xb8;
	[tilespmem:$0x16C00] =	vst v63  }
.LBB2_2:
0x3b: {  	_ =	swait.ge [sflag:s16], $0x2000  }
0x3c: {  	p0 =	seq.s32 s30, $0x0;
	[sflag:s16] =	ssyncset.done $0x0  }
0x3d: {  	s0 =	simm.s32 @!p0 $0x5;
	[sflag:s16] =	ssyncadd.s32 $0xFFFFE000  }
0x3e: {  	_ =	swait.ge @!p0 [sflag:s0], $0x2000  }
0x3f: {  	v14 =	vld [tilespmem:$0x1FE80]  }
0x40: {  	v24 =	vld [tilespmem:$0x1FE90]  }
0x41: {  	v31 =	vld [tilespmem:$0x1FEA0]  }
0x42: {  	[sflag:s0] =	ssyncset.done @!p0 $0x0;
	v11 =	vld [tilespmem:$0x1FEB0]  }
0x43: {  	s1 =	simm.s32 $0x6500;
	v25 =	vld [tilespmem:$0x1FFE0];
	[sflag:s0] =	ssyncadd.s32 @!p0 $0xFFFFE000  }
0x44: {  	v33 =	vld [tilespmem:s1+$0xF0]  }
0x45: {  	v34 =	vld [tilespmem:s1+$0xE0]  }
0x46: {  	v35 =	vld [tilespmem:s1+$0xD0]  }
0x47: {  	v0 =	vld [tilespmem:s1+$0xC0]  }
0x48: {  	v2 =	vld [tilespmem:s1+$0xB0]  }
0x49: {  	v3 =	vld [tilespmem:s1+$0xA0]  }
0x4a: {  	v4 =	vld [tilespmem:s1+$0x90]  }
0x4b: {  	v5 =	vld [tilespmem:s1+$0x80]  }
0x4c: {  	v6 =	vld [tilespmem:s1+$0x70]  }
0x4d: {  	v7 =	vld [tilespmem:s1+$0x60]  }
0x4e: {  	v8 =	vld [tilespmem:s1+$0x50]  }
0x4f: {  	v9 =	vld [tilespmem:s1+$0x40]  }
0x50: {  	v36 =	vld [tilespmem:s1+$0x30]  }
0x51: {  	v37 =	vld [tilespmem:s1+$0x20]  }
0x52: {  	v38 =	vld [tilespmem:s1+$0x10]  }
0x53: {  	v39 =	vld [tilespmem:s1+$0x0]  }
0x54: {  	v40 =	vld [tilespmem:s1+$0xFFFFFFF0]  }
0x55: {  	v41 =	vld [tilespmem:s1+$0xFFFFFFE0]  }
0x56: {  	v42 =	vld [tilespmem:s1+$0xFFFFFFD0]  }
0x57: {  	v43 =	vld [tilespmem:s1+$0xFFFFFFC0]  }
0x58: {  	s13 =	simm.s32 $0x0;
	v44 =	vld [tilespmem:s1+$0xFFFFFFB0]  }
0x59: {  	v47 =	vmov s13;
	v45 =	vld [tilespmem:s1+$0xFFFFFFA0]  }
0x5a: {  	v47 =	vshrl.u32 v47, $0x3;
	v46 =	vld [tilespmem:s1+$0xFFFFFF90]  }
0x5b: {  	v47 =	vshll.u32 v47, v1;
	v48 =	vld [tilespmem:s1+$0xFFFFFF80]  }
0x5c: {  	s14 =	simm.s32 $0x1;
	v47 =	vbroadcast v47, $0x0;
	v49 =	vld [tilespmem:s1+$0xFFFFFF70]  }
0x5d: {  	v52 =	vmov s14;
	v50 =	vld [tilespmem:s1+$0xFFFFFF60]  }
0x5e: {  	v52 =	vshrl.u32 v52, $0x3;
	v53 =	vld [tilespmem:s1+$0xFFFFFF00];
	v54 =	vadd.s32 v10, v47  }
0x5f: {  	v52 =	vshll.u32 v52, v1;
	v55 =	vld [tilespmem:s1+$0xFFFFFF10];
	v56 =	vadd.s32 v29, v47  }
0x60: {  	s6 =	simm.s32 $0x2;
	v52 =	vbroadcast v52, $0x0;
	v57 =	vld [tilespmem:s1+$0xFFFFFF20];
	v58 =	vadd.s32 v30, v47  }
0x61: {  	v60 =	vmov s6;
	v59 =	vld [tilespmem:s1+$0xFFFFFF30];
	v47 =	vadd.s32 v32, v47  }
0x62: {  	v60 =	vshrl.u32 v60, $0x3;
	v61 =	vld [tilespmem:s1+$0xFFFFFF40];
	v62 =	vadd.s32 v19, v52  }
0x63: {  	v60 =	vshll.u32 v60, v1;
	v51 =	vld [tilespmem:s1+$0xFFFFFF50];
	[tilespmem:v54+s17+$0x0] =	vst.idx.msk $0xffff, v53;
	v53 =	vadd.s32 v27, v52  }
0x64: {  	s10 =	simm.s32 $0x3;
	v54 =	vbroadcast v60, $0x0;
	[tilespmem:v56+s17+$0x0] =	vst.idx.msk $0xffff, v55;
	v55 =	vadd.s32 v14, v52  }
0x65: {  	v60 =	vmov s10;
	v52 =	vadd.s32 v24, v52;
	[tilespmem:v58+s17+$0x0] =	vst.idx.msk $0xffff, v57  }
0x66: {  	v56 =	vshrl.u32 v60, $0x3;
	[tilespmem:v47+s17+$0x0] =	vst.idx.msk $0xffff, v59;
	v47 =	vadd.s32 v31, v54  }
0x67: {  	v57 =	vadd.s32 v11, v54;
	v56 =	vshll.u32 v56, v1;
	[tilespmem:v62+s17+$0x0] =	vst.idx.msk $0xffff, v61  }
0x68: {  	s11 =	simm.s32 $0x4;
	v60 =	vadd.s32 v25, v54;
	v61 =	vbroadcast v56, $0x0;
	[tilespmem:v53+s17+$0x0] =	vst.idx.msk $0xffff, v51  }
0x69: {  	v54 =	vadd.s32 v15, v54;
	v62 =	vmov s11;
	[tilespmem:v55+s17+$0x0] =	vst.idx.msk $0xffff, v50  }
0x6a: {  	v50 =	vshrl.u32 v62, $0x3;
	[tilespmem:v52+s17+$0x0] =	vst.idx.msk $0xffff, v49;
	v52 =	vadd.s32 v23, v61  }
0x6b: {  	v55 =	vadd.s32 v16, v61;
	v56 =	vshll.u32 v50, v1;
	[tilespmem:v47+s17+$0x0] =	vst.idx.msk $0xffff, v48  }
0x6c: {  	s12 =	simm.s32 $0x5;
	v58 =	vadd.s32 v28, v61;
	v48 =	vbroadcast v56, $0x0;
	[tilespmem:v57+s17+$0x0] =	vst.idx.msk $0xffff, v46  }
0x6d: {  	v59 =	vmov s12;
	[tilespmem:v60+s17+$0x0] =	vst.idx.msk $0xffff, v45;
	v60 =	vadd.s32 v17, v61  }
0x6e: {  	v61 =	vadd.s32 v22, v48;
	v45 =	vshrl.u32 v59, $0x3;
	[tilespmem:v54+s17+$0x0] =	vst.idx.msk $0xffff, v44  }
0x6f: {  	v62 =	vadd.s32 v20, v48;
	v45 =	vshll.u32 v45, v1;
	[tilespmem:v52+s17+$0x0] =	vst.idx.msk $0xffff, v43  }
0x70: {  	v49 =	vadd.s32 v26, v48;
	v45 =	vbroadcast v45, $0x0;
	[tilespmem:v55+s17+$0x0] =	vst.idx.msk $0xffff, v42  }
0x71: {  	v52 =	vadd.s32 v12, v48;
	[tilespmem:v58+s17+$0x0] =	vst.idx.msk $0xffff, v41  }
0x72: {  	v53 =	vadd.s32 v13, v45;
	[tilespmem:v60+s17+$0x0] =	vst.idx.msk $0xffff, v40  }
0x73: {  	v54 =	vadd.s32 v18, v45;
	[tilespmem:v61+s17+$0x0] =	vst.idx.msk $0xffff, v39  }
0x74: {  	[tilespmem:v62+s17+$0x0] =	vst.idx.msk $0xffff, v38  }
0x75: {  	s13 =	simm.s32 $0x6;
	[tilespmem:v49+s17+$0x0] =	vst.idx.msk $0xffff, v37  }
0x76: {  	v51 =	vmov s13;
	v58 =	vld [tilespmem:$0x1FF50];
	[tilespmem:v52+s17+$0x0] =	vst.idx.msk $0xffff, v36  }
0x77: {  	v41 =	vshrl.u32 v51, $0x3;
	[tilespmem:v53+s17+$0x0] =	vst.idx.msk $0xffff, v9;
	v9 =	vld [tilespmem:$0x1FF70]  }
0x78: {  	v41 =	vshll.u32 v41, v1;
	[tilespmem:v54+s17+$0x0] =	vst.idx.msk $0xffff, v8;
	v8 =	vld [tilespmem:$0x1FF80]  }
0x79: {  	s14 =	simm.s32 $0x7;
	v59 =	vld [tilespmem:$0x1FF90];
	v55 =	vadd.s32 v63, v45;
	v41 =	vbroadcast v41, $0x0  }
0x7a: {  	v56 =	vmov s14;
	v57 =	vadd.s32 v21, v45;
	v60 =	vld [tilespmem:$0x1FFA0]  }
0x7b: {  	v37 =	vshrl.u32 v56, $0x3;
	v36 =	vadd.s32 v58, v41  }
0x7c: {  	v37 =	vshll.u32 v37, v1;
	v9 =	vadd.s32 v9, v41  }
0x7d: {  	v37 =	vbroadcast v37, $0x0;
	v8 =	vadd.s32 v8, v41  }
0x7e: {  	v61 =	vld [tilespmem:$0x1FFB0];
	[tilespmem:v55+s17+$0x0] =	vst.idx.msk $0xffff, v7;
	v7 =	vadd.s32 v59, v41  }
0x7f: {  	v62 =	vld [tilespmem:$0x1FFC0];
	[tilespmem:v57+s17+$0x0] =	vst.idx.msk $0xffff, v6;
	v6 =	vadd.s32 v60, v37  }
0x80: {  	[tilespmem:v36+s17+$0x0] =	vst.idx.msk $0xffff, v5  }
0x81: {  	[tilespmem:v9+s17+$0x0] =	vst.idx.msk $0xffff, v4  }
0x82: {  	[tilespmem:v8+s17+$0x0] =	vst.idx.msk $0xffff, v3  }
0x83: {  	v5 =	vadd.s32 v61, v37;
	[tilespmem:v7+s17+$0x0] =	vst.idx.msk $0xffff, v2  }
0x84: {  	v4 =	vadd.s32 v62, v37;
	[tilespmem:v6+s17+$0x0] =	vst.idx.msk $0xffff, v0;
	v0 =	vld [tilespmem:$0x1FFD0];
	_ =	sdelay $0x3  }
0x85: {  	[tilespmem:v5+s17+$0x0] =	vst.idx.msk $0xffff, v35  }
0x86: {  	s31 =	sshll.u32 s30, $0x2;
	s0 =	simm.s32 $0xF;
	[tilespmem:v4+s17+$0x0] =	vst.idx.msk $0xffff, v34;
	v0 =	vadd.s32 v0, v37  }
.LBB2_3:
0x87: {  	_ =	sdelay $0x3  }
0x88: {  	[tilespmem:v0+s17+$0x0] =	vst.idx.msk $0xffff, v33;
	s1 =	sadd.s32 $0x200, s1  }
0x89: {  	v33 =	vld [tilespmem:s1+$0xF0]  }
0x8a: {  	v34 =	vld [tilespmem:s1+$0xE0]  }
0x8b: {  	v35 =	vld [tilespmem:s1+$0xD0]  }
0x8c: {  	v36 =	vld [tilespmem:s1+$0xC0]  }
0x8d: {  	v37 =	vld [tilespmem:s1+$0xB0]  }
0x8e: {  	v38 =	vld [tilespmem:s1+$0xA0]  }
0x8f: {  	v39 =	vld [tilespmem:s1+$0x90]  }
0x90: {  	v40 =	vld [tilespmem:s1+$0x80]  }
0x91: {  	v41 =	vld [tilespmem:s1+$0x70]  }
0x92: {  	v42 =	vld [tilespmem:s1+$0x60]  }
0x93: {  	v43 =	vld [tilespmem:s1+$0x50]  }
0x94: {  	v44 =	vld [tilespmem:s1+$0x40]  }
0x95: {  	v45 =	vld [tilespmem:s1+$0x30]  }
0x96: {  	v46 =	vld [tilespmem:s1+$0x20]  }
0x97: {  	v0 =	vld [tilespmem:s1+$0x10]  }
0x98: {  	v2 =	vld [tilespmem:s1+$0x0]  }
0x99: {  	v3 =	vld [tilespmem:s1+$0xFFFFFFF0]  }
0x9a: {  	v4 =	vld [tilespmem:s1+$0xFFFFFFE0]  }
0x9b: {  	v5 =	vld [tilespmem:s1+$0xFFFFFFD0]  }
0x9c: {  	s10 =	smov.u32 s0;
	v6 =	vld [tilespmem:s1+$0xFFFFFFC0]  }
0x9d: {  	v7 =	vld [tilespmem:s1+$0xFFFFFFB0];
	s11 =	sadd.s32 $0xFFFFFFF9, s10  }
0x9e: {  	v8 =	vld [tilespmem:s1+$0xFFFFFFA0];
	v47 =	vmov s11  }
0x9f: {  	v9 =	vld [tilespmem:s1+$0xFFFFFF90];
	v47 =	vshrl.u32 v47, $0x3  }
0xa0: {  	v48 =	vld [tilespmem:s1+$0xFFFFFF80];
	v47 =	vshll.u32 v47, v1  }
0xa1: {  	v49 =	vld [tilespmem:s1+$0xFFFFFF70];
	s13 =	sadd.s32 $0xFFFFFFFA, s10;
	v47 =	vbroadcast v47, $0x0  }
0xa2: {  	v50 =	vld [tilespmem:s1+$0xFFFFFF60];
	v52 =	vmov s13  }
0xa3: {  	v53 =	vld [tilespmem:s1+$0xFFFFFF00];
	v52 =	vshrl.u32 v52, $0x3;
	v54 =	vadd.s32 v10, v47  }
0xa4: {  	v55 =	vld [tilespmem:s1+$0xFFFFFF10];
	v52 =	vshll.u32 v52, v1;
	v56 =	vadd.s32 v29, v47  }
0xa5: {  	v57 =	vld [tilespmem:s1+$0xFFFFFF20];
	s14 =	sadd.s32 $0xFFFFFFFB, s10;
	v52 =	vbroadcast v52, $0x0;
	v58 =	vadd.s32 v30, v47  }
0xa6: {  	v59 =	vld [tilespmem:s1+$0xFFFFFF30];
	v60 =	vmov s14;
	v47 =	vadd.s32 v32, v47  }
0xa7: {  	v61 =	vld [tilespmem:s1+$0xFFFFFF40];
	v60 =	vshrl.u32 v60, $0x3;
	v62 =	vadd.s32 v19, v52  }
0xa8: {  	v51 =	vld [tilespmem:s1+$0xFFFFFF50];
	v60 =	vshll.u32 v60, v1;
	[tilespmem:v54+s17+$0x0] =	vst.idx.msk $0xffff, v53;
	v53 =	vadd.s32 v27, v52  }
0xa9: {  	s6 =	sadd.s32 $0xFFFFFFFC, s10;
	v54 =	vbroadcast v60, $0x0;
	[tilespmem:v56+s17+$0x0] =	vst.idx.msk $0xffff, v55;
	v55 =	vadd.s32 v14, v52  }
0xaa: {  	v60 =	vmov s6;
	v52 =	vadd.s32 v24, v52;
	[tilespmem:v58+s17+$0x0] =	vst.idx.msk $0xffff, v57  }
0xab: {  	v56 =	vshrl.u32 v60, $0x3;
	[tilespmem:v47+s17+$0x0] =	vst.idx.msk $0xffff, v59;
	v47 =	vadd.s32 v31, v54  }
0xac: {  	v57 =	vadd.s32 v11, v54;
	v56 =	vshll.u32 v56, v1;
	[tilespmem:v62+s17+$0x0] =	vst.idx.msk $0xffff, v61  }
0xad: {  	s12 =	sadd.s32 $0xFFFFFFFD, s10;
	[tilespmem:v53+s17+$0x0] =	vst.idx.msk $0xffff, v51;
	v51 =	vadd.s32 v25, v54;
	v53 =	vbroadcast v56, $0x0  }
0xae: {  	v60 =	vadd.s32 v15, v54;
	v62 =	vmov s12;
	[tilespmem:v55+s17+$0x0] =	vst.idx.msk $0xffff, v50  }
0xaf: {  	v62 =	vshrl.u32 v62, $0x3;
	[tilespmem:v52+s17+$0x0] =	vst.idx.msk $0xffff, v49;
	v61 =	vadd.s32 v23, v53  }
0xb0: {  	v56 =	vshll.u32 v62, v1;
	[tilespmem:v47+s17+$0x0] =	vst.idx.msk $0xffff, v48;
	v47 =	vadd.s32 v16, v53  }
0xb1: {  	s13 =	sadd.s32 $0xFFFFFFFE, s10;
	v48 =	vbroadcast v56, $0x0;
	[tilespmem:v57+s17+$0x0] =	vst.idx.msk $0xffff, v9;
	v9 =	vadd.s32 v28, v53  }
0xb2: {  	v58 =	vmov s13;
	[tilespmem:v51+s17+$0x0] =	vst.idx.msk $0xffff, v8;
	v8 =	vadd.s32 v17, v53  }
0xb3: {  	v59 =	vadd.s32 v22, v48;
	[tilespmem:v60+s17+$0x0] =	vst.idx.msk $0xffff, v7;
	v60 =	vshrl.u32 v58, $0x3  }
0xb4: {  	[tilespmem:v61+s17+$0x0] =	vst.idx.msk $0xffff, v6;
	v61 =	vadd.s32 v20, v48;
	v62 =	vshll.u32 v60, v1  }
0xb5: {  	v52 =	vadd.s32 v26, v48;
	[tilespmem:v47+s17+$0x0] =	vst.idx.msk $0xffff, v5;
	v53 =	vbroadcast v62, $0x0  }
0xb6: {  	v55 =	vadd.s32 v12, v48;
	[tilespmem:v9+s17+$0x0] =	vst.idx.msk $0xffff, v4  }
0xb7: {  	[tilespmem:v8+s17+$0x0] =	vst.idx.msk $0xffff, v3;
	v3 =	vadd.s32 v13, v53  }
0xb8: {  	[tilespmem:v59+s17+$0x0] =	vst.idx.msk $0xffff, v2;
	v2 =	vadd.s32 v18, v53  }
0xb9: {  	[tilespmem:v61+s17+$0x0] =	vst.idx.msk $0xffff, v0;
	v0 =	vadd.s32 v63, v53  }
0xba: {  	[tilespmem:v52+s17+$0x0] =	vst.idx.msk $0xffff, v46  }
0xbb: {  	[tilespmem:v55+s17+$0x0] =	vst.idx.msk $0xffff, v45  }
0xbc: {  	[tilespmem:v3+s17+$0x0] =	vst.idx.msk $0xffff, v44  }
0xbd: {  	s14 =	sadd.s32 $0xFFFFFFFF, s10;
	[tilespmem:v2+s17+$0x0] =	vst.idx.msk $0xffff, v43  }
0xbe: {  	v54 =	vmov s14;
	[tilespmem:v0+s17+$0x0] =	vst.idx.msk $0xffff, v42;
	v0 =	vld [tilespmem:$0x1FF90]  }
0xbf: {  	v8 =	vshrl.u32 v54, $0x3  }
0xc0: {  	v56 =	vshll.u32 v8, v1  }
0xc1: {  	v57 =	vbroadcast v56, $0x0;
	_ =	sdelay $0x1  }
0xc2: {  	v58 =	vmov s10;
	v6 =	vadd.s32 v0, v57;
	v0 =	vld [tilespmem:$0x1FFA0]  }
0xc3: {  	v7 =	vshrl.u32 v58, $0x3  }
0xc4: {  	v7 =	vshll.u32 v7, v1  }
0xc5: {  	v60 =	vld [tilespmem:$0x1FF50];
	v7 =	vbroadcast v7, $0x0  }
0xc6: {  	v3 =	vld [tilespmem:$0x1FF70]  }
0xc7: {  	v61 =	vadd.s32 v0, v7;
	v0 =	vld [tilespmem:$0x1FFB0]  }
0xc8: {  	v2 =	vld [tilespmem:$0x1FF80];
	_ =	sdelay $0x1  }
0xc9: {  	v59 =	vadd.s32 v21, v53  }
0xca: {  	v4 =	vadd.s32 v60, v57  }
0xcb: {  	v3 =	vadd.s32 v3, v57;
	v62 =	vadd.s32 v0, v7;
	v0 =	vld [tilespmem:$0x1FFC0]  }
0xcc: {  	v2 =	vadd.s32 v2, v57;
	_ =	sdelay $0x1  }
0xcd: {  	[tilespmem:v59+s17+$0x0] =	vst.idx.msk $0xffff, v41  }
0xce: {  	[tilespmem:v4+s17+$0x0] =	vst.idx.msk $0xffff, v40  }
0xcf: {  	p1 =	sne.s32 s0, $0x7F;
	[tilespmem:v3+s17+$0x0] =	vst.idx.msk $0xffff, v39;
	v3 =	vadd.s32 v0, v7;
	v0 =	vld [tilespmem:$0x1FFD0]  }
.Ltmp2:
0xd0: {  	[tilespmem:v2+s17+$0x0] =	vst.idx.msk $0xffff, v38;
	(pc) =	sbr.rel @p1 .LBB2_3-.Ltmp2, $4  }
0xd1: {  	[tilespmem:v6+s17+$0x0] =	vst.idx.msk $0xffff, v37  }
0xd2: {  	[tilespmem:v61+s17+$0x0] =	vst.idx.msk $0xffff, v36  }
0xd3: {  	[tilespmem:v62+s17+$0x0] =	vst.idx.msk $0xffff, v35  }
0xd4: {  	s0 =	sadd.s32 $0x8, s0;
	v0 =	vadd.s32 v0, v7;
	[tilespmem:v3+s17+$0x0] =	vst.idx.msk $0xffff, v34  }
0xd5: {  	s0 =	sadd.s32 s5, s31  }
0xd6: {  	s1 =	sshll.u32 s0, $0x7  }
0xd7: {  	s0 =	sshll.u32 s0, $0xA;
	s1 =	sand.u32 $0xE00, s1  }
0xd8: {  	s0 =	sand.u32 $0xFFF8000, s0;
	s1 =	sadd.s32 s2, s1  }
0xd9: {  	[tilespmem:v0+s17+$0x0] =	vst.idx.msk $0xffff, v33;
	s14 =	simm.s32 $0xE400;
	s1 =	sadd.s32 s0, s1  }
0xda: {  	[hbm4b:s1+s3] =	stream.linear.scatter [tilespmem:s14], [sflag:$0x5], $0x80, $0x38;
	[tilespmem:$0x16C00] =	vst v63  }
0xdb: {  	s6 =	simm.s32 $0xE488;
	s10 =	sadd.s32 $0x10, s1  }
0xdc: {  	[hbm4b:s10+s3] =	stream.linear.scatter [tilespmem:s6], [sflag:$0x5], $0x80, $0x38;
	[tilespmem:$0x16C00] =	vst v63  }
0xdd: {  	s12 =	simm.s32 $0xE598;
	s11 =	sadd.s32 $0x20, s1;
	s10 =	simm.s32 $0xE510  }
0xde: {  	[hbm4b:s11+s3] =	stream.linear.scatter [tilespmem:s10], [sflag:$0x5], $0x80, $0x38;
	[tilespmem:$0x16C00] =	vst v63  }
0xdf: {  	s0 =	simm.s32 $0x440;
	s13 =	sadd.s32 $0x30, s1;
	s14 =	simm.s32 $0xE620  }
0xe0: {  	[hbm4b:s13+s3] =	stream.linear.scatter [tilespmem:s12], [sflag:$0x5], $0x80, $0x38;
	[tilespmem:$0x16C00] =	vst v63  }
0xe1: {  	s6 =	sadd.s32 $0x40, s1;
	s11 =	simm.s32 $0xE6A8;
	s10 =	simm.s32 $0x2200  }
0xe2: {  	[hbm4b:s6+s3] =	stream.linear.scatter [tilespmem:s14], [sflag:$0x5], $0x80, $0x38;
	[tilespmem:$0x16C00] =	vst v63  }
0xe3: {  	s12 =	sadd.s32 $0x50, s1;
	s13 =	simm.s32 $0xE730;
	s14 =	sadd.s32 $0x60, s1  }
0xe4: {  	[hbm4b:s12+s3] =	stream.linear.scatter [tilespmem:s11], [sflag:$0x5], $0x80, $0x38;
	[tilespmem:$0x16C00] =	vst v63  }
0xe5: {  	s11 =	simm.s32 $0xE7B8;
	s12 =	sadd.s32 $0x70, s1;
	s1 =	sadd.s32 $0x1000, s1  }
0xe6: {  	[hbm4b:s14+s3] =	stream.linear.scatter [tilespmem:s13], [sflag:$0x5], $0x80, $0x38;
	[tilespmem:$0x16C00] =	vst v63  }
.LBB2_5:
0xe7: {  	[hbm4b:s12+s3] =	stream.linear.scatter [tilespmem:s11], [sflag:$0x5], $0x80, $0x38;
	[tilespmem:$0x16C00] =	vst v63  }
0xe8: {  	s11 =	smov.u32 s0;
	s0 =	smov.u32 s10  }
0xe9: {  	s13 =	sadd.s32 $0x1100, s10;
	s0 =	sshra.s32 s0, $0x2;
	s12 =	sadd.s32 $0xE400, s11  }
0xea: {  	[hbm4b:s1+s3] =	stream.linear.scatter [tilespmem:s12], [sflag:$0x5], $0x80, $0x38;
	[tilespmem:$0x16C00] =	vst v63  }
0xeb: {  	p1 =	sne.s32 s10, $0x7700;
	s10 =	sadd.s32 $0xE488, s11;
	s12 =	sadd.s32 $0x10, s1  }
0xec: {  	[hbm4b:s12+s3] =	stream.linear.scatter [tilespmem:s10], [sflag:$0x5], $0x80, $0x38;
	[tilespmem:$0x16C00] =	vst v63  }
0xed: {  	s10 =	sadd.s32 $0xE510, s11;
	s12 =	sadd.s32 $0x20, s1  }
0xee: {  	[hbm4b:s12+s3] =	stream.linear.scatter [tilespmem:s10], [sflag:$0x5], $0x80, $0x38;
	[tilespmem:$0x16C00] =	vst v63  }
0xef: {  	s10 =	sadd.s32 $0xE598, s11;
	s12 =	sadd.s32 $0x30, s1  }
0xf0: {  	[hbm4b:s12+s3] =	stream.linear.scatter [tilespmem:s10], [sflag:$0x5], $0x80, $0x38;
	[tilespmem:$0x16C00] =	vst v63  }
0xf1: {  	s10 =	sadd.s32 $0xE620, s11;
	s12 =	sadd.s32 $0x40, s1  }
0xf2: {  	[hbm4b:s12+s3] =	stream.linear.scatter [tilespmem:s10], [sflag:$0x5], $0x80, $0x38;
	[tilespmem:$0x16C00] =	vst v63  }
.Ltmp3:
0xf3: {  	s10 =	sadd.s32 $0xE6A8, s11;
	s12 =	sadd.s32 $0x50, s1;
	(pc) =	sbr.rel @p1 .LBB2_5-.Ltmp3, $4  }
0xf4: {  	[hbm4b:s12+s3] =	stream.linear.scatter [tilespmem:s10], [sflag:$0x5], $0x80, $0x38;
	[tilespmem:$0x16C00] =	vst v63  }
0xf5: {  	s10 =	sadd.s32 $0xE730, s11;
	s12 =	sadd.s32 $0x60, s1;
	s11 =	sadd.s32 $0xE7B8, s11  }
0xf6: {  	[hbm4b:s12+s3] =	stream.linear.scatter [tilespmem:s10], [sflag:$0x5], $0x80, $0x38;
	[tilespmem:$0x16C00] =	vst v63  }
0xf7: {  	s12 =	sadd.s32 $0x70, s1;
	s1 =	sadd.s32 $0x1000, s1;
	s10 =	smov.u32 s13  }
0xf8: {  	[hbm4b:s12+s3] =	stream.linear.scatter [tilespmem:s11], [sflag:$0x5], $0x80, $0x38;
	[tilespmem:$0x16C00] =	vst v63  }
0xf9: {  	s10 =	sadd.s32 $0xE400, s0  }
0xfa: {  	[hbm4b:s1+s3] =	stream.linear.scatter [tilespmem:s10], [sflag:$0x5], $0x80, $0x38;
	[tilespmem:$0x16C00] =	vst v63  }
0xfb: {  	s12 =	sadd.s32 $0xE488, s0;
	s13 =	sadd.s32 $0x10, s1  }
0xfc: {  	[hbm4b:s13+s3] =	stream.linear.scatter [tilespmem:s12], [sflag:$0x5], $0x80, $0x38;
	[tilespmem:$0x16C00] =	vst v63  }
0xfd: {  	s14 =	sadd.s32 $0xE510, s0;
	s6 =	sadd.s32 $0x20, s1  }
0xfe: {  	[hbm4b:s6+s3] =	stream.linear.scatter [tilespmem:s14], [sflag:$0x5], $0x80, $0x38;
	[tilespmem:$0x16C00] =	vst v63  }
0xff: {  	s12 =	sadd.s32 $0xE598, s0;
	s13 =	sadd.s32 $0x30, s1  }
0x100: {  	[hbm4b:s13+s3] =	stream.linear.scatter [tilespmem:s12], [sflag:$0x5], $0x80, $0x38;
	[tilespmem:$0x16C00] =	vst v63  }
0x101: {  	p1 =	seq.s32 s30, $0x31;
	s14 =	sadd.s32 $0xE620, s0;
	s6 =	sadd.s32 $0x40, s1  }
0x102: {  	[hbm4b:s6+s3] =	stream.linear.scatter [tilespmem:s14], [sflag:$0x5], $0x80, $0x38;
	[tilespmem:$0x16C00] =	vst v63  }
0x103: {  	s10 =	sadd.s32 $0xE7B8, s0;
	s12 =	sadd.s32 $0xE6A8, s0;
	s13 =	sadd.s32 $0x50, s1  }
0x104: {  	[hbm4b:s13+s3] =	stream.linear.scatter [tilespmem:s12], [sflag:$0x5], $0x80, $0x38;
	[tilespmem:$0x16C00] =	vst v63  }
0x105: {  	s14 =	sadd.s32 $0xE730, s0;
	s6 =	sadd.s32 $0x60, s1;
	s0 =	sshll.u32 @!p1 s30, $0x9  }
0x106: {  	[hbm4b:s6+s3] =	stream.linear.scatter [tilespmem:s14], [sflag:$0x5], $0x80, $0x38;
	[tilespmem:$0x16C00] =	vst v63  }
0x107: {  	s11 =	sadd.s32 $0x70, s1;
	s1 =	sand.u32 @!p1 $0x3FFFFE00, s0  }
0x108: {  	[hbm4b:s11+s3] =	stream.linear.scatter [tilespmem:s10], [sflag:$0x5], $0x80, $0x38;
	[tilespmem:$0x16C00] =	vst v63  }
0x109: {  	s0 =	sadd.s32 @!p1 $0x200, s1;
	s10 =	simm.s32 @!p1 $0x80;
	s11 =	simm.s32 @!p1 $0x6400  }
0x10a: {  	[tilespmem:s11], [sflag:$0x1] =	stream.indirect.gather @!p1 [hbm4b:s4+s10], $0x40, s0, s10, $0xb8;
	[tilespmem:$0x16C00] =	vst v63  }
0x10b: {  	_ =	swait.ge [sflag:s18], $0x2000  }
0x10c: {  	[sflag:s18] =	ssyncset.done $0x0  }
0x10d: {  	s0 =	simm.s32 @!p0 $0x6;
	[sflag:s18] =	ssyncadd.s32 $0xFFFFE000  }
0x10e: {  	_ =	swait.ge @!p0 [sflag:s0], $0x2000  }
0x10f: {  	v29 =	vld [tilespmem:$0x1FE30]  }
0x110: {  	v30 =	vld [tilespmem:$0x1FE40]  }
0x111: {  	v14 =	vld [tilespmem:$0x1FE80]  }
0x112: {  	v24 =	vld [tilespmem:$0x1FE90]  }
0x113: {  	v31 =	vld [tilespmem:$0x1FEA0]  }
0x114: {  	[sflag:s0] =	ssyncset.done @!p0 $0x0;
	v11 =	vld [tilespmem:$0x1FEB0]  }
0x115: {  	v25 =	vld [tilespmem:$0x1FFE0];
	[sflag:s0] =	ssyncadd.s32 @!p0 $0xFFFFE000;
	s0 =	simm.s32 $0x85F0  }
0x116: {  	v33 =	vld [tilespmem:s0+$0x0]  }
0x117: {  	v34 =	vld [tilespmem:s0+$0xFFFFFFF0]  }
0x118: {  	v35 =	vld [tilespmem:s0+$0xFFFFFFE0]  }
0x119: {  	v0 =	vld [tilespmem:s0+$0xFFFFFFD0]  }
0x11a: {  	v2 =	vld [tilespmem:s0+$0xFFFFFFC0]  }
0x11b: {  	v3 =	vld [tilespmem:s0+$0xFFFFFFB0]  }
0x11c: {  	v4 =	vld [tilespmem:s0+$0xFFFFFFA0]  }
0x11d: {  	v5 =	vld [tilespmem:s0+$0xFFFFFF90]  }
0x11e: {  	v6 =	vld [tilespmem:s0+$0xFFFFFF80]  }
0x11f: {  	v7 =	vld [tilespmem:s0+$0xFFFFFF70]  }
0x120: {  	v8 =	vld [tilespmem:s0+$0xFFFFFF60]  }
0x121: {  	v9 =	vld [tilespmem:s0+$0xFFFFFF50]  }
0x122: {  	v36 =	vld [tilespmem:s0+$0xFFFFFF40]  }
0x123: {  	v37 =	vld [tilespmem:s0+$0xFFFFFF30]  }
0x124: {  	v38 =	vld [tilespmem:s0+$0xFFFFFF20]  }
0x125: {  	v39 =	vld [tilespmem:s0+$0xFFFFFF10]  }
0x126: {  	v40 =	vld [tilespmem:s0+$0xFFFFFF00]  }
0x127: {  	v41 =	vld [tilespmem:s0+$0xFFFFFEF0]  }
0x128: {  	v42 =	vld [tilespmem:s0+$0xFFFFFEE0]  }
0x129: {  	v43 =	vld [tilespmem:s0+$0xFFFFFED0]  }
0x12a: {  	s12 =	simm.s32 $0x0;
	v44 =	vld [tilespmem:s0+$0xFFFFFEC0]  }
0x12b: {  	v47 =	vmov s12;
	v45 =	vld [tilespmem:s0+$0xFFFFFEB0]  }
0x12c: {  	v47 =	vshrl.u32 v47, $0x3;
	v46 =	vld [tilespmem:s0+$0xFFFFFEA0]  }
0x12d: {  	v47 =	vshll.u32 v47, v1;
	v48 =	vld [tilespmem:s0+$0xFFFFFE90]  }
0x12e: {  	s13 =	simm.s32 $0x1;
	v47 =	vbroadcast v47, $0x0;
	v49 =	vld [tilespmem:s0+$0xFFFFFE80]  }
0x12f: {  	v52 =	vmov s13;
	v50 =	vld [tilespmem:s0+$0xFFFFFE70]  }
0x130: {  	v52 =	vshrl.u32 v52, $0x3;
	v54 =	vadd.s32 v10, v47;
	v53 =	vld [tilespmem:s0+$0xFFFFFE10]  }
0x131: {  	v52 =	vshll.u32 v52, v1;
	v55 =	vld [tilespmem:s0+$0xFFFFFE20];
	v56 =	vadd.s32 v29, v47  }
0x132: {  	s14 =	simm.s32 $0x2;
	v52 =	vbroadcast v52, $0x0;
	v57 =	vld [tilespmem:s0+$0xFFFFFE30];
	v58 =	vadd.s32 v30, v47  }
0x133: {  	v60 =	vmov s14;
	v59 =	vld [tilespmem:s0+$0xFFFFFE40];
	v47 =	vadd.s32 v32, v47  }
0x134: {  	v60 =	vshrl.u32 v60, $0x3;
	v62 =	vadd.s32 v19, v52;
	v61 =	vld [tilespmem:s0+$0xFFFFFE50]  }
0x135: {  	v60 =	vshll.u32 v60, v1;
	v51 =	vld [tilespmem:s0+$0xFFFFFE60];
	[tilespmem:v54+s19+$0x0] =	vst.idx.msk $0xffff, v53;
	v53 =	vadd.s32 v27, v52  }
0x136: {  	s6 =	simm.s32 $0x3;
	v54 =	vbroadcast v60, $0x0;
	[tilespmem:v56+s19+$0x0] =	vst.idx.msk $0xffff, v55;
	v55 =	vadd.s32 v14, v52  }
0x137: {  	v23 =	vld [tilespmem:$0x1FEC0];
	v60 =	vmov s6;
	v52 =	vadd.s32 v24, v52;
	[tilespmem:v58+s19+$0x0] =	vst.idx.msk $0xffff, v57  }
0x138: {  	v56 =	vshrl.u32 v60, $0x3;
	[tilespmem:v47+s19+$0x0] =	vst.idx.msk $0xffff, v59;
	v47 =	vadd.s32 v31, v54  }
0x139: {  	v28 =	vld [tilespmem:$0x1FED0];
	v57 =	vadd.s32 v11, v54;
	v56 =	vshll.u32 v56, v1;
	[tilespmem:v62+s19+$0x0] =	vst.idx.msk $0xffff, v61  }
0x13a: {  	s11 =	simm.s32 $0x4;
	v60 =	vadd.s32 v25, v54;
	v61 =	vbroadcast v56, $0x0;
	[tilespmem:v53+s19+$0x0] =	vst.idx.msk $0xffff, v51  }
0x13b: {  	v22 =	vld [tilespmem:$0x1FEE0];
	v54 =	vadd.s32 v15, v54;
	v62 =	vmov s11;
	[tilespmem:v55+s19+$0x0] =	vst.idx.msk $0xffff, v50  }
0x13c: {  	v50 =	vshrl.u32 v62, $0x3;
	[tilespmem:v52+s19+$0x0] =	vst.idx.msk $0xffff, v49;
	v52 =	vadd.s32 v23, v61  }
0x13d: {  	v26 =	vld [tilespmem:$0x1FEF0];
	v55 =	vadd.s32 v16, v61;
	v56 =	vshll.u32 v50, v1;
	[tilespmem:v47+s19+$0x0] =	vst.idx.msk $0xffff, v48  }
0x13e: {  	s12 =	simm.s32 $0x5;
	v58 =	vadd.s32 v28, v61;
	v48 =	vbroadcast v56, $0x0;
	[tilespmem:v57+s19+$0x0] =	vst.idx.msk $0xffff, v46  }
0x13f: {  	v59 =	vmov s12;
	[tilespmem:v60+s19+$0x0] =	vst.idx.msk $0xffff, v45;
	v60 =	vadd.s32 v17, v61  }
0x140: {  	v61 =	vadd.s32 v22, v48;
	v45 =	vshrl.u32 v59, $0x3;
	[tilespmem:v54+s19+$0x0] =	vst.idx.msk $0xffff, v44  }
0x141: {  	v62 =	vadd.s32 v20, v48;
	v45 =	vshll.u32 v45, v1;
	[tilespmem:v52+s19+$0x0] =	vst.idx.msk $0xffff, v43  }
0x142: {  	v49 =	vadd.s32 v26, v48;
	v45 =	vbroadcast v45, $0x0;
	[tilespmem:v55+s19+$0x0] =	vst.idx.msk $0xffff, v42  }
0x143: {  	v52 =	vadd.s32 v12, v48;
	[tilespmem:v58+s19+$0x0] =	vst.idx.msk $0xffff, v41  }
0x144: {  	v53 =	vadd.s32 v13, v45;
	[tilespmem:v60+s19+$0x0] =	vst.idx.msk $0xffff, v40  }
0x145: {  	v54 =	vadd.s32 v18, v45;
	[tilespmem:v61+s19+$0x0] =	vst.idx.msk $0xffff, v39  }
0x146: {  	[tilespmem:v62+s19+$0x0] =	vst.idx.msk $0xffff, v38  }
0x147: {  	s13 =	simm.s32 $0x6;
	[tilespmem:v49+s19+$0x0] =	vst.idx.msk $0xffff, v37  }
0x148: {  	v51 =	vmov s13;
	v58 =	vld [tilespmem:$0x1FF50];
	[tilespmem:v52+s19+$0x0] =	vst.idx.msk $0xffff, v36  }
0x149: {  	v41 =	vshrl.u32 v51, $0x3;
	[tilespmem:v53+s19+$0x0] =	vst.idx.msk $0xffff, v9;
	v9 =	vld [tilespmem:$0x1FF70]  }
0x14a: {  	v41 =	vshll.u32 v41, v1;
	[tilespmem:v54+s19+$0x0] =	vst.idx.msk $0xffff, v8;
	v8 =	vld [tilespmem:$0x1FF80]  }
0x14b: {  	s14 =	simm.s32 $0x7;
	v59 =	vld [tilespmem:$0x1FF90];
	v55 =	vadd.s32 v63, v45;
	v41 =	vbroadcast v41, $0x0  }
0x14c: {  	v56 =	vmov s14;
	v57 =	vadd.s32 v21, v45;
	v60 =	vld [tilespmem:$0x1FFA0]  }
0x14d: {  	v37 =	vshrl.u32 v56, $0x3;
	v36 =	vadd.s32 v58, v41  }
0x14e: {  	v37 =	vshll.u32 v37, v1;
	v9 =	vadd.s32 v9, v41  }
0x14f: {  	v37 =	vbroadcast v37, $0x0;
	v8 =	vadd.s32 v8, v41  }
0x150: {  	v61 =	vld [tilespmem:$0x1FFB0];
	[tilespmem:v55+s19+$0x0] =	vst.idx.msk $0xffff, v7;
	v7 =	vadd.s32 v59, v41  }
0x151: {  	v62 =	vld [tilespmem:$0x1FFC0];
	[tilespmem:v57+s19+$0x0] =	vst.idx.msk $0xffff, v6;
	v6 =	vadd.s32 v60, v37  }
0x152: {  	[tilespmem:v36+s19+$0x0] =	vst.idx.msk $0xffff, v5  }
0x153: {  	[tilespmem:v9+s19+$0x0] =	vst.idx.msk $0xffff, v4  }
0x154: {  	[tilespmem:v8+s19+$0x0] =	vst.idx.msk $0xffff, v3  }
0x155: {  	v5 =	vadd.s32 v61, v37;
	[tilespmem:v7+s19+$0x0] =	vst.idx.msk $0xffff, v2  }
0x156: {  	v4 =	vadd.s32 v62, v37;
	[tilespmem:v6+s19+$0x0] =	vst.idx.msk $0xffff, v0;
	v0 =	vld [tilespmem:$0x1FFD0];
	_ =	sdelay $0x3  }
0x157: {  	[tilespmem:v5+s19+$0x0] =	vst.idx.msk $0xffff, v35  }
0x158: {  	s10 =	sor.u32 $0x1, s31;
	s11 =	simm.s32 $0xF;
	[tilespmem:v4+s19+$0x0] =	vst.idx.msk $0xffff, v34;
	v0 =	vadd.s32 v0, v37  }
.LBB2_7:
0x159: {  	_ =	sdelay $0x3  }
0x15a: {  	[tilespmem:v0+s19+$0x0] =	vst.idx.msk $0xffff, v33;
	s0 =	sadd.s32 $0x200, s0  }
0x15b: {  	v33 =	vld [tilespmem:s0+$0x0]  }
0x15c: {  	v34 =	vld [tilespmem:s0+$0xFFFFFFF0]  }
0x15d: {  	v35 =	vld [tilespmem:s0+$0xFFFFFFE0]  }
0x15e: {  	v36 =	vld [tilespmem:s0+$0xFFFFFFD0]  }
0x15f: {  	v37 =	vld [tilespmem:s0+$0xFFFFFFC0]  }
0x160: {  	v38 =	vld [tilespmem:s0+$0xFFFFFFB0]  }
0x161: {  	v39 =	vld [tilespmem:s0+$0xFFFFFFA0]  }
0x162: {  	v40 =	vld [tilespmem:s0+$0xFFFFFF90]  }
0x163: {  	v41 =	vld [tilespmem:s0+$0xFFFFFF80]  }
0x164: {  	v42 =	vld [tilespmem:s0+$0xFFFFFF70]  }
0x165: {  	v43 =	vld [tilespmem:s0+$0xFFFFFF60]  }
0x166: {  	v44 =	vld [tilespmem:s0+$0xFFFFFF50]  }
0x167: {  	v45 =	vld [tilespmem:s0+$0xFFFFFF40]  }
0x168: {  	v46 =	vld [tilespmem:s0+$0xFFFFFF30]  }
0x169: {  	v0 =	vld [tilespmem:s0+$0xFFFFFF20]  }
0x16a: {  	v2 =	vld [tilespmem:s0+$0xFFFFFF10]  }
0x16b: {  	v3 =	vld [tilespmem:s0+$0xFFFFFF00]  }
0x16c: {  	v4 =	vld [tilespmem:s0+$0xFFFFFEF0]  }
0x16d: {  	v5 =	vld [tilespmem:s0+$0xFFFFFEE0]  }
0x16e: {  	s12 =	smov.u32 s11;
	v6 =	vld [tilespmem:s0+$0xFFFFFED0]  }
0x16f: {  	v7 =	vld [tilespmem:s0+$0xFFFFFEC0];
	s13 =	sadd.s32 $0xFFFFFFF9, s12  }
0x170: {  	v8 =	vld [tilespmem:s0+$0xFFFFFEB0];
	v47 =	vmov s13  }
0x171: {  	v9 =	vld [tilespmem:s0+$0xFFFFFEA0];
	v47 =	vshrl.u32 v47, $0x3  }
0x172: {  	v48 =	vld [tilespmem:s0+$0xFFFFFE90];
	v47 =	vshll.u32 v47, v1  }
0x173: {  	v49 =	vld [tilespmem:s0+$0xFFFFFE80];
	s6 =	sadd.s32 $0xFFFFFFFA, s12;
	v47 =	vbroadcast v47, $0x0  }
0x174: {  	v50 =	vld [tilespmem:s0+$0xFFFFFE70];
	v52 =	vmov s6  }
0x175: {  	v53 =	vld [tilespmem:s0+$0xFFFFFE10];
	v52 =	vshrl.u32 v52, $0x3;
	v54 =	vadd.s32 v10, v47  }
0x176: {  	v55 =	vld [tilespmem:s0+$0xFFFFFE20];
	v52 =	vshll.u32 v52, v1;
	v56 =	vadd.s32 v29, v47  }
0x177: {  	v57 =	vld [tilespmem:s0+$0xFFFFFE30];
	s14 =	sadd.s32 $0xFFFFFFFB, s12;
	v52 =	vbroadcast v52, $0x0;
	v58 =	vadd.s32 v30, v47  }
0x178: {  	v59 =	vld [tilespmem:s0+$0xFFFFFE40];
	v60 =	vmov s14;
	v47 =	vadd.s32 v32, v47  }
0x179: {  	v61 =	vld [tilespmem:s0+$0xFFFFFE50];
	v60 =	vshrl.u32 v60, $0x3;
	v62 =	vadd.s32 v19, v52  }
0x17a: {  	v51 =	vld [tilespmem:s0+$0xFFFFFE60];
	v60 =	vshll.u32 v60, v1;
	[tilespmem:v54+s19+$0x0] =	vst.idx.msk $0xffff, v53;
	v53 =	vadd.s32 v27, v52  }
0x17b: {  	s6 =	sadd.s32 $0xFFFFFFFC, s12;
	v54 =	vbroadcast v60, $0x0;
	[tilespmem:v56+s19+$0x0] =	vst.idx.msk $0xffff, v55;
	v55 =	vadd.s32 v14, v52  }
0x17c: {  	v56 =	vmov s6;
	v52 =	vadd.s32 v24, v52;
	[tilespmem:v58+s19+$0x0] =	vst.idx.msk $0xffff, v57  }
0x17d: {  	v60 =	vadd.s32 v31, v54;
	v56 =	vshrl.u32 v56, $0x3;
	[tilespmem:v47+s19+$0x0] =	vst.idx.msk $0xffff, v59  }
0x17e: {  	v57 =	vadd.s32 v11, v54;
	v56 =	vshll.u32 v56, v1;
	[tilespmem:v62+s19+$0x0] =	vst.idx.msk $0xffff, v61  }
0x17f: {  	s14 =	sadd.s32 $0xFFFFFFFD, s12;
	[tilespmem:v53+s19+$0x0] =	vst.idx.msk $0xffff, v51;
	v51 =	vadd.s32 v25, v54;
	v53 =	vbroadcast v56, $0x0  }
0x180: {  	v62 =	vmov s14;
	[tilespmem:v55+s19+$0x0] =	vst.idx.msk $0xffff, v50;
	v50 =	vadd.s32 v15, v54  }
0x181: {  	v59 =	vshrl.u32 v62, $0x3;
	[tilespmem:v52+s19+$0x0] =	vst.idx.msk $0xffff, v49;
	v58 =	vadd.s32 v23, v53  }
0x182: {  	v61 =	vshll.u32 v59, v1;
	[tilespmem:v60+s19+$0x0] =	vst.idx.msk $0xffff, v48;
	v60 =	vadd.s32 v16, v53  }
0x183: {  	v48 =	vbroadcast v61, $0x0;
	[tilespmem:v57+s19+$0x0] =	vst.idx.msk $0xffff, v9;
	v9 =	vadd.s32 v28, v53  }
0x184: {  	s6 =	sadd.s32 $0xFFFFFFFE, s12;
	[tilespmem:v51+s19+$0x0] =	vst.idx.msk $0xffff, v8;
	v8 =	vadd.s32 v17, v53  }
0x185: {  	v62 =	vmov s6;
	v56 =	vadd.s32 v22, v48;
	[tilespmem:v50+s19+$0x0] =	vst.idx.msk $0xffff, v7  }
0x186: {  	v57 =	vshrl.u32 v62, $0x3;
	[tilespmem:v58+s19+$0x0] =	vst.idx.msk $0xffff, v6  }
0x187: {  	v59 =	vshll.u32 v57, v1;
	v58 =	vadd.s32 v20, v48;
	[tilespmem:v60+s19+$0x0] =	vst.idx.msk $0xffff, v5  }
0x188: {  	s14 =	sadd.s32 $0xFFFFFFFF, s12;
	v61 =	vbroadcast v59, $0x0;
	v60 =	vadd.s32 v26, v48;
	[tilespmem:v9+s19+$0x0] =	vst.idx.msk $0xffff, v4  }
0x189: {  	v54 =	vld [tilespmem:$0x1FF50];
	v62 =	vmov s14;
	v48 =	vadd.s32 v12, v48;
	[tilespmem:v8+s19+$0x0] =	vst.idx.msk $0xffff, v3  }
0x18a: {  	v3 =	vadd.s32 v13, v61;
	v8 =	vshrl.u32 v62, $0x3;
	[tilespmem:v56+s19+$0x0] =	vst.idx.msk $0xffff, v2;
	v56 =	vld [tilespmem:$0x1FF70]  }
0x18b: {  	v57 =	vld [tilespmem:$0x1FF80];
	v2 =	vadd.s32 v18, v61;
	v49 =	vshll.u32 v8, v1  }
0x18c: {  	[tilespmem:v58+s19+$0x0] =	vst.idx.msk $0xffff, v0;
	v0 =	vadd.s32 v63, v61;
	v50 =	vbroadcast v49, $0x0  }
0x18d: {  	v52 =	vld [tilespmem:$0x1FF90];
	v53 =	vadd.s32 v21, v61;
	[tilespmem:v60+s19+$0x0] =	vst.idx.msk $0xffff, v46  }
0x18e: {  	v51 =	vmov s12;
	v58 =	vld [tilespmem:$0x1FFA0];
	[tilespmem:v48+s19+$0x0] =	vst.idx.msk $0xffff, v45;
	v55 =	vadd.s32 v54, v50  }
0x18f: {  	v7 =	vshrl.u32 v51, $0x3;
	v60 =	vld [tilespmem:$0x1FFB0];
	[tilespmem:v3+s19+$0x0] =	vst.idx.msk $0xffff, v44;
	v3 =	vadd.s32 v56, v50  }
0x190: {  	v7 =	vshll.u32 v7, v1;
	v62 =	vld [tilespmem:$0x1FFC0];
	[tilespmem:v2+s19+$0x0] =	vst.idx.msk $0xffff, v43;
	v2 =	vadd.s32 v57, v50  }
0x191: {  	v7 =	vbroadcast v7, $0x0;
	[tilespmem:v0+s19+$0x0] =	vst.idx.msk $0xffff, v42  }
0x192: {  	v6 =	vadd.s32 v52, v50;
	[tilespmem:v53+s19+$0x0] =	vst.idx.msk $0xffff, v41  }
0x193: {  	v59 =	vadd.s32 v58, v7;
	[tilespmem:v55+s19+$0x0] =	vst.idx.msk $0xffff, v40  }
0x194: {  	v61 =	vadd.s32 v60, v7;
	[tilespmem:v3+s19+$0x0] =	vst.idx.msk $0xffff, v39  }
0x195: {  	p2 =	sne.s32 s11, $0x7F;
	v3 =	vadd.s32 v62, v7;
	[tilespmem:v2+s19+$0x0] =	vst.idx.msk $0xffff, v38;
	v2 =	vld [tilespmem:$0x1FFD0]  }
.Ltmp4:
0x196: {  	_ = 	snop;
	(pc) =	sbr.rel @p2 .LBB2_7-.Ltmp4, $4  }
0x197: {  	[tilespmem:v6+s19+$0x0] =	vst.idx.msk $0xffff, v37  }
0x198: {  	[tilespmem:v59+s19+$0x0] =	vst.idx.msk $0xffff, v36  }
0x199: {  	[tilespmem:v61+s19+$0x0] =	vst.idx.msk $0xffff, v35  }
0x19a: {  	s11 =	sadd.s32 $0x8, s11;
	[tilespmem:v3+s19+$0x0] =	vst.idx.msk $0xffff, v34;
	v0 =	vadd.s32 v2, v7  }
0x19b: {  	s0 =	sadd.s32 s5, s10  }
0x19c: {  	s10 =	sshll.u32 s0, $0x7  }
0x19d: {  	s0 =	sshll.u32 s0, $0xA;
	s10 =	sand.u32 $0xE80, s10  }
0x19e: {  	s0 =	sand.u32 $0xFFF8000, s0;
	s10 =	sadd.s32 s2, s10  }
0x19f: {  	[tilespmem:v0+s19+$0x0] =	vst.idx.msk $0xffff, v33;
	s12 =	simm.s32 $0x10600;
	s10 =	sadd.s32 s0, s10  }
0x1a0: {  	[hbm4b:s10+s3] =	stream.linear.scatter [tilespmem:s12], [sflag:$0x6], $0x80, $0x38;
	[tilespmem:$0x16C00] =	vst v63  }
0x1a1: {  	s13 =	simm.s32 $0x10688;
	s11 =	sadd.s32 $0x10, s10  }
0x1a2: {  	[hbm4b:s11+s3] =	stream.linear.scatter [tilespmem:s13], [sflag:$0x6], $0x80, $0x38;
	[tilespmem:$0x16C00] =	vst v63  }
0x1a3: {  	s14 =	simm.s32 $0x10710;
	s6 =	sadd.s32 $0x20, s10  }
0x1a4: {  	[hbm4b:s6+s3] =	stream.linear.scatter [tilespmem:s14], [sflag:$0x6], $0x80, $0x38;
	[tilespmem:$0x16C00] =	vst v63  }
0x1a5: {  	s12 =	simm.s32 $0x10798;
	s13 =	sadd.s32 $0x30, s10  }
0x1a6: {  	[hbm4b:s13+s3] =	stream.linear.scatter [tilespmem:s12], [sflag:$0x6], $0x80, $0x38;
	[tilespmem:$0x16C00] =	vst v63  }
0x1a7: {  	s14 =	simm.s32 $0x10820;
	s6 =	sadd.s32 $0x40, s10  }
0x1a8: {  	[hbm4b:s6+s3] =	stream.linear.scatter [tilespmem:s14], [sflag:$0x6], $0x80, $0x38;
	[tilespmem:$0x16C00] =	vst v63  }
0x1a9: {  	s0 =	simm.s32 $0x440;
	s11 =	simm.s32 $0x108A8;
	s12 =	sadd.s32 $0x50, s10  }
0x1aa: {  	[hbm4b:s12+s3] =	stream.linear.scatter [tilespmem:s11], [sflag:$0x6], $0x80, $0x38;
	[tilespmem:$0x16C00] =	vst v63  }
0x1ab: {  	s13 =	simm.s32 $0x10930;
	s14 =	sadd.s32 $0x60, s10;
	s11 =	simm.s32 $0x2200  }
0x1ac: {  	[hbm4b:s14+s3] =	stream.linear.scatter [tilespmem:s13], [sflag:$0x6], $0x80, $0x38;
	[tilespmem:$0x16C00] =	vst v63  }
0x1ad: {  	v27 =	vmov v20;
	v26 =	vmov v17;
	v24 =	vmov v16;
	s12 =	simm.s32 $0x109B8;
	s13 =	sadd.s32 $0x70, s10;
	s10 =	sadd.s32 $0x1000, s10  }
.LBB2_9:
0x1ae: {  	[hbm4b:s13+s3] =	stream.linear.scatter [tilespmem:s12], [sflag:$0x6], $0x80, $0x38;
	[tilespmem:$0x16C00] =	vst v63  }
0x1af: {  	s12 =	smov.u32 s0;
	s0 =	smov.u32 s11  }
0x1b0: {  	s14 =	sadd.s32 $0x1100, s11;
	s0 =	sshra.s32 s0, $0x2;
	s13 =	sadd.s32 $0x10600, s12  }
0x1b1: {  	[hbm4b:s10+s3] =	stream.linear.scatter [tilespmem:s13], [sflag:$0x6], $0x80, $0x38;
	[tilespmem:$0x16C00] =	vst v63  }
0x1b2: {  	p2 =	sne.s32 s11, $0x7700;
	s11 =	sadd.s32 $0x10688, s12;
	s13 =	sadd.s32 $0x10, s10  }
0x1b3: {  	[hbm4b:s13+s3] =	stream.linear.scatter [tilespmem:s11], [sflag:$0x6], $0x80, $0x38;
	[tilespmem:$0x16C00] =	vst v63  }
0x1b4: {  	s11 =	sadd.s32 $0x10710, s12;
	s13 =	sadd.s32 $0x20, s10  }
0x1b5: {  	[hbm4b:s13+s3] =	stream.linear.scatter [tilespmem:s11], [sflag:$0x6], $0x80, $0x38;
	[tilespmem:$0x16C00] =	vst v63  }
0x1b6: {  	s11 =	sadd.s32 $0x10798, s12;
	s13 =	sadd.s32 $0x30, s10  }
0x1b7: {  	[hbm4b:s13+s3] =	stream.linear.scatter [tilespmem:s11], [sflag:$0x6], $0x80, $0x38;
	[tilespmem:$0x16C00] =	vst v63  }
0x1b8: {  	s11 =	sadd.s32 $0x10820, s12;
	s13 =	sadd.s32 $0x40, s10  }
0x1b9: {  	[hbm4b:s13+s3] =	stream.linear.scatter [tilespmem:s11], [sflag:$0x6], $0x80, $0x38;
	[tilespmem:$0x16C00] =	vst v63  }
.Ltmp5:
0x1ba: {  	s11 =	sadd.s32 $0x108A8, s12;
	s13 =	sadd.s32 $0x50, s10;
	(pc) =	sbr.rel @p2 .LBB2_9-.Ltmp5, $4  }
0x1bb: {  	[hbm4b:s13+s3] =	stream.linear.scatter [tilespmem:s11], [sflag:$0x6], $0x80, $0x38;
	[tilespmem:$0x16C00] =	vst v63  }
0x1bc: {  	s11 =	sadd.s32 $0x10930, s12;
	s13 =	sadd.s32 $0x60, s10;
	s12 =	sadd.s32 $0x109B8, s12  }
0x1bd: {  	[hbm4b:s13+s3] =	stream.linear.scatter [tilespmem:s11], [sflag:$0x6], $0x80, $0x38;
	[tilespmem:$0x16C00] =	vst v63  }
0x1be: {  	s13 =	sadd.s32 $0x70, s10;
	s10 =	sadd.s32 $0x1000, s10;
	s11 =	smov.u32 s14  }
0x1bf: {  	[hbm4b:s13+s3] =	stream.linear.scatter [tilespmem:s12], [sflag:$0x6], $0x80, $0x38;
	[tilespmem:$0x16C00] =	vst v63  }
0x1c0: {  	s11 =	sadd.s32 $0x10600, s0  }
0x1c1: {  	[hbm4b:s10+s3] =	stream.linear.scatter [tilespmem:s11], [sflag:$0x6], $0x80, $0x38;
	[tilespmem:$0x16C00] =	vst v63  }
0x1c2: {  	s12 =	sadd.s32 $0x10688, s0;
	s13 =	sadd.s32 $0x10, s10  }
0x1c3: {  	[hbm4b:s13+s3] =	stream.linear.scatter [tilespmem:s12], [sflag:$0x6], $0x80, $0x38;
	[tilespmem:$0x16C00] =	vst v63  }
0x1c4: {  	s14 =	sadd.s32 $0x10710, s0;
	s6 =	sadd.s32 $0x20, s10  }
0x1c5: {  	[hbm4b:s6+s3] =	stream.linear.scatter [tilespmem:s14], [sflag:$0x6], $0x80, $0x38;
	[tilespmem:$0x16C00] =	vst v63  }
0x1c6: {  	s12 =	sadd.s32 $0x10798, s0;
	s13 =	sadd.s32 $0x30, s10  }
0x1c7: {  	[hbm4b:s13+s3] =	stream.linear.scatter [tilespmem:s12], [sflag:$0x6], $0x80, $0x38;
	[tilespmem:$0x16C00] =	vst v63  }
0x1c8: {  	s14 =	sadd.s32 $0x10820, s0;
	s6 =	sadd.s32 $0x40, s10  }
0x1c9: {  	[hbm4b:s6+s3] =	stream.linear.scatter [tilespmem:s14], [sflag:$0x6], $0x80, $0x38;
	[tilespmem:$0x16C00] =	vst v63  }
0x1ca: {  	s12 =	sadd.s32 $0x108A8, s0;
	s13 =	sadd.s32 $0x50, s10  }
0x1cb: {  	[hbm4b:s13+s3] =	stream.linear.scatter [tilespmem:s12], [sflag:$0x6], $0x80, $0x38;
	[tilespmem:$0x16C00] =	vst v63  }
0x1cc: {  	s14 =	sadd.s32 $0x10930, s0;
	s6 =	sadd.s32 $0x60, s10  }
0x1cd: {  	[hbm4b:s6+s3] =	stream.linear.scatter [tilespmem:s14], [sflag:$0x6], $0x80, $0x38;
	[tilespmem:$0x16C00] =	vst v63  }
0x1ce: {  	s11 =	sadd.s32 $0x109B8, s0;
	s12 =	sadd.s32 $0x70, s10  }
0x1cf: {  	[hbm4b:s12+s3] =	stream.linear.scatter [tilespmem:s11], [sflag:$0x6], $0x80, $0x38;
	[tilespmem:$0x16C00] =	vst v63  }
0x1d0: {  	s0 =	sadd.s32 @!p1 $0x280, s1;
	s10 =	simm.s32 @!p1 $0x80;
	s11 =	simm.s32 @!p1 $0x8400  }
0x1d1: {  	[tilespmem:s11], [sflag:$0x2] =	stream.indirect.gather @!p1 [hbm4b:s4+s10], $0x40, s0, s10, $0xb8;
	[tilespmem:$0x16C00] =	vst v63  }
0x1d2: {  	_ =	swait.ge [sflag:s20], $0x2000  }
0x1d3: {  	[sflag:s20] =	ssyncset.done $0x0  }
0x1d4: {  	s0 =	simm.s32 @!p0 $0x7;
	[sflag:s20] =	ssyncadd.s32 $0xFFFFE000  }
0x1d5: {  	_ =	swait.ge @!p0 [sflag:s0], $0x2000  }
0x1d6: {  	v22 =	vld [tilespmem:$0x1FE30]  }
0x1d7: {  	v31 =	vld [tilespmem:$0x1FE40]  }
0x1d8: {  	s13 =	simm.s32 $0x0;
	v18 =	vld [tilespmem:$0x1FE70]  }
0x1d9: {  	v0 =	vmov s13;
	v17 =	vld [tilespmem:$0x1FE80]  }
0x1da: {  	v0 =	vshrl.u32 v0, $0x3;
	v16 =	vld [tilespmem:$0x1FE90]  }
0x1db: {  	v0 =	vshll.u32 v0, v1;
	v15 =	vld [tilespmem:$0x1FEA0]  }
0x1dc: {  	v0 =	vbroadcast v0, $0x0;
	v23 =	vld [tilespmem:$0x1FFE0]  }
0x1dd: {  	[sflag:s0] =	ssyncset.done @!p0 $0x0;
	v25 =	vld [tilespmem:$0x1FEB0]  }
0x1de: {  	v20 =	vadd.s32 v32, v0;
	v32 =	vld [tilespmem:$0x1FF00];
	[sflag:s0] =	ssyncadd.s32 @!p0 $0xFFFFE000;
	s0 =	simm.s32 $0x0  }
0x1df: {  	v53 =	vld [tilespmem:s0+$0xA450]  }
0x1e0: {  	v33 =	vld [tilespmem:s0+$0xA5F0]  }
0x1e1: {  	v58 =	vld [tilespmem:s0+$0xA440]  }
0x1e2: {  	v34 =	vld [tilespmem:s0+$0xA5E0]  }
0x1e3: {  	v35 =	vld [tilespmem:s0+$0xA5D0]  }
0x1e4: {  	v56 =	vld [tilespmem:s0+$0xA460]  }
0x1e5: {  	v36 =	vld [tilespmem:s0+$0xA5C0]  }
0x1e6: {  	v55 =	vld [tilespmem:s0+$0xA480]  }
0x1e7: {  	v50 =	vld [tilespmem:s0+$0xA4B0]  }
0x1e8: {  	v37 =	vld [tilespmem:s0+$0xA5B0]  }
0x1e9: {  	v39 =	vld [tilespmem:s0+$0xA5A0]  }
0x1ea: {  	v51 =	vld [tilespmem:s0+$0xA4C0]  }
0x1eb: {  	v41 =	vld [tilespmem:s0+$0xA580]  }
0x1ec: {  	v43 =	vld [tilespmem:s0+$0xA570]  }
0x1ed: {  	v44 =	vld [tilespmem:s0+$0xA560]  }
0x1ee: {  	v45 =	vld [tilespmem:s0+$0xA550]  }
0x1ef: {  	v46 =	vld [tilespmem:s0+$0xA540]  }
0x1f0: {  	v49 =	vld [tilespmem:s0+$0xA500]  }
0x1f1: {  	v47 =	vld [tilespmem:s0+$0xA530]  }
0x1f2: {  	v48 =	vld [tilespmem:s0+$0xA520]  }
0x1f3: {  	v52 =	vld [tilespmem:s0+$0xA510]  }
0x1f4: {  	s14 =	simm.s32 $0x5;
	v54 =	vld [tilespmem:s0+$0xA4F0]  }
0x1f5: {  	v2 =	vmov s14;
	v61 =	vld [tilespmem:s0+$0xA470]  }
0x1f6: {  	v2 =	vshrl.u32 v2, $0x3;
	v59 =	vld [tilespmem:s0+$0xA4A0]  }
0x1f7: {  	s6 =	simm.s32 $0x6;
	v2 =	vshll.u32 v2, v1;
	v11 =	vld [tilespmem:s0+$0xA430]  }
0x1f8: {  	v3 =	vmov s6;
	s12 =	simm.s32 $0x1;
	v38 =	vbroadcast v2, $0x0;
	v14 =	vld [tilespmem:s0+$0xA420]  }
0x1f9: {  	v2 =	vshrl.u32 v3, $0x3;
	v3 =	vmov s12;
	v8 =	vadd.s32 v10, v0;
	v9 =	vld [tilespmem:s0+$0xA400]  }
0x1fa: {  	s10 =	simm.s32 $0x7;
	v3 =	vshrl.u32 v3, $0x3;
	v6 =	vld [tilespmem:s0+$0xA410];
	v42 =	vadd.s32 v22, v0  }
0x1fb: {  	s13 =	simm.s32 $0x2;
	v4 =	vmov s10;
	v40 =	vshll.u32 v3, v1;
	v60 =	vld [tilespmem:s0+$0xA4D0];
	v5 =	vadd.s32 v31, v0  }
0x1fc: {  	v57 =	vmov s13;
	v4 =	vshrl.u32 v4, $0x3;
	v63 =	vbroadcast v40, $0x0;
	v3 =	vld [tilespmem:s0+$0xA490]  }
0x1fd: {  	v2 =	vshll.u32 v2, v1;
	v7 =	vshll.u32 v4, v1;
	v62 =	vld [tilespmem:s0+$0xA4E0];
	v0 =	vshrl.u32 v57, $0x3  }
0x1fe: {  	s14 =	simm.s32 $0x3;
	v40 =	vbroadcast v2, $0x0;
	v4 =	vadd.s32 v19, v63;
	v57 =	vld [tilespmem:s0+$0xA590];
	v2 =	vshll.u32 v0, v1;
	[tilespmem:v8+s21+$0x0] =	vst.idx.msk $0xffff, v9  }
0x1ff: {  	v21 =	vld [tilespmem:$0x1FEE0];
	v0 =	vadd.s32 v18, v63;
	v8 =	vbroadcast v2, $0x0;
	v9 =	vmov s14;
	[tilespmem:v42+s21+$0x0] =	vst.idx.msk $0xffff, v6  }
0x200: {  	v29 =	vld [tilespmem:$0x1FEF0];
	v2 =	vadd.s32 v17, v63;
	v63 =	vadd.s32 v16, v63;
	v9 =	vshrl.u32 v9, $0x3;
	[tilespmem:v5+s21+$0x0] =	vst.idx.msk $0xffff, v14  }
0x201: {  	v9 =	vshll.u32 v9, v1;
	v6 =	vadd.s32 v15, v8;
	[tilespmem:v20+s21+$0x0] =	vst.idx.msk $0xffff, v11;
	v20 =	vld [tilespmem:$0x1FEC0]  }
0x202: {  	s11 =	simm.s32 $0x800;
	s0 =	sor.u32 $0x2, s31;
	v42 =	vbroadcast v7, $0x0;
	v7 =	vadd.s32 v25, v8;
	v5 =	vadd.s32 v23, v8;
	v11 =	vld [tilespmem:$0x1FED0]  }
.LBB2_11:
0x203: {  	[tilespmem:v4+s21+$0x0] =	vst.idx.msk $0xffff, v58  }
0x204: {  	v4 =	vbroadcast v9, $0x0;
	[tilespmem:v0+s21+$0x0] =	vst.idx.msk $0xffff, v53  }
0x205: {  	v0 =	vadd.s32 v32, v8;
	[tilespmem:v2+s21+$0x0] =	vst.idx.msk $0xffff, v56  }
0x206: {  	s13 =	sadd.s32 $0xFFFFFFFD, s10;
	v2 =	vadd.s32 v20, v4;
	[tilespmem:v63+s21+$0x0] =	vst.idx.msk $0xffff, v61  }
0x207: {  	v58 =	vmov s13;
	v61 =	vadd.s32 v24, v4;
	[tilespmem:v6+s21+$0x0] =	vst.idx.msk $0xffff, v55  }
0x208: {  	v53 =	vshrl.u32 v58, $0x3;
	v6 =	vadd.s32 v11, v4;
	[tilespmem:v7+s21+$0x0] =	vst.idx.msk $0xffff, v3  }
0x209: {  	v53 =	vshll.u32 v53, v1;
	v3 =	vadd.s32 v26, v4;
	[tilespmem:v5+s21+$0x0] =	vst.idx.msk $0xffff, v59  }
0x20a: {  	v53 =	vbroadcast v53, $0x0;
	[tilespmem:v0+s21+$0x0] =	vst.idx.msk $0xffff, v50  }
0x20b: {  	[tilespmem:v2+s21+$0x0] =	vst.idx.msk $0xffff, v51  }
0x20c: {  	v5 =	vadd.s32 v21, v53;
	[tilespmem:v61+s21+$0x0] =	vst.idx.msk $0xffff, v60  }
0x20d: {  	v0 =	vadd.s32 v27, v53;
	[tilespmem:v6+s21+$0x0] =	vst.idx.msk $0xffff, v62  }
0x20e: {  	s10 =	sadd.s32 $0x8, s10;
	[tilespmem:v3+s21+$0x0] =	vst.idx.msk $0xffff, v54;
	v3 =	vld [tilespmem:$0x1FF20]  }
0x20f: {  	v9 =	vmov s10;
	v2 =	vadd.s32 v29, v53  }
0x210: {  	v7 =	vshrl.u32 v9, $0x3;
	v9 =	vadd.s32 v12, v53  }
0x211: {  	s14 =	sadd.s32 $0xFFFFFFFE, s10;
	v6 =	vadd.s32 v13, v38;
	[tilespmem:v5+s21+$0x0] =	vst.idx.msk $0xffff, v49;
	v5 =	vld [tilespmem:$0x1FF30]  }
0x212: {  	v8 =	vmov s14;
	[tilespmem:v0+s21+$0x0] =	vst.idx.msk $0xffff, v52;
	v0 =	vld [tilespmem:$0x1FF40]  }
0x213: {  	v8 =	vshrl.u32 v8, $0x3;
	v3 =	vadd.s32 v3, v38  }
0x214: {  	v8 =	vshll.u32 v8, v1;
	[tilespmem:v2+s21+$0x0] =	vst.idx.msk $0xffff, v48  }
0x215: {  	v8 =	vbroadcast v8, $0x0;
	v2 =	vld [tilespmem:$0x1FF50];
	[tilespmem:v9+s21+$0x0] =	vst.idx.msk $0xffff, v47  }
0x216: {  	[tilespmem:v6+s21+$0x0] =	vst.idx.msk $0xffff, v46;
	v6 =	vld [tilespmem:$0x1FF80]  }
0x217: {  	s6 =	sadd.s32 $0xFFFFFFFF, s10;
	v5 =	vadd.s32 v5, v38;
	v0 =	vadd.s32 v0, v38;
	v38 =	vmov v8;
	v8 =	vld [tilespmem:$0x1FF70]  }
0x218: {  	v63 =	vmov s6;
	[tilespmem:v3+s21+$0x0] =	vst.idx.msk $0xffff, v45;
	v3 =	vld [tilespmem:$0x1FF90]  }
0x219: {  	v4 =	vshrl.u32 v63, $0x3  }
0x21a: {  	v4 =	vshll.u32 v4, v1;
	v2 =	vadd.s32 v2, v40  }
0x21b: {  	v4 =	vbroadcast v4, $0x0  }
0x21c: {  	v6 =	vadd.s32 v6, v40  }
0x21d: {  	[tilespmem:v5+s21+$0x0] =	vst.idx.msk $0xffff, v44;
	v8 =	vadd.s32 v8, v40;
	v3 =	vadd.s32 v3, v40;
	v40 =	vmov v4;
	v4 =	vld [tilespmem:$0x1FFA0]  }
0x21e: {  	[tilespmem:v0+s21+$0x0] =	vst.idx.msk $0xffff, v43;
	v0 =	vld [tilespmem:$0x1FFB0]  }
0x21f: {  	[tilespmem:v2+s21+$0x0] =	vst.idx.msk $0xffff, v41;
	v2 =	vld [tilespmem:$0x1FFC0]  }
0x220: {  	v5 =	vld [tilespmem:$0x1FFD0];
	_ =	sdelay $0x1  }
0x221: {  	v4 =	vadd.s32 v4, v42  }
0x222: {  	v0 =	vadd.s32 v0, v42  }
0x223: {  	[tilespmem:v8+s21+$0x0] =	vst.idx.msk $0xffff, v57;
	v2 =	vadd.s32 v2, v42  }
0x224: {  	v5 =	vadd.s32 v5, v42;
	[tilespmem:v6+s21+$0x0] =	vst.idx.msk $0xffff, v39  }
0x225: {  	[tilespmem:v3+s21+$0x0] =	vst.idx.msk $0xffff, v37  }
0x226: {  	[tilespmem:v4+s21+$0x0] =	vst.idx.msk $0xffff, v36  }
0x227: {  	[tilespmem:v0+s21+$0x0] =	vst.idx.msk $0xffff, v35  }
0x228: {  	s12 =	smov.u32 s11;
	[tilespmem:v2+s21+$0x0] =	vst.idx.msk $0xffff, v34  }
0x229: {  	s12 =	sshra.s32 s12, $0x2;
	[tilespmem:v5+s21+$0x0] =	vst.idx.msk $0xffff, v33  }
0x22a: {  	v53 =	vld [tilespmem:s12+$0xA450]  }
0x22b: {  	v33 =	vld [tilespmem:s12+$0xA5F0]  }
0x22c: {  	v58 =	vld [tilespmem:s12+$0xA440]  }
0x22d: {  	v34 =	vld [tilespmem:s12+$0xA5E0]  }
0x22e: {  	v35 =	vld [tilespmem:s12+$0xA5D0]  }
0x22f: {  	v56 =	vld [tilespmem:s12+$0xA460]  }
0x230: {  	v36 =	vld [tilespmem:s12+$0xA5C0]  }
0x231: {  	v55 =	vld [tilespmem:s12+$0xA480]  }
0x232: {  	v50 =	vld [tilespmem:s12+$0xA4B0]  }
0x233: {  	v37 =	vld [tilespmem:s12+$0xA5B0]  }
0x234: {  	v39 =	vld [tilespmem:s12+$0xA5A0]  }
0x235: {  	v51 =	vld [tilespmem:s12+$0xA4C0]  }
0x236: {  	v41 =	vld [tilespmem:s12+$0xA580]  }
0x237: {  	v43 =	vld [tilespmem:s12+$0xA570]  }
0x238: {  	v44 =	vld [tilespmem:s12+$0xA560]  }
0x239: {  	v45 =	vld [tilespmem:s12+$0xA550]  }
0x23a: {  	v46 =	vld [tilespmem:s12+$0xA540]  }
0x23b: {  	v49 =	vld [tilespmem:s12+$0xA500]  }
0x23c: {  	s13 =	sadd.s32 $0xFFFFFFF9, s10;
	v47 =	vld [tilespmem:s12+$0xA530]  }
0x23d: {  	v6 =	vmov s13;
	v48 =	vld [tilespmem:s12+$0xA520]  }
0x23e: {  	v3 =	vshrl.u32 v6, $0x3;
	v52 =	vld [tilespmem:s12+$0xA510]  }
0x23f: {  	v3 =	vshll.u32 v3, v1;
	v54 =	vld [tilespmem:s12+$0xA4F0]  }
0x240: {  	s14 =	sadd.s32 $0xFFFFFFFA, s10;
	v0 =	vbroadcast v3, $0x0;
	v61 =	vld [tilespmem:s12+$0xA470]  }
0x241: {  	v2 =	vmov s14;
	v59 =	vld [tilespmem:s12+$0xA4A0]  }
0x242: {  	v14 =	vmov v10;
	v5 =	vadd.s32 v10, v0;
	v2 =	vshrl.u32 v2, $0x3;
	v10 =	vld [tilespmem:s12+$0xA430]  }
0x243: {  	v2 =	vshll.u32 v2, v1;
	v11 =	vld [tilespmem:s12+$0xA420]  }
0x244: {  	v3 =	vbroadcast v2, $0x0;
	v2 =	vld [tilespmem:$0x1FE50]  }
0x245: {  	v7 =	vshll.u32 v7, v1;
	s13 =	sadd.s32 $0xFFFFFFFB, s10;
	v8 =	vld [tilespmem:s12+$0xA400]  }
0x246: {  	v28 =	vmov v12;
	v7 =	vbroadcast v7, $0x0;
	v57 =	vmov s13;
	v12 =	vld [tilespmem:s12+$0xA410]  }
0x247: {  	v30 =	vmov v13;
	v13 =	vshrl.u32 v57, $0x3;
	v6 =	vadd.s32 v22, v0;
	v60 =	vld [tilespmem:s12+$0xA4D0]  }
0x248: {  	v42 =	vmov v7;
	v13 =	vshll.u32 v13, v1;
	v7 =	vadd.s32 v31, v0;
	v62 =	vld [tilespmem:s12+$0xA4E0]  }
0x249: {  	p2 =	sne.s32 s11, $0x7800;
	v57 =	vld [tilespmem:s12+$0xA590];
	v4 =	vadd.s32 v19, v3;
	v63 =	vadd.s32 v16, v3;
	v9 =	vadd.s32 v2, v0  }
.Ltmp6:
0x24a: {  	s14 =	sadd.s32 $0xFFFFFFFC, s10;
	v0 =	vadd.s32 v18, v3;
	v2 =	vadd.s32 v17, v3;
	v3 =	vld [tilespmem:s12+$0xA490];
	[tilespmem:v5+s21+$0x0] =	vst.idx.msk $0xffff, v8;
	v8 =	vbroadcast v13, $0x0;
	(pc) =	sbr.rel @p2 .LBB2_11-.Ltmp6, $4  }
0x24b: {  	v13 =	vmov s14  }
0x24c: {  	[tilespmem:v6+s21+$0x0] =	vst.idx.msk $0xffff, v12;
	v6 =	vadd.s32 v15, v8  }
0x24d: {  	[tilespmem:v7+s21+$0x0] =	vst.idx.msk $0xffff, v11;
	v5 =	vadd.s32 v23, v8;
	v11 =	vshrl.u32 v13, $0x3;
	v7 =	vadd.s32 v25, v8  }
0x24e: {  	s11 =	sadd.s32 $0x800, s11;
	v12 =	vmovc v28;
	v13 =	vmov v30;
	[tilespmem:v9+s21+$0x0] =	vst.idx.msk $0xffff, v10;
	v10 =	vmov v14;
	v9 =	vshll.u32 v11, v1;
	v11 =	vld [tilespmem:$0x1FED0]  }
0x24f: {  	_ =	sdelay $0x3  }
0x250: {  	[tilespmem:v4+s21+$0x0] =	vst.idx.msk $0xffff, v58  }
0x251: {  	s6 =	sadd.s32 $0xFFFFFFFD, s10;
	v25 =	vbroadcast v9, $0x0;
	[tilespmem:v0+s21+$0x0] =	vst.idx.msk $0xffff, v53  }
0x252: {  	v8 =	vadd.s32 v32, v8;
	v0 =	vmov s6;
	[tilespmem:v2+s21+$0x0] =	vst.idx.msk $0xffff, v56  }
0x253: {  	v2 =	vadd.s32 v20, v25;
	v0 =	vshrl.u32 v0, $0x3;
	[tilespmem:v63+s21+$0x0] =	vst.idx.msk $0xffff, v61  }
0x254: {  	v9 =	vadd.s32 v24, v25;
	v0 =	vshll.u32 v0, v1;
	[tilespmem:v6+s21+$0x0] =	vst.idx.msk $0xffff, v55  }
0x255: {  	v53 =	vadd.s32 v11, v25;
	v0 =	vbroadcast v0, $0x0;
	[tilespmem:v7+s21+$0x0] =	vst.idx.msk $0xffff, v3  }
0x256: {  	v3 =	vadd.s32 v26, v25;
	[tilespmem:v5+s21+$0x0] =	vst.idx.msk $0xffff, v59  }
0x257: {  	v55 =	vadd.s32 v21, v0;
	[tilespmem:v8+s21+$0x0] =	vst.idx.msk $0xffff, v50  }
0x258: {  	v56 =	vadd.s32 v27, v0;
	[tilespmem:v2+s21+$0x0] =	vst.idx.msk $0xffff, v51  }
0x259: {  	v2 =	vadd.s32 v29, v0;
	[tilespmem:v9+s21+$0x0] =	vst.idx.msk $0xffff, v60  }
0x25a: {  	v0 =	vadd.s32 v12, v0;
	[tilespmem:v53+s21+$0x0] =	vst.idx.msk $0xffff, v62  }
0x25b: {  	[tilespmem:v3+s21+$0x0] =	vst.idx.msk $0xffff, v54;
	v3 =	vld [tilespmem:$0x1FF20]  }
0x25c: {  	v59 =	vld [tilespmem:$0x1FF30];
	[tilespmem:v55+s21+$0x0] =	vst.idx.msk $0xffff, v49  }
0x25d: {  	v60 =	vld [tilespmem:$0x1FF40];
	[tilespmem:v56+s21+$0x0] =	vst.idx.msk $0xffff, v52  }
0x25e: {  	[tilespmem:v2+s21+$0x0] =	vst.idx.msk $0xffff, v48;
	v2 =	vld [tilespmem:$0x1FF50]  }
0x25f: {  	v58 =	vadd.s32 v13, v38;
	[tilespmem:v0+s21+$0x0] =	vst.idx.msk $0xffff, v47;
	v0 =	vld [tilespmem:$0x1FF70]  }
0x260: {  	v3 =	vadd.s32 v3, v38  }
0x261: {  	v4 =	vadd.s32 v59, v38  }
0x262: {  	v5 =	vadd.s32 v60, v38  }
0x263: {  	v2 =	vadd.s32 v2, v40  }
0x264: {  	v61 =	vld [tilespmem:$0x1FF80];
	[tilespmem:v58+s21+$0x0] =	vst.idx.msk $0xffff, v46;
	v0 =	vadd.s32 v0, v40  }
0x265: {  	[tilespmem:v3+s21+$0x0] =	vst.idx.msk $0xffff, v45;
	v3 =	vld [tilespmem:$0x1FF90]  }
0x266: {  	v62 =	vld [tilespmem:$0x1FFA0];
	[tilespmem:v4+s21+$0x0] =	vst.idx.msk $0xffff, v44  }
0x267: {  	v63 =	vld [tilespmem:$0x1FFB0];
	[tilespmem:v5+s21+$0x0] =	vst.idx.msk $0xffff, v43  }
0x268: {  	[tilespmem:v2+s21+$0x0] =	vst.idx.msk $0xffff, v41;
	v2 =	vld [tilespmem:$0x1FFC0]  }
0x269: {  	v6 =	vadd.s32 v61, v40;
	[tilespmem:v0+s21+$0x0] =	vst.idx.msk $0xffff, v57;
	v0 =	vld [tilespmem:$0x1FFD0]  }
0x26a: {  	v3 =	vadd.s32 v3, v40  }
0x26b: {  	v4 =	vadd.s32 v62, v42  }
0x26c: {  	v5 =	vadd.s32 v63, v42  }
0x26d: {  	v2 =	vadd.s32 v2, v42  }
0x26e: {  	[tilespmem:v6+s21+$0x0] =	vst.idx.msk $0xffff, v39;
	v0 =	vadd.s32 v0, v42  }
0x26f: {  	s0 =	sadd.s32 s5, s0;
	[tilespmem:v3+s21+$0x0] =	vst.idx.msk $0xffff, v37  }
0x270: {  	s14 =	sshll.u32 s0, $0x7;
	[tilespmem:v4+s21+$0x0] =	vst.idx.msk $0xffff, v36  }
0x271: {  	s0 =	sshll.u32 s0, $0xA;
	s6 =	sand.u32 $0xF00, s14;
	[tilespmem:v5+s21+$0x0] =	vst.idx.msk $0xffff, v35  }
0x272: {  	s0 =	sand.u32 $0xFFF8000, s0;
	s6 =	sadd.s32 s2, s6;
	[tilespmem:v2+s21+$0x0] =	vst.idx.msk $0xffff, v34  }
0x273: {  	s10 =	simm.s32 $0x12800;
	s6 =	sadd.s32 s0, s6;
	[tilespmem:v0+s21+$0x0] =	vst.idx.msk $0xffff, v33  }
0x274: {  	[hbm4b:s6+s3] =	stream.linear.scatter [tilespmem:s10], [sflag:$0x7], $0x80, $0x38;
	[tilespmem:$0x16C00] =	vst v63  }
0x275: {  	s11 =	simm.s32 $0x12888;
	s12 =	sadd.s32 $0x10, s6  }
0x276: {  	[hbm4b:s12+s3] =	stream.linear.scatter [tilespmem:s11], [sflag:$0x7], $0x80, $0x38;
	[tilespmem:$0x16C00] =	vst v63  }
0x277: {  	s13 =	simm.s32 $0x12910;
	s14 =	sadd.s32 $0x20, s6  }
0x278: {  	[hbm4b:s14+s3] =	stream.linear.scatter [tilespmem:s13], [sflag:$0x7], $0x80, $0x38;
	[tilespmem:$0x16C00] =	vst v63  }
0x279: {  	s11 =	simm.s32 $0x12998;
	s12 =	sadd.s32 $0x30, s6  }
0x27a: {  	[hbm4b:s12+s3] =	stream.linear.scatter [tilespmem:s11], [sflag:$0x7], $0x80, $0x38;
	[tilespmem:$0x16C00] =	vst v63  }
0x27b: {  	s13 =	simm.s32 $0x12A20;
	s14 =	sadd.s32 $0x40, s6  }
0x27c: {  	[hbm4b:s14+s3] =	stream.linear.scatter [tilespmem:s13], [sflag:$0x7], $0x80, $0x38;
	[tilespmem:$0x16C00] =	vst v63  }
0x27d: {  	s0 =	simm.s32 $0x440;
	s11 =	simm.s32 $0x12AA8;
	s12 =	sadd.s32 $0x50, s6  }
0x27e: {  	[hbm4b:s12+s3] =	stream.linear.scatter [tilespmem:s11], [sflag:$0x7], $0x80, $0x38;
	[tilespmem:$0x16C00] =	vst v63  }
0x27f: {  	s10 =	sadd.s32 $0x1000, s6;
	s13 =	simm.s32 $0x12B30;
	s14 =	sadd.s32 $0x60, s6  }
0x280: {  	[hbm4b:s14+s3] =	stream.linear.scatter [tilespmem:s13], [sflag:$0x7], $0x80, $0x38;
	[tilespmem:$0x16C00] =	vst v63  }
0x281: {  	v15 =	vmov v27;
	s11 =	simm.s32 $0x2200;
	s12 =	simm.s32 $0x12BB8;
	s13 =	sadd.s32 $0x70, s6  }
.LBB2_13:
0x282: {  	[hbm4b:s13+s3] =	stream.linear.scatter [tilespmem:s12], [sflag:$0x7], $0x80, $0x38;
	[tilespmem:$0x16C00] =	vst v63  }
0x283: {  	s6 =	smov.u32 s0;
	s0 =	smov.u32 s11  }
0x284: {  	s14 =	sadd.s32 $0x1100, s11;
	s0 =	sshra.s32 s0, $0x2;
	s12 =	sadd.s32 $0x12800, s6  }
0x285: {  	[hbm4b:s10+s3] =	stream.linear.scatter [tilespmem:s12], [sflag:$0x7], $0x80, $0x38;
	[tilespmem:$0x16C00] =	vst v63  }
0x286: {  	p2 =	sne.s32 s11, $0x7700;
	s11 =	sadd.s32 $0x12888, s6;
	s12 =	sadd.s32 $0x10, s10  }
0x287: {  	[hbm4b:s12+s3] =	stream.linear.scatter [tilespmem:s11], [sflag:$0x7], $0x80, $0x38;
	[tilespmem:$0x16C00] =	vst v63  }
0x288: {  	s11 =	sadd.s32 $0x12910, s6;
	s12 =	sadd.s32 $0x20, s10  }
0x289: {  	[hbm4b:s12+s3] =	stream.linear.scatter [tilespmem:s11], [sflag:$0x7], $0x80, $0x38;
	[tilespmem:$0x16C00] =	vst v63  }
0x28a: {  	s11 =	sadd.s32 $0x12998, s6;
	s12 =	sadd.s32 $0x30, s10  }
0x28b: {  	[hbm4b:s12+s3] =	stream.linear.scatter [tilespmem:s11], [sflag:$0x7], $0x80, $0x38;
	[tilespmem:$0x16C00] =	vst v63  }
0x28c: {  	s11 =	sadd.s32 $0x12A20, s6;
	s12 =	sadd.s32 $0x40, s10  }
0x28d: {  	[hbm4b:s12+s3] =	stream.linear.scatter [tilespmem:s11], [sflag:$0x7], $0x80, $0x38;
	[tilespmem:$0x16C00] =	vst v63  }
.Ltmp7:
0x28e: {  	s11 =	sadd.s32 $0x12AA8, s6;
	s12 =	sadd.s32 $0x50, s10;
	(pc) =	sbr.rel @p2 .LBB2_13-.Ltmp7, $4  }
0x28f: {  	[hbm4b:s12+s3] =	stream.linear.scatter [tilespmem:s11], [sflag:$0x7], $0x80, $0x38;
	[tilespmem:$0x16C00] =	vst v63  }
0x290: {  	s13 =	sadd.s32 $0x70, s10;
	s11 =	sadd.s32 $0x12B30, s6;
	s12 =	sadd.s32 $0x60, s10  }
0x291: {  	[hbm4b:s12+s3] =	stream.linear.scatter [tilespmem:s11], [sflag:$0x7], $0x80, $0x38;
	[tilespmem:$0x16C00] =	vst v63  }
0x292: {  	s10 =	sadd.s32 $0x1000, s10;
	s12 =	sadd.s32 $0x12BB8, s6;
	s11 =	smov.u32 s14  }
0x293: {  	[hbm4b:s13+s3] =	stream.linear.scatter [tilespmem:s12], [sflag:$0x7], $0x80, $0x38;
	[tilespmem:$0x16C00] =	vst v63  }
0x294: {  	s6 =	sadd.s32 $0x12800, s0  }
0x295: {  	[hbm4b:s10+s3] =	stream.linear.scatter [tilespmem:s6], [sflag:$0x7], $0x80, $0x38;
	[tilespmem:$0x16C00] =	vst v63  }
0x296: {  	s12 =	sadd.s32 $0x12888, s0;
	s11 =	sadd.s32 $0x10, s10  }
0x297: {  	[hbm4b:s11+s3] =	stream.linear.scatter [tilespmem:s12], [sflag:$0x7], $0x80, $0x38;
	[tilespmem:$0x16C00] =	vst v63  }
0x298: {  	s13 =	sadd.s32 $0x12910, s0;
	s14 =	sadd.s32 $0x20, s10  }
0x299: {  	[hbm4b:s14+s3] =	stream.linear.scatter [tilespmem:s13], [sflag:$0x7], $0x80, $0x38;
	[tilespmem:$0x16C00] =	vst v63  }
0x29a: {  	s11 =	sadd.s32 $0x12998, s0;
	s12 =	sadd.s32 $0x30, s10  }
0x29b: {  	[hbm4b:s12+s3] =	stream.linear.scatter [tilespmem:s11], [sflag:$0x7], $0x80, $0x38;
	[tilespmem:$0x16C00] =	vst v63  }
0x29c: {  	s13 =	sadd.s32 $0x12A20, s0;
	s14 =	sadd.s32 $0x40, s10  }
0x29d: {  	[hbm4b:s14+s3] =	stream.linear.scatter [tilespmem:s13], [sflag:$0x7], $0x80, $0x38;
	[tilespmem:$0x16C00] =	vst v63  }
0x29e: {  	s11 =	sadd.s32 $0x12AA8, s0;
	s12 =	sadd.s32 $0x50, s10  }
0x29f: {  	[hbm4b:s12+s3] =	stream.linear.scatter [tilespmem:s11], [sflag:$0x7], $0x80, $0x38;
	[tilespmem:$0x16C00] =	vst v63  }
0x2a0: {  	s13 =	sadd.s32 $0x12B30, s0;
	s14 =	sadd.s32 $0x60, s10  }
0x2a1: {  	[hbm4b:s14+s3] =	stream.linear.scatter [tilespmem:s13], [sflag:$0x7], $0x80, $0x38;
	[tilespmem:$0x16C00] =	vst v63  }
0x2a2: {  	s6 =	simm.s32 @!p1 $0xA400;
	s12 =	sadd.s32 $0x12BB8, s0;
	s13 =	sadd.s32 $0x70, s10  }
0x2a3: {  	[hbm4b:s13+s3] =	stream.linear.scatter [tilespmem:s12], [sflag:$0x7], $0x80, $0x38;
	[tilespmem:$0x16C00] =	vst v63  }
0x2a4: {  	s0 =	sadd.s32 @!p1 $0x300, s1;
	s1 =	simm.s32 @!p1 $0x80;
	s10 =	simm.s32 $0x5  }
0x2a5: {  	[tilespmem:s6], [sflag:$0x3] =	stream.indirect.gather @!p1 [hbm4b:s4+s1], $0x40, s0, s1, $0xb8;
	[tilespmem:$0x16C00] =	vst v63  }
0x2a6: {  	v2 =	vmov s10;
	_ =	swait.ge [sflag:s22], $0x2000  }
0x2a7: {  	s11 =	simm.s32 $0x6;
	v2 =	vshrl.u32 v2, $0x3;
	[sflag:s22] =	ssyncset.done $0x0  }
0x2a8: {  	v3 =	vmov s11;
	s12 =	simm.s32 $0x1;
	v2 =	vshll.u32 v2, v1;
	s0 =	simm.s32 @!p0 $0x8;
	[sflag:s22] =	ssyncadd.s32 $0xFFFFE000  }
0x2a9: {  	v38 =	vbroadcast v2, $0x0;
	v2 =	vshrl.u32 v3, $0x3;
	v3 =	vmov s12;
	_ =	swait.ge @!p0 [sflag:s0], $0x2000  }
0x2aa: {  	v3 =	vshrl.u32 v3, $0x3;
	v7 =	vld [tilespmem:$0x1FE30]  }
0x2ab: {  	v11 =	vshll.u32 v3, v1;
	v3 =	vld [tilespmem:$0x1FE40]  }
0x2ac: {  	v19 =	vld [tilespmem:$0x1FE60]  }
0x2ad: {  	v20 =	vld [tilespmem:$0x1FE70]  }
0x2ae: {  	v21 =	vld [tilespmem:$0x1FE80]  }
0x2af: {  	v22 =	vld [tilespmem:$0x1FE90]  }
0x2b0: {  	v23 =	vld [tilespmem:$0x1FEA0]  }
0x2b1: {  	v25 =	vld [tilespmem:$0x1FFE0]  }
0x2b2: {  	v24 =	vld [tilespmem:$0x1FEB0]  }
0x2b3: {  	v32 =	vld [tilespmem:$0x1FF00]  }
0x2b4: {  	v27 =	vld [tilespmem:$0x1FEC0]  }
0x2b5: {  	[sflag:s0] =	ssyncset.done @!p0 $0x0;
	v29 =	vld [tilespmem:$0x1FED0]  }
0x2b6: {  	s14 =	simm.s32 $0x0;
	v17 =	vld [tilespmem:$0x1FF60];
	[sflag:s0] =	ssyncadd.s32 @!p0 $0xFFFFE000  }
0x2b7: {  	v53 =	vld [tilespmem:s14+$0xC450]  }
0x2b8: {  	v33 =	vld [tilespmem:s14+$0xC5F0]  }
0x2b9: {  	v58 =	vld [tilespmem:s14+$0xC440]  }
0x2ba: {  	v34 =	vld [tilespmem:s14+$0xC5E0]  }
0x2bb: {  	v35 =	vld [tilespmem:s14+$0xC5D0]  }
0x2bc: {  	v56 =	vld [tilespmem:s14+$0xC460]  }
0x2bd: {  	v36 =	vld [tilespmem:s14+$0xC5C0]  }
0x2be: {  	v55 =	vld [tilespmem:s14+$0xC480]  }
0x2bf: {  	v50 =	vld [tilespmem:s14+$0xC4B0]  }
0x2c0: {  	v37 =	vld [tilespmem:s14+$0xC5B0]  }
0x2c1: {  	v39 =	vld [tilespmem:s14+$0xC5A0]  }
0x2c2: {  	v51 =	vld [tilespmem:s14+$0xC4C0]  }
0x2c3: {  	v41 =	vld [tilespmem:s14+$0xC580]  }
0x2c4: {  	v43 =	vld [tilespmem:s14+$0xC570]  }
0x2c5: {  	v44 =	vld [tilespmem:s14+$0xC560]  }
0x2c6: {  	v45 =	vld [tilespmem:s14+$0xC550]  }
0x2c7: {  	v46 =	vld [tilespmem:s14+$0xC540]  }
0x2c8: {  	v49 =	vld [tilespmem:s14+$0xC500]  }
0x2c9: {  	v47 =	vld [tilespmem:s14+$0xC530]  }
0x2ca: {  	v48 =	vld [tilespmem:s14+$0xC520]  }
0x2cb: {  	s6 =	simm.s32 $0x0;
	v52 =	vld [tilespmem:s14+$0xC510]  }
0x2cc: {  	v0 =	vmov s6;
	v54 =	vld [tilespmem:s14+$0xC4F0]  }
0x2cd: {  	v0 =	vshrl.u32 v0, $0x3;
	v61 =	vld [tilespmem:s14+$0xC470]  }
0x2ce: {  	v0 =	vshll.u32 v0, v1;
	v59 =	vld [tilespmem:s14+$0xC4A0]  }
0x2cf: {  	v0 =	vbroadcast v0, $0x0;
	v16 =	vld [tilespmem:s14+$0xC430]  }
0x2d0: {  	v5 =	vld [tilespmem:s14+$0xC420]  }
0x2d1: {  	v8 =	vadd.s32 v10, v0;
	v10 =	vadd.s32 v7, v0;
	v7 =	vld [tilespmem:$0x1FE50]  }
0x2d2: {  	v6 =	vld [tilespmem:s14+$0xC410]  }
0x2d3: {  	s13 =	simm.s32 $0x2;
	s1 =	simm.s32 $0x7;
	v9 =	vld [tilespmem:s14+$0xC400]  }
0x2d4: {  	v13 =	vmov s13;
	v4 =	vmov s1;
	v2 =	vshll.u32 v2, v1;
	v60 =	vld [tilespmem:s14+$0xC4D0]  }
0x2d5: {  	v4 =	vshrl.u32 v4, $0x3;
	v11 =	vbroadcast v11, $0x0;
	v62 =	vld [tilespmem:s14+$0xC4E0];
	v12 =	vadd.s32 v3, v0  }
0x2d6: {  	v40 =	vbroadcast v2, $0x0;
	v57 =	vld [tilespmem:s14+$0xC590];
	v7 =	vadd.s32 v7, v0;
	v0 =	vshrl.u32 v13, $0x3  }
0x2d7: {  	v3 =	vld [tilespmem:s14+$0xC490];
	s14 =	simm.s32 $0x3;
	v13 =	vshll.u32 v4, v1;
	v4 =	vadd.s32 v19, v11;
	v2 =	vshll.u32 v0, v1  }
0x2d8: {  	v31 =	vld [tilespmem:$0x1FEE0];
	[tilespmem:v8+s23+$0x0] =	vst.idx.msk $0xffff, v9;
	v9 =	vmov s14;
	v0 =	vadd.s32 v20, v11;
	v8 =	vbroadcast v2, $0x0  }
0x2d9: {  	v26 =	vld [tilespmem:$0x1FEF0];
	v63 =	vadd.s32 v22, v11;
	v9 =	vshrl.u32 v9, $0x3;
	[tilespmem:v10+s23+$0x0] =	vst.idx.msk $0xffff, v6;
	v2 =	vadd.s32 v21, v11  }
0x2da: {  	v18 =	vld [tilespmem:$0x1FF20];
	v9 =	vshll.u32 v9, v1;
	[tilespmem:v12+s23+$0x0] =	vst.idx.msk $0xffff, v5;
	v6 =	vadd.s32 v23, v8  }
0x2db: {  	s10 =	simm.s32 $0x800;
	s0 =	sor.u32 $0x3, s31;
	v42 =	vbroadcast v13, $0x0;
	v5 =	vadd.s32 v25, v8;
	[tilespmem:v7+s23+$0x0] =	vst.idx.msk $0xffff, v16;
	v7 =	vadd.s32 v24, v8;
	v16 =	vld [tilespmem:$0x1FF10]  }
.LBB2_15:
0x2dc: {  	[tilespmem:v4+s23+$0x0] =	vst.idx.msk $0xffff, v58  }
0x2dd: {  	s6 =	sadd.s32 $0xFFFFFFFD, s1;
	v4 =	vbroadcast v9, $0x0;
	[tilespmem:v0+s23+$0x0] =	vst.idx.msk $0xffff, v53  }
0x2de: {  	v10 =	vmov s6;
	v0 =	vadd.s32 v32, v8;
	[tilespmem:v2+s23+$0x0] =	vst.idx.msk $0xffff, v56  }
0x2df: {  	v10 =	vshrl.u32 v10, $0x3;
	v2 =	vadd.s32 v27, v4;
	[tilespmem:v63+s23+$0x0] =	vst.idx.msk $0xffff, v61  }
0x2e0: {  	v11 =	vadd.s32 v16, v4;
	v10 =	vshll.u32 v10, v1;
	[tilespmem:v6+s23+$0x0] =	vst.idx.msk $0xffff, v55  }
0x2e1: {  	v10 =	vbroadcast v10, $0x0;
	v6 =	vadd.s32 v29, v4;
	[tilespmem:v7+s23+$0x0] =	vst.idx.msk $0xffff, v3  }
0x2e2: {  	v3 =	vadd.s32 v17, v4;
	[tilespmem:v5+s23+$0x0] =	vst.idx.msk $0xffff, v59  }
0x2e3: {  	v5 =	vadd.s32 v31, v10;
	[tilespmem:v0+s23+$0x0] =	vst.idx.msk $0xffff, v50  }
0x2e4: {  	s1 =	sadd.s32 $0x8, s1;
	v0 =	vadd.s32 v15, v10;
	[tilespmem:v2+s23+$0x0] =	vst.idx.msk $0xffff, v51  }
0x2e5: {  	v9 =	vmov s1;
	v2 =	vadd.s32 v26, v10;
	[tilespmem:v11+s23+$0x0] =	vst.idx.msk $0xffff, v60  }
0x2e6: {  	v7 =	vshrl.u32 v9, $0x3;
	v9 =	vadd.s32 v28, v10;
	[tilespmem:v6+s23+$0x0] =	vst.idx.msk $0xffff, v62  }
0x2e7: {  	v6 =	vadd.s32 v30, v38;
	[tilespmem:v3+s23+$0x0] =	vst.idx.msk $0xffff, v54  }
0x2e8: {  	s12 =	sadd.s32 $0xFFFFFFFE, s1;
	v3 =	vadd.s32 v18, v38;
	[tilespmem:v5+s23+$0x0] =	vst.idx.msk $0xffff, v49;
	v5 =	vld [tilespmem:$0x1FF30]  }
0x2e9: {  	v8 =	vmov s12;
	[tilespmem:v0+s23+$0x0] =	vst.idx.msk $0xffff, v52;
	v0 =	vld [tilespmem:$0x1FF40]  }
0x2ea: {  	v8 =	vshrl.u32 v8, $0x3;
	[tilespmem:v2+s23+$0x0] =	vst.idx.msk $0xffff, v48  }
0x2eb: {  	v8 =	vshll.u32 v8, v1;
	v2 =	vld [tilespmem:$0x1FF50];
	[tilespmem:v9+s23+$0x0] =	vst.idx.msk $0xffff, v47  }
0x2ec: {  	v8 =	vbroadcast v8, $0x0;
	[tilespmem:v6+s23+$0x0] =	vst.idx.msk $0xffff, v46;
	v6 =	vld [tilespmem:$0x1FF80]  }
0x2ed: {  	s13 =	sadd.s32 $0xFFFFFFFF, s1;
	[tilespmem:v3+s23+$0x0] =	vst.idx.msk $0xffff, v45;
	v3 =	vld [tilespmem:$0x1FF90]  }
0x2ee: {  	v12 =	vmov s13;
	v5 =	vadd.s32 v5, v38;
	v0 =	vadd.s32 v0, v38;
	v38 =	vmovc v8;
	v8 =	vld [tilespmem:$0x1FF70]  }
0x2ef: {  	v4 =	vshrl.u32 v12, $0x3  }
0x2f0: {  	v4 =	vshll.u32 v4, v1;
	v2 =	vadd.s32 v2, v40  }
0x2f1: {  	v4 =	vbroadcast v4, $0x0  }
0x2f2: {  	v6 =	vadd.s32 v6, v40  }
0x2f3: {  	v3 =	vadd.s32 v3, v40;
	[tilespmem:v5+s23+$0x0] =	vst.idx.msk $0xffff, v44;
	v8 =	vadd.s32 v8, v40;
	v40 =	vmov v4;
	v4 =	vld [tilespmem:$0x1FFA0]  }
0x2f4: {  	[tilespmem:v0+s23+$0x0] =	vst.idx.msk $0xffff, v43;
	v0 =	vld [tilespmem:$0x1FFB0]  }
0x2f5: {  	[tilespmem:v2+s23+$0x0] =	vst.idx.msk $0xffff, v41;
	v2 =	vld [tilespmem:$0x1FFC0]  }
0x2f6: {  	v5 =	vld [tilespmem:$0x1FFD0];
	_ =	sdelay $0x1  }
0x2f7: {  	v4 =	vadd.s32 v4, v42  }
0x2f8: {  	v0 =	vadd.s32 v0, v42  }
0x2f9: {  	[tilespmem:v8+s23+$0x0] =	vst.idx.msk $0xffff, v57;
	v2 =	vadd.s32 v2, v42  }
0x2fa: {  	v5 =	vadd.s32 v5, v42;
	[tilespmem:v6+s23+$0x0] =	vst.idx.msk $0xffff, v39  }
0x2fb: {  	s12 =	sadd.s32 $0xFFFFFFF9, s1;
	[tilespmem:v3+s23+$0x0] =	vst.idx.msk $0xffff, v37  }
0x2fc: {  	v6 =	vmov s12;
	[tilespmem:v4+s23+$0x0] =	vst.idx.msk $0xffff, v36  }
0x2fd: {  	v3 =	vshrl.u32 v6, $0x3;
	[tilespmem:v0+s23+$0x0] =	vst.idx.msk $0xffff, v35  }
0x2fe: {  	s11 =	smov.u32 s10;
	v3 =	vshll.u32 v3, v1;
	[tilespmem:v2+s23+$0x0] =	vst.idx.msk $0xffff, v34  }
0x2ff: {  	s11 =	sshra.s32 s11, $0x2;
	v0 =	vbroadcast v3, $0x0;
	v3 =	vld [tilespmem:$0x1FFF0];
	[tilespmem:v5+s23+$0x0] =	vst.idx.msk $0xffff, v33  }
0x300: {  	v53 =	vld [tilespmem:s11+$0xC450]  }
0x301: {  	v33 =	vld [tilespmem:s11+$0xC5F0]  }
0x302: {  	v58 =	vld [tilespmem:s11+$0xC440]  }
0x303: {  	v34 =	vld [tilespmem:s11+$0xC5E0]  }
0x304: {  	v35 =	vld [tilespmem:s11+$0xC5D0]  }
0x305: {  	v56 =	vld [tilespmem:s11+$0xC460]  }
0x306: {  	v36 =	vld [tilespmem:s11+$0xC5C0]  }
0x307: {  	v55 =	vld [tilespmem:s11+$0xC480]  }
0x308: {  	v50 =	vld [tilespmem:s11+$0xC4B0]  }
0x309: {  	v37 =	vld [tilespmem:s11+$0xC5B0]  }
0x30a: {  	v39 =	vld [tilespmem:s11+$0xC5A0]  }
0x30b: {  	v51 =	vld [tilespmem:s11+$0xC4C0]  }
0x30c: {  	v41 =	vld [tilespmem:s11+$0xC580]  }
0x30d: {  	v43 =	vld [tilespmem:s11+$0xC570]  }
0x30e: {  	v44 =	vld [tilespmem:s11+$0xC560]  }
0x30f: {  	v45 =	vld [tilespmem:s11+$0xC550]  }
0x310: {  	v46 =	vld [tilespmem:s11+$0xC540]  }
0x311: {  	v5 =	vadd.s32 v3, v0;
	v3 =	vld [tilespmem:$0x1FE30]  }
0x312: {  	v49 =	vld [tilespmem:s11+$0xC500]  }
0x313: {  	v47 =	vld [tilespmem:s11+$0xC530]  }
0x314: {  	v48 =	vld [tilespmem:s11+$0xC520]  }
0x315: {  	v52 =	vld [tilespmem:s11+$0xC510]  }
0x316: {  	v6 =	vadd.s32 v3, v0;
	v3 =	vld [tilespmem:$0x1FE40]  }
0x317: {  	s13 =	sadd.s32 $0xFFFFFFFA, s1;
	v54 =	vld [tilespmem:s11+$0xC4F0]  }
0x318: {  	v7 =	vshll.u32 v7, v1;
	v2 =	vmov s13;
	v61 =	vld [tilespmem:s11+$0xC470]  }
0x319: {  	v7 =	vbroadcast v7, $0x0;
	v2 =	vshrl.u32 v2, $0x3;
	v59 =	vld [tilespmem:s11+$0xC4A0]  }
0x31a: {  	v2 =	vshll.u32 v2, v1;
	v10 =	vld [tilespmem:s11+$0xC430]  }
0x31b: {  	v42 =	vmov v7;
	v7 =	vadd.s32 v3, v0;
	v3 =	vbroadcast v2, $0x0;
	v2 =	vld [tilespmem:$0x1FE50]  }
0x31c: {  	v11 =	vld [tilespmem:s11+$0xC420]  }
0x31d: {  	v8 =	vld [tilespmem:s11+$0xC400]  }
0x31e: {  	s14 =	sadd.s32 $0xFFFFFFFB, s1;
	v12 =	vld [tilespmem:s11+$0xC410]  }
0x31f: {  	v13 =	vmov s14;
	v60 =	vld [tilespmem:s11+$0xC4D0]  }
0x320: {  	p0 =	sne.s32 s10, $0x7800;
	v13 =	vshrl.u32 v13, $0x3;
	v62 =	vld [tilespmem:s11+$0xC4E0];
	v9 =	vadd.s32 v2, v0  }
.Ltmp8:
0x321: {  	v13 =	vshll.u32 v13, v1;
	v57 =	vld [tilespmem:s11+$0xC590];
	v4 =	vadd.s32 v19, v3;
	v63 =	vadd.s32 v22, v3;
	(pc) =	sbr.rel @p0 .LBB2_15-.Ltmp8, $4  }
0x322: {  	s31 =	sadd.s32 $0xFFFFFFFC, s1;
	v0 =	vadd.s32 v20, v3;
	v2 =	vadd.s32 v21, v3;
	v3 =	vld [tilespmem:s11+$0xC490];
	[tilespmem:v5+s23+$0x0] =	vst.idx.msk $0xffff, v8;
	v8 =	vbroadcast v13, $0x0  }
0x323: {  	v13 =	vmov s31;
	[tilespmem:v6+s23+$0x0] =	vst.idx.msk $0xffff, v12  }
0x324: {  	[tilespmem:v7+s23+$0x0] =	vst.idx.msk $0xffff, v11;
	v6 =	vadd.s32 v23, v8;
	v5 =	vadd.s32 v25, v8;
	v11 =	vshrl.u32 v13, $0x3  }
0x325: {  	s10 =	sadd.s32 $0x800, s10;
	v7 =	vadd.s32 v24, v8;
	[tilespmem:v9+s23+$0x0] =	vst.idx.msk $0xffff, v10;
	v9 =	vshll.u32 v11, v1  }
0x326: {  	_ =	sdelay $0x3  }
0x327: {  	[tilespmem:v4+s23+$0x0] =	vst.idx.msk $0xffff, v58  }
0x328: {  	s1 =	sadd.s32 $0xFFFFFFFD, s1;
	v4 =	vbroadcast v9, $0x0;
	[tilespmem:v0+s23+$0x0] =	vst.idx.msk $0xffff, v53  }
0x329: {  	v8 =	vadd.s32 v32, v8;
	v0 =	vmov s1;
	[tilespmem:v2+s23+$0x0] =	vst.idx.msk $0xffff, v56  }
0x32a: {  	v2 =	vadd.s32 v27, v4;
	v0 =	vshrl.u32 v0, $0x3;
	[tilespmem:v63+s23+$0x0] =	vst.idx.msk $0xffff, v61  }
0x32b: {  	v9 =	vadd.s32 v16, v4;
	v0 =	vshll.u32 v0, v1;
	[tilespmem:v6+s23+$0x0] =	vst.idx.msk $0xffff, v55  }
0x32c: {  	v6 =	vadd.s32 v29, v4;
	v0 =	vbroadcast v0, $0x0;
	[tilespmem:v7+s23+$0x0] =	vst.idx.msk $0xffff, v3  }
0x32d: {  	v3 =	vadd.s32 v17, v4;
	[tilespmem:v5+s23+$0x0] =	vst.idx.msk $0xffff, v59  }
0x32e: {  	v4 =	vadd.s32 v31, v0;
	[tilespmem:v8+s23+$0x0] =	vst.idx.msk $0xffff, v50  }
0x32f: {  	v63 =	vld [tilespmem:$0x1FF30];
	v5 =	vadd.s32 v15, v0;
	[tilespmem:v2+s23+$0x0] =	vst.idx.msk $0xffff, v51  }
0x330: {  	v21 =	vld [tilespmem:$0x1FF40];
	v2 =	vadd.s32 v26, v0;
	[tilespmem:v9+s23+$0x0] =	vst.idx.msk $0xffff, v60  }
0x331: {  	v0 =	vadd.s32 v28, v0;
	v60 =	vld [tilespmem:$0x1FF50];
	[tilespmem:v6+s23+$0x0] =	vst.idx.msk $0xffff, v62  }
0x332: {  	v25 =	vld [tilespmem:$0x1FF70];
	v6 =	vadd.s32 v30, v38;
	[tilespmem:v3+s23+$0x0] =	vst.idx.msk $0xffff, v54  }
0x333: {  	v7 =	vmov v18;
	v3 =	vadd.s32 v18, v38;
	v18 =	vld [tilespmem:$0x1FF80];
	[tilespmem:v4+s23+$0x0] =	vst.idx.msk $0xffff, v49  }
0x334: {  	v61 =	vld [tilespmem:$0x1FF90];
	v4 =	vadd.s32 v63, v38;
	[tilespmem:v5+s23+$0x0] =	vst.idx.msk $0xffff, v52  }
0x335: {  	v62 =	vld [tilespmem:$0x1FFA0];
	v5 =	vadd.s32 v21, v38;
	[tilespmem:v2+s23+$0x0] =	vst.idx.msk $0xffff, v48  }
0x336: {  	v11 =	vld [tilespmem:$0x1FFB0];
	v2 =	vadd.s32 v60, v40;
	[tilespmem:v0+s23+$0x0] =	vst.idx.msk $0xffff, v47  }
0x337: {  	v22 =	vld [tilespmem:$0x1FFC0];
	v0 =	vadd.s32 v25, v40;
	[tilespmem:v6+s23+$0x0] =	vst.idx.msk $0xffff, v46  }
0x338: {  	v23 =	vld [tilespmem:$0x1FFD0];
	v6 =	vadd.s32 v18, v40;
	[tilespmem:v3+s23+$0x0] =	vst.idx.msk $0xffff, v45  }
0x339: {  	v3 =	vadd.s32 v61, v40;
	[tilespmem:v4+s23+$0x0] =	vst.idx.msk $0xffff, v44  }
0x33a: {  	v4 =	vadd.s32 v62, v42;
	[tilespmem:v5+s23+$0x0] =	vst.idx.msk $0xffff, v43  }
0x33b: {  	v5 =	vadd.s32 v11, v42;
	[tilespmem:v2+s23+$0x0] =	vst.idx.msk $0xffff, v41  }
0x33c: {  	v2 =	vadd.s32 v22, v42;
	[tilespmem:v0+s23+$0x0] =	vst.idx.msk $0xffff, v57  }
0x33d: {  	v0 =	vadd.s32 v23, v42;
	[tilespmem:v6+s23+$0x0] =	vst.idx.msk $0xffff, v39  }
0x33e: {  	s0 =	sadd.s32 s5, s0;
	[tilespmem:v3+s23+$0x0] =	vst.idx.msk $0xffff, v37  }
0x33f: {  	s6 =	sshll.u32 s0, $0x7;
	[tilespmem:v4+s23+$0x0] =	vst.idx.msk $0xffff, v36  }
0x340: {  	s0 =	sshll.u32 s0, $0xA;
	s1 =	sand.u32 $0xF80, s6;
	[tilespmem:v5+s23+$0x0] =	vst.idx.msk $0xffff, v35  }
0x341: {  	s0 =	sand.u32 $0xFFF8000, s0;
	s1 =	sadd.s32 s2, s1;
	[tilespmem:v2+s23+$0x0] =	vst.idx.msk $0xffff, v34  }
0x342: {  	s10 =	simm.s32 $0x14A00;
	s1 =	sadd.s32 s0, s1;
	[tilespmem:v0+s23+$0x0] =	vst.idx.msk $0xffff, v33  }
0x343: {  	[hbm4b:s1+s3] =	stream.linear.scatter [tilespmem:s10], [sflag:$0x8], $0x80, $0x38;
	[tilespmem:$0x16C00] =	vst v63  }
0x344: {  	s11 =	simm.s32 $0x14A88;
	s6 =	sadd.s32 $0x10, s1  }
0x345: {  	[hbm4b:s6+s3] =	stream.linear.scatter [tilespmem:s11], [sflag:$0x8], $0x80, $0x38;
	[tilespmem:$0x16C00] =	vst v63  }
0x346: {  	s12 =	simm.s32 $0x14B10;
	s14 =	simm.s32 $0x14B98;
	s13 =	sadd.s32 $0x20, s1  }
0x347: {  	[hbm4b:s13+s3] =	stream.linear.scatter [tilespmem:s12], [sflag:$0x8], $0x80, $0x38;
	[tilespmem:$0x16C00] =	vst v63  }
0x348: {  	s0 =	simm.s32 $0x440;
	s31 =	sadd.s32 $0x30, s1;
	s10 =	simm.s32 $0x14C20  }
0x349: {  	[hbm4b:s31+s3] =	stream.linear.scatter [tilespmem:s14], [sflag:$0x8], $0x80, $0x38;
	[tilespmem:$0x16C00] =	vst v63  }
0x34a: {  	s11 =	sadd.s32 $0x40, s1;
	s12 =	simm.s32 $0x14CA8;
	s13 =	sadd.s32 $0x50, s1  }
0x34b: {  	[hbm4b:s11+s3] =	stream.linear.scatter [tilespmem:s10], [sflag:$0x8], $0x80, $0x38;
	[tilespmem:$0x16C00] =	vst v63  }
0x34c: {  	s14 =	simm.s32 $0x14D30;
	s31 =	sadd.s32 $0x60, s1;
	s10 =	simm.s32 $0x2200  }
0x34d: {  	[hbm4b:s13+s3] =	stream.linear.scatter [tilespmem:s12], [sflag:$0x8], $0x80, $0x38;
	[tilespmem:$0x16C00] =	vst v63  }
0x34e: {  	s11 =	simm.s32 $0x14DB8;
	s12 =	sadd.s32 $0x70, s1;
	s1 =	sadd.s32 $0x1000, s1  }
0x34f: {  	v20 =	vmovc v15;
	v12 =	vmovc v28;
	v13 =	vmov v30;
	v15 =	vmov v32;
	v5 =	vmov v7;
	[hbm4b:s31+s3] =	stream.linear.scatter [tilespmem:s14], [sflag:$0x8], $0x80, $0x38;
	[tilespmem:$0x16C00] =	vst v63  }
.LBB2_17:
0x350: {  	[hbm4b:s12+s3] =	stream.linear.scatter [tilespmem:s11], [sflag:$0x8], $0x80, $0x38;
	[tilespmem:$0x16C00] =	vst v63  }
0x351: {  	s6 =	smov.u32 s0;
	s0 =	smov.u32 s10  }
0x352: {  	s13 =	sadd.s32 $0x1100, s10;
	s0 =	sshra.s32 s0, $0x2;
	s11 =	sadd.s32 $0x14A00, s6  }
0x353: {  	[hbm4b:s1+s3] =	stream.linear.scatter [tilespmem:s11], [sflag:$0x8], $0x80, $0x38;
	[tilespmem:$0x16C00] =	vst v63  }
0x354: {  	p0 =	sne.s32 s10, $0x7700;
	s10 =	sadd.s32 $0x14A88, s6;
	s11 =	sadd.s32 $0x10, s1  }
0x355: {  	[hbm4b:s11+s3] =	stream.linear.scatter [tilespmem:s10], [sflag:$0x8], $0x80, $0x38;
	[tilespmem:$0x16C00] =	vst v63  }
0x356: {  	s10 =	sadd.s32 $0x14B10, s6;
	s11 =	sadd.s32 $0x20, s1  }
0x357: {  	[hbm4b:s11+s3] =	stream.linear.scatter [tilespmem:s10], [sflag:$0x8], $0x80, $0x38;
	[tilespmem:$0x16C00] =	vst v63  }
0x358: {  	s10 =	sadd.s32 $0x14B98, s6;
	s11 =	sadd.s32 $0x30, s1  }
0x359: {  	[hbm4b:s11+s3] =	stream.linear.scatter [tilespmem:s10], [sflag:$0x8], $0x80, $0x38;
	[tilespmem:$0x16C00] =	vst v63  }
0x35a: {  	s10 =	sadd.s32 $0x14C20, s6;
	s11 =	sadd.s32 $0x40, s1  }
0x35b: {  	[hbm4b:s11+s3] =	stream.linear.scatter [tilespmem:s10], [sflag:$0x8], $0x80, $0x38;
	[tilespmem:$0x16C00] =	vst v63  }
.Ltmp9:
0x35c: {  	s10 =	sadd.s32 $0x14CA8, s6;
	s11 =	sadd.s32 $0x50, s1;
	(pc) =	sbr.rel @p0 .LBB2_17-.Ltmp9, $4  }
0x35d: {  	[hbm4b:s11+s3] =	stream.linear.scatter [tilespmem:s10], [sflag:$0x8], $0x80, $0x38;
	[tilespmem:$0x16C00] =	vst v63  }
0x35e: {  	s12 =	sadd.s32 $0x70, s1;
	s10 =	sadd.s32 $0x14D30, s6;
	s11 =	sadd.s32 $0x60, s1  }
0x35f: {  	[hbm4b:s11+s3] =	stream.linear.scatter [tilespmem:s10], [sflag:$0x8], $0x80, $0x38;
	[tilespmem:$0x16C00] =	vst v63  }
0x360: {  	s1 =	sadd.s32 $0x1000, s1;
	s11 =	sadd.s32 $0x14DB8, s6;
	s10 =	smov.u32 s13  }
0x361: {  	[hbm4b:s12+s3] =	stream.linear.scatter [tilespmem:s11], [sflag:$0x8], $0x80, $0x38;
	[tilespmem:$0x16C00] =	vst v63  }
0x362: {  	s6 =	sadd.s32 $0x14A00, s0  }
0x363: {  	[hbm4b:s1+s3] =	stream.linear.scatter [tilespmem:s6], [sflag:$0x8], $0x80, $0x38;
	[tilespmem:$0x16C00] =	vst v63  }
0x364: {  	s31 =	sadd.s32 $0x14A88, s0;
	s10 =	sadd.s32 $0x10, s1  }
0x365: {  	[hbm4b:s10+s3] =	stream.linear.scatter [tilespmem:s31], [sflag:$0x8], $0x80, $0x38;
	[tilespmem:$0x16C00] =	vst v63  }
0x366: {  	s11 =	sadd.s32 $0x20, s1;
	s10 =	sadd.s32 $0x14B10, s0  }
0x367: {  	[hbm4b:s11+s3] =	stream.linear.scatter [tilespmem:s10], [sflag:$0x8], $0x80, $0x38;
	[tilespmem:$0x16C00] =	vst v63  }
0x368: {  	s12 =	sadd.s32 $0x14B98, s0;
	s13 =	sadd.s32 $0x30, s1  }
0x369: {  	[hbm4b:s13+s3] =	stream.linear.scatter [tilespmem:s12], [sflag:$0x8], $0x80, $0x38;
	[tilespmem:$0x16C00] =	vst v63  }
0x36a: {  	s14 =	sadd.s32 $0x14C20, s0;
	s31 =	sadd.s32 $0x40, s1  }
0x36b: {  	[hbm4b:s31+s3] =	stream.linear.scatter [tilespmem:s14], [sflag:$0x8], $0x80, $0x38;
	[tilespmem:$0x16C00] =	vst v63  }
0x36c: {  	s10 =	sadd.s32 $0x14CA8, s0;
	s11 =	sadd.s32 $0x50, s1  }
0x36d: {  	[hbm4b:s11+s3] =	stream.linear.scatter [tilespmem:s10], [sflag:$0x8], $0x80, $0x38;
	[tilespmem:$0x16C00] =	vst v63  }
.Ltmp10:
0x36e: {  	v29 =	vld [tilespmem:$0x1FE30];
	(pc) =	sbr.rel @p1 .LBB2_20-.Ltmp10, $4  }
0x36f: {  	v30 =	vld [tilespmem:$0x1FE40];
	s12 =	sadd.s32 $0x14D30, s0;
	s13 =	sadd.s32 $0x60, s1  }
0x370: {  	v32 =	vld [tilespmem:$0x1FE50];
	[hbm4b:s13+s3] =	stream.linear.scatter [tilespmem:s12], [sflag:$0x8], $0x80, $0x38  }
0x371: {  	v19 =	vld [tilespmem:$0x1FE60];
	s14 =	sadd.s32 $0x14DB8, s0;
	s31 =	sadd.s32 $0x70, s1  }
0x372: {  	v10 =	vmov v14;
	v27 =	vld [tilespmem:$0x1FE70];
	[hbm4b:s31+s3] =	stream.linear.scatter [tilespmem:s14], [sflag:$0x8], $0x80, $0x38  }
.Ltmp11:
0x373: {  	(pc) =	sbr.rel .LBB2_2-.Ltmp11, $4  }
0x374: {  	s0 =	sshll.u32 s30, $0x9;
	v23 =	vld [tilespmem:$0x1FEC0]  }
0x375: {  	v28 =	vld [tilespmem:$0x1FED0];
	s0 =	sand.u32 $0x3FFFFE00, s0  }
0x376: {  	s30 =	sadd.s32 $0x1, s30;
	v22 =	vld [tilespmem:$0x1FEE0];
	s0 =	sadd.s32 $0x380, s0  }
0x377: {  	v18 =	vmov v5;
	v26 =	vld [tilespmem:$0x1FEF0];
	[tilespmem:s15], [sflag:$0x4] =	stream.indirect.gather [hbm4b:s4+s9], $0x40, s0, s9, $0xb8  }
.LBB2_21:
0x378: {  	_ =	sfence.sel $0x180000  }
0x379: {  	[bflag:$0x0] =	sbarrier.arrive $0xFFFF  }
0x37a: {  	_ =	strace $0x90000047  }
0x37b: {  	s0 =	stileid.u32;
	[bflag:$0x2] =	sbarrier.arrive $0xFFFF  }
0x37c: {  	p0 =	sne.s32 s0, $0x0;
	s0 =	rddreg [dreg:$0x2]  }
0x37d: {  	s0 =	sadd.s32 @!p0 $0x100000, s0  }
0x37e: {  	[sflag:s0] =	ssyncadd.tile.s32 @!p0 $0x1;
	_ =	shalt  }
.Lfunc_end2:
_tile_overlayer_lowered:
.L_overlay_start_2:
0x37f: {  	(tag) =	ssettag $0x2  }
0x380: {  	s0 =	rddreg [dreg:$0x0];
	s2 =	stileid.u32  }
0x381: {  	s1 =	rddreg [dreg:$0x1];
	p0 =	sne.s32 s2, $0x0  }
0x382: {  	s3 =	rddreg [dreg:$0x2];
	[bflag:$0x3] =	sbarrier.arrive $0xFFFF;
	s2 =	simm.s32 @!p0 $0x1C09  }
0x383: {  	[timem:s3], [sflag:s2] =	dma.local @!p0 [hbm:s0], s1  }
0x384: {  	s0 =	simm.s32 @!p0 $0x9  }
0x385: {  	_ =	swait.ge @!p0 [sflag:s0], s1  }
0x386: {  	s1 =	ssub.s32 @!p0 $0x0, s1;
	[sflag:s0] =	ssyncset.done @!p0 $0x0  }
0x387: {  	[sflag:s0] =	ssyncadd.s32 @!p0 s1  }
0x388: {  	[bflag:$0x3] =	sbarrier.arrive $0xFFFF  }
0x389: {  	_ =	shalt  }

</sc_bundles>
